<compile_context>
chip_gen: v7x
topology: tpu7x:2x2x1
jax: 0.10.2.dev20260603
libtpu: 0.0.44.dev20260713+nightly
codegen_flags: <defaults>
</compile_context>

<pallas_src>
import math

import numpy as np
import jax
import jax.numpy as jnp
from jax import lax
from jax.experimental import pallas as pl
from jax.experimental.pallas import tpu as pltpu
from jax.experimental.pallas import tpu_sc as plsc

_IMG = 300
_STEPS = [16, 32, 64, 100, 150, 300]
_MINS = [60, 105, 150, 195, 240, 285]
_MAXS = [105, 150, 195, 240, 285, 330]
_FS = [19, 10, 5, 3, 2, 1]
_ARS = [2, 3]

_B = 8
_P = 3000
_PPAD = 3008
_Q = 4
_PQ = _PPAD // _Q
_PQL = _P - 3 * _PQ
_QCAP = _PQ + 16
_NCLS = 21
_CAP = 600
_SCAP = 608
_TOPK = 100
_OPAD = 112
_OFLD = 6
_OW = _OFLD * _OPAD
_L = 16
_NC = 2
_BPC = _B // _NC
_CNTW = 128

_NMS_THRESH = 0.45


def _prior_grid():
    pr = []
    for k, f in enumerate(_FS):
        step = _STEPS[k]
        s = _MINS[k] / _IMG
        sp = math.sqrt(_MINS[k] * _MAXS[k]) / _IMG
        for i in range(f):
            for j in range(f):
                cx = (j + 0.5) * step / _IMG
                cy = (i + 0.5) * step / _IMG
                pr.append([cx, cy, s, s])
                pr.append([cx, cy, sp, sp])
                for ar in _ARS:
                    r = math.sqrt(ar)
                    pr.append([cx, cy, s * r, s / r])
                    pr.append([cx, cy, s / r, s * r])
    a = np.zeros((4, _PPAD), np.float32)
    a[:, :_P] = np.array(pr, np.float32).T
    return a


_PRIORS_NP = _prior_grid()


def _body(conf_hbm, loc_hbm, pri_hbm,
          out_hbm,
          conf_v, loc_v, pri_v,
          q_score, q_prior, q_label, q_cnt,
          sh_score, sh_prior, sh_label, sh_cnt,
          st_score, st_prior, st_label, st_cnt,
          c_score, c_prior, c_label,
          s_score, s_prior, s_label,
          s_x1, s_y1, s_x2, s_y2,
          s_ox1, s_oy1, s_ox2, s_oy2, s_area,
          keep_v, o_all):
    core = lax.axis_index("c")
    sub = lax.axis_index("s")
    lb = lax.div(sub, jnp.int32(_Q))
    q = lax.rem(sub, jnp.int32(_Q))
    b = core * _BPC + lb

    iota = lax.iota(jnp.int32, _L)
    fzero = jnp.zeros((_L,), jnp.float32)
    izero = jnp.zeros((_L,), jnp.int32)

    pltpu.sync_copy(conf_hbm.at[b * _Q + q], conf_v)

    @pl.when(q == 0)
    def _leader_loads():
        pltpu.sync_copy(loc_hbm.at[pl.ds(b * (_P * 4), _P * 4)], loc_v)
        pltpu.sync_copy(pri_hbm, pri_v)

    pbase = q * _PQ

    def phase_a(c, cnt):
        base = c * _L
        xs = [conf_v[k, pl.ds(base, _L)] for k in range(_NCLS)]
        xm1 = xs[1]
        for k in range(2, _NCLS):
            xm1 = jnp.maximum(xm1, xs[k])
        ssum = fzero
        for k in range(_NCLS):
            ssum = ssum + jnp.exp(xs[k] - xm1)
        score = 1.0 / ssum
        valid = ssum < 2.0
        vi = jnp.where(valid, 1, izero)
        pos = cnt + plsc.cumsum(vi) - vi
        plsc.store_scatter(q_score, [pos], score, mask=valid)
        plsc.store_scatter(q_prior, [pos], pbase + base + iota, mask=valid)
        return cnt + jnp.sum(vi)

    cntq = lax.fori_loop(0, _PQ // _L, phase_a, jnp.int32(0))

    nqc_local = lax.div(cntq + (_L - 1), jnp.int32(_L))

    def label_pass(ch, carry):
        loff = ch * _L
        lrow = jnp.clip(q_prior[pl.ds(loff, _L)] - pbase, 0, _PQ - 1)
        best = plsc.load_gather(conf_v, [jnp.full((_L,), 1, jnp.int32), lrow])
        am = jnp.full((_L,), 1, jnp.int32)
        for k in range(2, _NCLS):
            xc = plsc.load_gather(conf_v, [jnp.full((_L,), k, jnp.int32), lrow])
            g = xc > best
            best = jnp.maximum(best, xc)
            am = jnp.where(g, k, am)
        q_label[pl.ds(loff, _L)] = am
        return carry

    lax.fori_loop(0, nqc_local, label_pass, 0)

    def z_cnt(c, carry):
        q_cnt[pl.ds(c * _L, _L)] = jnp.full((_L,), cntq, jnp.int32)
        return carry

    lax.fori_loop(0, _CNTW // _L, z_cnt, 0)

    pltpu.sync_copy(q_score, sh_score.at[sub])
    pltpu.sync_copy(q_prior, sh_prior.at[sub])
    pltpu.sync_copy(q_label, sh_label.at[sub])
    pltpu.sync_copy(q_cnt, sh_cnt.at[sub])

    plsc.subcore_barrier()

    @pl.when(q == 0)
    def _leader():
        for qq in range(_Q):
            pltpu.sync_copy(sh_score.at[sub + qq], st_score.at[qq])
            pltpu.sync_copy(sh_prior.at[sub + qq], st_prior.at[qq])
            pltpu.sync_copy(sh_label.at[sub + qq], st_label.at[qq])
            pltpu.sync_copy(sh_cnt.at[sub + qq], st_cnt.at[qq])

        def z_sorted(c, carry):
            s_score[pl.ds(c * _L, _L)] = fzero
            s_prior[pl.ds(c * _L, _L)] = izero
            s_label[pl.ds(c * _L, _L)] = izero
            return carry

        lax.fori_loop(0, _SCAP // _L, z_sorted, 0)

        def z_out(c, carry):
            o_all[pl.ds(c * _L, _L)] = fzero
            return carry

        lax.fori_loop(0, _OW // _L, z_out, 0)

        cq = [jnp.clip(st_cnt[qq, pl.ds(0, _L)][0], 0, _PQ) for qq in range(_Q)]

        def merge_one(qq, base_off):
            nqc = lax.div(cq[qq] + (_L - 1), jnp.int32(_L))

            def mv(ch, carry):
                loff = ch * _L
                lidx = loff + iota
                ok = lidx < cq[qq]
                pos = jnp.minimum(base_off + lidx, _PPAD + _L - 1)
                plsc.store_scatter(c_score, [pos], st_score[qq, pl.ds(loff, _L)], mask=ok)
                plsc.store_scatter(c_prior, [pos], st_prior[qq, pl.ds(loff, _L)], mask=ok)
                plsc.store_scatter(c_label, [pos], st_label[qq, pl.ds(loff, _L)], mask=ok)
                return carry

            lax.fori_loop(0, nqc, mv, 0)
            return base_off + cq[qq]

        cnt = jnp.int32(0)
        for qq in range(_Q):
            cnt = merge_one(qq, cnt)

        nc_cand = lax.div(cnt + (_L - 1), jnp.int32(_L))

        def rank_chunk(c, carry):
            base = c * _L
            si = c_score[pl.ds(base, _L)]
            iidx = base + iota

            def cnt_j(j, r):
                sj = plsc.load_gather(c_score, [jnp.full((_L,), j, jnp.int32)])
                hit = (sj > si) | ((sj == si) & (j < iidx))
                return r + jnp.where(hit, 1, izero)

            rank = lax.fori_loop(0, cnt, cnt_j, izero)
            ok = (iidx < cnt) & (rank < _CAP)
            rr = jnp.minimum(rank, _SCAP - 1)
            plsc.store_scatter(s_score, [rr], si, mask=ok)
            plsc.store_scatter(s_prior, [rr], c_prior[pl.ds(base, _L)], mask=ok)
            plsc.store_scatter(s_label, [rr], c_label[pl.ds(base, _L)], mask=ok)
            return carry

        lax.fori_loop(0, nc_cand, rank_chunk, 0)

        v6 = jnp.minimum(cnt, _CAP)
        nch = lax.div(v6 + (_L - 1), jnp.int32(_L))

        def decode(c, carry):
            base = c * _L
            sl = pl.ds(base, _L)
            pidx = s_prior[sl]
            lbase = pidx * 4
            k0 = izero
            k1 = jnp.full((_L,), 1, jnp.int32)
            k2 = jnp.full((_L,), 2, jnp.int32)
            k3 = jnp.full((_L,), 3, jnp.int32)
            pcx = plsc.load_gather(pri_v, [k0, pidx])
            pcy = plsc.load_gather(pri_v, [k1, pidx])
            pw = plsc.load_gather(pri_v, [k2, pidx])
            ph = plsc.load_gather(pri_v, [k3, pidx])
            l0 = plsc.load_gather(loc_v, [lbase])
            l1 = plsc.load_gather(loc_v, [lbase + 1])
            l2 = plsc.load_gather(loc_v, [lbase + 2])
            l3 = plsc.load_gather(loc_v, [lbase + 3])
            cx = pcx + l0 * 0.1 * pw
            cy = pcy + l1 * 0.1 * ph
            w = pw * jnp.exp(l2 * 0.2)
            h = ph * jnp.exp(l3 * 0.2)
            x1 = cx - w * 0.5
            y1 = cy - h * 0.5
            x2 = cx + w * 0.5
            y2 = cy + h * 0.5
            off = s_label[sl].astype(jnp.float32) * 1000.0
            ox1 = x1 + off
            oy1 = y1 + off
            ox2 = x2 + off
            oy2 = y2 + off
            s_x1[sl] = x1
            s_y1[sl] = y1
            s_x2[sl] = x2
            s_y2[sl] = y2
            s_ox1[sl] = ox1
            s_oy1[sl] = oy1
            s_ox2[sl] = ox2
            s_oy2[sl] = oy2
            s_area[sl] = (ox2 - ox1) * (oy2 - oy1)
            keep_v[sl] = jnp.where((base + iota) < v6, 1, izero)
            return carry

        lax.fori_loop(0, nch, decode, 0)

        def nms_i(i, carry):
            ii = jnp.full((_L,), i, jnp.int32)
            ki = plsc.load_gather(keep_v, [ii])
            xi1 = plsc.load_gather(s_ox1, [ii])
            yi1 = plsc.load_gather(s_oy1, [ii])
            xi2 = plsc.load_gather(s_ox2, [ii])
            yi2 = plsc.load_gather(s_oy2, [ii])
            ai = plsc.load_gather(s_area, [ii])
            kflag = ki > 0

            def nms_j(c, c2):
                base = c * _L
                sl = pl.ds(base, _L)
                ltx = jnp.maximum(xi1, s_ox1[sl])
                lty = jnp.maximum(yi1, s_oy1[sl])
                rbx = jnp.minimum(xi2, s_ox2[sl])
                rby = jnp.minimum(yi2, s_oy2[sl])
                ww = jnp.maximum(rbx - ltx, 0.0)
                hh = jnp.maximum(rby - lty, 0.0)
                inter = ww * hh
                iou = inter / (ai + s_area[sl] - inter + 1e-12)
                sup = kflag & (iou > _NMS_THRESH) & ((base + iota) > i)
                keep_v[sl] = jnp.where(sup, 0, keep_v[sl])
                return c2

            lax.fori_loop(lax.div(i, jnp.int32(_L)), nch, nms_j, 0)
            return carry

        lax.fori_loop(0, v6, nms_i, 0)

        def emit(c, bbase):
            base = c * _L
            sl = pl.ds(base, _L)
            kv = keep_v[sl]
            cs = plsc.cumsum(kv)
            pos = bbase + cs - kv
            ok = (kv > 0) & (pos < _TOPK)
            pp = jnp.minimum(pos, _OPAD - 1)
            plsc.store_scatter(o_all, [pp], jnp.clip(s_x1[sl], 0.0, 1.0), mask=ok)
            plsc.store_scatter(o_all, [pp + _OPAD], jnp.clip(s_y1[sl], 0.0, 1.0), mask=ok)
            plsc.store_scatter(o_all, [pp + 2 * _OPAD], jnp.clip(s_x2[sl], 0.0, 1.0), mask=ok)
            plsc.store_scatter(o_all, [pp + 3 * _OPAD], jnp.clip(s_y2[sl], 0.0, 1.0), mask=ok)
            plsc.store_scatter(o_all, [pp + 4 * _OPAD], s_score[sl], mask=ok)
            plsc.store_scatter(o_all, [pp + 5 * _OPAD],
                               plsc.bitcast(s_label[sl], jnp.float32), mask=ok)
            return bbase + jnp.sum(kv)

        lax.fori_loop(0, nch, emit, jnp.int32(0))

        pltpu.sync_copy(o_all, out_hbm.at[b])


def _build():
    mesh = plsc.VectorSubcoreMesh(core_axis_name="c", subcore_axis_name="s")
    f32, i32 = jnp.float32, jnp.int32
    return pl.kernel(
        _body,
        out_type=jax.ShapeDtypeStruct((_B, _OW), f32),
        mesh=mesh,
        compiler_params=pltpu.CompilerParams(needs_layout_passes=False),
        scratch_types=[
            pltpu.VMEM((_NCLS, _PQ), f32),
            pltpu.VMEM((_P * 4,), f32),
            pltpu.VMEM((4, _PPAD), f32),
            pltpu.VMEM((_QCAP,), f32),
            pltpu.VMEM((_QCAP,), i32),
            pltpu.VMEM((_QCAP,), i32),
            pltpu.VMEM((_CNTW,), i32),
            pltpu.VMEM_SHARED((_BPC * _Q, _QCAP), f32),
            pltpu.VMEM_SHARED((_BPC * _Q, _QCAP), i32),
            pltpu.VMEM_SHARED((_BPC * _Q, _QCAP), i32),
            pltpu.VMEM_SHARED((_BPC * _Q, _CNTW), i32),
            pltpu.VMEM((_Q, _QCAP), f32),
            pltpu.VMEM((_Q, _QCAP), i32),
            pltpu.VMEM((_Q, _QCAP), i32),
            pltpu.VMEM((_Q, _CNTW), i32),
            pltpu.VMEM((_PPAD + _L,), f32),
            pltpu.VMEM((_PPAD + _L,), i32),
            pltpu.VMEM((_PPAD + _L,), i32),
            pltpu.VMEM((_SCAP,), f32),
            pltpu.VMEM((_SCAP,), i32),
            pltpu.VMEM((_SCAP,), i32),
            pltpu.VMEM((_SCAP,), f32),
            pltpu.VMEM((_SCAP,), f32),
            pltpu.VMEM((_SCAP,), f32),
            pltpu.VMEM((_SCAP,), f32),
            pltpu.VMEM((_SCAP,), f32),
            pltpu.VMEM((_SCAP,), f32),
            pltpu.VMEM((_SCAP,), f32),
            pltpu.VMEM((_SCAP,), f32),
            pltpu.VMEM((_SCAP,), f32),
            pltpu.VMEM((_SCAP,), i32),
            pltpu.VMEM((_OW,), f32),
        ],
    )


def kernel(loc, conf, feat0, feat1, feat2, feat3, feat4, feat5):
    conf_t = jnp.pad(jnp.transpose(conf, (0, 2, 1)),
                     ((0, 0), (0, 0), (0, _PPAD - _P)))
    conf_q = jnp.transpose(conf_t.reshape(_B, _NCLS, _Q, _PQ),
                           (0, 2, 1, 3)).reshape(_B * _Q, _NCLS, _PQ)
    loc_flat = loc.reshape(_B * _P * 4)
    pri = jnp.asarray(_PRIORS_NP)
    packed = _build()(conf_q, loc_flat, pri)
    r = packed.reshape(_B, _OFLD, _OPAD)
    boxes = jnp.transpose(r[:, 0:4, :_TOPK], (0, 2, 1))
    scores = r[:, 4, :_TOPK]
    labels = lax.bitcast_convert_type(r[:, 5, :_TOPK], jnp.int32)
    return boxes, scores, labels

# --- scband reference (transcript-rebuilt; emitter-appended) ---
"""Pipeline reference for scband-multi-box-heads-83734682403238 (READ-ONLY COPY).

The authoritative reference and input builder live on the scoring server;
editing this copy changes nothing except your own understanding.
"""

import jax, jax.numpy as jnp
import numpy as np
import math

IMAGE_SIZE = 300
STEPS = [16, 32, 64, 100, 150, 300]
MIN_SIZES = [60, 105, 150, 195, 240, 285]
MAX_SIZES = [105, 150, 195, 240, 285, 330]
FSIZES = [19, 10, 5, 3, 2, 1]
ARS = [2, 3]
VAR = (0.1, 0.2)
SCORE_THRESH = 0.5
NMS_THRESH = 0.45
TOP_K = 100
M = 600
NUM_CLASSES = 21


def generate_priors():
    priors = []
    for k, f in enumerate(FSIZES):
        step = STEPS[k]
        s = MIN_SIZES[k] / IMAGE_SIZE
        sp = math.sqrt(MIN_SIZES[k] * MAX_SIZES[k]) / IMAGE_SIZE
        for i in range(f):
            for j in range(f):
                cx = (j + 0.5) * step / IMAGE_SIZE
                cy = (i + 0.5) * step / IMAGE_SIZE
                priors.append([cx, cy, s, s])
                priors.append([cx, cy, sp, sp])
                for ar in ARS:
                    r = math.sqrt(ar)
                    priors.append([cx, cy, s * r, s / r])
                    priors.append([cx, cy, s / r, s * r])
    return jnp.asarray(np.array(priors, dtype=np.float32))


def decode(loc, priors):
    xy = priors[:, :2] + loc[:, :2] * VAR[0] * priors[:, 2:]
    wh = priors[:, 2:] * jnp.exp(loc[:, 2:] * VAR[1])
    return jnp.concatenate([xy - wh / 2.0, xy + wh / 2.0], axis=1)


def box_iou(a, b):
    lt = jnp.maximum(a[:, None, :2], b[None, :, :2])
    rb = jnp.minimum(a[:, None, 2:], b[None, :, 2:])
    wh = jnp.clip(rb - lt, 0.0)
    inter = wh[..., 0] * wh[..., 1]
    area_a = (a[:, 2] - a[:, 0]) * (a[:, 3] - a[:, 1])
    area_b = (b[:, 2] - b[:, 0]) * (b[:, 3] - b[:, 1])
    return inter / (area_a[:, None] + area_b[None, :] - inter + 1e-12)


def nms_keep(boxes, scores, labels):
    # class-aware (batched) NMS via coordinate offset per label
    obx = boxes + labels.astype(jnp.float32)[:, None] * 1000.0
    iou = box_iou(obx, obx)
    valid = scores > SCORE_THRESH
    idxs = jnp.arange(boxes.shape[0])

    def body(i, keep):
        sup = keep[i] & (iou[i] > NMS_THRESH) & (idxs > i)
        return keep & (~sup)

    return jax.lax.fori_loop(0, boxes.shape[0], body, valid)


def postprocess_one(loc_i, conf_i, priors):
    P = priors.shape[0]
    conf_s = jax.nn.softmax(conf_i, axis=1)
    decoded = decode(loc_i, priors)
    scores = conf_s[:, 1:].reshape(-1)                      # drop background, [P*20]
    labels = jnp.tile(jnp.arange(1, NUM_CLASSES, dtype=jnp.int32), P)
    boxes = jnp.repeat(decoded, NUM_CLASSES - 1, axis=0)     # [P*20, 4]
    vals, idx = jax.lax.top_k(scores, M)                     # candidates, sorted desc
    cboxes = boxes[idx]
    clabels = labels[idx]
    keep = nms_keep(jax.lax.stop_gradient(cboxes), jax.lax.stop_gradient(vals), clabels)
    rank = jnp.cumsum(keep.astype(jnp.int32)) - 1
    pos = jnp.where(keep, rank, TOP_K)                       # dump slot = TOP_K
    out_boxes = jnp.zeros((TOP_K + 1, 4), jnp.float32).at[pos].set(jnp.clip(cboxes, 0.0, 1.0))[:TOP_K]
    out_scores = jnp.zeros((TOP_K + 1,), jnp.float32).at[pos].set(vals)[:TOP_K]
    out_labels = jnp.zeros((TOP_K + 1,), jnp.int32).at[pos].set(clabels)[:TOP_K]
    return out_boxes, out_scores, out_labels


def setup_inputs(seed: int = 0):
    key = jax.random.key(seed)
    ks = jax.random.split(key, 8)
    B, P = 8, 3000
    inp = {
        'loc': jax.random.normal(ks[0], (B, P, 4), jnp.float32),
        'conf': jax.random.normal(ks[1], (B, P, NUM_CLASSES), jnp.float32),
    }
    for n, f in enumerate(FSIZES):
        inp['feat%d' % n] = jax.random.normal(ks[2 + n], (B, 256, f, f), jnp.float32)
    return inp


def reference(loc, conf, feat0, feat1, feat2, feat3, feat4, feat5):
    # eval path: postprocess only (targets=None); features only set the anchor grid,
    # which is fully determined by the init config here.
    priors = generate_priors()
    B = loc.shape[0]
    loc = loc.reshape(B, -1, 4)
    conf = conf.reshape(B, loc.shape[1], -1)
    boxes, scores, labels = jax.vmap(lambda l, c: postprocess_one(l, c, priors))(loc, conf)
    return boxes, scores, labels

if __name__ == "__main__":
    import jax
    _d = setup_inputs()
    print(jax.jit(kernel)(*tuple(_d.values())))

</pallas_src>

<mosaic_0001>
#map = affine_map<(d0, d1) -> (0, 0, 0)>
#map1 = affine_map<(d0, d1) -> (0)>
#map2 = affine_map<(d0, d1) -> (0, 0)>
module attributes {stable_mosaic.version = 14 : i64} {
  func.func @_body(%arg0: i32, %arg1: i32, %arg2: memref<32x21x752xf32, #tpu.memory_space<hbm>>, %arg3: memref<96000xf32, #tpu.memory_space<hbm>>, %arg4: memref<4x3008xf32, #tpu.memory_space<hbm>>, %arg5: memref<8x672xf32, #tpu.memory_space<hbm>>, %arg6: memref<21x752xf32, #tpu.memory_space<vmem>>, %arg7: memref<12000xf32, #tpu.memory_space<vmem>>, %arg8: memref<4x3008xf32, #tpu.memory_space<vmem>>, %arg9: memref<768xf32, #tpu.memory_space<vmem>>, %arg10: memref<768xi32, #tpu.memory_space<vmem>>, %arg11: memref<768xi32, #tpu.memory_space<vmem>>, %arg12: memref<128xi32, #tpu.memory_space<vmem>>, %arg13: memref<16x768xf32, #tpu.memory_space<vmem_shared>>, %arg14: memref<16x768xi32, #tpu.memory_space<vmem_shared>>, %arg15: memref<16x768xi32, #tpu.memory_space<vmem_shared>>, %arg16: memref<16x128xi32, #tpu.memory_space<vmem_shared>>, %arg17: memref<4x768xf32, #tpu.memory_space<vmem>>, %arg18: memref<4x768xi32, #tpu.memory_space<vmem>>, %arg19: memref<4x768xi32, #tpu.memory_space<vmem>>, %arg20: memref<4x128xi32, #tpu.memory_space<vmem>>, %arg21: memref<3024xf32, #tpu.memory_space<vmem>>, %arg22: memref<3024xi32, #tpu.memory_space<vmem>>, %arg23: memref<3024xi32, #tpu.memory_space<vmem>>, %arg24: memref<608xf32, #tpu.memory_space<vmem>>, %arg25: memref<608xi32, #tpu.memory_space<vmem>>, %arg26: memref<608xi32, #tpu.memory_space<vmem>>, %arg27: memref<608xf32, #tpu.memory_space<vmem>>, %arg28: memref<608xf32, #tpu.memory_space<vmem>>, %arg29: memref<608xf32, #tpu.memory_space<vmem>>, %arg30: memref<608xf32, #tpu.memory_space<vmem>>, %arg31: memref<608xf32, #tpu.memory_space<vmem>>, %arg32: memref<608xf32, #tpu.memory_space<vmem>>, %arg33: memref<608xf32, #tpu.memory_space<vmem>>, %arg34: memref<608xf32, #tpu.memory_space<vmem>>, %arg35: memref<608xf32, #tpu.memory_space<vmem>>, %arg36: memref<608xi32, #tpu.memory_space<vmem>>, %arg37: memref<672xf32, #tpu.memory_space<vmem>>) attributes {dimension_semantics = [#tpu.dimension_semantics<core_parallel>, #tpu.dimension_semantics<subcore_parallel>], iteration_bounds = array<i64: 2, 16>, scalar_prefetch = 0 : i64, scratch_operands = 32 : i64, tpu.core_type = #tpu.core_type<sc_vector_subcore>, window_params = [{transform_indices = #map}, {transform_indices = #map1}, {transform_indices = #map2}, {transform_indices = #map2}]} {
    %div3A = arith.constant 4 : i32
    %div3A_0 = arith.divsi %arg1, %div3A : i32
    %rem3A = arith.constant 4 : i32
    %rem3A_1 = arith.remsi %arg1, %rem3A : i32
    %mul3A = arith.constant 4 : i32
    %mul3A_2 = arith.muli %arg0, %mul3A : i32
    %add3A = arith.addi %mul3A_2, %div3A_0 : i32
    %iota3A = tpu.iota {dimensions = array<i32: 0>} : vector<16xi32>
    %broadcast_in_dim3A = arith.constant 0.000000e+00 : f32
    %broadcast_in_dim3A_3 = vector.broadcast %broadcast_in_dim3A : f32 to vector<16xf32>
    %broadcast_in_dim3A_4 = arith.constant 0 : i32
    %broadcast_in_dim3A_5 = vector.broadcast %broadcast_in_dim3A_4 : i32 to vector<16xi32>
    %mul3A_6 = arith.constant 4 : i32
    %mul3A_7 = arith.muli %add3A, %mul3A_6 : i32
    %add3A_8 = arith.addi %mul3A_7, %rem3A_1 : i32
    "tpu.region"() ({
      %run_scoped3A = tpu.sem_alloc : memref<!tpu.dma_semaphore, #tpu.memory_space<semaphore_mem>>
      %dma_start3A = arith.constant 0 : i32
      %dma_start3A_43 = arith.constant 0 : i32
      %dma_start3A_44 = tpu.memref_slice %arg2[%add3A_8, %dma_start3A, %dma_start3A_43] : memref<32x21x752xf32, #tpu.memory_space<hbm>> -> memref<1x21x752xf32, #tpu.memory_space<hbm>>
      %dma_start3A_45 = tpu.memref_squeeze %dma_start3A_44 : memref<1x21x752xf32, #tpu.memory_space<hbm>> -> memref<21x752xf32, #tpu.memory_space<hbm>>
      %dma_start3A_46 = arith.constant 0 : i32
      %dma_start3A_47 = arith.constant 0 : i32
      %dma_start3A_48 = tpu.memref_slice %arg2[%add3A_8, %dma_start3A_46, %dma_start3A_47] : memref<32x21x752xf32, #tpu.memory_space<hbm>> -> memref<1x21x752xf32, #tpu.memory_space<hbm>>
      %dma_start3A_49 = tpu.memref_squeeze %dma_start3A_48 : memref<1x21x752xf32, #tpu.memory_space<hbm>> -> memref<21x752xf32, #tpu.memory_space<hbm>>
      tpu.enqueue_dma source(%dma_start3A_49 : memref<21x752xf32, #tpu.memory_space<hbm>>) target(%arg6 : memref<21x752xf32, #tpu.memory_space<vmem>>) target_semaphore(%run_scoped3A : memref<!tpu.dma_semaphore, #tpu.memory_space<semaphore_mem>>)
      %dma_wait3A = arith.constant 0 : i32
      %dma_wait3A_50 = arith.constant 0 : i32
      %dma_wait3A_51 = tpu.memref_slice %arg2[%add3A_8, %dma_wait3A, %dma_wait3A_50] : memref<32x21x752xf32, #tpu.memory_space<hbm>> -> memref<1x21x752xf32, #tpu.memory_space<hbm>>
      %dma_wait3A_52 = tpu.memref_squeeze %dma_wait3A_51 : memref<1x21x752xf32, #tpu.memory_space<hbm>> -> memref<21x752xf32, #tpu.memory_space<hbm>>
      %dma_wait3A_53 = arith.constant 0 : i32
      %dma_wait3A_54 = arith.constant 0 : i32
      %dma_wait3A_55 = tpu.memref_slice %arg2[%add3A_8, %dma_wait3A_53, %dma_wait3A_54] : memref<32x21x752xf32, #tpu.memory_space<hbm>> -> memref<1x21x752xf32, #tpu.memory_space<hbm>>
      %dma_wait3A_56 = tpu.memref_squeeze %dma_wait3A_55 : memref<1x21x752xf32, #tpu.memory_space<hbm>> -> memref<21x752xf32, #tpu.memory_space<hbm>>
      tpu.wait_dma2 semaphore(%run_scoped3A : memref<!tpu.dma_semaphore, #tpu.memory_space<semaphore_mem>>) src(%dma_wait3A_56 : memref<21x752xf32, #tpu.memory_space<hbm>>) dst(%arg6 : memref<21x752xf32, #tpu.memory_space<vmem>>)
      tpu.yield
    }) : () -> ()
    %eq3A = arith.constant 0 : i32
    %eq3A_9 = arith.cmpi eq, %rem3A_1, %eq3A : i32
    %convert_element_type3A = arith.extui %eq3A_9 : i1 to i32
    %cond3A = arith.constant 0 : i32
    %cond3A_10 = arith.cmpi ne, %convert_element_type3A, %cond3A : i32
    scf.if %cond3A_10 {
      %mul3A_43 = arith.constant 12000 : i32
      %mul3A_44 = arith.muli %add3A, %mul3A_43 : i32
      "tpu.region"() ({
        %run_scoped3A = tpu.sem_alloc : memref<!tpu.dma_semaphore, #tpu.memory_space<semaphore_mem>>
        %dma_start3A = tpu.memref_slice %arg3[%mul3A_44] : memref<96000xf32, #tpu.memory_space<hbm>> -> memref<12000xf32, #tpu.memory_space<hbm>>
        %dma_start3A_45 = tpu.memref_slice %arg3[%mul3A_44] : memref<96000xf32, #tpu.memory_space<hbm>> -> memref<12000xf32, #tpu.memory_space<hbm>>
        tpu.enqueue_dma source(%dma_start3A_45 : memref<12000xf32, #tpu.memory_space<hbm>>) target(%arg7 : memref<12000xf32, #tpu.memory_space<vmem>>) target_semaphore(%run_scoped3A : memref<!tpu.dma_semaphore, #tpu.memory_space<semaphore_mem>>)
        %dma_wait3A = tpu.memref_slice %arg3[%mul3A_44] : memref<96000xf32, #tpu.memory_space<hbm>> -> memref<12000xf32, #tpu.memory_space<hbm>>
        %dma_wait3A_46 = tpu.memref_slice %arg3[%mul3A_44] : memref<96000xf32, #tpu.memory_space<hbm>> -> memref<12000xf32, #tpu.memory_space<hbm>>
        tpu.wait_dma2 semaphore(%run_scoped3A : memref<!tpu.dma_semaphore, #tpu.memory_space<semaphore_mem>>) src(%dma_wait3A_46 : memref<12000xf32, #tpu.memory_space<hbm>>) dst(%arg7 : memref<12000xf32, #tpu.memory_space<vmem>>)
        tpu.yield
      }) : () -> ()
      "tpu.region"() ({
        %run_scoped3A = tpu.sem_alloc : memref<!tpu.dma_semaphore, #tpu.memory_space<semaphore_mem>>
        tpu.enqueue_dma source(%arg4 : memref<4x3008xf32, #tpu.memory_space<hbm>>) target(%arg8 : memref<4x3008xf32, #tpu.memory_space<vmem>>) target_semaphore(%run_scoped3A : memref<!tpu.dma_semaphore, #tpu.memory_space<semaphore_mem>>)
        tpu.wait_dma2 semaphore(%run_scoped3A : memref<!tpu.dma_semaphore, #tpu.memory_space<semaphore_mem>>) src(%arg4 : memref<4x3008xf32, #tpu.memory_space<hbm>>) dst(%arg8 : memref<4x3008xf32, #tpu.memory_space<vmem>>)
        tpu.yield
      }) : () -> ()
    } else {
    }
    %mul3A_11 = arith.constant 752 : i32
    %mul3A_12 = arith.muli %rem3A_1, %mul3A_11 : i32
    %scan3A = arith.constant 0 : i32
    %scan3A_13 = arith.constant 0 : i32
    %scan3A_14 = arith.constant 47 : i32
    %scan3A_15 = arith.addi %scan3A_13, %scan3A_14 : i32
    %scan3A_16 = arith.constant 1 : i32
    %scan3A_17 = scf.for %scan3A_43 = %scan3A_13 to %scan3A_15 step %scan3A_16 iter_args(%scan3A_44 = %scan3A) -> (i32)  : i32 {
      %mul3A_45 = arith.constant 16 : i32
      %mul3A_46 = arith.muli %scan3A_43, %mul3A_45 : i32
      %get3A = arith.constant 0 : i32
      %get3A_47 = arith.index_cast %get3A : i32 to index
      %get3A_48 = arith.index_cast %mul3A_46 : i32 to index
      %get3A_49 = tpu.vector_load %arg6[%get3A_47, %get3A_48] {strides = array<i32>} : memref<21x752xf32, #tpu.memory_space<vmem>>, vector<16xf32>,
      %get3A_50 = arith.constant 1 : i32
      %get3A_51 = arith.index_cast %get3A_50 : i32 to index
      %get3A_52 = arith.index_cast %mul3A_46 : i32 to index
      %get3A_53 = tpu.vector_load %arg6[%get3A_51, %get3A_52] {strides = array<i32>} : memref<21x752xf32, #tpu.memory_space<vmem>>, vector<16xf32>,
      %get3A_54 = arith.constant 2 : i32
      %get3A_55 = arith.index_cast %get3A_54 : i32 to index
      %get3A_56 = arith.index_cast %mul3A_46 : i32 to index
      %get3A_57 = tpu.vector_load %arg6[%get3A_55, %get3A_56] {strides = array<i32>} : memref<21x752xf32, #tpu.memory_space<vmem>>, vector<16xf32>,
      %get3A_58 = arith.constant 3 : i32
      %get3A_59 = arith.index_cast %get3A_58 : i32 to index
      %get3A_60 = arith.index_cast %mul3A_46 : i32 to index
      %get3A_61 = tpu.vector_load %arg6[%get3A_59, %get3A_60] {strides = array<i32>} : memref<21x752xf32, #tpu.memory_space<vmem>>, vector<16xf32>,
      %get3A_62 = arith.constant 4 : i32
      %get3A_63 = arith.index_cast %get3A_62 : i32 to index
      %get3A_64 = arith.index_cast %mul3A_46 : i32 to index
      %get3A_65 = tpu.vector_load %arg6[%get3A_63, %get3A_64] {strides = array<i32>} : memref<21x752xf32, #tpu.memory_space<vmem>>, vector<16xf32>,
      %get3A_66 = arith.constant 5 : i32
      %get3A_67 = arith.index_cast %get3A_66 : i32 to index
      %get3A_68 = arith.index_cast %mul3A_46 : i32 to index
      %get3A_69 = tpu.vector_load %arg6[%get3A_67, %get3A_68] {strides = array<i32>} : memref<21x752xf32, #tpu.memory_space<vmem>>, vector<16xf32>,
      %get3A_70 = arith.constant 6 : i32
      %get3A_71 = arith.index_cast %get3A_70 : i32 to index
      %get3A_72 = arith.index_cast %mul3A_46 : i32 to index
      %get3A_73 = tpu.vector_load %arg6[%get3A_71, %get3A_72] {strides = array<i32>} : memref<21x752xf32, #tpu.memory_space<vmem>>, vector<16xf32>,
      %get3A_74 = arith.constant 7 : i32
      %get3A_75 = arith.index_cast %get3A_74 : i32 to index
      %get3A_76 = arith.index_cast %mul3A_46 : i32 to index
      %get3A_77 = tpu.vector_load %arg6[%get3A_75, %get3A_76] {strides = array<i32>} : memref<21x752xf32, #tpu.memory_space<vmem>>, vector<16xf32>,
      %get3A_78 = arith.constant 8 : i32
      %get3A_79 = arith.index_cast %get3A_78 : i32 to index
      %get3A_80 = arith.index_cast %mul3A_46 : i32 to index
      %get3A_81 = tpu.vector_load %arg6[%get3A_79, %get3A_80] {strides = array<i32>} : memref<21x752xf32, #tpu.memory_space<vmem>>, vector<16xf32>,
      %get3A_82 = arith.constant 9 : i32
      %get3A_83 = arith.index_cast %get3A_82 : i32 to index
      %get3A_84 = arith.index_cast %mul3A_46 : i32 to index
      %get3A_85 = tpu.vector_load %arg6[%get3A_83, %get3A_84] {strides = array<i32>} : memref<21x752xf32, #tpu.memory_space<vmem>>, vector<16xf32>,
      %get3A_86 = arith.constant 10 : i32
      %get3A_87 = arith.index_cast %get3A_86 : i32 to index
      %get3A_88 = arith.index_cast %mul3A_46 : i32 to index
      %get3A_89 = tpu.vector_load %arg6[%get3A_87, %get3A_88] {strides = array<i32>} : memref<21x752xf32, #tpu.memory_space<vmem>>, vector<16xf32>,
      %get3A_90 = arith.constant 11 : i32
      %get3A_91 = arith.index_cast %get3A_90 : i32 to index
      %get3A_92 = arith.index_cast %mul3A_46 : i32 to index
      %get3A_93 = tpu.vector_load %arg6[%get3A_91, %get3A_92] {strides = array<i32>} : memref<21x752xf32, #tpu.memory_space<vmem>>, vector<16xf32>,
      %get3A_94 = arith.constant 12 : i32
      %get3A_95 = arith.index_cast %get3A_94 : i32 to index
      %get3A_96 = arith.index_cast %mul3A_46 : i32 to index
      %get3A_97 = tpu.vector_load %arg6[%get3A_95, %get3A_96] {strides = array<i32>} : memref<21x752xf32, #tpu.memory_space<vmem>>, vector<16xf32>,
      %get3A_98 = arith.constant 13 : i32
      %get3A_99 = arith.index_cast %get3A_98 : i32 to index
      %get3A_100 = arith.index_cast %mul3A_46 : i32 to index
      %get3A_101 = tpu.vector_load %arg6[%get3A_99, %get3A_100] {strides = array<i32>} : memref<21x752xf32, #tpu.memory_space<vmem>>, vector<16xf32>,
      %get3A_102 = arith.constant 14 : i32
      %get3A_103 = arith.index_cast %get3A_102 : i32 to index
      %get3A_104 = arith.index_cast %mul3A_46 : i32 to index
      %get3A_105 = tpu.vector_load %arg6[%get3A_103, %get3A_104] {strides = array<i32>} : memref<21x752xf32, #tpu.memory_space<vmem>>, vector<16xf32>,
      %get3A_106 = arith.constant 15 : i32
      %get3A_107 = arith.index_cast %get3A_106 : i32 to index
      %get3A_108 = arith.index_cast %mul3A_46 : i32 to index
      %get3A_109 = tpu.vector_load %arg6[%get3A_107, %get3A_108] {strides = array<i32>} : memref<21x752xf32, #tpu.memory_space<vmem>>, vector<16xf32>,
      %get3A_110 = arith.constant 16 : i32
      %get3A_111 = arith.index_cast %get3A_110 : i32 to index
      %get3A_112 = arith.index_cast %mul3A_46 : i32 to index
      %get3A_113 = tpu.vector_load %arg6[%get3A_111, %get3A_112] {strides = array<i32>} : memref<21x752xf32, #tpu.memory_space<vmem>>, vector<16xf32>,
      %get3A_114 = arith.constant 17 : i32
      %get3A_115 = arith.index_cast %get3A_114 : i32 to index
      %get3A_116 = arith.index_cast %mul3A_46 : i32 to index
      %get3A_117 = tpu.vector_load %arg6[%get3A_115, %get3A_116] {strides = array<i32>} : memref<21x752xf32, #tpu.memory_space<vmem>>, vector<16xf32>,
      %get3A_118 = arith.constant 18 : i32
      %get3A_119 = arith.index_cast %get3A_118 : i32 to index
      %get3A_120 = arith.index_cast %mul3A_46 : i32 to index
      %get3A_121 = tpu.vector_load %arg6[%get3A_119, %get3A_120] {strides = array<i32>} : memref<21x752xf32, #tpu.memory_space<vmem>>, vector<16xf32>,
      %get3A_122 = arith.constant 19 : i32
      %get3A_123 = arith.index_cast %get3A_122 : i32 to index
      %get3A_124 = arith.index_cast %mul3A_46 : i32 to index
      %get3A_125 = tpu.vector_load %arg6[%get3A_123, %get3A_124] {strides = array<i32>} : memref<21x752xf32, #tpu.memory_space<vmem>>, vector<16xf32>,
      %get3A_126 = arith.constant 20 : i32
      %get3A_127 = arith.index_cast %get3A_126 : i32 to index
      %get3A_128 = arith.index_cast %mul3A_46 : i32 to index
      %get3A_129 = tpu.vector_load %arg6[%get3A_127, %get3A_128] {strides = array<i32>} : memref<21x752xf32, #tpu.memory_space<vmem>>, vector<16xf32>,
      %max3A = arith.maximumf %get3A_53, %get3A_57 : vector<16xf32>
      %max3A_130 = arith.maximumf %max3A, %get3A_61 : vector<16xf32>
      %max3A_131 = arith.maximumf %max3A_130, %get3A_65 : vector<16xf32>
      %max3A_132 = arith.maximumf %max3A_131, %get3A_69 : vector<16xf32>
      %max3A_133 = arith.maximumf %max3A_132, %get3A_73 : vector<16xf32>
      %max3A_134 = arith.maximumf %max3A_133, %get3A_77 : vector<16xf32>
      %max3A_135 = arith.maximumf %max3A_134, %get3A_81 : vector<16xf32>
      %max3A_136 = arith.maximumf %max3A_135, %get3A_85 : vector<16xf32>
      %max3A_137 = arith.maximumf %max3A_136, %get3A_89 : vector<16xf32>
      %max3A_138 = arith.maximumf %max3A_137, %get3A_93 : vector<16xf32>
      %max3A_139 = arith.maximumf %max3A_138, %get3A_97 : vector<16xf32>
      %max3A_140 = arith.maximumf %max3A_139, %get3A_101 : vector<16xf32>
      %max3A_141 = arith.maximumf %max3A_140, %get3A_105 : vector<16xf32>
      %max3A_142 = arith.maximumf %max3A_141, %get3A_109 : vector<16xf32>
      %max3A_143 = arith.maximumf %max3A_142, %get3A_113 : vector<16xf32>
      %max3A_144 = arith.maximumf %max3A_143, %get3A_117 : vector<16xf32>
      %max3A_145 = arith.maximumf %max3A_144, %get3A_121 : vector<16xf32>
      %max3A_146 = arith.maximumf %max3A_145, %get3A_125 : vector<16xf32>
      %max3A_147 = arith.maximumf %max3A_146, %get3A_129 : vector<16xf32>
      %sub3A = arith.subf %get3A_49, %max3A_147 : vector<16xf32>
      %exp3A = math.exp %sub3A : vector<16xf32>
      %add3A_148 = arith.addf %broadcast_in_dim3A_3, %exp3A : vector<16xf32>
      %sub3A_149 = arith.subf %get3A_53, %max3A_147 : vector<16xf32>
      %exp3A_150 = math.exp %sub3A_149 : vector<16xf32>
      %add3A_151 = arith.addf %add3A_148, %exp3A_150 : vector<16xf32>
      %sub3A_152 = arith.subf %get3A_57, %max3A_147 : vector<16xf32>
      %exp3A_153 = math.exp %sub3A_152 : vector<16xf32>
      %add3A_154 = arith.addf %add3A_151, %exp3A_153 : vector<16xf32>
      %sub3A_155 = arith.subf %get3A_61, %max3A_147 : vector<16xf32>
      %exp3A_156 = math.exp %sub3A_155 : vector<16xf32>
      %add3A_157 = arith.addf %add3A_154, %exp3A_156 : vector<16xf32>
      %sub3A_158 = arith.subf %get3A_65, %max3A_147 : vector<16xf32>
      %exp3A_159 = math.exp %sub3A_158 : vector<16xf32>
      %add3A_160 = arith.addf %add3A_157, %exp3A_159 : vector<16xf32>
      %sub3A_161 = arith.subf %get3A_69, %max3A_147 : vector<16xf32>
      %exp3A_162 = math.exp %sub3A_161 : vector<16xf32>
      %add3A_163 = arith.addf %add3A_160, %exp3A_162 : vector<16xf32>
      %sub3A_164 = arith.subf %get3A_73, %max3A_147 : vector<16xf32>
      %exp3A_165 = math.exp %sub3A_164 : vector<16xf32>
      %add3A_166 = arith.addf %add3A_163, %exp3A_165 : vector<16xf32>
      %sub3A_167 = arith.subf %get3A_77, %max3A_147 : vector<16xf32>
      %exp3A_168 = math.exp %sub3A_167 : vector<16xf32>
      %add3A_169 = arith.addf %add3A_166, %exp3A_168 : vector<16xf32>
      %sub3A_170 = arith.subf %get3A_81, %max3A_147 : vector<16xf32>
      %exp3A_171 = math.exp %sub3A_170 : vector<16xf32>
      %add3A_172 = arith.addf %add3A_169, %exp3A_171 : vector<16xf32>
      %sub3A_173 = arith.subf %get3A_85, %max3A_147 : vector<16xf32>
      %exp3A_174 = math.exp %sub3A_173 : vector<16xf32>
      %add3A_175 = arith.addf %add3A_172, %exp3A_174 : vector<16xf32>
      %sub3A_176 = arith.subf %get3A_89, %max3A_147 : vector<16xf32>
      %exp3A_177 = math.exp %sub3A_176 : vector<16xf32>
      %add3A_178 = arith.addf %add3A_175, %exp3A_177 : vector<16xf32>
      %sub3A_179 = arith.subf %get3A_93, %max3A_147 : vector<16xf32>
      %exp3A_180 = math.exp %sub3A_179 : vector<16xf32>
      %add3A_181 = arith.addf %add3A_178, %exp3A_180 : vector<16xf32>
      %sub3A_182 = arith.subf %get3A_97, %max3A_147 : vector<16xf32>
      %exp3A_183 = math.exp %sub3A_182 : vector<16xf32>
      %add3A_184 = arith.addf %add3A_181, %exp3A_183 : vector<16xf32>
      %sub3A_185 = arith.subf %get3A_101, %max3A_147 : vector<16xf32>
      %exp3A_186 = math.exp %sub3A_185 : vector<16xf32>
      %add3A_187 = arith.addf %add3A_184, %exp3A_186 : vector<16xf32>
      %sub3A_188 = arith.subf %get3A_105, %max3A_147 : vector<16xf32>
      %exp3A_189 = math.exp %sub3A_188 : vector<16xf32>
      %add3A_190 = arith.addf %add3A_187, %exp3A_189 : vector<16xf32>
      %sub3A_191 = arith.subf %get3A_109, %max3A_147 : vector<16xf32>
      %exp3A_192 = math.exp %sub3A_191 : vector<16xf32>
      %add3A_193 = arith.addf %add3A_190, %exp3A_192 : vector<16xf32>
      %sub3A_194 = arith.subf %get3A_113, %max3A_147 : vector<16xf32>
      %exp3A_195 = math.exp %sub3A_194 : vector<16xf32>
      %add3A_196 = arith.addf %add3A_193, %exp3A_195 : vector<16xf32>
      %sub3A_197 = arith.subf %get3A_117, %max3A_147 : vector<16xf32>
      %exp3A_198 = math.exp %sub3A_197 : vector<16xf32>
      %add3A_199 = arith.addf %add3A_196, %exp3A_198 : vector<16xf32>
      %sub3A_200 = arith.subf %get3A_121, %max3A_147 : vector<16xf32>
      %exp3A_201 = math.exp %sub3A_200 : vector<16xf32>
      %add3A_202 = arith.addf %add3A_199, %exp3A_201 : vector<16xf32>
      %sub3A_203 = arith.subf %get3A_125, %max3A_147 : vector<16xf32>
      %exp3A_204 = math.exp %sub3A_203 : vector<16xf32>
      %add3A_205 = arith.addf %add3A_202, %exp3A_204 : vector<16xf32>
      %sub3A_206 = arith.subf %get3A_129, %max3A_147 : vector<16xf32>
      %exp3A_207 = math.exp %sub3A_206 : vector<16xf32>
      %add3A_208 = arith.addf %add3A_205, %exp3A_207 : vector<16xf32>
      %div3A_209 = arith.constant 1.000000e+00 : f32
      %div3A_210 = vector.broadcast %div3A_209 : f32 to vector<16xf32>
      %div3A_211 = arith.divf %div3A_210, %add3A_208 : vector<16xf32>
      %lt3A = arith.constant 2.000000e+00 : f32
      %lt3A_212 = vector.broadcast %lt3A : f32 to vector<16xf32>
      %lt3A_213 = arith.cmpf olt, %add3A_208, %lt3A_212 : vector<16xf32>
      %jit3A = arith.constant 1 : i32
      %broadcast_in_dim3A_214 = vector.broadcast %jit3A : i32 to vector<16xi32>
      %select_n3A = arith.select %lt3A_213, %broadcast_in_dim3A_214, %broadcast_in_dim3A_5 : vector<16xi1>, vector<16xi32>
      %broadcast_in_dim3A_215 = arith.constant true
      %broadcast_in_dim3A_216 = vector.broadcast %broadcast_in_dim3A_215 : i1 to vector<16xi1>
      %masked_cumsum3A = tpu.scan <sum>, %select_n3A masked %broadcast_in_dim3A_216 : vector<16xi32>, vector<16xi1> -> vector<16xi32>
      %add3A_217 = vector.broadcast %scan3A_44 : i32 to vector<16xi32>
      %add3A_218 = arith.addi %add3A_217, %masked_cumsum3A : vector<16xi32>
      %sub3A_219 = arith.subi %add3A_218, %select_n3A : vector<16xi32>
      tpu.vector_store_idx %arg9[%sub3A_219], %div3A_211 masked %lt3A_213 : memref<768xf32, #tpu.memory_space<vmem>>[vector<16xi32>], vector<16xf32>, vector<16xi1>
      %add3A_220 = arith.addi %mul3A_12, %mul3A_46 : i32
      %add3A_221 = vector.broadcast %add3A_220 : i32 to vector<16xi32>
      %add3A_222 = arith.addi %add3A_221, %iota3A : vector<16xi32>
      tpu.vector_store_idx %arg10[%sub3A_219], %add3A_222 masked %lt3A_213 : memref<768xi32, #tpu.memory_space<vmem>>[vector<16xi32>], vector<16xi32>, vector<16xi1>
      %reduce_sum3A = arith.constant true
      %reduce_sum3A_223 = vector.broadcast %reduce_sum3A : i1 to vector<16xi1>
      %reduce_sum3A_224 = tpu.scan <sum>, %select_n3A masked %reduce_sum3A_223 : vector<16xi32>, vector<16xi1> -> vector<16xi32>
      %reduce_sum3A_225 = vector.extract %reduce_sum3A_224[15] : i32 from vector<16xi32>
      %add3A_226 = arith.addi %scan3A_44, %reduce_sum3A_225 : i32
      scf.yield %add3A_226 : i32
    }
    %scan3A_18 = arith.constant 47 : i32
    %add3A_19 = arith.constant 15 : i32
    %add3A_20 = arith.addi %scan3A_17, %add3A_19 : i32
    %div3A_21 = arith.constant 16 : i32
    %div3A_22 = arith.divsi %add3A_20, %div3A_21 : i32
    %while3A = arith.constant 0 : i32
    %while3A_23 = arith.constant 0 : i32
    %while3A_24 = arith.subi %div3A_22, %while3A_23 : i32
    %while3A_25 = arith.addi %while3A_23, %while3A_24 : i32
    %while3A_26 = arith.constant 1 : i32
    %while3A_27 = arith.divsi %while3A_24, %while3A_26 : i32
    %while3A_28 = arith.muli %while3A_27, %while3A_26 : i32
    %while3A_29 = arith.addi %while3A_23, %while3A_28 : i32
    %while3A_30 = arith.constant 1 : i32
    scf.for %while3A_43 = %while3A_23 to %while3A_29 step %while3A_30  : i32 {
      %mul3A_44 = arith.constant 16 : i32
      %mul3A_45 = arith.muli %while3A_43, %mul3A_44 : i32
      %get3A = arith.index_cast %mul3A_45 : i32 to index
      %get3A_46 = tpu.vector_load %arg10[%get3A] {strides = array<i32>} : memref<768xi32, #tpu.memory_space<vmem>>, vector<16xi32>,
      %sub3A = vector.broadcast %mul3A_12 : i32 to vector<16xi32>
      %sub3A_47 = arith.subi %get3A_46, %sub3A : vector<16xi32>
      %jit3A = arith.constant 0 : i32
      %jit3A_48 = arith.constant 751 : i32
      %max3A = vector.broadcast %jit3A : i32 to vector<16xi32>
      %max3A_49 = arith.maxsi %max3A, %sub3A_47 : vector<16xi32>
      %min3A = vector.broadcast %jit3A_48 : i32 to vector<16xi32>
      %min3A_50 = arith.minsi %min3A, %max3A_49 : vector<16xi32>
      %broadcast_in_dim3A_51 = arith.constant 1 : i32
      %broadcast_in_dim3A_52 = vector.broadcast %broadcast_in_dim3A_51 : i32 to vector<16xi32>
      %gather3A = tpu.vector_load_idx %arg6[%broadcast_in_dim3A_52, %min3A_50] : memref<21x752xf32, #tpu.memory_space<vmem>>[vector<16xi32>, vector<16xi32>], vector<16xf32>,
      %broadcast_in_dim3A_53 = arith.constant 1 : i32
      %broadcast_in_dim3A_54 = vector.broadcast %broadcast_in_dim3A_53 : i32 to vector<16xi32>
      %broadcast_in_dim3A_55 = arith.constant 2 : i32
      %broadcast_in_dim3A_56 = vector.broadcast %broadcast_in_dim3A_55 : i32 to vector<16xi32>
      %gather3A_57 = tpu.vector_load_idx %arg6[%broadcast_in_dim3A_56, %min3A_50] : memref<21x752xf32, #tpu.memory_space<vmem>>[vector<16xi32>, vector<16xi32>], vector<16xf32>,
      %gt3A = arith.cmpf ogt, %gather3A_57, %gather3A : vector<16xf32>
      %max3A_58 = arith.maximumf %gather3A, %gather3A_57 : vector<16xf32>
      %jit3A_59 = arith.constant 2 : i32
      %broadcast_in_dim3A_60 = vector.broadcast %jit3A_59 : i32 to vector<16xi32>
      %select_n3A = arith.select %gt3A, %broadcast_in_dim3A_60, %broadcast_in_dim3A_54 : vector<16xi1>, vector<16xi32>
      %broadcast_in_dim3A_61 = arith.constant 3 : i32
      %broadcast_in_dim3A_62 = vector.broadcast %broadcast_in_dim3A_61 : i32 to vector<16xi32>
      %gather3A_63 = tpu.vector_load_idx %arg6[%broadcast_in_dim3A_62, %min3A_50] : memref<21x752xf32, #tpu.memory_space<vmem>>[vector<16xi32>, vector<16xi32>], vector<16xf32>,
      %gt3A_64 = arith.cmpf ogt, %gather3A_63, %max3A_58 : vector<16xf32>
      %max3A_65 = arith.maximumf %max3A_58, %gather3A_63 : vector<16xf32>
      %jit3A_66 = arith.constant 3 : i32
      %broadcast_in_dim3A_67 = vector.broadcast %jit3A_66 : i32 to vector<16xi32>
      %select_n3A_68 = arith.select %gt3A_64, %broadcast_in_dim3A_67, %select_n3A : vector<16xi1>, vector<16xi32>
      %broadcast_in_dim3A_69 = arith.constant 4 : i32
      %broadcast_in_dim3A_70 = vector.broadcast %broadcast_in_dim3A_69 : i32 to vector<16xi32>
      %gather3A_71 = tpu.vector_load_idx %arg6[%broadcast_in_dim3A_70, %min3A_50] : memref<21x752xf32, #tpu.memory_space<vmem>>[vector<16xi32>, vector<16xi32>], vector<16xf32>,
      %gt3A_72 = arith.cmpf ogt, %gather3A_71, %max3A_65 : vector<16xf32>
      %max3A_73 = arith.maximumf %max3A_65, %gather3A_71 : vector<16xf32>
      %jit3A_74 = arith.constant 4 : i32
      %broadcast_in_dim3A_75 = vector.broadcast %jit3A_74 : i32 to vector<16xi32>
      %select_n3A_76 = arith.select %gt3A_72, %broadcast_in_dim3A_75, %select_n3A_68 : vector<16xi1>, vector<16xi32>
      %broadcast_in_dim3A_77 = arith.constant 5 : i32
      %broadcast_in_dim3A_78 = vector.broadcast %broadcast_in_dim3A_77 : i32 to vector<16xi32>
      %gather3A_79 = tpu.vector_load_idx %arg6[%broadcast_in_dim3A_78, %min3A_50] : memref<21x752xf32, #tpu.memory_space<vmem>>[vector<16xi32>, vector<16xi32>], vector<16xf32>,
      %gt3A_80 = arith.cmpf ogt, %gather3A_79, %max3A_73 : vector<16xf32>
      %max3A_81 = arith.maximumf %max3A_73, %gather3A_79 : vector<16xf32>
      %jit3A_82 = arith.constant 5 : i32
      %broadcast_in_dim3A_83 = vector.broadcast %jit3A_82 : i32 to vector<16xi32>
      %select_n3A_84 = arith.select %gt3A_80, %broadcast_in_dim3A_83, %select_n3A_76 : vector<16xi1>, vector<16xi32>
      %broadcast_in_dim3A_85 = arith.constant 6 : i32
      %broadcast_in_dim3A_86 = vector.broadcast %broadcast_in_dim3A_85 : i32 to vector<16xi32>
      %gather3A_87 = tpu.vector_load_idx %arg6[%broadcast_in_dim3A_86, %min3A_50] : memref<21x752xf32, #tpu.memory_space<vmem>>[vector<16xi32>, vector<16xi32>], vector<16xf32>,
      %gt3A_88 = arith.cmpf ogt, %gather3A_87, %max3A_81 : vector<16xf32>
      %max3A_89 = arith.maximumf %max3A_81, %gather3A_87 : vector<16xf32>
      %jit3A_90 = arith.constant 6 : i32
      %broadcast_in_dim3A_91 = vector.broadcast %jit3A_90 : i32 to vector<16xi32>
      %select_n3A_92 = arith.select %gt3A_88, %broadcast_in_dim3A_91, %select_n3A_84 : vector<16xi1>, vector<16xi32>
      %broadcast_in_dim3A_93 = arith.constant 7 : i32
      %broadcast_in_dim3A_94 = vector.broadcast %broadcast_in_dim3A_93 : i32 to vector<16xi32>
      %gather3A_95 = tpu.vector_load_idx %arg6[%broadcast_in_dim3A_94, %min3A_50] : memref<21x752xf32, #tpu.memory_space<vmem>>[vector<16xi32>, vector<16xi32>], vector<16xf32>,
      %gt3A_96 = arith.cmpf ogt, %gather3A_95, %max3A_89 : vector<16xf32>
      %max3A_97 = arith.maximumf %max3A_89, %gather3A_95 : vector<16xf32>
      %jit3A_98 = arith.constant 7 : i32
      %broadcast_in_dim3A_99 = vector.broadcast %jit3A_98 : i32 to vector<16xi32>
      %select_n3A_100 = arith.select %gt3A_96, %broadcast_in_dim3A_99, %select_n3A_92 : vector<16xi1>, vector<16xi32>
      %broadcast_in_dim3A_101 = arith.constant 8 : i32
      %broadcast_in_dim3A_102 = vector.broadcast %broadcast_in_dim3A_101 : i32 to vector<16xi32>
      %gather3A_103 = tpu.vector_load_idx %arg6[%broadcast_in_dim3A_102, %min3A_50] : memref<21x752xf32, #tpu.memory_space<vmem>>[vector<16xi32>, vector<16xi32>], vector<16xf32>,
      %gt3A_104 = arith.cmpf ogt, %gather3A_103, %max3A_97 : vector<16xf32>
      %max3A_105 = arith.maximumf %max3A_97, %gather3A_103 : vector<16xf32>
      %jit3A_106 = arith.constant 8 : i32
      %broadcast_in_dim3A_107 = vector.broadcast %jit3A_106 : i32 to vector<16xi32>
      %select_n3A_108 = arith.select %gt3A_104, %broadcast_in_dim3A_107, %select_n3A_100 : vector<16xi1>, vector<16xi32>
      %broadcast_in_dim3A_109 = arith.constant 9 : i32
      %broadcast_in_dim3A_110 = vector.broadcast %broadcast_in_dim3A_109 : i32 to vector<16xi32>
      %gather3A_111 = tpu.vector_load_idx %arg6[%broadcast_in_dim3A_110, %min3A_50] : memref<21x752xf32, #tpu.memory_space<vmem>>[vector<16xi32>, vector<16xi32>], vector<16xf32>,
      %gt3A_112 = arith.cmpf ogt, %gather3A_111, %max3A_105 : vector<16xf32>
      %max3A_113 = arith.maximumf %max3A_105, %gather3A_111 : vector<16xf32>
      %jit3A_114 = arith.constant 9 : i32
      %broadcast_in_dim3A_115 = vector.broadcast %jit3A_114 : i32 to vector<16xi32>
      %select_n3A_116 = arith.select %gt3A_112, %broadcast_in_dim3A_115, %select_n3A_108 : vector<16xi1>, vector<16xi32>
      %broadcast_in_dim3A_117 = arith.constant 10 : i32
      %broadcast_in_dim3A_118 = vector.broadcast %broadcast_in_dim3A_117 : i32 to vector<16xi32>
      %gather3A_119 = tpu.vector_load_idx %arg6[%broadcast_in_dim3A_118, %min3A_50] : memref<21x752xf32, #tpu.memory_space<vmem>>[vector<16xi32>, vector<16xi32>], vector<16xf32>,
      %gt3A_120 = arith.cmpf ogt, %gather3A_119, %max3A_113 : vector<16xf32>
      %max3A_121 = arith.maximumf %max3A_113, %gather3A_119 : vector<16xf32>
      %jit3A_122 = arith.constant 10 : i32
      %broadcast_in_dim3A_123 = vector.broadcast %jit3A_122 : i32 to vector<16xi32>
      %select_n3A_124 = arith.select %gt3A_120, %broadcast_in_dim3A_123, %select_n3A_116 : vector<16xi1>, vector<16xi32>
      %broadcast_in_dim3A_125 = arith.constant 11 : i32
      %broadcast_in_dim3A_126 = vector.broadcast %broadcast_in_dim3A_125 : i32 to vector<16xi32>
      %gather3A_127 = tpu.vector_load_idx %arg6[%broadcast_in_dim3A_126, %min3A_50] : memref<21x752xf32, #tpu.memory_space<vmem>>[vector<16xi32>, vector<16xi32>], vector<16xf32>,
      %gt3A_128 = arith.cmpf ogt, %gather3A_127, %max3A_121 : vector<16xf32>
      %max3A_129 = arith.maximumf %max3A_121, %gather3A_127 : vector<16xf32>
      %jit3A_130 = arith.constant 11 : i32
      %broadcast_in_dim3A_131 = vector.broadcast %jit3A_130 : i32 to vector<16xi32>
      %select_n3A_132 = arith.select %gt3A_128, %broadcast_in_dim3A_131, %select_n3A_124 : vector<16xi1>, vector<16xi32>
      %broadcast_in_dim3A_133 = arith.constant 12 : i32
      %broadcast_in_dim3A_134 = vector.broadcast %broadcast_in_dim3A_133 : i32 to vector<16xi32>
      %gather3A_135 = tpu.vector_load_idx %arg6[%broadcast_in_dim3A_134, %min3A_50] : memref<21x752xf32, #tpu.memory_space<vmem>>[vector<16xi32>, vector<16xi32>], vector<16xf32>,
      %gt3A_136 = arith.cmpf ogt, %gather3A_135, %max3A_129 : vector<16xf32>
      %max3A_137 = arith.maximumf %max3A_129, %gather3A_135 : vector<16xf32>
      %jit3A_138 = arith.constant 12 : i32
      %broadcast_in_dim3A_139 = vector.broadcast %jit3A_138 : i32 to vector<16xi32>
      %select_n3A_140 = arith.select %gt3A_136, %broadcast_in_dim3A_139, %select_n3A_132 : vector<16xi1>, vector<16xi32>
      %broadcast_in_dim3A_141 = arith.constant 13 : i32
      %broadcast_in_dim3A_142 = vector.broadcast %broadcast_in_dim3A_141 : i32 to vector<16xi32>
      %gather3A_143 = tpu.vector_load_idx %arg6[%broadcast_in_dim3A_142, %min3A_50] : memref<21x752xf32, #tpu.memory_space<vmem>>[vector<16xi32>, vector<16xi32>], vector<16xf32>,
      %gt3A_144 = arith.cmpf ogt, %gather3A_143, %max3A_137 : vector<16xf32>
      %max3A_145 = arith.maximumf %max3A_137, %gather3A_143 : vector<16xf32>
      %jit3A_146 = arith.constant 13 : i32
      %broadcast_in_dim3A_147 = vector.broadcast %jit3A_146 : i32 to vector<16xi32>
      %select_n3A_148 = arith.select %gt3A_144, %broadcast_in_dim3A_147, %select_n3A_140 : vector<16xi1>, vector<16xi32>
      %broadcast_in_dim3A_149 = arith.constant 14 : i32
      %broadcast_in_dim3A_150 = vector.broadcast %broadcast_in_dim3A_149 : i32 to vector<16xi32>
      %gather3A_151 = tpu.vector_load_idx %arg6[%broadcast_in_dim3A_150, %min3A_50] : memref<21x752xf32, #tpu.memory_space<vmem>>[vector<16xi32>, vector<16xi32>], vector<16xf32>,
      %gt3A_152 = arith.cmpf ogt, %gather3A_151, %max3A_145 : vector<16xf32>
      %max3A_153 = arith.maximumf %max3A_145, %gather3A_151 : vector<16xf32>
      %jit3A_154 = arith.constant 14 : i32
      %broadcast_in_dim3A_155 = vector.broadcast %jit3A_154 : i32 to vector<16xi32>
      %select_n3A_156 = arith.select %gt3A_152, %broadcast_in_dim3A_155, %select_n3A_148 : vector<16xi1>, vector<16xi32>
      %broadcast_in_dim3A_157 = arith.constant 15 : i32
      %broadcast_in_dim3A_158 = vector.broadcast %broadcast_in_dim3A_157 : i32 to vector<16xi32>
      %gather3A_159 = tpu.vector_load_idx %arg6[%broadcast_in_dim3A_158, %min3A_50] : memref<21x752xf32, #tpu.memory_space<vmem>>[vector<16xi32>, vector<16xi32>], vector<16xf32>,
      %gt3A_160 = arith.cmpf ogt, %gather3A_159, %max3A_153 : vector<16xf32>
      %max3A_161 = arith.maximumf %max3A_153, %gather3A_159 : vector<16xf32>
      %jit3A_162 = arith.constant 15 : i32
      %broadcast_in_dim3A_163 = vector.broadcast %jit3A_162 : i32 to vector<16xi32>
      %select_n3A_164 = arith.select %gt3A_160, %broadcast_in_dim3A_163, %select_n3A_156 : vector<16xi1>, vector<16xi32>
      %broadcast_in_dim3A_165 = arith.constant 16 : i32
      %broadcast_in_dim3A_166 = vector.broadcast %broadcast_in_dim3A_165 : i32 to vector<16xi32>
      %gather3A_167 = tpu.vector_load_idx %arg6[%broadcast_in_dim3A_166, %min3A_50] : memref<21x752xf32, #tpu.memory_space<vmem>>[vector<16xi32>, vector<16xi32>], vector<16xf32>,
      %gt3A_168 = arith.cmpf ogt, %gather3A_167, %max3A_161 : vector<16xf32>
      %max3A_169 = arith.maximumf %max3A_161, %gather3A_167 : vector<16xf32>
      %jit3A_170 = arith.constant 16 : i32
      %broadcast_in_dim3A_171 = vector.broadcast %jit3A_170 : i32 to vector<16xi32>
      %select_n3A_172 = arith.select %gt3A_168, %broadcast_in_dim3A_171, %select_n3A_164 : vector<16xi1>, vector<16xi32>
      %broadcast_in_dim3A_173 = arith.constant 17 : i32
      %broadcast_in_dim3A_174 = vector.broadcast %broadcast_in_dim3A_173 : i32 to vector<16xi32>
      %gather3A_175 = tpu.vector_load_idx %arg6[%broadcast_in_dim3A_174, %min3A_50] : memref<21x752xf32, #tpu.memory_space<vmem>>[vector<16xi32>, vector<16xi32>], vector<16xf32>,
      %gt3A_176 = arith.cmpf ogt, %gather3A_175, %max3A_169 : vector<16xf32>
      %max3A_177 = arith.maximumf %max3A_169, %gather3A_175 : vector<16xf32>
      %jit3A_178 = arith.constant 17 : i32
      %broadcast_in_dim3A_179 = vector.broadcast %jit3A_178 : i32 to vector<16xi32>
      %select_n3A_180 = arith.select %gt3A_176, %broadcast_in_dim3A_179, %select_n3A_172 : vector<16xi1>, vector<16xi32>
      %broadcast_in_dim3A_181 = arith.constant 18 : i32
      %broadcast_in_dim3A_182 = vector.broadcast %broadcast_in_dim3A_181 : i32 to vector<16xi32>
      %gather3A_183 = tpu.vector_load_idx %arg6[%broadcast_in_dim3A_182, %min3A_50] : memref<21x752xf32, #tpu.memory_space<vmem>>[vector<16xi32>, vector<16xi32>], vector<16xf32>,
      %gt3A_184 = arith.cmpf ogt, %gather3A_183, %max3A_177 : vector<16xf32>
      %max3A_185 = arith.maximumf %max3A_177, %gather3A_183 : vector<16xf32>
      %jit3A_186 = arith.constant 18 : i32
      %broadcast_in_dim3A_187 = vector.broadcast %jit3A_186 : i32 to vector<16xi32>
      %select_n3A_188 = arith.select %gt3A_184, %broadcast_in_dim3A_187, %select_n3A_180 : vector<16xi1>, vector<16xi32>
      %broadcast_in_dim3A_189 = arith.constant 19 : i32
      %broadcast_in_dim3A_190 = vector.broadcast %broadcast_in_dim3A_189 : i32 to vector<16xi32>
      %gather3A_191 = tpu.vector_load_idx %arg6[%broadcast_in_dim3A_190, %min3A_50] : memref<21x752xf32, #tpu.memory_space<vmem>>[vector<16xi32>, vector<16xi32>], vector<16xf32>,
      %gt3A_192 = arith.cmpf ogt, %gather3A_191, %max3A_185 : vector<16xf32>
      %max3A_193 = arith.maximumf %max3A_185, %gather3A_191 : vector<16xf32>
      %jit3A_194 = arith.constant 19 : i32
      %broadcast_in_dim3A_195 = vector.broadcast %jit3A_194 : i32 to vector<16xi32>
      %select_n3A_196 = arith.select %gt3A_192, %broadcast_in_dim3A_195, %select_n3A_188 : vector<16xi1>, vector<16xi32>
      %broadcast_in_dim3A_197 = arith.constant 20 : i32
      %broadcast_in_dim3A_198 = vector.broadcast %broadcast_in_dim3A_197 : i32 to vector<16xi32>
      %gather3A_199 = tpu.vector_load_idx %arg6[%broadcast_in_dim3A_198, %min3A_50] : memref<21x752xf32, #tpu.memory_space<vmem>>[vector<16xi32>, vector<16xi32>], vector<16xf32>,
      %gt3A_200 = arith.cmpf ogt, %gather3A_199, %max3A_193 : vector<16xf32>
      %max3A_201 = arith.maximumf %max3A_193, %gather3A_199 : vector<16xf32>
      %jit3A_202 = arith.constant 20 : i32
      %broadcast_in_dim3A_203 = vector.broadcast %jit3A_202 : i32 to vector<16xi32>
      %select_n3A_204 = arith.select %gt3A_200, %broadcast_in_dim3A_203, %select_n3A_196 : vector<16xi1>, vector<16xi32>
      %swap3A = arith.index_cast %mul3A_45 : i32 to index
      %swap3A_205 = tpu.vector_load %arg11[%swap3A] {strides = array<i32>} : memref<768xi32, #tpu.memory_space<vmem>>, vector<16xi32>,
      tpu.vector_store %arg11[%swap3A], %select_n3A_204 {strides = array<i32>} : memref<768xi32, #tpu.memory_space<vmem>>, vector<16xi32>,
    }
    %while3A_31 = arith.constant 1 : i32
    scf.for %while3A_43 = %while3A_29 to %while3A_25 step %while3A_31  : i32 {
      %mul3A_44 = arith.constant 16 : i32
      %mul3A_45 = arith.muli %while3A_43, %mul3A_44 : i32
      %get3A = arith.index_cast %mul3A_45 : i32 to index
      %get3A_46 = tpu.vector_load %arg10[%get3A] {strides = array<i32>} : memref<768xi32, #tpu.memory_space<vmem>>, vector<16xi32>,
      %sub3A = vector.broadcast %mul3A_12 : i32 to vector<16xi32>
      %sub3A_47 = arith.subi %get3A_46, %sub3A : vector<16xi32>
      %jit3A = arith.constant 0 : i32
      %jit3A_48 = arith.constant 751 : i32
      %max3A = vector.broadcast %jit3A : i32 to vector<16xi32>
      %max3A_49 = arith.maxsi %max3A, %sub3A_47 : vector<16xi32>
      %min3A = vector.broadcast %jit3A_48 : i32 to vector<16xi32>
      %min3A_50 = arith.minsi %min3A, %max3A_49 : vector<16xi32>
      %broadcast_in_dim3A_51 = arith.constant 1 : i32
      %broadcast_in_dim3A_52 = vector.broadcast %broadcast_in_dim3A_51 : i32 to vector<16xi32>
      %gather3A = tpu.vector_load_idx %arg6[%broadcast_in_dim3A_52, %min3A_50] : memref<21x752xf32, #tpu.memory_space<vmem>>[vector<16xi32>, vector<16xi32>], vector<16xf32>,
      %broadcast_in_dim3A_53 = arith.constant 1 : i32
      %broadcast_in_dim3A_54 = vector.broadcast %broadcast_in_dim3A_53 : i32 to vector<16xi32>
      %broadcast_in_dim3A_55 = arith.constant 2 : i32
      %broadcast_in_dim3A_56 = vector.broadcast %broadcast_in_dim3A_55 : i32 to vector<16xi32>
      %gather3A_57 = tpu.vector_load_idx %arg6[%broadcast_in_dim3A_56, %min3A_50] : memref<21x752xf32, #tpu.memory_space<vmem>>[vector<16xi32>, vector<16xi32>], vector<16xf32>,
      %gt3A = arith.cmpf ogt, %gather3A_57, %gather3A : vector<16xf32>
      %max3A_58 = arith.maximumf %gather3A, %gather3A_57 : vector<16xf32>
      %jit3A_59 = arith.constant 2 : i32
      %broadcast_in_dim3A_60 = vector.broadcast %jit3A_59 : i32 to vector<16xi32>
      %select_n3A = arith.select %gt3A, %broadcast_in_dim3A_60, %broadcast_in_dim3A_54 : vector<16xi1>, vector<16xi32>
      %broadcast_in_dim3A_61 = arith.constant 3 : i32
      %broadcast_in_dim3A_62 = vector.broadcast %broadcast_in_dim3A_61 : i32 to vector<16xi32>
      %gather3A_63 = tpu.vector_load_idx %arg6[%broadcast_in_dim3A_62, %min3A_50] : memref<21x752xf32, #tpu.memory_space<vmem>>[vector<16xi32>, vector<16xi32>], vector<16xf32>,
      %gt3A_64 = arith.cmpf ogt, %gather3A_63, %max3A_58 : vector<16xf32>
      %max3A_65 = arith.maximumf %max3A_58, %gather3A_63 : vector<16xf32>
      %jit3A_66 = arith.constant 3 : i32
      %broadcast_in_dim3A_67 = vector.broadcast %jit3A_66 : i32 to vector<16xi32>
      %select_n3A_68 = arith.select %gt3A_64, %broadcast_in_dim3A_67, %select_n3A : vector<16xi1>, vector<16xi32>
      %broadcast_in_dim3A_69 = arith.constant 4 : i32
      %broadcast_in_dim3A_70 = vector.broadcast %broadcast_in_dim3A_69 : i32 to vector<16xi32>
      %gather3A_71 = tpu.vector_load_idx %arg6[%broadcast_in_dim3A_70, %min3A_50] : memref<21x752xf32, #tpu.memory_space<vmem>>[vector<16xi32>, vector<16xi32>], vector<16xf32>,
      %gt3A_72 = arith.cmpf ogt, %gather3A_71, %max3A_65 : vector<16xf32>
      %max3A_73 = arith.maximumf %max3A_65, %gather3A_71 : vector<16xf32>
      %jit3A_74 = arith.constant 4 : i32
      %broadcast_in_dim3A_75 = vector.broadcast %jit3A_74 : i32 to vector<16xi32>
      %select_n3A_76 = arith.select %gt3A_72, %broadcast_in_dim3A_75, %select_n3A_68 : vector<16xi1>, vector<16xi32>
      %broadcast_in_dim3A_77 = arith.constant 5 : i32
      %broadcast_in_dim3A_78 = vector.broadcast %broadcast_in_dim3A_77 : i32 to vector<16xi32>
      %gather3A_79 = tpu.vector_load_idx %arg6[%broadcast_in_dim3A_78, %min3A_50] : memref<21x752xf32, #tpu.memory_space<vmem>>[vector<16xi32>, vector<16xi32>], vector<16xf32>,
      %gt3A_80 = arith.cmpf ogt, %gather3A_79, %max3A_73 : vector<16xf32>
      %max3A_81 = arith.maximumf %max3A_73, %gather3A_79 : vector<16xf32>
      %jit3A_82 = arith.constant 5 : i32
      %broadcast_in_dim3A_83 = vector.broadcast %jit3A_82 : i32 to vector<16xi32>
      %select_n3A_84 = arith.select %gt3A_80, %broadcast_in_dim3A_83, %select_n3A_76 : vector<16xi1>, vector<16xi32>
      %broadcast_in_dim3A_85 = arith.constant 6 : i32
      %broadcast_in_dim3A_86 = vector.broadcast %broadcast_in_dim3A_85 : i32 to vector<16xi32>
      %gather3A_87 = tpu.vector_load_idx %arg6[%broadcast_in_dim3A_86, %min3A_50] : memref<21x752xf32, #tpu.memory_space<vmem>>[vector<16xi32>, vector<16xi32>], vector<16xf32>,
      %gt3A_88 = arith.cmpf ogt, %gather3A_87, %max3A_81 : vector<16xf32>
      %max3A_89 = arith.maximumf %max3A_81, %gather3A_87 : vector<16xf32>
      %jit3A_90 = arith.constant 6 : i32
      %broadcast_in_dim3A_91 = vector.broadcast %jit3A_90 : i32 to vector<16xi32>
      %select_n3A_92 = arith.select %gt3A_88, %broadcast_in_dim3A_91, %select_n3A_84 : vector<16xi1>, vector<16xi32>
      %broadcast_in_dim3A_93 = arith.constant 7 : i32
      %broadcast_in_dim3A_94 = vector.broadcast %broadcast_in_dim3A_93 : i32 to vector<16xi32>
      %gather3A_95 = tpu.vector_load_idx %arg6[%broadcast_in_dim3A_94, %min3A_50] : memref<21x752xf32, #tpu.memory_space<vmem>>[vector<16xi32>, vector<16xi32>], vector<16xf32>,
      %gt3A_96 = arith.cmpf ogt, %gather3A_95, %max3A_89 : vector<16xf32>
      %max3A_97 = arith.maximumf %max3A_89, %gather3A_95 : vector<16xf32>
      %jit3A_98 = arith.constant 7 : i32
      %broadcast_in_dim3A_99 = vector.broadcast %jit3A_98 : i32 to vector<16xi32>
      %select_n3A_100 = arith.select %gt3A_96, %broadcast_in_dim3A_99, %select_n3A_92 : vector<16xi1>, vector<16xi32>
      %broadcast_in_dim3A_101 = arith.constant 8 : i32
      %broadcast_in_dim3A_102 = vector.broadcast %broadcast_in_dim3A_101 : i32 to vector<16xi32>
      %gather3A_103 = tpu.vector_load_idx %arg6[%broadcast_in_dim3A_102, %min3A_50] : memref<21x752xf32, #tpu.memory_space<vmem>>[vector<16xi32>, vector<16xi32>], vector<16xf32>,
      %gt3A_104 = arith.cmpf ogt, %gather3A_103, %max3A_97 : vector<16xf32>
      %max3A_105 = arith.maximumf %max3A_97, %gather3A_103 : vector<16xf32>
      %jit3A_106 = arith.constant 8 : i32
      %broadcast_in_dim3A_107 = vector.broadcast %jit3A_106 : i32 to vector<16xi32>
      %select_n3A_108 = arith.select %gt3A_104, %broadcast_in_dim3A_107, %select_n3A_100 : vector<16xi1>, vector<16xi32>
      %broadcast_in_dim3A_109 = arith.constant 9 : i32
      %broadcast_in_dim3A_110 = vector.broadcast %broadcast_in_dim3A_109 : i32 to vector<16xi32>
      %gather3A_111 = tpu.vector_load_idx %arg6[%broadcast_in_dim3A_110, %min3A_50] : memref<21x752xf32, #tpu.memory_space<vmem>>[vector<16xi32>, vector<16xi32>], vector<16xf32>,
      %gt3A_112 = arith.cmpf ogt, %gather3A_111, %max3A_105 : vector<16xf32>
      %max3A_113 = arith.maximumf %max3A_105, %gather3A_111 : vector<16xf32>
      %jit3A_114 = arith.constant 9 : i32
      %broadcast_in_dim3A_115 = vector.broadcast %jit3A_114 : i32 to vector<16xi32>
      %select_n3A_116 = arith.select %gt3A_112, %broadcast_in_dim3A_115, %select_n3A_108 : vector<16xi1>, vector<16xi32>
      %broadcast_in_dim3A_117 = arith.constant 10 : i32
      %broadcast_in_dim3A_118 = vector.broadcast %broadcast_in_dim3A_117 : i32 to vector<16xi32>
      %gather3A_119 = tpu.vector_load_idx %arg6[%broadcast_in_dim3A_118, %min3A_50] : memref<21x752xf32, #tpu.memory_space<vmem>>[vector<16xi32>, vector<16xi32>], vector<16xf32>,
      %gt3A_120 = arith.cmpf ogt, %gather3A_119, %max3A_113 : vector<16xf32>
      %max3A_121 = arith.maximumf %max3A_113, %gather3A_119 : vector<16xf32>
      %jit3A_122 = arith.constant 10 : i32
      %broadcast_in_dim3A_123 = vector.broadcast %jit3A_122 : i32 to vector<16xi32>
      %select_n3A_124 = arith.select %gt3A_120, %broadcast_in_dim3A_123, %select_n3A_116 : vector<16xi1>, vector<16xi32>
      %broadcast_in_dim3A_125 = arith.constant 11 : i32
      %broadcast_in_dim3A_126 = vector.broadcast %broadcast_in_dim3A_125 : i32 to vector<16xi32>
      %gather3A_127 = tpu.vector_load_idx %arg6[%broadcast_in_dim3A_126, %min3A_50] : memref<21x752xf32, #tpu.memory_space<vmem>>[vector<16xi32>, vector<16xi32>], vector<16xf32>,
      %gt3A_128 = arith.cmpf ogt, %gather3A_127, %max3A_121 : vector<16xf32>
      %max3A_129 = arith.maximumf %max3A_121, %gather3A_127 : vector<16xf32>
      %jit3A_130 = arith.constant 11 : i32
      %broadcast_in_dim3A_131 = vector.broadcast %jit3A_130 : i32 to vector<16xi32>
      %select_n3A_132 = arith.select %gt3A_128, %broadcast_in_dim3A_131, %select_n3A_124 : vector<16xi1>, vector<16xi32>
      %broadcast_in_dim3A_133 = arith.constant 12 : i32
      %broadcast_in_dim3A_134 = vector.broadcast %broadcast_in_dim3A_133 : i32 to vector<16xi32>
      %gather3A_135 = tpu.vector_load_idx %arg6[%broadcast_in_dim3A_134, %min3A_50] : memref<21x752xf32, #tpu.memory_space<vmem>>[vector<16xi32>, vector<16xi32>], vector<16xf32>,
      %gt3A_136 = arith.cmpf ogt, %gather3A_135, %max3A_129 : vector<16xf32>
      %max3A_137 = arith.maximumf %max3A_129, %gather3A_135 : vector<16xf32>
      %jit3A_138 = arith.constant 12 : i32
      %broadcast_in_dim3A_139 = vector.broadcast %jit3A_138 : i32 to vector<16xi32>
      %select_n3A_140 = arith.select %gt3A_136, %broadcast_in_dim3A_139, %select_n3A_132 : vector<16xi1>, vector<16xi32>
      %broadcast_in_dim3A_141 = arith.constant 13 : i32
      %broadcast_in_dim3A_142 = vector.broadcast %broadcast_in_dim3A_141 : i32 to vector<16xi32>
      %gather3A_143 = tpu.vector_load_idx %arg6[%broadcast_in_dim3A_142, %min3A_50] : memref<21x752xf32, #tpu.memory_space<vmem>>[vector<16xi32>, vector<16xi32>], vector<16xf32>,
      %gt3A_144 = arith.cmpf ogt, %gather3A_143, %max3A_137 : vector<16xf32>
      %max3A_145 = arith.maximumf %max3A_137, %gather3A_143 : vector<16xf32>
      %jit3A_146 = arith.constant 13 : i32
      %broadcast_in_dim3A_147 = vector.broadcast %jit3A_146 : i32 to vector<16xi32>
      %select_n3A_148 = arith.select %gt3A_144, %broadcast_in_dim3A_147, %select_n3A_140 : vector<16xi1>, vector<16xi32>
      %broadcast_in_dim3A_149 = arith.constant 14 : i32
      %broadcast_in_dim3A_150 = vector.broadcast %broadcast_in_dim3A_149 : i32 to vector<16xi32>
      %gather3A_151 = tpu.vector_load_idx %arg6[%broadcast_in_dim3A_150, %min3A_50] : memref<21x752xf32, #tpu.memory_space<vmem>>[vector<16xi32>, vector<16xi32>], vector<16xf32>,
      %gt3A_152 = arith.cmpf ogt, %gather3A_151, %max3A_145 : vector<16xf32>
      %max3A_153 = arith.maximumf %max3A_145, %gather3A_151 : vector<16xf32>
      %jit3A_154 = arith.constant 14 : i32
      %broadcast_in_dim3A_155 = vector.broadcast %jit3A_154 : i32 to vector<16xi32>
      %select_n3A_156 = arith.select %gt3A_152, %broadcast_in_dim3A_155, %select_n3A_148 : vector<16xi1>, vector<16xi32>
      %broadcast_in_dim3A_157 = arith.constant 15 : i32
      %broadcast_in_dim3A_158 = vector.broadcast %broadcast_in_dim3A_157 : i32 to vector<16xi32>
      %gather3A_159 = tpu.vector_load_idx %arg6[%broadcast_in_dim3A_158, %min3A_50] : memref<21x752xf32, #tpu.memory_space<vmem>>[vector<16xi32>, vector<16xi32>], vector<16xf32>,
      %gt3A_160 = arith.cmpf ogt, %gather3A_159, %max3A_153 : vector<16xf32>
      %max3A_161 = arith.maximumf %max3A_153, %gather3A_159 : vector<16xf32>
      %jit3A_162 = arith.constant 15 : i32
      %broadcast_in_dim3A_163 = vector.broadcast %jit3A_162 : i32 to vector<16xi32>
      %select_n3A_164 = arith.select %gt3A_160, %broadcast_in_dim3A_163, %select_n3A_156 : vector<16xi1>, vector<16xi32>
      %broadcast_in_dim3A_165 = arith.constant 16 : i32
      %broadcast_in_dim3A_166 = vector.broadcast %broadcast_in_dim3A_165 : i32 to vector<16xi32>
      %gather3A_167 = tpu.vector_load_idx %arg6[%broadcast_in_dim3A_166, %min3A_50] : memref<21x752xf32, #tpu.memory_space<vmem>>[vector<16xi32>, vector<16xi32>], vector<16xf32>,
      %gt3A_168 = arith.cmpf ogt, %gather3A_167, %max3A_161 : vector<16xf32>
      %max3A_169 = arith.maximumf %max3A_161, %gather3A_167 : vector<16xf32>
      %jit3A_170 = arith.constant 16 : i32
      %broadcast_in_dim3A_171 = vector.broadcast %jit3A_170 : i32 to vector<16xi32>
      %select_n3A_172 = arith.select %gt3A_168, %broadcast_in_dim3A_171, %select_n3A_164 : vector<16xi1>, vector<16xi32>
      %broadcast_in_dim3A_173 = arith.constant 17 : i32
      %broadcast_in_dim3A_174 = vector.broadcast %broadcast_in_dim3A_173 : i32 to vector<16xi32>
      %gather3A_175 = tpu.vector_load_idx %arg6[%broadcast_in_dim3A_174, %min3A_50] : memref<21x752xf32, #tpu.memory_space<vmem>>[vector<16xi32>, vector<16xi32>], vector<16xf32>,
      %gt3A_176 = arith.cmpf ogt, %gather3A_175, %max3A_169 : vector<16xf32>
      %max3A_177 = arith.maximumf %max3A_169, %gather3A_175 : vector<16xf32>
      %jit3A_178 = arith.constant 17 : i32
      %broadcast_in_dim3A_179 = vector.broadcast %jit3A_178 : i32 to vector<16xi32>
      %select_n3A_180 = arith.select %gt3A_176, %broadcast_in_dim3A_179, %select_n3A_172 : vector<16xi1>, vector<16xi32>
      %broadcast_in_dim3A_181 = arith.constant 18 : i32
      %broadcast_in_dim3A_182 = vector.broadcast %broadcast_in_dim3A_181 : i32 to vector<16xi32>
      %gather3A_183 = tpu.vector_load_idx %arg6[%broadcast_in_dim3A_182, %min3A_50] : memref<21x752xf32, #tpu.memory_space<vmem>>[vector<16xi32>, vector<16xi32>], vector<16xf32>,
      %gt3A_184 = arith.cmpf ogt, %gather3A_183, %max3A_177 : vector<16xf32>
      %max3A_185 = arith.maximumf %max3A_177, %gather3A_183 : vector<16xf32>
      %jit3A_186 = arith.constant 18 : i32
      %broadcast_in_dim3A_187 = vector.broadcast %jit3A_186 : i32 to vector<16xi32>
      %select_n3A_188 = arith.select %gt3A_184, %broadcast_in_dim3A_187, %select_n3A_180 : vector<16xi1>, vector<16xi32>
      %broadcast_in_dim3A_189 = arith.constant 19 : i32
      %broadcast_in_dim3A_190 = vector.broadcast %broadcast_in_dim3A_189 : i32 to vector<16xi32>
      %gather3A_191 = tpu.vector_load_idx %arg6[%broadcast_in_dim3A_190, %min3A_50] : memref<21x752xf32, #tpu.memory_space<vmem>>[vector<16xi32>, vector<16xi32>], vector<16xf32>,
      %gt3A_192 = arith.cmpf ogt, %gather3A_191, %max3A_185 : vector<16xf32>
      %max3A_193 = arith.maximumf %max3A_185, %gather3A_191 : vector<16xf32>
      %jit3A_194 = arith.constant 19 : i32
      %broadcast_in_dim3A_195 = vector.broadcast %jit3A_194 : i32 to vector<16xi32>
      %select_n3A_196 = arith.select %gt3A_192, %broadcast_in_dim3A_195, %select_n3A_188 : vector<16xi1>, vector<16xi32>
      %broadcast_in_dim3A_197 = arith.constant 20 : i32
      %broadcast_in_dim3A_198 = vector.broadcast %broadcast_in_dim3A_197 : i32 to vector<16xi32>
      %gather3A_199 = tpu.vector_load_idx %arg6[%broadcast_in_dim3A_198, %min3A_50] : memref<21x752xf32, #tpu.memory_space<vmem>>[vector<16xi32>, vector<16xi32>], vector<16xf32>,
      %gt3A_200 = arith.cmpf ogt, %gather3A_199, %max3A_193 : vector<16xf32>
      %max3A_201 = arith.maximumf %max3A_193, %gather3A_199 : vector<16xf32>
      %jit3A_202 = arith.constant 20 : i32
      %broadcast_in_dim3A_203 = vector.broadcast %jit3A_202 : i32 to vector<16xi32>
      %select_n3A_204 = arith.select %gt3A_200, %broadcast_in_dim3A_203, %select_n3A_196 : vector<16xi1>, vector<16xi32>
      %swap3A = arith.index_cast %mul3A_45 : i32 to index
      %swap3A_205 = tpu.vector_load %arg11[%swap3A] {strides = array<i32>} : memref<768xi32, #tpu.memory_space<vmem>>, vector<16xi32>,
      tpu.vector_store %arg11[%swap3A], %select_n3A_204 {strides = array<i32>} : memref<768xi32, #tpu.memory_space<vmem>>, vector<16xi32>,
    }
    %scan3A_32 = arith.constant 0 : i32
    %scan3A_33 = arith.constant 0 : i32
    %scan3A_34 = arith.constant 8 : i32
    %scan3A_35 = arith.addi %scan3A_33, %scan3A_34 : i32
    %scan3A_36 = arith.constant 1 : i32
    scf.for %scan3A_43 = %scan3A_33 to %scan3A_35 step %scan3A_36  : i32 {
      %broadcast_in_dim3A_44 = vector.broadcast %scan3A_17 : i32 to vector<16xi32>
      %mul3A_45 = arith.constant 16 : i32
      %mul3A_46 = arith.muli %scan3A_43, %mul3A_45 : i32
      %swap3A = arith.index_cast %mul3A_46 : i32 to index
      %swap3A_47 = tpu.vector_load %arg12[%swap3A] {strides = array<i32>} : memref<128xi32, #tpu.memory_space<vmem>>, vector<16xi32>,
      tpu.vector_store %arg12[%swap3A], %broadcast_in_dim3A_44 {strides = array<i32>} : memref<128xi32, #tpu.memory_space<vmem>>, vector<16xi32>,
    }
    %scan3A_37 = arith.constant 8 : i32
    "tpu.region"() ({
      %run_scoped3A = tpu.sem_alloc : memref<!tpu.dma_semaphore, #tpu.memory_space<semaphore_mem>>
      %dma_start3A = arith.constant 0 : i32
      %dma_start3A_43 = tpu.memref_slice %arg13[%arg1, %dma_start3A] : memref<16x768xf32, #tpu.memory_space<vmem_shared>> -> memref<1x768xf32, #tpu.memory_space<vmem_shared>>
      %dma_start3A_44 = tpu.memref_squeeze %dma_start3A_43 : memref<1x768xf32, #tpu.memory_space<vmem_shared>> -> memref<768xf32, #tpu.memory_space<vmem_shared>>
      %dma_start3A_45 = arith.constant 0 : i32
      %dma_start3A_46 = tpu.memref_slice %arg13[%arg1, %dma_start3A_45] : memref<16x768xf32, #tpu.memory_space<vmem_shared>> -> memref<1x768xf32, #tpu.memory_space<vmem_shared>>
      %dma_start3A_47 = tpu.memref_squeeze %dma_start3A_46 : memref<1x768xf32, #tpu.memory_space<vmem_shared>> -> memref<768xf32, #tpu.memory_space<vmem_shared>>
      tpu.enqueue_dma source(%arg9 : memref<768xf32, #tpu.memory_space<vmem>>) target(%dma_start3A_47 : memref<768xf32, #tpu.memory_space<vmem_shared>>) target_semaphore(%run_scoped3A : memref<!tpu.dma_semaphore, #tpu.memory_space<semaphore_mem>>)
      %dma_wait3A = arith.constant 0 : i32
      %dma_wait3A_48 = tpu.memref_slice %arg13[%arg1, %dma_wait3A] : memref<16x768xf32, #tpu.memory_space<vmem_shared>> -> memref<1x768xf32, #tpu.memory_space<vmem_shared>>
      %dma_wait3A_49 = tpu.memref_squeeze %dma_wait3A_48 : memref<1x768xf32, #tpu.memory_space<vmem_shared>> -> memref<768xf32, #tpu.memory_space<vmem_shared>>
      %dma_wait3A_50 = arith.constant 0 : i32
      %dma_wait3A_51 = tpu.memref_slice %arg13[%arg1, %dma_wait3A_50] : memref<16x768xf32, #tpu.memory_space<vmem_shared>> -> memref<1x768xf32, #tpu.memory_space<vmem_shared>>
      %dma_wait3A_52 = tpu.memref_squeeze %dma_wait3A_51 : memref<1x768xf32, #tpu.memory_space<vmem_shared>> -> memref<768xf32, #tpu.memory_space<vmem_shared>>
      tpu.wait_dma2 semaphore(%run_scoped3A : memref<!tpu.dma_semaphore, #tpu.memory_space<semaphore_mem>>) src(%arg9 : memref<768xf32, #tpu.memory_space<vmem>>) dst(%dma_wait3A_52 : memref<768xf32, #tpu.memory_space<vmem_shared>>)
      tpu.yield
    }) : () -> ()
    "tpu.region"() ({
      %run_scoped3A = tpu.sem_alloc : memref<!tpu.dma_semaphore, #tpu.memory_space<semaphore_mem>>
      %dma_start3A = arith.constant 0 : i32
      %dma_start3A_43 = tpu.memref_slice %arg14[%arg1, %dma_start3A] : memref<16x768xi32, #tpu.memory_space<vmem_shared>> -> memref<1x768xi32, #tpu.memory_space<vmem_shared>>
      %dma_start3A_44 = tpu.memref_squeeze %dma_start3A_43 : memref<1x768xi32, #tpu.memory_space<vmem_shared>> -> memref<768xi32, #tpu.memory_space<vmem_shared>>
      %dma_start3A_45 = arith.constant 0 : i32
      %dma_start3A_46 = tpu.memref_slice %arg14[%arg1, %dma_start3A_45] : memref<16x768xi32, #tpu.memory_space<vmem_shared>> -> memref<1x768xi32, #tpu.memory_space<vmem_shared>>
      %dma_start3A_47 = tpu.memref_squeeze %dma_start3A_46 : memref<1x768xi32, #tpu.memory_space<vmem_shared>> -> memref<768xi32, #tpu.memory_space<vmem_shared>>
      tpu.enqueue_dma source(%arg10 : memref<768xi32, #tpu.memory_space<vmem>>) target(%dma_start3A_47 : memref<768xi32, #tpu.memory_space<vmem_shared>>) target_semaphore(%run_scoped3A : memref<!tpu.dma_semaphore, #tpu.memory_space<semaphore_mem>>)
      %dma_wait3A = arith.constant 0 : i32
      %dma_wait3A_48 = tpu.memref_slice %arg14[%arg1, %dma_wait3A] : memref<16x768xi32, #tpu.memory_space<vmem_shared>> -> memref<1x768xi32, #tpu.memory_space<vmem_shared>>
      %dma_wait3A_49 = tpu.memref_squeeze %dma_wait3A_48 : memref<1x768xi32, #tpu.memory_space<vmem_shared>> -> memref<768xi32, #tpu.memory_space<vmem_shared>>
      %dma_wait3A_50 = arith.constant 0 : i32
      %dma_wait3A_51 = tpu.memref_slice %arg14[%arg1, %dma_wait3A_50] : memref<16x768xi32, #tpu.memory_space<vmem_shared>> -> memref<1x768xi32, #tpu.memory_space<vmem_shared>>
      %dma_wait3A_52 = tpu.memref_squeeze %dma_wait3A_51 : memref<1x768xi32, #tpu.memory_space<vmem_shared>> -> memref<768xi32, #tpu.memory_space<vmem_shared>>
      tpu.wait_dma2 semaphore(%run_scoped3A : memref<!tpu.dma_semaphore, #tpu.memory_space<semaphore_mem>>) src(%arg10 : memref<768xi32, #tpu.memory_space<vmem>>) dst(%dma_wait3A_52 : memref<768xi32, #tpu.memory_space<vmem_shared>>)
      tpu.yield
    }) : () -> ()
    "tpu.region"() ({
      %run_scoped3A = tpu.sem_alloc : memref<!tpu.dma_semaphore, #tpu.memory_space<semaphore_mem>>
      %dma_start3A = arith.constant 0 : i32
      %dma_start3A_43 = tpu.memref_slice %arg15[%arg1, %dma_start3A] : memref<16x768xi32, #tpu.memory_space<vmem_shared>> -> memref<1x768xi32, #tpu.memory_space<vmem_shared>>
      %dma_start3A_44 = tpu.memref_squeeze %dma_start3A_43 : memref<1x768xi32, #tpu.memory_space<vmem_shared>> -> memref<768xi32, #tpu.memory_space<vmem_shared>>
      %dma_start3A_45 = arith.constant 0 : i32
      %dma_start3A_46 = tpu.memref_slice %arg15[%arg1, %dma_start3A_45] : memref<16x768xi32, #tpu.memory_space<vmem_shared>> -> memref<1x768xi32, #tpu.memory_space<vmem_shared>>
      %dma_start3A_47 = tpu.memref_squeeze %dma_start3A_46 : memref<1x768xi32, #tpu.memory_space<vmem_shared>> -> memref<768xi32, #tpu.memory_space<vmem_shared>>
      tpu.enqueue_dma source(%arg11 : memref<768xi32, #tpu.memory_space<vmem>>) target(%dma_start3A_47 : memref<768xi32, #tpu.memory_space<vmem_shared>>) target_semaphore(%run_scoped3A : memref<!tpu.dma_semaphore, #tpu.memory_space<semaphore_mem>>)
      %dma_wait3A = arith.constant 0 : i32
      %dma_wait3A_48 = tpu.memref_slice %arg15[%arg1, %dma_wait3A] : memref<16x768xi32, #tpu.memory_space<vmem_shared>> -> memref<1x768xi32, #tpu.memory_space<vmem_shared>>
      %dma_wait3A_49 = tpu.memref_squeeze %dma_wait3A_48 : memref<1x768xi32, #tpu.memory_space<vmem_shared>> -> memref<768xi32, #tpu.memory_space<vmem_shared>>
      %dma_wait3A_50 = arith.constant 0 : i32
      %dma_wait3A_51 = tpu.memref_slice %arg15[%arg1, %dma_wait3A_50] : memref<16x768xi32, #tpu.memory_space<vmem_shared>> -> memref<1x768xi32, #tpu.memory_space<vmem_shared>>
      %dma_wait3A_52 = tpu.memref_squeeze %dma_wait3A_51 : memref<1x768xi32, #tpu.memory_space<vmem_shared>> -> memref<768xi32, #tpu.memory_space<vmem_shared>>
      tpu.wait_dma2 semaphore(%run_scoped3A : memref<!tpu.dma_semaphore, #tpu.memory_space<semaphore_mem>>) src(%arg11 : memref<768xi32, #tpu.memory_space<vmem>>) dst(%dma_wait3A_52 : memref<768xi32, #tpu.memory_space<vmem_shared>>)
      tpu.yield
    }) : () -> ()
    "tpu.region"() ({
      %run_scoped3A = tpu.sem_alloc : memref<!tpu.dma_semaphore, #tpu.memory_space<semaphore_mem>>
      %dma_start3A = arith.constant 0 : i32
      %dma_start3A_43 = tpu.memref_slice %arg16[%arg1, %dma_start3A] : memref<16x128xi32, #tpu.memory_space<vmem_shared>> -> memref<1x128xi32, #tpu.memory_space<vmem_shared>>
      %dma_start3A_44 = tpu.memref_squeeze %dma_start3A_43 : memref<1x128xi32, #tpu.memory_space<vmem_shared>> -> memref<128xi32, #tpu.memory_space<vmem_shared>>
      %dma_start3A_45 = arith.constant 0 : i32
      %dma_start3A_46 = tpu.memref_slice %arg16[%arg1, %dma_start3A_45] : memref<16x128xi32, #tpu.memory_space<vmem_shared>> -> memref<1x128xi32, #tpu.memory_space<vmem_shared>>
      %dma_start3A_47 = tpu.memref_squeeze %dma_start3A_46 : memref<1x128xi32, #tpu.memory_space<vmem_shared>> -> memref<128xi32, #tpu.memory_space<vmem_shared>>
      tpu.enqueue_dma source(%arg12 : memref<128xi32, #tpu.memory_space<vmem>>) target(%dma_start3A_47 : memref<128xi32, #tpu.memory_space<vmem_shared>>) target_semaphore(%run_scoped3A : memref<!tpu.dma_semaphore, #tpu.memory_space<semaphore_mem>>)
      %dma_wait3A = arith.constant 0 : i32
      %dma_wait3A_48 = tpu.memref_slice %arg16[%arg1, %dma_wait3A] : memref<16x128xi32, #tpu.memory_space<vmem_shared>> -> memref<1x128xi32, #tpu.memory_space<vmem_shared>>
      %dma_wait3A_49 = tpu.memref_squeeze %dma_wait3A_48 : memref<1x128xi32, #tpu.memory_space<vmem_shared>> -> memref<128xi32, #tpu.memory_space<vmem_shared>>
      %dma_wait3A_50 = arith.constant 0 : i32
      %dma_wait3A_51 = tpu.memref_slice %arg16[%arg1, %dma_wait3A_50] : memref<16x128xi32, #tpu.memory_space<vmem_shared>> -> memref<1x128xi32, #tpu.memory_space<vmem_shared>>
      %dma_wait3A_52 = tpu.memref_squeeze %dma_wait3A_51 : memref<1x128xi32, #tpu.memory_space<vmem_shared>> -> memref<128xi32, #tpu.memory_space<vmem_shared>>
      tpu.wait_dma2 semaphore(%run_scoped3A : memref<!tpu.dma_semaphore, #tpu.memory_space<semaphore_mem>>) src(%arg12 : memref<128xi32, #tpu.memory_space<vmem>>) dst(%dma_wait3A_52 : memref<128xi32, #tpu.memory_space<vmem_shared>>)
      tpu.yield
    }) : () -> ()
    %barrier3A = arith.constant 0 : index
    tpu.barrier barrier_id(%barrier3A)
    %eq3A_38 = arith.constant 0 : i32
    %eq3A_39 = arith.cmpi eq, %rem3A_1, %eq3A_38 : i32
    %convert_element_type3A_40 = arith.extui %eq3A_39 : i1 to i32
    %cond3A_41 = arith.constant 0 : i32
    %cond3A_42 = arith.cmpi ne, %convert_element_type3A_40, %cond3A_41 : i32
    scf.if %cond3A_42 {
      %add3A_43 = arith.constant 0 : i32
      %add3A_44 = arith.addi %arg1, %add3A_43 : i32
      %run_scoped3A = arith.constant 0 : i32
      "tpu.region"() ({
        %run_scoped3A_250 = tpu.sem_alloc : memref<!tpu.dma_semaphore, #tpu.memory_space<semaphore_mem>>
        %dma_start3A = arith.constant 0 : i32
        %dma_start3A_251 = tpu.memref_slice %arg17[%run_scoped3A, %dma_start3A] : memref<4x768xf32, #tpu.memory_space<vmem>> -> memref<1x768xf32, #tpu.memory_space<vmem>>
        %dma_start3A_252 = tpu.memref_squeeze %dma_start3A_251 : memref<1x768xf32, #tpu.memory_space<vmem>> -> memref<768xf32, #tpu.memory_space<vmem>>
        %dma_start3A_253 = arith.constant 0 : i32
        %dma_start3A_254 = tpu.memref_slice %arg13[%add3A_44, %dma_start3A_253] : memref<16x768xf32, #tpu.memory_space<vmem_shared>> -> memref<1x768xf32, #tpu.memory_space<vmem_shared>>
        %dma_start3A_255 = tpu.memref_squeeze %dma_start3A_254 : memref<1x768xf32, #tpu.memory_space<vmem_shared>> -> memref<768xf32, #tpu.memory_space<vmem_shared>>
        %dma_start3A_256 = arith.constant 0 : i32
        %dma_start3A_257 = tpu.memref_slice %arg17[%run_scoped3A, %dma_start3A_256] : memref<4x768xf32, #tpu.memory_space<vmem>> -> memref<1x768xf32, #tpu.memory_space<vmem>>
        %dma_start3A_258 = tpu.memref_squeeze %dma_start3A_257 : memref<1x768xf32, #tpu.memory_space<vmem>> -> memref<768xf32, #tpu.memory_space<vmem>>
        %dma_start3A_259 = arith.constant 0 : i32
        %dma_start3A_260 = tpu.memref_slice %arg13[%add3A_44, %dma_start3A_259] : memref<16x768xf32, #tpu.memory_space<vmem_shared>> -> memref<1x768xf32, #tpu.memory_space<vmem_shared>>
        %dma_start3A_261 = tpu.memref_squeeze %dma_start3A_260 : memref<1x768xf32, #tpu.memory_space<vmem_shared>> -> memref<768xf32, #tpu.memory_space<vmem_shared>>
        tpu.enqueue_dma source(%dma_start3A_261 : memref<768xf32, #tpu.memory_space<vmem_shared>>) target(%dma_start3A_258 : memref<768xf32, #tpu.memory_space<vmem>>) target_semaphore(%run_scoped3A_250 : memref<!tpu.dma_semaphore, #tpu.memory_space<semaphore_mem>>)
        %dma_wait3A = arith.constant 0 : i32
        %dma_wait3A_262 = tpu.memref_slice %arg17[%run_scoped3A, %dma_wait3A] : memref<4x768xf32, #tpu.memory_space<vmem>> -> memref<1x768xf32, #tpu.memory_space<vmem>>
        %dma_wait3A_263 = tpu.memref_squeeze %dma_wait3A_262 : memref<1x768xf32, #tpu.memory_space<vmem>> -> memref<768xf32, #tpu.memory_space<vmem>>
        %dma_wait3A_264 = arith.constant 0 : i32
        %dma_wait3A_265 = tpu.memref_slice %arg13[%add3A_44, %dma_wait3A_264] : memref<16x768xf32, #tpu.memory_space<vmem_shared>> -> memref<1x768xf32, #tpu.memory_space<vmem_shared>>
        %dma_wait3A_266 = tpu.memref_squeeze %dma_wait3A_265 : memref<1x768xf32, #tpu.memory_space<vmem_shared>> -> memref<768xf32, #tpu.memory_space<vmem_shared>>
        %dma_wait3A_267 = arith.constant 0 : i32
        %dma_wait3A_268 = tpu.memref_slice %arg17[%run_scoped3A, %dma_wait3A_267] : memref<4x768xf32, #tpu.memory_space<vmem>> -> memref<1x768xf32, #tpu.memory_space<vmem>>
        %dma_wait3A_269 = tpu.memref_squeeze %dma_wait3A_268 : memref<1x768xf32, #tpu.memory_space<vmem>> -> memref<768xf32, #tpu.memory_space<vmem>>
        %dma_wait3A_270 = arith.constant 0 : i32
        %dma_wait3A_271 = tpu.memref_slice %arg13[%add3A_44, %dma_wait3A_270] : memref<16x768xf32, #tpu.memory_space<vmem_shared>> -> memref<1x768xf32, #tpu.memory_space<vmem_shared>>
        %dma_wait3A_272 = tpu.memref_squeeze %dma_wait3A_271 : memref<1x768xf32, #tpu.memory_space<vmem_shared>> -> memref<768xf32, #tpu.memory_space<vmem_shared>>
        tpu.wait_dma2 semaphore(%run_scoped3A_250 : memref<!tpu.dma_semaphore, #tpu.memory_space<semaphore_mem>>) src(%dma_wait3A_272 : memref<768xf32, #tpu.memory_space<vmem_shared>>) dst(%dma_wait3A_269 : memref<768xf32, #tpu.memory_space<vmem>>)
        tpu.yield
      }) : () -> ()
      %add3A_45 = arith.constant 0 : i32
      %add3A_46 = arith.addi %arg1, %add3A_45 : i32
      %run_scoped3A_47 = arith.constant 0 : i32
      "tpu.region"() ({
        %run_scoped3A_250 = tpu.sem_alloc : memref<!tpu.dma_semaphore, #tpu.memory_space<semaphore_mem>>
        %dma_start3A = arith.constant 0 : i32
        %dma_start3A_251 = tpu.memref_slice %arg18[%run_scoped3A_47, %dma_start3A] : memref<4x768xi32, #tpu.memory_space<vmem>> -> memref<1x768xi32, #tpu.memory_space<vmem>>
        %dma_start3A_252 = tpu.memref_squeeze %dma_start3A_251 : memref<1x768xi32, #tpu.memory_space<vmem>> -> memref<768xi32, #tpu.memory_space<vmem>>
        %dma_start3A_253 = arith.constant 0 : i32
        %dma_start3A_254 = tpu.memref_slice %arg14[%add3A_46, %dma_start3A_253] : memref<16x768xi32, #tpu.memory_space<vmem_shared>> -> memref<1x768xi32, #tpu.memory_space<vmem_shared>>
        %dma_start3A_255 = tpu.memref_squeeze %dma_start3A_254 : memref<1x768xi32, #tpu.memory_space<vmem_shared>> -> memref<768xi32, #tpu.memory_space<vmem_shared>>
        %dma_start3A_256 = arith.constant 0 : i32
        %dma_start3A_257 = tpu.memref_slice %arg18[%run_scoped3A_47, %dma_start3A_256] : memref<4x768xi32, #tpu.memory_space<vmem>> -> memref<1x768xi32, #tpu.memory_space<vmem>>
        %dma_start3A_258 = tpu.memref_squeeze %dma_start3A_257 : memref<1x768xi32, #tpu.memory_space<vmem>> -> memref<768xi32, #tpu.memory_space<vmem>>
        %dma_start3A_259 = arith.constant 0 : i32
        %dma_start3A_260 = tpu.memref_slice %arg14[%add3A_46, %dma_start3A_259] : memref<16x768xi32, #tpu.memory_space<vmem_shared>> -> memref<1x768xi32, #tpu.memory_space<vmem_shared>>
        %dma_start3A_261 = tpu.memref_squeeze %dma_start3A_260 : memref<1x768xi32, #tpu.memory_space<vmem_shared>> -> memref<768xi32, #tpu.memory_space<vmem_shared>>
        tpu.enqueue_dma source(%dma_start3A_261 : memref<768xi32, #tpu.memory_space<vmem_shared>>) target(%dma_start3A_258 : memref<768xi32, #tpu.memory_space<vmem>>) target_semaphore(%run_scoped3A_250 : memref<!tpu.dma_semaphore, #tpu.memory_space<semaphore_mem>>)
        %dma_wait3A = arith.constant 0 : i32
        %dma_wait3A_262 = tpu.memref_slice %arg18[%run_scoped3A_47, %dma_wait3A] : memref<4x768xi32, #tpu.memory_space<vmem>> -> memref<1x768xi32, #tpu.memory_space<vmem>>
        %dma_wait3A_263 = tpu.memref_squeeze %dma_wait3A_262 : memref<1x768xi32, #tpu.memory_space<vmem>> -> memref<768xi32, #tpu.memory_space<vmem>>
        %dma_wait3A_264 = arith.constant 0 : i32
        %dma_wait3A_265 = tpu.memref_slice %arg14[%add3A_46, %dma_wait3A_264] : memref<16x768xi32, #tpu.memory_space<vmem_shared>> -> memref<1x768xi32, #tpu.memory_space<vmem_shared>>
        %dma_wait3A_266 = tpu.memref_squeeze %dma_wait3A_265 : memref<1x768xi32, #tpu.memory_space<vmem_shared>> -> memref<768xi32, #tpu.memory_space<vmem_shared>>
        %dma_wait3A_267 = arith.constant 0 : i32
        %dma_wait3A_268 = tpu.memref_slice %arg18[%run_scoped3A_47, %dma_wait3A_267] : memref<4x768xi32, #tpu.memory_space<vmem>> -> memref<1x768xi32, #tpu.memory_space<vmem>>
        %dma_wait3A_269 = tpu.memref_squeeze %dma_wait3A_268 : memref<1x768xi32, #tpu.memory_space<vmem>> -> memref<768xi32, #tpu.memory_space<vmem>>
        %dma_wait3A_270 = arith.constant 0 : i32
        %dma_wait3A_271 = tpu.memref_slice %arg14[%add3A_46, %dma_wait3A_270] : memref<16x768xi32, #tpu.memory_space<vmem_shared>> -> memref<1x768xi32, #tpu.memory_space<vmem_shared>>
        %dma_wait3A_272 = tpu.memref_squeeze %dma_wait3A_271 : memref<1x768xi32, #tpu.memory_space<vmem_shared>> -> memref<768xi32, #tpu.memory_space<vmem_shared>>
        tpu.wait_dma2 semaphore(%run_scoped3A_250 : memref<!tpu.dma_semaphore, #tpu.memory_space<semaphore_mem>>) src(%dma_wait3A_272 : memref<768xi32, #tpu.memory_space<vmem_shared>>) dst(%dma_wait3A_269 : memref<768xi32, #tpu.memory_space<vmem>>)
        tpu.yield
      }) : () -> ()
      %add3A_48 = arith.constant 0 : i32
      %add3A_49 = arith.addi %arg1, %add3A_48 : i32
      %run_scoped3A_50 = arith.constant 0 : i32
      "tpu.region"() ({
        %run_scoped3A_250 = tpu.sem_alloc : memref<!tpu.dma_semaphore, #tpu.memory_space<semaphore_mem>>
        %dma_start3A = arith.constant 0 : i32
        %dma_start3A_251 = tpu.memref_slice %arg19[%run_scoped3A_50, %dma_start3A] : memref<4x768xi32, #tpu.memory_space<vmem>> -> memref<1x768xi32, #tpu.memory_space<vmem>>
        %dma_start3A_252 = tpu.memref_squeeze %dma_start3A_251 : memref<1x768xi32, #tpu.memory_space<vmem>> -> memref<768xi32, #tpu.memory_space<vmem>>
        %dma_start3A_253 = arith.constant 0 : i32
        %dma_start3A_254 = tpu.memref_slice %arg15[%add3A_49, %dma_start3A_253] : memref<16x768xi32, #tpu.memory_space<vmem_shared>> -> memref<1x768xi32, #tpu.memory_space<vmem_shared>>
        %dma_start3A_255 = tpu.memref_squeeze %dma_start3A_254 : memref<1x768xi32, #tpu.memory_space<vmem_shared>> -> memref<768xi32, #tpu.memory_space<vmem_shared>>
        %dma_start3A_256 = arith.constant 0 : i32
        %dma_start3A_257 = tpu.memref_slice %arg19[%run_scoped3A_50, %dma_start3A_256] : memref<4x768xi32, #tpu.memory_space<vmem>> -> memref<1x768xi32, #tpu.memory_space<vmem>>
        %dma_start3A_258 = tpu.memref_squeeze %dma_start3A_257 : memref<1x768xi32, #tpu.memory_space<vmem>> -> memref<768xi32, #tpu.memory_space<vmem>>
        %dma_start3A_259 = arith.constant 0 : i32
        %dma_start3A_260 = tpu.memref_slice %arg15[%add3A_49, %dma_start3A_259] : memref<16x768xi32, #tpu.memory_space<vmem_shared>> -> memref<1x768xi32, #tpu.memory_space<vmem_shared>>
        %dma_start3A_261 = tpu.memref_squeeze %dma_start3A_260 : memref<1x768xi32, #tpu.memory_space<vmem_shared>> -> memref<768xi32, #tpu.memory_space<vmem_shared>>
        tpu.enqueue_dma source(%dma_start3A_261 : memref<768xi32, #tpu.memory_space<vmem_shared>>) target(%dma_start3A_258 : memref<768xi32, #tpu.memory_space<vmem>>) target_semaphore(%run_scoped3A_250 : memref<!tpu.dma_semaphore, #tpu.memory_space<semaphore_mem>>)
        %dma_wait3A = arith.constant 0 : i32
        %dma_wait3A_262 = tpu.memref_slice %arg19[%run_scoped3A_50, %dma_wait3A] : memref<4x768xi32, #tpu.memory_space<vmem>> -> memref<1x768xi32, #tpu.memory_space<vmem>>
        %dma_wait3A_263 = tpu.memref_squeeze %dma_wait3A_262 : memref<1x768xi32, #tpu.memory_space<vmem>> -> memref<768xi32, #tpu.memory_space<vmem>>
        %dma_wait3A_264 = arith.constant 0 : i32
        %dma_wait3A_265 = tpu.memref_slice %arg15[%add3A_49, %dma_wait3A_264] : memref<16x768xi32, #tpu.memory_space<vmem_shared>> -> memref<1x768xi32, #tpu.memory_space<vmem_shared>>
        %dma_wait3A_266 = tpu.memref_squeeze %dma_wait3A_265 : memref<1x768xi32, #tpu.memory_space<vmem_shared>> -> memref<768xi32, #tpu.memory_space<vmem_shared>>
        %dma_wait3A_267 = arith.constant 0 : i32
        %dma_wait3A_268 = tpu.memref_slice %arg19[%run_scoped3A_50, %dma_wait3A_267] : memref<4x768xi32, #tpu.memory_space<vmem>> -> memref<1x768xi32, #tpu.memory_space<vmem>>
        %dma_wait3A_269 = tpu.memref_squeeze %dma_wait3A_268 : memref<1x768xi32, #tpu.memory_space<vmem>> -> memref<768xi32, #tpu.memory_space<vmem>>
        %dma_wait3A_270 = arith.constant 0 : i32
        %dma_wait3A_271 = tpu.memref_slice %arg15[%add3A_49, %dma_wait3A_270] : memref<16x768xi32, #tpu.memory_space<vmem_shared>> -> memref<1x768xi32, #tpu.memory_space<vmem_shared>>
        %dma_wait3A_272 = tpu.memref_squeeze %dma_wait3A_271 : memref<1x768xi32, #tpu.memory_space<vmem_shared>> -> memref<768xi32, #tpu.memory_space<vmem_shared>>
        tpu.wait_dma2 semaphore(%run_scoped3A_250 : memref<!tpu.dma_semaphore, #tpu.memory_space<semaphore_mem>>) src(%dma_wait3A_272 : memref<768xi32, #tpu.memory_space<vmem_shared>>) dst(%dma_wait3A_269 : memref<768xi32, #tpu.memory_space<vmem>>)
        tpu.yield
      }) : () -> ()
      %add3A_51 = arith.constant 0 : i32
      %add3A_52 = arith.addi %arg1, %add3A_51 : i32
      %run_scoped3A_53 = arith.constant 0 : i32
      "tpu.region"() ({
        %run_scoped3A_250 = tpu.sem_alloc : memref<!tpu.dma_semaphore, #tpu.memory_space<semaphore_mem>>
        %dma_start3A = arith.constant 0 : i32
        %dma_start3A_251 = tpu.memref_slice %arg20[%run_scoped3A_53, %dma_start3A] : memref<4x128xi32, #tpu.memory_space<vmem>> -> memref<1x128xi32, #tpu.memory_space<vmem>>
        %dma_start3A_252 = tpu.memref_squeeze %dma_start3A_251 : memref<1x128xi32, #tpu.memory_space<vmem>> -> memref<128xi32, #tpu.memory_space<vmem>>
        %dma_start3A_253 = arith.constant 0 : i32
        %dma_start3A_254 = tpu.memref_slice %arg16[%add3A_52, %dma_start3A_253] : memref<16x128xi32, #tpu.memory_space<vmem_shared>> -> memref<1x128xi32, #tpu.memory_space<vmem_shared>>
        %dma_start3A_255 = tpu.memref_squeeze %dma_start3A_254 : memref<1x128xi32, #tpu.memory_space<vmem_shared>> -> memref<128xi32, #tpu.memory_space<vmem_shared>>
        %dma_start3A_256 = arith.constant 0 : i32
        %dma_start3A_257 = tpu.memref_slice %arg20[%run_scoped3A_53, %dma_start3A_256] : memref<4x128xi32, #tpu.memory_space<vmem>> -> memref<1x128xi32, #tpu.memory_space<vmem>>
        %dma_start3A_258 = tpu.memref_squeeze %dma_start3A_257 : memref<1x128xi32, #tpu.memory_space<vmem>> -> memref<128xi32, #tpu.memory_space<vmem>>
        %dma_start3A_259 = arith.constant 0 : i32
        %dma_start3A_260 = tpu.memref_slice %arg16[%add3A_52, %dma_start3A_259] : memref<16x128xi32, #tpu.memory_space<vmem_shared>> -> memref<1x128xi32, #tpu.memory_space<vmem_shared>>
        %dma_start3A_261 = tpu.memref_squeeze %dma_start3A_260 : memref<1x128xi32, #tpu.memory_space<vmem_shared>> -> memref<128xi32, #tpu.memory_space<vmem_shared>>
        tpu.enqueue_dma source(%dma_start3A_261 : memref<128xi32, #tpu.memory_space<vmem_shared>>) target(%dma_start3A_258 : memref<128xi32, #tpu.memory_space<vmem>>) target_semaphore(%run_scoped3A_250 : memref<!tpu.dma_semaphore, #tpu.memory_space<semaphore_mem>>)
        %dma_wait3A = arith.constant 0 : i32
        %dma_wait3A_262 = tpu.memref_slice %arg20[%run_scoped3A_53, %dma_wait3A] : memref<4x128xi32, #tpu.memory_space<vmem>> -> memref<1x128xi32, #tpu.memory_space<vmem>>
        %dma_wait3A_263 = tpu.memref_squeeze %dma_wait3A_262 : memref<1x128xi32, #tpu.memory_space<vmem>> -> memref<128xi32, #tpu.memory_space<vmem>>
        %dma_wait3A_264 = arith.constant 0 : i32
        %dma_wait3A_265 = tpu.memref_slice %arg16[%add3A_52, %dma_wait3A_264] : memref<16x128xi32, #tpu.memory_space<vmem_shared>> -> memref<1x128xi32, #tpu.memory_space<vmem_shared>>
        %dma_wait3A_266 = tpu.memref_squeeze %dma_wait3A_265 : memref<1x128xi32, #tpu.memory_space<vmem_shared>> -> memref<128xi32, #tpu.memory_space<vmem_shared>>
        %dma_wait3A_267 = arith.constant 0 : i32
        %dma_wait3A_268 = tpu.memref_slice %arg20[%run_scoped3A_53, %dma_wait3A_267] : memref<4x128xi32, #tpu.memory_space<vmem>> -> memref<1x128xi32, #tpu.memory_space<vmem>>
        %dma_wait3A_269 = tpu.memref_squeeze %dma_wait3A_268 : memref<1x128xi32, #tpu.memory_space<vmem>> -> memref<128xi32, #tpu.memory_space<vmem>>
        %dma_wait3A_270 = arith.constant 0 : i32
        %dma_wait3A_271 = tpu.memref_slice %arg16[%add3A_52, %dma_wait3A_270] : memref<16x128xi32, #tpu.memory_space<vmem_shared>> -> memref<1x128xi32, #tpu.memory_space<vmem_shared>>
        %dma_wait3A_272 = tpu.memref_squeeze %dma_wait3A_271 : memref<1x128xi32, #tpu.memory_space<vmem_shared>> -> memref<128xi32, #tpu.memory_space<vmem_shared>>
        tpu.wait_dma2 semaphore(%run_scoped3A_250 : memref<!tpu.dma_semaphore, #tpu.memory_space<semaphore_mem>>) src(%dma_wait3A_272 : memref<128xi32, #tpu.memory_space<vmem_shared>>) dst(%dma_wait3A_269 : memref<128xi32, #tpu.memory_space<vmem>>)
        tpu.yield
      }) : () -> ()
      %add3A_54 = arith.constant 1 : i32
      %add3A_55 = arith.addi %arg1, %add3A_54 : i32
      %run_scoped3A_56 = arith.constant 1 : i32
      "tpu.region"() ({
        %run_scoped3A_250 = tpu.sem_alloc : memref<!tpu.dma_semaphore, #tpu.memory_space<semaphore_mem>>
        %dma_start3A = arith.constant 0 : i32
        %dma_start3A_251 = tpu.memref_slice %arg17[%run_scoped3A_56, %dma_start3A] : memref<4x768xf32, #tpu.memory_space<vmem>> -> memref<1x768xf32, #tpu.memory_space<vmem>>
        %dma_start3A_252 = tpu.memref_squeeze %dma_start3A_251 : memref<1x768xf32, #tpu.memory_space<vmem>> -> memref<768xf32, #tpu.memory_space<vmem>>
        %dma_start3A_253 = arith.constant 0 : i32
        %dma_start3A_254 = tpu.memref_slice %arg13[%add3A_55, %dma_start3A_253] : memref<16x768xf32, #tpu.memory_space<vmem_shared>> -> memref<1x768xf32, #tpu.memory_space<vmem_shared>>
        %dma_start3A_255 = tpu.memref_squeeze %dma_start3A_254 : memref<1x768xf32, #tpu.memory_space<vmem_shared>> -> memref<768xf32, #tpu.memory_space<vmem_shared>>
        %dma_start3A_256 = arith.constant 0 : i32
        %dma_start3A_257 = tpu.memref_slice %arg17[%run_scoped3A_56, %dma_start3A_256] : memref<4x768xf32, #tpu.memory_space<vmem>> -> memref<1x768xf32, #tpu.memory_space<vmem>>
        %dma_start3A_258 = tpu.memref_squeeze %dma_start3A_257 : memref<1x768xf32, #tpu.memory_space<vmem>> -> memref<768xf32, #tpu.memory_space<vmem>>
        %dma_start3A_259 = arith.constant 0 : i32
        %dma_start3A_260 = tpu.memref_slice %arg13[%add3A_55, %dma_start3A_259] : memref<16x768xf32, #tpu.memory_space<vmem_shared>> -> memref<1x768xf32, #tpu.memory_space<vmem_shared>>
        %dma_start3A_261 = tpu.memref_squeeze %dma_start3A_260 : memref<1x768xf32, #tpu.memory_space<vmem_shared>> -> memref<768xf32, #tpu.memory_space<vmem_shared>>
        tpu.enqueue_dma source(%dma_start3A_261 : memref<768xf32, #tpu.memory_space<vmem_shared>>) target(%dma_start3A_258 : memref<768xf32, #tpu.memory_space<vmem>>) target_semaphore(%run_scoped3A_250 : memref<!tpu.dma_semaphore, #tpu.memory_space<semaphore_mem>>)
        %dma_wait3A = arith.constant 0 : i32
        %dma_wait3A_262 = tpu.memref_slice %arg17[%run_scoped3A_56, %dma_wait3A] : memref<4x768xf32, #tpu.memory_space<vmem>> -> memref<1x768xf32, #tpu.memory_space<vmem>>
        %dma_wait3A_263 = tpu.memref_squeeze %dma_wait3A_262 : memref<1x768xf32, #tpu.memory_space<vmem>> -> memref<768xf32, #tpu.memory_space<vmem>>
        %dma_wait3A_264 = arith.constant 0 : i32
        %dma_wait3A_265 = tpu.memref_slice %arg13[%add3A_55, %dma_wait3A_264] : memref<16x768xf32, #tpu.memory_space<vmem_shared>> -> memref<1x768xf32, #tpu.memory_space<vmem_shared>>
        %dma_wait3A_266 = tpu.memref_squeeze %dma_wait3A_265 : memref<1x768xf32, #tpu.memory_space<vmem_shared>> -> memref<768xf32, #tpu.memory_space<vmem_shared>>
        %dma_wait3A_267 = arith.constant 0 : i32
        %dma_wait3A_268 = tpu.memref_slice %arg17[%run_scoped3A_56, %dma_wait3A_267] : memref<4x768xf32, #tpu.memory_space<vmem>> -> memref<1x768xf32, #tpu.memory_space<vmem>>
        %dma_wait3A_269 = tpu.memref_squeeze %dma_wait3A_268 : memref<1x768xf32, #tpu.memory_space<vmem>> -> memref<768xf32, #tpu.memory_space<vmem>>
        %dma_wait3A_270 = arith.constant 0 : i32
        %dma_wait3A_271 = tpu.memref_slice %arg13[%add3A_55, %dma_wait3A_270] : memref<16x768xf32, #tpu.memory_space<vmem_shared>> -> memref<1x768xf32, #tpu.memory_space<vmem_shared>>
        %dma_wait3A_272 = tpu.memref_squeeze %dma_wait3A_271 : memref<1x768xf32, #tpu.memory_space<vmem_shared>> -> memref<768xf32, #tpu.memory_space<vmem_shared>>
        tpu.wait_dma2 semaphore(%run_scoped3A_250 : memref<!tpu.dma_semaphore, #tpu.memory_space<semaphore_mem>>) src(%dma_wait3A_272 : memref<768xf32, #tpu.memory_space<vmem_shared>>) dst(%dma_wait3A_269 : memref<768xf32, #tpu.memory_space<vmem>>)
        tpu.yield
      }) : () -> ()
      %add3A_57 = arith.constant 1 : i32
      %add3A_58 = arith.addi %arg1, %add3A_57 : i32
      %run_scoped3A_59 = arith.constant 1 : i32
      "tpu.region"() ({
        %run_scoped3A_250 = tpu.sem_alloc : memref<!tpu.dma_semaphore, #tpu.memory_space<semaphore_mem>>
        %dma_start3A = arith.constant 0 : i32
        %dma_start3A_251 = tpu.memref_slice %arg18[%run_scoped3A_59, %dma_start3A] : memref<4x768xi32, #tpu.memory_space<vmem>> -> memref<1x768xi32, #tpu.memory_space<vmem>>
        %dma_start3A_252 = tpu.memref_squeeze %dma_start3A_251 : memref<1x768xi32, #tpu.memory_space<vmem>> -> memref<768xi32, #tpu.memory_space<vmem>>
        %dma_start3A_253 = arith.constant 0 : i32
        %dma_start3A_254 = tpu.memref_slice %arg14[%add3A_58, %dma_start3A_253] : memref<16x768xi32, #tpu.memory_space<vmem_shared>> -> memref<1x768xi32, #tpu.memory_space<vmem_shared>>
        %dma_start3A_255 = tpu.memref_squeeze %dma_start3A_254 : memref<1x768xi32, #tpu.memory_space<vmem_shared>> -> memref<768xi32, #tpu.memory_space<vmem_shared>>
        %dma_start3A_256 = arith.constant 0 : i32
        %dma_start3A_257 = tpu.memref_slice %arg18[%run_scoped3A_59, %dma_start3A_256] : memref<4x768xi32, #tpu.memory_space<vmem>> -> memref<1x768xi32, #tpu.memory_space<vmem>>
        %dma_start3A_258 = tpu.memref_squeeze %dma_start3A_257 : memref<1x768xi32, #tpu.memory_space<vmem>> -> memref<768xi32, #tpu.memory_space<vmem>>
        %dma_start3A_259 = arith.constant 0 : i32
        %dma_start3A_260 = tpu.memref_slice %arg14[%add3A_58, %dma_start3A_259] : memref<16x768xi32, #tpu.memory_space<vmem_shared>> -> memref<1x768xi32, #tpu.memory_space<vmem_shared>>
        %dma_start3A_261 = tpu.memref_squeeze %dma_start3A_260 : memref<1x768xi32, #tpu.memory_space<vmem_shared>> -> memref<768xi32, #tpu.memory_space<vmem_shared>>
        tpu.enqueue_dma source(%dma_start3A_261 : memref<768xi32, #tpu.memory_space<vmem_shared>>) target(%dma_start3A_258 : memref<768xi32, #tpu.memory_space<vmem>>) target_semaphore(%run_scoped3A_250 : memref<!tpu.dma_semaphore, #tpu.memory_space<semaphore_mem>>)
        %dma_wait3A = arith.constant 0 : i32
        %dma_wait3A_262 = tpu.memref_slice %arg18[%run_scoped3A_59, %dma_wait3A] : memref<4x768xi32, #tpu.memory_space<vmem>> -> memref<1x768xi32, #tpu.memory_space<vmem>>
        %dma_wait3A_263 = tpu.memref_squeeze %dma_wait3A_262 : memref<1x768xi32, #tpu.memory_space<vmem>> -> memref<768xi32, #tpu.memory_space<vmem>>
        %dma_wait3A_264 = arith.constant 0 : i32
        %dma_wait3A_265 = tpu.memref_slice %arg14[%add3A_58, %dma_wait3A_264] : memref<16x768xi32, #tpu.memory_space<vmem_shared>> -> memref<1x768xi32, #tpu.memory_space<vmem_shared>>
        %dma_wait3A_266 = tpu.memref_squeeze %dma_wait3A_265 : memref<1x768xi32, #tpu.memory_space<vmem_shared>> -> memref<768xi32, #tpu.memory_space<vmem_shared>>
        %dma_wait3A_267 = arith.constant 0 : i32
        %dma_wait3A_268 = tpu.memref_slice %arg18[%run_scoped3A_59, %dma_wait3A_267] : memref<4x768xi32, #tpu.memory_space<vmem>> -> memref<1x768xi32, #tpu.memory_space<vmem>>
        %dma_wait3A_269 = tpu.memref_squeeze %dma_wait3A_268 : memref<1x768xi32, #tpu.memory_space<vmem>> -> memref<768xi32, #tpu.memory_space<vmem>>
        %dma_wait3A_270 = arith.constant 0 : i32
        %dma_wait3A_271 = tpu.memref_slice %arg14[%add3A_58, %dma_wait3A_270] : memref<16x768xi32, #tpu.memory_space<vmem_shared>> -> memref<1x768xi32, #tpu.memory_space<vmem_shared>>
        %dma_wait3A_272 = tpu.memref_squeeze %dma_wait3A_271 : memref<1x768xi32, #tpu.memory_space<vmem_shared>> -> memref<768xi32, #tpu.memory_space<vmem_shared>>
        tpu.wait_dma2 semaphore(%run_scoped3A_250 : memref<!tpu.dma_semaphore, #tpu.memory_space<semaphore_mem>>) src(%dma_wait3A_272 : memref<768xi32, #tpu.memory_space<vmem_shared>>) dst(%dma_wait3A_269 : memref<768xi32, #tpu.memory_space<vmem>>)
        tpu.yield
      }) : () -> ()
      %add3A_60 = arith.constant 1 : i32
      %add3A_61 = arith.addi %arg1, %add3A_60 : i32
      %run_scoped3A_62 = arith.constant 1 : i32
      "tpu.region"() ({
        %run_scoped3A_250 = tpu.sem_alloc : memref<!tpu.dma_semaphore, #tpu.memory_space<semaphore_mem>>
        %dma_start3A = arith.constant 0 : i32
        %dma_start3A_251 = tpu.memref_slice %arg19[%run_scoped3A_62, %dma_start3A] : memref<4x768xi32, #tpu.memory_space<vmem>> -> memref<1x768xi32, #tpu.memory_space<vmem>>
        %dma_start3A_252 = tpu.memref_squeeze %dma_start3A_251 : memref<1x768xi32, #tpu.memory_space<vmem>> -> memref<768xi32, #tpu.memory_space<vmem>>
        %dma_start3A_253 = arith.constant 0 : i32
        %dma_start3A_254 = tpu.memref_slice %arg15[%add3A_61, %dma_start3A_253] : memref<16x768xi32, #tpu.memory_space<vmem_shared>> -> memref<1x768xi32, #tpu.memory_space<vmem_shared>>
        %dma_start3A_255 = tpu.memref_squeeze %dma_start3A_254 : memref<1x768xi32, #tpu.memory_space<vmem_shared>> -> memref<768xi32, #tpu.memory_space<vmem_shared>>
        %dma_start3A_256 = arith.constant 0 : i32
        %dma_start3A_257 = tpu.memref_slice %arg19[%run_scoped3A_62, %dma_start3A_256] : memref<4x768xi32, #tpu.memory_space<vmem>> -> memref<1x768xi32, #tpu.memory_space<vmem>>
        %dma_start3A_258 = tpu.memref_squeeze %dma_start3A_257 : memref<1x768xi32, #tpu.memory_space<vmem>> -> memref<768xi32, #tpu.memory_space<vmem>>
        %dma_start3A_259 = arith.constant 0 : i32
        %dma_start3A_260 = tpu.memref_slice %arg15[%add3A_61, %dma_start3A_259] : memref<16x768xi32, #tpu.memory_space<vmem_shared>> -> memref<1x768xi32, #tpu.memory_space<vmem_shared>>
        %dma_start3A_261 = tpu.memref_squeeze %dma_start3A_260 : memref<1x768xi32, #tpu.memory_space<vmem_shared>> -> memref<768xi32, #tpu.memory_space<vmem_shared>>
        tpu.enqueue_dma source(%dma_start3A_261 : memref<768xi32, #tpu.memory_space<vmem_shared>>) target(%dma_start3A_258 : memref<768xi32, #tpu.memory_space<vmem>>) target_semaphore(%run_scoped3A_250 : memref<!tpu.dma_semaphore, #tpu.memory_space<semaphore_mem>>)
        %dma_wait3A = arith.constant 0 : i32
        %dma_wait3A_262 = tpu.memref_slice %arg19[%run_scoped3A_62, %dma_wait3A] : memref<4x768xi32, #tpu.memory_space<vmem>> -> memref<1x768xi32, #tpu.memory_space<vmem>>
        %dma_wait3A_263 = tpu.memref_squeeze %dma_wait3A_262 : memref<1x768xi32, #tpu.memory_space<vmem>> -> memref<768xi32, #tpu.memory_space<vmem>>
        %dma_wait3A_264 = arith.constant 0 : i32
        %dma_wait3A_265 = tpu.memref_slice %arg15[%add3A_61, %dma_wait3A_264] : memref<16x768xi32, #tpu.memory_space<vmem_shared>> -> memref<1x768xi32, #tpu.memory_space<vmem_shared>>
        %dma_wait3A_266 = tpu.memref_squeeze %dma_wait3A_265 : memref<1x768xi32, #tpu.memory_space<vmem_shared>> -> memref<768xi32, #tpu.memory_space<vmem_shared>>
        %dma_wait3A_267 = arith.constant 0 : i32
        %dma_wait3A_268 = tpu.memref_slice %arg19[%run_scoped3A_62, %dma_wait3A_267] : memref<4x768xi32, #tpu.memory_space<vmem>> -> memref<1x768xi32, #tpu.memory_space<vmem>>
        %dma_wait3A_269 = tpu.memref_squeeze %dma_wait3A_268 : memref<1x768xi32, #tpu.memory_space<vmem>> -> memref<768xi32, #tpu.memory_space<vmem>>
        %dma_wait3A_270 = arith.constant 0 : i32
        %dma_wait3A_271 = tpu.memref_slice %arg15[%add3A_61, %dma_wait3A_270] : memref<16x768xi32, #tpu.memory_space<vmem_shared>> -> memref<1x768xi32, #tpu.memory_space<vmem_shared>>
        %dma_wait3A_272 = tpu.memref_squeeze %dma_wait3A_271 : memref<1x768xi32, #tpu.memory_space<vmem_shared>> -> memref<768xi32, #tpu.memory_space<vmem_shared>>
        tpu.wait_dma2 semaphore(%run_scoped3A_250 : memref<!tpu.dma_semaphore, #tpu.memory_space<semaphore_mem>>) src(%dma_wait3A_272 : memref<768xi32, #tpu.memory_space<vmem_shared>>) dst(%dma_wait3A_269 : memref<768xi32, #tpu.memory_space<vmem>>)
        tpu.yield
      }) : () -> ()
      %add3A_63 = arith.constant 1 : i32
      %add3A_64 = arith.addi %arg1, %add3A_63 : i32
      %run_scoped3A_65 = arith.constant 1 : i32
      "tpu.region"() ({
        %run_scoped3A_250 = tpu.sem_alloc : memref<!tpu.dma_semaphore, #tpu.memory_space<semaphore_mem>>
        %dma_start3A = arith.constant 0 : i32
        %dma_start3A_251 = tpu.memref_slice %arg20[%run_scoped3A_65, %dma_start3A] : memref<4x128xi32, #tpu.memory_space<vmem>> -> memref<1x128xi32, #tpu.memory_space<vmem>>
        %dma_start3A_252 = tpu.memref_squeeze %dma_start3A_251 : memref<1x128xi32, #tpu.memory_space<vmem>> -> memref<128xi32, #tpu.memory_space<vmem>>
        %dma_start3A_253 = arith.constant 0 : i32
        %dma_start3A_254 = tpu.memref_slice %arg16[%add3A_64, %dma_start3A_253] : memref<16x128xi32, #tpu.memory_space<vmem_shared>> -> memref<1x128xi32, #tpu.memory_space<vmem_shared>>
        %dma_start3A_255 = tpu.memref_squeeze %dma_start3A_254 : memref<1x128xi32, #tpu.memory_space<vmem_shared>> -> memref<128xi32, #tpu.memory_space<vmem_shared>>
        %dma_start3A_256 = arith.constant 0 : i32
        %dma_start3A_257 = tpu.memref_slice %arg20[%run_scoped3A_65, %dma_start3A_256] : memref<4x128xi32, #tpu.memory_space<vmem>> -> memref<1x128xi32, #tpu.memory_space<vmem>>
        %dma_start3A_258 = tpu.memref_squeeze %dma_start3A_257 : memref<1x128xi32, #tpu.memory_space<vmem>> -> memref<128xi32, #tpu.memory_space<vmem>>
        %dma_start3A_259 = arith.constant 0 : i32
        %dma_start3A_260 = tpu.memref_slice %arg16[%add3A_64, %dma_start3A_259] : memref<16x128xi32, #tpu.memory_space<vmem_shared>> -> memref<1x128xi32, #tpu.memory_space<vmem_shared>>
        %dma_start3A_261 = tpu.memref_squeeze %dma_start3A_260 : memref<1x128xi32, #tpu.memory_space<vmem_shared>> -> memref<128xi32, #tpu.memory_space<vmem_shared>>
        tpu.enqueue_dma source(%dma_start3A_261 : memref<128xi32, #tpu.memory_space<vmem_shared>>) target(%dma_start3A_258 : memref<128xi32, #tpu.memory_space<vmem>>) target_semaphore(%run_scoped3A_250 : memref<!tpu.dma_semaphore, #tpu.memory_space<semaphore_mem>>)
        %dma_wait3A = arith.constant 0 : i32
        %dma_wait3A_262 = tpu.memref_slice %arg20[%run_scoped3A_65, %dma_wait3A] : memref<4x128xi32, #tpu.memory_space<vmem>> -> memref<1x128xi32, #tpu.memory_space<vmem>>
        %dma_wait3A_263 = tpu.memref_squeeze %dma_wait3A_262 : memref<1x128xi32, #tpu.memory_space<vmem>> -> memref<128xi32, #tpu.memory_space<vmem>>
        %dma_wait3A_264 = arith.constant 0 : i32
        %dma_wait3A_265 = tpu.memref_slice %arg16[%add3A_64, %dma_wait3A_264] : memref<16x128xi32, #tpu.memory_space<vmem_shared>> -> memref<1x128xi32, #tpu.memory_space<vmem_shared>>
        %dma_wait3A_266 = tpu.memref_squeeze %dma_wait3A_265 : memref<1x128xi32, #tpu.memory_space<vmem_shared>> -> memref<128xi32, #tpu.memory_space<vmem_shared>>
        %dma_wait3A_267 = arith.constant 0 : i32
        %dma_wait3A_268 = tpu.memref_slice %arg20[%run_scoped3A_65, %dma_wait3A_267] : memref<4x128xi32, #tpu.memory_space<vmem>> -> memref<1x128xi32, #tpu.memory_space<vmem>>
        %dma_wait3A_269 = tpu.memref_squeeze %dma_wait3A_268 : memref<1x128xi32, #tpu.memory_space<vmem>> -> memref<128xi32, #tpu.memory_space<vmem>>
        %dma_wait3A_270 = arith.constant 0 : i32
        %dma_wait3A_271 = tpu.memref_slice %arg16[%add3A_64, %dma_wait3A_270] : memref<16x128xi32, #tpu.memory_space<vmem_shared>> -> memref<1x128xi32, #tpu.memory_space<vmem_shared>>
        %dma_wait3A_272 = tpu.memref_squeeze %dma_wait3A_271 : memref<1x128xi32, #tpu.memory_space<vmem_shared>> -> memref<128xi32, #tpu.memory_space<vmem_shared>>
        tpu.wait_dma2 semaphore(%run_scoped3A_250 : memref<!tpu.dma_semaphore, #tpu.memory_space<semaphore_mem>>) src(%dma_wait3A_272 : memref<128xi32, #tpu.memory_space<vmem_shared>>) dst(%dma_wait3A_269 : memref<128xi32, #tpu.memory_space<vmem>>)
        tpu.yield
      }) : () -> ()
      %add3A_66 = arith.constant 2 : i32
      %add3A_67 = arith.addi %arg1, %add3A_66 : i32
      %run_scoped3A_68 = arith.constant 2 : i32
      "tpu.region"() ({
        %run_scoped3A_250 = tpu.sem_alloc : memref<!tpu.dma_semaphore, #tpu.memory_space<semaphore_mem>>
        %dma_start3A = arith.constant 0 : i32
        %dma_start3A_251 = tpu.memref_slice %arg17[%run_scoped3A_68, %dma_start3A] : memref<4x768xf32, #tpu.memory_space<vmem>> -> memref<1x768xf32, #tpu.memory_space<vmem>>
        %dma_start3A_252 = tpu.memref_squeeze %dma_start3A_251 : memref<1x768xf32, #tpu.memory_space<vmem>> -> memref<768xf32, #tpu.memory_space<vmem>>
        %dma_start3A_253 = arith.constant 0 : i32
        %dma_start3A_254 = tpu.memref_slice %arg13[%add3A_67, %dma_start3A_253] : memref<16x768xf32, #tpu.memory_space<vmem_shared>> -> memref<1x768xf32, #tpu.memory_space<vmem_shared>>
        %dma_start3A_255 = tpu.memref_squeeze %dma_start3A_254 : memref<1x768xf32, #tpu.memory_space<vmem_shared>> -> memref<768xf32, #tpu.memory_space<vmem_shared>>
        %dma_start3A_256 = arith.constant 0 : i32
        %dma_start3A_257 = tpu.memref_slice %arg17[%run_scoped3A_68, %dma_start3A_256] : memref<4x768xf32, #tpu.memory_space<vmem>> -> memref<1x768xf32, #tpu.memory_space<vmem>>
        %dma_start3A_258 = tpu.memref_squeeze %dma_start3A_257 : memref<1x768xf32, #tpu.memory_space<vmem>> -> memref<768xf32, #tpu.memory_space<vmem>>
        %dma_start3A_259 = arith.constant 0 : i32
        %dma_start3A_260 = tpu.memref_slice %arg13[%add3A_67, %dma_start3A_259] : memref<16x768xf32, #tpu.memory_space<vmem_shared>> -> memref<1x768xf32, #tpu.memory_space<vmem_shared>>
        %dma_start3A_261 = tpu.memref_squeeze %dma_start3A_260 : memref<1x768xf32, #tpu.memory_space<vmem_shared>> -> memref<768xf32, #tpu.memory_space<vmem_shared>>
        tpu.enqueue_dma source(%dma_start3A_261 : memref<768xf32, #tpu.memory_space<vmem_shared>>) target(%dma_start3A_258 : memref<768xf32, #tpu.memory_space<vmem>>) target_semaphore(%run_scoped3A_250 : memref<!tpu.dma_semaphore, #tpu.memory_space<semaphore_mem>>)
        %dma_wait3A = arith.constant 0 : i32
        %dma_wait3A_262 = tpu.memref_slice %arg17[%run_scoped3A_68, %dma_wait3A] : memref<4x768xf32, #tpu.memory_space<vmem>> -> memref<1x768xf32, #tpu.memory_space<vmem>>
        %dma_wait3A_263 = tpu.memref_squeeze %dma_wait3A_262 : memref<1x768xf32, #tpu.memory_space<vmem>> -> memref<768xf32, #tpu.memory_space<vmem>>
        %dma_wait3A_264 = arith.constant 0 : i32
        %dma_wait3A_265 = tpu.memref_slice %arg13[%add3A_67, %dma_wait3A_264] : memref<16x768xf32, #tpu.memory_space<vmem_shared>> -> memref<1x768xf32, #tpu.memory_space<vmem_shared>>
        %dma_wait3A_266 = tpu.memref_squeeze %dma_wait3A_265 : memref<1x768xf32, #tpu.memory_space<vmem_shared>> -> memref<768xf32, #tpu.memory_space<vmem_shared>>
        %dma_wait3A_267 = arith.constant 0 : i32
        %dma_wait3A_268 = tpu.memref_slice %arg17[%run_scoped3A_68, %dma_wait3A_267] : memref<4x768xf32, #tpu.memory_space<vmem>> -> memref<1x768xf32, #tpu.memory_space<vmem>>
        %dma_wait3A_269 = tpu.memref_squeeze %dma_wait3A_268 : memref<1x768xf32, #tpu.memory_space<vmem>> -> memref<768xf32, #tpu.memory_space<vmem>>
        %dma_wait3A_270 = arith.constant 0 : i32
        %dma_wait3A_271 = tpu.memref_slice %arg13[%add3A_67, %dma_wait3A_270] : memref<16x768xf32, #tpu.memory_space<vmem_shared>> -> memref<1x768xf32, #tpu.memory_space<vmem_shared>>
        %dma_wait3A_272 = tpu.memref_squeeze %dma_wait3A_271 : memref<1x768xf32, #tpu.memory_space<vmem_shared>> -> memref<768xf32, #tpu.memory_space<vmem_shared>>
        tpu.wait_dma2 semaphore(%run_scoped3A_250 : memref<!tpu.dma_semaphore, #tpu.memory_space<semaphore_mem>>) src(%dma_wait3A_272 : memref<768xf32, #tpu.memory_space<vmem_shared>>) dst(%dma_wait3A_269 : memref<768xf32, #tpu.memory_space<vmem>>)
        tpu.yield
      }) : () -> ()
      %add3A_69 = arith.constant 2 : i32
      %add3A_70 = arith.addi %arg1, %add3A_69 : i32
      %run_scoped3A_71 = arith.constant 2 : i32
      "tpu.region"() ({
        %run_scoped3A_250 = tpu.sem_alloc : memref<!tpu.dma_semaphore, #tpu.memory_space<semaphore_mem>>
        %dma_start3A = arith.constant 0 : i32
        %dma_start3A_251 = tpu.memref_slice %arg18[%run_scoped3A_71, %dma_start3A] : memref<4x768xi32, #tpu.memory_space<vmem>> -> memref<1x768xi32, #tpu.memory_space<vmem>>
        %dma_start3A_252 = tpu.memref_squeeze %dma_start3A_251 : memref<1x768xi32, #tpu.memory_space<vmem>> -> memref<768xi32, #tpu.memory_space<vmem>>
        %dma_start3A_253 = arith.constant 0 : i32
        %dma_start3A_254 = tpu.memref_slice %arg14[%add3A_70, %dma_start3A_253] : memref<16x768xi32, #tpu.memory_space<vmem_shared>> -> memref<1x768xi32, #tpu.memory_space<vmem_shared>>
        %dma_start3A_255 = tpu.memref_squeeze %dma_start3A_254 : memref<1x768xi32, #tpu.memory_space<vmem_shared>> -> memref<768xi32, #tpu.memory_space<vmem_shared>>
        %dma_start3A_256 = arith.constant 0 : i32
        %dma_start3A_257 = tpu.memref_slice %arg18[%run_scoped3A_71, %dma_start3A_256] : memref<4x768xi32, #tpu.memory_space<vmem>> -> memref<1x768xi32, #tpu.memory_space<vmem>>
        %dma_start3A_258 = tpu.memref_squeeze %dma_start3A_257 : memref<1x768xi32, #tpu.memory_space<vmem>> -> memref<768xi32, #tpu.memory_space<vmem>>
        %dma_start3A_259 = arith.constant 0 : i32
        %dma_start3A_260 = tpu.memref_slice %arg14[%add3A_70, %dma_start3A_259] : memref<16x768xi32, #tpu.memory_space<vmem_shared>> -> memref<1x768xi32, #tpu.memory_space<vmem_shared>>
        %dma_start3A_261 = tpu.memref_squeeze %dma_start3A_260 : memref<1x768xi32, #tpu.memory_space<vmem_shared>> -> memref<768xi32, #tpu.memory_space<vmem_shared>>
        tpu.enqueue_dma source(%dma_start3A_261 : memref<768xi32, #tpu.memory_space<vmem_shared>>) target(%dma_start3A_258 : memref<768xi32, #tpu.memory_space<vmem>>) target_semaphore(%run_scoped3A_250 : memref<!tpu.dma_semaphore, #tpu.memory_space<semaphore_mem>>)
        %dma_wait3A = arith.constant 0 : i32
        %dma_wait3A_262 = tpu.memref_slice %arg18[%run_scoped3A_71, %dma_wait3A] : memref<4x768xi32, #tpu.memory_space<vmem>> -> memref<1x768xi32, #tpu.memory_space<vmem>>
        %dma_wait3A_263 = tpu.memref_squeeze %dma_wait3A_262 : memref<1x768xi32, #tpu.memory_space<vmem>> -> memref<768xi32, #tpu.memory_space<vmem>>
        %dma_wait3A_264 = arith.constant 0 : i32
        %dma_wait3A_265 = tpu.memref_slice %arg14[%add3A_70, %dma_wait3A_264] : memref<16x768xi32, #tpu.memory_space<vmem_shared>> -> memref<1x768xi32, #tpu.memory_space<vmem_shared>>
        %dma_wait3A_266 = tpu.memref_squeeze %dma_wait3A_265 : memref<1x768xi32, #tpu.memory_space<vmem_shared>> -> memref<768xi32, #tpu.memory_space<vmem_shared>>
        %dma_wait3A_267 = arith.constant 0 : i32
        %dma_wait3A_268 = tpu.memref_slice %arg18[%run_scoped3A_71, %dma_wait3A_267] : memref<4x768xi32, #tpu.memory_space<vmem>> -> memref<1x768xi32, #tpu.memory_space<vmem>>
        %dma_wait3A_269 = tpu.memref_squeeze %dma_wait3A_268 : memref<1x768xi32, #tpu.memory_space<vmem>> -> memref<768xi32, #tpu.memory_space<vmem>>
        %dma_wait3A_270 = arith.constant 0 : i32
        %dma_wait3A_271 = tpu.memref_slice %arg14[%add3A_70, %dma_wait3A_270] : memref<16x768xi32, #tpu.memory_space<vmem_shared>> -> memref<1x768xi32, #tpu.memory_space<vmem_shared>>
        %dma_wait3A_272 = tpu.memref_squeeze %dma_wait3A_271 : memref<1x768xi32, #tpu.memory_space<vmem_shared>> -> memref<768xi32, #tpu.memory_space<vmem_shared>>
        tpu.wait_dma2 semaphore(%run_scoped3A_250 : memref<!tpu.dma_semaphore, #tpu.memory_space<semaphore_mem>>) src(%dma_wait3A_272 : memref<768xi32, #tpu.memory_space<vmem_shared>>) dst(%dma_wait3A_269 : memref<768xi32, #tpu.memory_space<vmem>>)
        tpu.yield
      }) : () -> ()
      %add3A_72 = arith.constant 2 : i32
      %add3A_73 = arith.addi %arg1, %add3A_72 : i32
      %run_scoped3A_74 = arith.constant 2 : i32
      "tpu.region"() ({
        %run_scoped3A_250 = tpu.sem_alloc : memref<!tpu.dma_semaphore, #tpu.memory_space<semaphore_mem>>
        %dma_start3A = arith.constant 0 : i32
        %dma_start3A_251 = tpu.memref_slice %arg19[%run_scoped3A_74, %dma_start3A] : memref<4x768xi32, #tpu.memory_space<vmem>> -> memref<1x768xi32, #tpu.memory_space<vmem>>
        %dma_start3A_252 = tpu.memref_squeeze %dma_start3A_251 : memref<1x768xi32, #tpu.memory_space<vmem>> -> memref<768xi32, #tpu.memory_space<vmem>>
        %dma_start3A_253 = arith.constant 0 : i32
        %dma_start3A_254 = tpu.memref_slice %arg15[%add3A_73, %dma_start3A_253] : memref<16x768xi32, #tpu.memory_space<vmem_shared>> -> memref<1x768xi32, #tpu.memory_space<vmem_shared>>
        %dma_start3A_255 = tpu.memref_squeeze %dma_start3A_254 : memref<1x768xi32, #tpu.memory_space<vmem_shared>> -> memref<768xi32, #tpu.memory_space<vmem_shared>>
        %dma_start3A_256 = arith.constant 0 : i32
        %dma_start3A_257 = tpu.memref_slice %arg19[%run_scoped3A_74, %dma_start3A_256] : memref<4x768xi32, #tpu.memory_space<vmem>> -> memref<1x768xi32, #tpu.memory_space<vmem>>
        %dma_start3A_258 = tpu.memref_squeeze %dma_start3A_257 : memref<1x768xi32, #tpu.memory_space<vmem>> -> memref<768xi32, #tpu.memory_space<vmem>>
        %dma_start3A_259 = arith.constant 0 : i32
        %dma_start3A_260 = tpu.memref_slice %arg15[%add3A_73, %dma_start3A_259] : memref<16x768xi32, #tpu.memory_space<vmem_shared>> -> memref<1x768xi32, #tpu.memory_space<vmem_shared>>
        %dma_start3A_261 = tpu.memref_squeeze %dma_start3A_260 : memref<1x768xi32, #tpu.memory_space<vmem_shared>> -> memref<768xi32, #tpu.memory_space<vmem_shared>>
        tpu.enqueue_dma source(%dma_start3A_261 : memref<768xi32, #tpu.memory_space<vmem_shared>>) target(%dma_start3A_258 : memref<768xi32, #tpu.memory_space<vmem>>) target_semaphore(%run_scoped3A_250 : memref<!tpu.dma_semaphore, #tpu.memory_space<semaphore_mem>>)
        %dma_wait3A = arith.constant 0 : i32
        %dma_wait3A_262 = tpu.memref_slice %arg19[%run_scoped3A_74, %dma_wait3A] : memref<4x768xi32, #tpu.memory_space<vmem>> -> memref<1x768xi32, #tpu.memory_space<vmem>>
        %dma_wait3A_263 = tpu.memref_squeeze %dma_wait3A_262 : memref<1x768xi32, #tpu.memory_space<vmem>> -> memref<768xi32, #tpu.memory_space<vmem>>
        %dma_wait3A_264 = arith.constant 0 : i32
        %dma_wait3A_265 = tpu.memref_slice %arg15[%add3A_73, %dma_wait3A_264] : memref<16x768xi32, #tpu.memory_space<vmem_shared>> -> memref<1x768xi32, #tpu.memory_space<vmem_shared>>
        %dma_wait3A_266 = tpu.memref_squeeze %dma_wait3A_265 : memref<1x768xi32, #tpu.memory_space<vmem_shared>> -> memref<768xi32, #tpu.memory_space<vmem_shared>>
        %dma_wait3A_267 = arith.constant 0 : i32
        %dma_wait3A_268 = tpu.memref_slice %arg19[%run_scoped3A_74, %dma_wait3A_267] : memref<4x768xi32, #tpu.memory_space<vmem>> -> memref<1x768xi32, #tpu.memory_space<vmem>>
        %dma_wait3A_269 = tpu.memref_squeeze %dma_wait3A_268 : memref<1x768xi32, #tpu.memory_space<vmem>> -> memref<768xi32, #tpu.memory_space<vmem>>
        %dma_wait3A_270 = arith.constant 0 : i32
        %dma_wait3A_271 = tpu.memref_slice %arg15[%add3A_73, %dma_wait3A_270] : memref<16x768xi32, #tpu.memory_space<vmem_shared>> -> memref<1x768xi32, #tpu.memory_space<vmem_shared>>
        %dma_wait3A_272 = tpu.memref_squeeze %dma_wait3A_271 : memref<1x768xi32, #tpu.memory_space<vmem_shared>> -> memref<768xi32, #tpu.memory_space<vmem_shared>>
        tpu.wait_dma2 semaphore(%run_scoped3A_250 : memref<!tpu.dma_semaphore, #tpu.memory_space<semaphore_mem>>) src(%dma_wait3A_272 : memref<768xi32, #tpu.memory_space<vmem_shared>>) dst(%dma_wait3A_269 : memref<768xi32, #tpu.memory_space<vmem>>)
        tpu.yield
      }) : () -> ()
      %add3A_75 = arith.constant 2 : i32
      %add3A_76 = arith.addi %arg1, %add3A_75 : i32
      %run_scoped3A_77 = arith.constant 2 : i32
      "tpu.region"() ({
        %run_scoped3A_250 = tpu.sem_alloc : memref<!tpu.dma_semaphore, #tpu.memory_space<semaphore_mem>>
        %dma_start3A = arith.constant 0 : i32
        %dma_start3A_251 = tpu.memref_slice %arg20[%run_scoped3A_77, %dma_start3A] : memref<4x128xi32, #tpu.memory_space<vmem>> -> memref<1x128xi32, #tpu.memory_space<vmem>>
        %dma_start3A_252 = tpu.memref_squeeze %dma_start3A_251 : memref<1x128xi32, #tpu.memory_space<vmem>> -> memref<128xi32, #tpu.memory_space<vmem>>
        %dma_start3A_253 = arith.constant 0 : i32
        %dma_start3A_254 = tpu.memref_slice %arg16[%add3A_76, %dma_start3A_253] : memref<16x128xi32, #tpu.memory_space<vmem_shared>> -> memref<1x128xi32, #tpu.memory_space<vmem_shared>>
        %dma_start3A_255 = tpu.memref_squeeze %dma_start3A_254 : memref<1x128xi32, #tpu.memory_space<vmem_shared>> -> memref<128xi32, #tpu.memory_space<vmem_shared>>
        %dma_start3A_256 = arith.constant 0 : i32
        %dma_start3A_257 = tpu.memref_slice %arg20[%run_scoped3A_77, %dma_start3A_256] : memref<4x128xi32, #tpu.memory_space<vmem>> -> memref<1x128xi32, #tpu.memory_space<vmem>>
        %dma_start3A_258 = tpu.memref_squeeze %dma_start3A_257 : memref<1x128xi32, #tpu.memory_space<vmem>> -> memref<128xi32, #tpu.memory_space<vmem>>
        %dma_start3A_259 = arith.constant 0 : i32
        %dma_start3A_260 = tpu.memref_slice %arg16[%add3A_76, %dma_start3A_259] : memref<16x128xi32, #tpu.memory_space<vmem_shared>> -> memref<1x128xi32, #tpu.memory_space<vmem_shared>>
        %dma_start3A_261 = tpu.memref_squeeze %dma_start3A_260 : memref<1x128xi32, #tpu.memory_space<vmem_shared>> -> memref<128xi32, #tpu.memory_space<vmem_shared>>
        tpu.enqueue_dma source(%dma_start3A_261 : memref<128xi32, #tpu.memory_space<vmem_shared>>) target(%dma_start3A_258 : memref<128xi32, #tpu.memory_space<vmem>>) target_semaphore(%run_scoped3A_250 : memref<!tpu.dma_semaphore, #tpu.memory_space<semaphore_mem>>)
        %dma_wait3A = arith.constant 0 : i32
        %dma_wait3A_262 = tpu.memref_slice %arg20[%run_scoped3A_77, %dma_wait3A] : memref<4x128xi32, #tpu.memory_space<vmem>> -> memref<1x128xi32, #tpu.memory_space<vmem>>
        %dma_wait3A_263 = tpu.memref_squeeze %dma_wait3A_262 : memref<1x128xi32, #tpu.memory_space<vmem>> -> memref<128xi32, #tpu.memory_space<vmem>>
        %dma_wait3A_264 = arith.constant 0 : i32
        %dma_wait3A_265 = tpu.memref_slice %arg16[%add3A_76, %dma_wait3A_264] : memref<16x128xi32, #tpu.memory_space<vmem_shared>> -> memref<1x128xi32, #tpu.memory_space<vmem_shared>>
        %dma_wait3A_266 = tpu.memref_squeeze %dma_wait3A_265 : memref<1x128xi32, #tpu.memory_space<vmem_shared>> -> memref<128xi32, #tpu.memory_space<vmem_shared>>
        %dma_wait3A_267 = arith.constant 0 : i32
        %dma_wait3A_268 = tpu.memref_slice %arg20[%run_scoped3A_77, %dma_wait3A_267] : memref<4x128xi32, #tpu.memory_space<vmem>> -> memref<1x128xi32, #tpu.memory_space<vmem>>
        %dma_wait3A_269 = tpu.memref_squeeze %dma_wait3A_268 : memref<1x128xi32, #tpu.memory_space<vmem>> -> memref<128xi32, #tpu.memory_space<vmem>>
        %dma_wait3A_270 = arith.constant 0 : i32
        %dma_wait3A_271 = tpu.memref_slice %arg16[%add3A_76, %dma_wait3A_270] : memref<16x128xi32, #tpu.memory_space<vmem_shared>> -> memref<1x128xi32, #tpu.memory_space<vmem_shared>>
        %dma_wait3A_272 = tpu.memref_squeeze %dma_wait3A_271 : memref<1x128xi32, #tpu.memory_space<vmem_shared>> -> memref<128xi32, #tpu.memory_space<vmem_shared>>
        tpu.wait_dma2 semaphore(%run_scoped3A_250 : memref<!tpu.dma_semaphore, #tpu.memory_space<semaphore_mem>>) src(%dma_wait3A_272 : memref<128xi32, #tpu.memory_space<vmem_shared>>) dst(%dma_wait3A_269 : memref<128xi32, #tpu.memory_space<vmem>>)
        tpu.yield
      }) : () -> ()
      %add3A_78 = arith.constant 3 : i32
      %add3A_79 = arith.addi %arg1, %add3A_78 : i32
      %run_scoped3A_80 = arith.constant 3 : i32
      "tpu.region"() ({
        %run_scoped3A_250 = tpu.sem_alloc : memref<!tpu.dma_semaphore, #tpu.memory_space<semaphore_mem>>
        %dma_start3A = arith.constant 0 : i32
        %dma_start3A_251 = tpu.memref_slice %arg17[%run_scoped3A_80, %dma_start3A] : memref<4x768xf32, #tpu.memory_space<vmem>> -> memref<1x768xf32, #tpu.memory_space<vmem>>
        %dma_start3A_252 = tpu.memref_squeeze %dma_start3A_251 : memref<1x768xf32, #tpu.memory_space<vmem>> -> memref<768xf32, #tpu.memory_space<vmem>>
        %dma_start3A_253 = arith.constant 0 : i32
        %dma_start3A_254 = tpu.memref_slice %arg13[%add3A_79, %dma_start3A_253] : memref<16x768xf32, #tpu.memory_space<vmem_shared>> -> memref<1x768xf32, #tpu.memory_space<vmem_shared>>
        %dma_start3A_255 = tpu.memref_squeeze %dma_start3A_254 : memref<1x768xf32, #tpu.memory_space<vmem_shared>> -> memref<768xf32, #tpu.memory_space<vmem_shared>>
        %dma_start3A_256 = arith.constant 0 : i32
        %dma_start3A_257 = tpu.memref_slice %arg17[%run_scoped3A_80, %dma_start3A_256] : memref<4x768xf32, #tpu.memory_space<vmem>> -> memref<1x768xf32, #tpu.memory_space<vmem>>
        %dma_start3A_258 = tpu.memref_squeeze %dma_start3A_257 : memref<1x768xf32, #tpu.memory_space<vmem>> -> memref<768xf32, #tpu.memory_space<vmem>>
        %dma_start3A_259 = arith.constant 0 : i32
        %dma_start3A_260 = tpu.memref_slice %arg13[%add3A_79, %dma_start3A_259] : memref<16x768xf32, #tpu.memory_space<vmem_shared>> -> memref<1x768xf32, #tpu.memory_space<vmem_shared>>
        %dma_start3A_261 = tpu.memref_squeeze %dma_start3A_260 : memref<1x768xf32, #tpu.memory_space<vmem_shared>> -> memref<768xf32, #tpu.memory_space<vmem_shared>>
        tpu.enqueue_dma source(%dma_start3A_261 : memref<768xf32, #tpu.memory_space<vmem_shared>>) target(%dma_start3A_258 : memref<768xf32, #tpu.memory_space<vmem>>) target_semaphore(%run_scoped3A_250 : memref<!tpu.dma_semaphore, #tpu.memory_space<semaphore_mem>>)
        %dma_wait3A = arith.constant 0 : i32
        %dma_wait3A_262 = tpu.memref_slice %arg17[%run_scoped3A_80, %dma_wait3A] : memref<4x768xf32, #tpu.memory_space<vmem>> -> memref<1x768xf32, #tpu.memory_space<vmem>>
        %dma_wait3A_263 = tpu.memref_squeeze %dma_wait3A_262 : memref<1x768xf32, #tpu.memory_space<vmem>> -> memref<768xf32, #tpu.memory_space<vmem>>
        %dma_wait3A_264 = arith.constant 0 : i32
        %dma_wait3A_265 = tpu.memref_slice %arg13[%add3A_79, %dma_wait3A_264] : memref<16x768xf32, #tpu.memory_space<vmem_shared>> -> memref<1x768xf32, #tpu.memory_space<vmem_shared>>
        %dma_wait3A_266 = tpu.memref_squeeze %dma_wait3A_265 : memref<1x768xf32, #tpu.memory_space<vmem_shared>> -> memref<768xf32, #tpu.memory_space<vmem_shared>>
        %dma_wait3A_267 = arith.constant 0 : i32
        %dma_wait3A_268 = tpu.memref_slice %arg17[%run_scoped3A_80, %dma_wait3A_267] : memref<4x768xf32, #tpu.memory_space<vmem>> -> memref<1x768xf32, #tpu.memory_space<vmem>>
        %dma_wait3A_269 = tpu.memref_squeeze %dma_wait3A_268 : memref<1x768xf32, #tpu.memory_space<vmem>> -> memref<768xf32, #tpu.memory_space<vmem>>
        %dma_wait3A_270 = arith.constant 0 : i32
        %dma_wait3A_271 = tpu.memref_slice %arg13[%add3A_79, %dma_wait3A_270] : memref<16x768xf32, #tpu.memory_space<vmem_shared>> -> memref<1x768xf32, #tpu.memory_space<vmem_shared>>
        %dma_wait3A_272 = tpu.memref_squeeze %dma_wait3A_271 : memref<1x768xf32, #tpu.memory_space<vmem_shared>> -> memref<768xf32, #tpu.memory_space<vmem_shared>>
        tpu.wait_dma2 semaphore(%run_scoped3A_250 : memref<!tpu.dma_semaphore, #tpu.memory_space<semaphore_mem>>) src(%dma_wait3A_272 : memref<768xf32, #tpu.memory_space<vmem_shared>>) dst(%dma_wait3A_269 : memref<768xf32, #tpu.memory_space<vmem>>)
        tpu.yield
      }) : () -> ()
      %add3A_81 = arith.constant 3 : i32
      %add3A_82 = arith.addi %arg1, %add3A_81 : i32
      %run_scoped3A_83 = arith.constant 3 : i32
      "tpu.region"() ({
        %run_scoped3A_250 = tpu.sem_alloc : memref<!tpu.dma_semaphore, #tpu.memory_space<semaphore_mem>>
        %dma_start3A = arith.constant 0 : i32
        %dma_start3A_251 = tpu.memref_slice %arg18[%run_scoped3A_83, %dma_start3A] : memref<4x768xi32, #tpu.memory_space<vmem>> -> memref<1x768xi32, #tpu.memory_space<vmem>>
        %dma_start3A_252 = tpu.memref_squeeze %dma_start3A_251 : memref<1x768xi32, #tpu.memory_space<vmem>> -> memref<768xi32, #tpu.memory_space<vmem>>
        %dma_start3A_253 = arith.constant 0 : i32
        %dma_start3A_254 = tpu.memref_slice %arg14[%add3A_82, %dma_start3A_253] : memref<16x768xi32, #tpu.memory_space<vmem_shared>> -> memref<1x768xi32, #tpu.memory_space<vmem_shared>>
        %dma_start3A_255 = tpu.memref_squeeze %dma_start3A_254 : memref<1x768xi32, #tpu.memory_space<vmem_shared>> -> memref<768xi32, #tpu.memory_space<vmem_shared>>
        %dma_start3A_256 = arith.constant 0 : i32
        %dma_start3A_257 = tpu.memref_slice %arg18[%run_scoped3A_83, %dma_start3A_256] : memref<4x768xi32, #tpu.memory_space<vmem>> -> memref<1x768xi32, #tpu.memory_space<vmem>>
        %dma_start3A_258 = tpu.memref_squeeze %dma_start3A_257 : memref<1x768xi32, #tpu.memory_space<vmem>> -> memref<768xi32, #tpu.memory_space<vmem>>
        %dma_start3A_259 = arith.constant 0 : i32
        %dma_start3A_260 = tpu.memref_slice %arg14[%add3A_82, %dma_start3A_259] : memref<16x768xi32, #tpu.memory_space<vmem_shared>> -> memref<1x768xi32, #tpu.memory_space<vmem_shared>>
        %dma_start3A_261 = tpu.memref_squeeze %dma_start3A_260 : memref<1x768xi32, #tpu.memory_space<vmem_shared>> -> memref<768xi32, #tpu.memory_space<vmem_shared>>
        tpu.enqueue_dma source(%dma_start3A_261 : memref<768xi32, #tpu.memory_space<vmem_shared>>) target(%dma_start3A_258 : memref<768xi32, #tpu.memory_space<vmem>>) target_semaphore(%run_scoped3A_250 : memref<!tpu.dma_semaphore, #tpu.memory_space<semaphore_mem>>)
        %dma_wait3A = arith.constant 0 : i32
        %dma_wait3A_262 = tpu.memref_slice %arg18[%run_scoped3A_83, %dma_wait3A] : memref<4x768xi32, #tpu.memory_space<vmem>> -> memref<1x768xi32, #tpu.memory_space<vmem>>
        %dma_wait3A_263 = tpu.memref_squeeze %dma_wait3A_262 : memref<1x768xi32, #tpu.memory_space<vmem>> -> memref<768xi32, #tpu.memory_space<vmem>>
        %dma_wait3A_264 = arith.constant 0 : i32
        %dma_wait3A_265 = tpu.memref_slice %arg14[%add3A_82, %dma_wait3A_264] : memref<16x768xi32, #tpu.memory_space<vmem_shared>> -> memref<1x768xi32, #tpu.memory_space<vmem_shared>>
        %dma_wait3A_266 = tpu.memref_squeeze %dma_wait3A_265 : memref<1x768xi32, #tpu.memory_space<vmem_shared>> -> memref<768xi32, #tpu.memory_space<vmem_shared>>
        %dma_wait3A_267 = arith.constant 0 : i32
        %dma_wait3A_268 = tpu.memref_slice %arg18[%run_scoped3A_83, %dma_wait3A_267] : memref<4x768xi32, #tpu.memory_space<vmem>> -> memref<1x768xi32, #tpu.memory_space<vmem>>
        %dma_wait3A_269 = tpu.memref_squeeze %dma_wait3A_268 : memref<1x768xi32, #tpu.memory_space<vmem>> -> memref<768xi32, #tpu.memory_space<vmem>>
        %dma_wait3A_270 = arith.constant 0 : i32
        %dma_wait3A_271 = tpu.memref_slice %arg14[%add3A_82, %dma_wait3A_270] : memref<16x768xi32, #tpu.memory_space<vmem_shared>> -> memref<1x768xi32, #tpu.memory_space<vmem_shared>>
        %dma_wait3A_272 = tpu.memref_squeeze %dma_wait3A_271 : memref<1x768xi32, #tpu.memory_space<vmem_shared>> -> memref<768xi32, #tpu.memory_space<vmem_shared>>
        tpu.wait_dma2 semaphore(%run_scoped3A_250 : memref<!tpu.dma_semaphore, #tpu.memory_space<semaphore_mem>>) src(%dma_wait3A_272 : memref<768xi32, #tpu.memory_space<vmem_shared>>) dst(%dma_wait3A_269 : memref<768xi32, #tpu.memory_space<vmem>>)
        tpu.yield
      }) : () -> ()
      %add3A_84 = arith.constant 3 : i32
      %add3A_85 = arith.addi %arg1, %add3A_84 : i32
      %run_scoped3A_86 = arith.constant 3 : i32
      "tpu.region"() ({
        %run_scoped3A_250 = tpu.sem_alloc : memref<!tpu.dma_semaphore, #tpu.memory_space<semaphore_mem>>
        %dma_start3A = arith.constant 0 : i32
        %dma_start3A_251 = tpu.memref_slice %arg19[%run_scoped3A_86, %dma_start3A] : memref<4x768xi32, #tpu.memory_space<vmem>> -> memref<1x768xi32, #tpu.memory_space<vmem>>
        %dma_start3A_252 = tpu.memref_squeeze %dma_start3A_251 : memref<1x768xi32, #tpu.memory_space<vmem>> -> memref<768xi32, #tpu.memory_space<vmem>>
        %dma_start3A_253 = arith.constant 0 : i32
        %dma_start3A_254 = tpu.memref_slice %arg15[%add3A_85, %dma_start3A_253] : memref<16x768xi32, #tpu.memory_space<vmem_shared>> -> memref<1x768xi32, #tpu.memory_space<vmem_shared>>
        %dma_start3A_255 = tpu.memref_squeeze %dma_start3A_254 : memref<1x768xi32, #tpu.memory_space<vmem_shared>> -> memref<768xi32, #tpu.memory_space<vmem_shared>>
        %dma_start3A_256 = arith.constant 0 : i32
        %dma_start3A_257 = tpu.memref_slice %arg19[%run_scoped3A_86, %dma_start3A_256] : memref<4x768xi32, #tpu.memory_space<vmem>> -> memref<1x768xi32, #tpu.memory_space<vmem>>
        %dma_start3A_258 = tpu.memref_squeeze %dma_start3A_257 : memref<1x768xi32, #tpu.memory_space<vmem>> -> memref<768xi32, #tpu.memory_space<vmem>>
        %dma_start3A_259 = arith.constant 0 : i32
        %dma_start3A_260 = tpu.memref_slice %arg15[%add3A_85, %dma_start3A_259] : memref<16x768xi32, #tpu.memory_space<vmem_shared>> -> memref<1x768xi32, #tpu.memory_space<vmem_shared>>
        %dma_start3A_261 = tpu.memref_squeeze %dma_start3A_260 : memref<1x768xi32, #tpu.memory_space<vmem_shared>> -> memref<768xi32, #tpu.memory_space<vmem_shared>>
        tpu.enqueue_dma source(%dma_start3A_261 : memref<768xi32, #tpu.memory_space<vmem_shared>>) target(%dma_start3A_258 : memref<768xi32, #tpu.memory_space<vmem>>) target_semaphore(%run_scoped3A_250 : memref<!tpu.dma_semaphore, #tpu.memory_space<semaphore_mem>>)
        %dma_wait3A = arith.constant 0 : i32
        %dma_wait3A_262 = tpu.memref_slice %arg19[%run_scoped3A_86, %dma_wait3A] : memref<4x768xi32, #tpu.memory_space<vmem>> -> memref<1x768xi32, #tpu.memory_space<vmem>>
        %dma_wait3A_263 = tpu.memref_squeeze %dma_wait3A_262 : memref<1x768xi32, #tpu.memory_space<vmem>> -> memref<768xi32, #tpu.memory_space<vmem>>
        %dma_wait3A_264 = arith.constant 0 : i32
        %dma_wait3A_265 = tpu.memref_slice %arg15[%add3A_85, %dma_wait3A_264] : memref<16x768xi32, #tpu.memory_space<vmem_shared>> -> memref<1x768xi32, #tpu.memory_space<vmem_shared>>
        %dma_wait3A_266 = tpu.memref_squeeze %dma_wait3A_265 : memref<1x768xi32, #tpu.memory_space<vmem_shared>> -> memref<768xi32, #tpu.memory_space<vmem_shared>>
        %dma_wait3A_267 = arith.constant 0 : i32
        %dma_wait3A_268 = tpu.memref_slice %arg19[%run_scoped3A_86, %dma_wait3A_267] : memref<4x768xi32, #tpu.memory_space<vmem>> -> memref<1x768xi32, #tpu.memory_space<vmem>>
        %dma_wait3A_269 = tpu.memref_squeeze %dma_wait3A_268 : memref<1x768xi32, #tpu.memory_space<vmem>> -> memref<768xi32, #tpu.memory_space<vmem>>
        %dma_wait3A_270 = arith.constant 0 : i32
        %dma_wait3A_271 = tpu.memref_slice %arg15[%add3A_85, %dma_wait3A_270] : memref<16x768xi32, #tpu.memory_space<vmem_shared>> -> memref<1x768xi32, #tpu.memory_space<vmem_shared>>
        %dma_wait3A_272 = tpu.memref_squeeze %dma_wait3A_271 : memref<1x768xi32, #tpu.memory_space<vmem_shared>> -> memref<768xi32, #tpu.memory_space<vmem_shared>>
        tpu.wait_dma2 semaphore(%run_scoped3A_250 : memref<!tpu.dma_semaphore, #tpu.memory_space<semaphore_mem>>) src(%dma_wait3A_272 : memref<768xi32, #tpu.memory_space<vmem_shared>>) dst(%dma_wait3A_269 : memref<768xi32, #tpu.memory_space<vmem>>)
        tpu.yield
      }) : () -> ()
      %add3A_87 = arith.constant 3 : i32
      %add3A_88 = arith.addi %arg1, %add3A_87 : i32
      %run_scoped3A_89 = arith.constant 3 : i32
      "tpu.region"() ({
        %run_scoped3A_250 = tpu.sem_alloc : memref<!tpu.dma_semaphore, #tpu.memory_space<semaphore_mem>>
        %dma_start3A = arith.constant 0 : i32
        %dma_start3A_251 = tpu.memref_slice %arg20[%run_scoped3A_89, %dma_start3A] : memref<4x128xi32, #tpu.memory_space<vmem>> -> memref<1x128xi32, #tpu.memory_space<vmem>>
        %dma_start3A_252 = tpu.memref_squeeze %dma_start3A_251 : memref<1x128xi32, #tpu.memory_space<vmem>> -> memref<128xi32, #tpu.memory_space<vmem>>
        %dma_start3A_253 = arith.constant 0 : i32
        %dma_start3A_254 = tpu.memref_slice %arg16[%add3A_88, %dma_start3A_253] : memref<16x128xi32, #tpu.memory_space<vmem_shared>> -> memref<1x128xi32, #tpu.memory_space<vmem_shared>>
        %dma_start3A_255 = tpu.memref_squeeze %dma_start3A_254 : memref<1x128xi32, #tpu.memory_space<vmem_shared>> -> memref<128xi32, #tpu.memory_space<vmem_shared>>
        %dma_start3A_256 = arith.constant 0 : i32
        %dma_start3A_257 = tpu.memref_slice %arg20[%run_scoped3A_89, %dma_start3A_256] : memref<4x128xi32, #tpu.memory_space<vmem>> -> memref<1x128xi32, #tpu.memory_space<vmem>>
        %dma_start3A_258 = tpu.memref_squeeze %dma_start3A_257 : memref<1x128xi32, #tpu.memory_space<vmem>> -> memref<128xi32, #tpu.memory_space<vmem>>
        %dma_start3A_259 = arith.constant 0 : i32
        %dma_start3A_260 = tpu.memref_slice %arg16[%add3A_88, %dma_start3A_259] : memref<16x128xi32, #tpu.memory_space<vmem_shared>> -> memref<1x128xi32, #tpu.memory_space<vmem_shared>>
        %dma_start3A_261 = tpu.memref_squeeze %dma_start3A_260 : memref<1x128xi32, #tpu.memory_space<vmem_shared>> -> memref<128xi32, #tpu.memory_space<vmem_shared>>
        tpu.enqueue_dma source(%dma_start3A_261 : memref<128xi32, #tpu.memory_space<vmem_shared>>) target(%dma_start3A_258 : memref<128xi32, #tpu.memory_space<vmem>>) target_semaphore(%run_scoped3A_250 : memref<!tpu.dma_semaphore, #tpu.memory_space<semaphore_mem>>)
        %dma_wait3A = arith.constant 0 : i32
        %dma_wait3A_262 = tpu.memref_slice %arg20[%run_scoped3A_89, %dma_wait3A] : memref<4x128xi32, #tpu.memory_space<vmem>> -> memref<1x128xi32, #tpu.memory_space<vmem>>
        %dma_wait3A_263 = tpu.memref_squeeze %dma_wait3A_262 : memref<1x128xi32, #tpu.memory_space<vmem>> -> memref<128xi32, #tpu.memory_space<vmem>>
        %dma_wait3A_264 = arith.constant 0 : i32
        %dma_wait3A_265 = tpu.memref_slice %arg16[%add3A_88, %dma_wait3A_264] : memref<16x128xi32, #tpu.memory_space<vmem_shared>> -> memref<1x128xi32, #tpu.memory_space<vmem_shared>>
        %dma_wait3A_266 = tpu.memref_squeeze %dma_wait3A_265 : memref<1x128xi32, #tpu.memory_space<vmem_shared>> -> memref<128xi32, #tpu.memory_space<vmem_shared>>
        %dma_wait3A_267 = arith.constant 0 : i32
        %dma_wait3A_268 = tpu.memref_slice %arg20[%run_scoped3A_89, %dma_wait3A_267] : memref<4x128xi32, #tpu.memory_space<vmem>> -> memref<1x128xi32, #tpu.memory_space<vmem>>
        %dma_wait3A_269 = tpu.memref_squeeze %dma_wait3A_268 : memref<1x128xi32, #tpu.memory_space<vmem>> -> memref<128xi32, #tpu.memory_space<vmem>>
        %dma_wait3A_270 = arith.constant 0 : i32
        %dma_wait3A_271 = tpu.memref_slice %arg16[%add3A_88, %dma_wait3A_270] : memref<16x128xi32, #tpu.memory_space<vmem_shared>> -> memref<1x128xi32, #tpu.memory_space<vmem_shared>>
        %dma_wait3A_272 = tpu.memref_squeeze %dma_wait3A_271 : memref<1x128xi32, #tpu.memory_space<vmem_shared>> -> memref<128xi32, #tpu.memory_space<vmem_shared>>
        tpu.wait_dma2 semaphore(%run_scoped3A_250 : memref<!tpu.dma_semaphore, #tpu.memory_space<semaphore_mem>>) src(%dma_wait3A_272 : memref<128xi32, #tpu.memory_space<vmem_shared>>) dst(%dma_wait3A_269 : memref<128xi32, #tpu.memory_space<vmem>>)
        tpu.yield
      }) : () -> ()
      %scan3A_90 = arith.constant 0 : i32
      %scan3A_91 = arith.constant 0 : i32
      %scan3A_92 = arith.constant 38 : i32
      %scan3A_93 = arith.addi %scan3A_91, %scan3A_92 : i32
      %scan3A_94 = arith.constant 1 : i32
      scf.for %scan3A_250 = %scan3A_91 to %scan3A_93 step %scan3A_94  : i32 {
        %mul3A_251 = arith.constant 16 : i32
        %mul3A_252 = arith.muli %scan3A_250, %mul3A_251 : i32
        %swap3A = arith.index_cast %mul3A_252 : i32 to index
        %swap3A_253 = tpu.vector_load %arg24[%swap3A] {strides = array<i32>} : memref<608xf32, #tpu.memory_space<vmem>>, vector<16xf32>,
        tpu.vector_store %arg24[%swap3A], %broadcast_in_dim3A_3 {strides = array<i32>} : memref<608xf32, #tpu.memory_space<vmem>>, vector<16xf32>,
        %mul3A_254 = arith.constant 16 : i32
        %mul3A_255 = arith.muli %scan3A_250, %mul3A_254 : i32
        %swap3A_256 = arith.index_cast %mul3A_255 : i32 to index
        %swap3A_257 = tpu.vector_load %arg25[%swap3A_256] {strides = array<i32>} : memref<608xi32, #tpu.memory_space<vmem>>, vector<16xi32>,
        tpu.vector_store %arg25[%swap3A_256], %broadcast_in_dim3A_5 {strides = array<i32>} : memref<608xi32, #tpu.memory_space<vmem>>, vector<16xi32>,
        %mul3A_258 = arith.constant 16 : i32
        %mul3A_259 = arith.muli %scan3A_250, %mul3A_258 : i32
        %swap3A_260 = arith.index_cast %mul3A_259 : i32 to index
        %swap3A_261 = tpu.vector_load %arg26[%swap3A_260] {strides = array<i32>} : memref<608xi32, #tpu.memory_space<vmem>>, vector<16xi32>,
        tpu.vector_store %arg26[%swap3A_260], %broadcast_in_dim3A_5 {strides = array<i32>} : memref<608xi32, #tpu.memory_space<vmem>>, vector<16xi32>,
      }
      %scan3A_95 = arith.constant 38 : i32
      %scan3A_96 = arith.constant 0 : i32
      %scan3A_97 = arith.constant 0 : i32
      %scan3A_98 = arith.constant 42 : i32
      %scan3A_99 = arith.addi %scan3A_97, %scan3A_98 : i32
      %scan3A_100 = arith.constant 1 : i32
      scf.for %scan3A_250 = %scan3A_97 to %scan3A_99 step %scan3A_100  : i32 {
        %mul3A_251 = arith.constant 16 : i32
        %mul3A_252 = arith.muli %scan3A_250, %mul3A_251 : i32
        %swap3A = arith.index_cast %mul3A_252 : i32 to index
        %swap3A_253 = tpu.vector_load %arg37[%swap3A] {strides = array<i32>} : memref<672xf32, #tpu.memory_space<vmem>>, vector<16xf32>,
        tpu.vector_store %arg37[%swap3A], %broadcast_in_dim3A_3 {strides = array<i32>} : memref<672xf32, #tpu.memory_space<vmem>>, vector<16xf32>,
      }
      %scan3A_101 = arith.constant 42 : i32
      %get3A = arith.constant 0 : i32
      %get3A_102 = arith.index_cast %get3A : i32 to index
      %get3A_103 = arith.constant 0 : index
      %get3A_104 = tpu.vector_load %arg20[%get3A_102, %get3A_103] {strides = array<i32>} : memref<4x128xi32, #tpu.memory_space<vmem>>, vector<16xi32>,
      %slice3A = vector.extract_strided_slice %get3A_104 {offsets = [0], sizes = [1], strides = [1]} : vector<16xi32> to vector<1xi32>
      %squeeze3A = vector.extract %slice3A[0] : i32 from vector<1xi32>
      %jit3A = arith.constant 0 : i32
      %jit3A_105 = arith.constant 752 : i32
      %max3A = arith.maxsi %jit3A, %squeeze3A : i32
      %min3A = arith.minsi %jit3A_105, %max3A : i32
      %get3A_106 = arith.constant 1 : i32
      %get3A_107 = arith.index_cast %get3A_106 : i32 to index
      %get3A_108 = arith.constant 0 : index
      %get3A_109 = tpu.vector_load %arg20[%get3A_107, %get3A_108] {strides = array<i32>} : memref<4x128xi32, #tpu.memory_space<vmem>>, vector<16xi32>,
      %slice3A_110 = vector.extract_strided_slice %get3A_109 {offsets = [0], sizes = [1], strides = [1]} : vector<16xi32> to vector<1xi32>
      %squeeze3A_111 = vector.extract %slice3A_110[0] : i32 from vector<1xi32>
      %jit3A_112 = arith.constant 0 : i32
      %jit3A_113 = arith.constant 752 : i32
      %max3A_114 = arith.maxsi %jit3A_112, %squeeze3A_111 : i32
      %min3A_115 = arith.minsi %jit3A_113, %max3A_114 : i32
      %get3A_116 = arith.constant 2 : i32
      %get3A_117 = arith.index_cast %get3A_116 : i32 to index
      %get3A_118 = arith.constant 0 : index
      %get3A_119 = tpu.vector_load %arg20[%get3A_117, %get3A_118] {strides = array<i32>} : memref<4x128xi32, #tpu.memory_space<vmem>>, vector<16xi32>,
      %slice3A_120 = vector.extract_strided_slice %get3A_119 {offsets = [0], sizes = [1], strides = [1]} : vector<16xi32> to vector<1xi32>
      %squeeze3A_121 = vector.extract %slice3A_120[0] : i32 from vector<1xi32>
      %jit3A_122 = arith.constant 0 : i32
      %jit3A_123 = arith.constant 752 : i32
      %max3A_124 = arith.maxsi %jit3A_122, %squeeze3A_121 : i32
      %min3A_125 = arith.minsi %jit3A_123, %max3A_124 : i32
      %get3A_126 = arith.constant 3 : i32
      %get3A_127 = arith.index_cast %get3A_126 : i32 to index
      %get3A_128 = arith.constant 0 : index
      %get3A_129 = tpu.vector_load %arg20[%get3A_127, %get3A_128] {strides = array<i32>} : memref<4x128xi32, #tpu.memory_space<vmem>>, vector<16xi32>,
      %slice3A_130 = vector.extract_strided_slice %get3A_129 {offsets = [0], sizes = [1], strides = [1]} : vector<16xi32> to vector<1xi32>
      %squeeze3A_131 = vector.extract %slice3A_130[0] : i32 from vector<1xi32>
      %jit3A_132 = arith.constant 0 : i32
      %jit3A_133 = arith.constant 752 : i32
      %max3A_134 = arith.maxsi %jit3A_132, %squeeze3A_131 : i32
      %min3A_135 = arith.minsi %jit3A_133, %max3A_134 : i32
      %add3A_136 = arith.constant 15 : i32
      %add3A_137 = arith.addi %min3A, %add3A_136 : i32
      %div3A_138 = arith.constant 16 : i32
      %div3A_139 = arith.divsi %add3A_137, %div3A_138 : i32
      %while3A_140 = arith.constant 0 : i32
      %while3A_141 = arith.constant 0 : i32
      %while3A_142 = arith.constant 0 : i32
      %while3A_143 = arith.subi %div3A_139, %while3A_142 : i32
      %while3A_144 = arith.addi %while3A_142, %while3A_143 : i32
      %while3A_145 = arith.constant 1 : i32
      %while3A_146 = arith.divsi %while3A_143, %while3A_145 : i32
      %while3A_147 = arith.muli %while3A_146, %while3A_145 : i32
      %while3A_148 = arith.addi %while3A_142, %while3A_147 : i32
      %while3A_149 = arith.constant 1 : i32
      scf.for %while3A_250 = %while3A_142 to %while3A_148 step %while3A_149  : i32 {
        %mul3A_251 = arith.constant 16 : i32
        %mul3A_252 = arith.muli %while3A_250, %mul3A_251 : i32
        %add3A_253 = vector.broadcast %mul3A_252 : i32 to vector<16xi32>
        %add3A_254 = arith.addi %add3A_253, %iota3A : vector<16xi32>
        %lt3A = vector.broadcast %min3A : i32 to vector<16xi32>
        %lt3A_255 = arith.cmpi slt, %add3A_254, %lt3A : vector<16xi32>
        %add3A_256 = vector.broadcast %while3A_141 : i32 to vector<16xi32>
        %add3A_257 = arith.addi %add3A_256, %add3A_254 : vector<16xi32>
        %min3A_258 = arith.constant 3023 : i32
        %min3A_259 = vector.broadcast %min3A_258 : i32 to vector<16xi32>
        %min3A_260 = arith.minsi %add3A_257, %min3A_259 : vector<16xi32>
        %get3A_261 = arith.constant 0 : i32
        %get3A_262 = arith.index_cast %get3A_261 : i32 to index
        %get3A_263 = arith.index_cast %mul3A_252 : i32 to index
        %get3A_264 = tpu.vector_load %arg17[%get3A_262, %get3A_263] {strides = array<i32>} : memref<4x768xf32, #tpu.memory_space<vmem>>, vector<16xf32>,
        tpu.vector_store_idx %arg21[%min3A_260], %get3A_264 masked %lt3A_255 : memref<3024xf32, #tpu.memory_space<vmem>>[vector<16xi32>], vector<16xf32>, vector<16xi1>
        %get3A_265 = arith.constant 0 : i32
        %get3A_266 = arith.index_cast %get3A_265 : i32 to index
        %get3A_267 = arith.index_cast %mul3A_252 : i32 to index
        %get3A_268 = tpu.vector_load %arg18[%get3A_266, %get3A_267] {strides = array<i32>} : memref<4x768xi32, #tpu.memory_space<vmem>>, vector<16xi32>,
        tpu.vector_store_idx %arg22[%min3A_260], %get3A_268 masked %lt3A_255 : memref<3024xi32, #tpu.memory_space<vmem>>[vector<16xi32>], vector<16xi32>, vector<16xi1>
        %get3A_269 = arith.constant 0 : i32
        %get3A_270 = arith.index_cast %get3A_269 : i32 to index
        %get3A_271 = arith.index_cast %mul3A_252 : i32 to index
        %get3A_272 = tpu.vector_load %arg19[%get3A_270, %get3A_271] {strides = array<i32>} : memref<4x768xi32, #tpu.memory_space<vmem>>, vector<16xi32>,
        tpu.vector_store_idx %arg23[%min3A_260], %get3A_272 masked %lt3A_255 : memref<3024xi32, #tpu.memory_space<vmem>>[vector<16xi32>], vector<16xi32>, vector<16xi1>
      }
      %while3A_150 = arith.constant 1 : i32
      scf.for %while3A_250 = %while3A_148 to %while3A_144 step %while3A_150  : i32 {
        %mul3A_251 = arith.constant 16 : i32
        %mul3A_252 = arith.muli %while3A_250, %mul3A_251 : i32
        %add3A_253 = vector.broadcast %mul3A_252 : i32 to vector<16xi32>
        %add3A_254 = arith.addi %add3A_253, %iota3A : vector<16xi32>
        %lt3A = vector.broadcast %min3A : i32 to vector<16xi32>
        %lt3A_255 = arith.cmpi slt, %add3A_254, %lt3A : vector<16xi32>
        %add3A_256 = vector.broadcast %while3A_141 : i32 to vector<16xi32>
        %add3A_257 = arith.addi %add3A_256, %add3A_254 : vector<16xi32>
        %min3A_258 = arith.constant 3023 : i32
        %min3A_259 = vector.broadcast %min3A_258 : i32 to vector<16xi32>
        %min3A_260 = arith.minsi %add3A_257, %min3A_259 : vector<16xi32>
        %get3A_261 = arith.constant 0 : i32
        %get3A_262 = arith.index_cast %get3A_261 : i32 to index
        %get3A_263 = arith.index_cast %mul3A_252 : i32 to index
        %get3A_264 = tpu.vector_load %arg17[%get3A_262, %get3A_263] {strides = array<i32>} : memref<4x768xf32, #tpu.memory_space<vmem>>, vector<16xf32>,
        tpu.vector_store_idx %arg21[%min3A_260], %get3A_264 masked %lt3A_255 : memref<3024xf32, #tpu.memory_space<vmem>>[vector<16xi32>], vector<16xf32>, vector<16xi1>
        %get3A_265 = arith.constant 0 : i32
        %get3A_266 = arith.index_cast %get3A_265 : i32 to index
        %get3A_267 = arith.index_cast %mul3A_252 : i32 to index
        %get3A_268 = tpu.vector_load %arg18[%get3A_266, %get3A_267] {strides = array<i32>} : memref<4x768xi32, #tpu.memory_space<vmem>>, vector<16xi32>,
        tpu.vector_store_idx %arg22[%min3A_260], %get3A_268 masked %lt3A_255 : memref<3024xi32, #tpu.memory_space<vmem>>[vector<16xi32>], vector<16xi32>, vector<16xi1>
        %get3A_269 = arith.constant 0 : i32
        %get3A_270 = arith.index_cast %get3A_269 : i32 to index
        %get3A_271 = arith.index_cast %mul3A_252 : i32 to index
        %get3A_272 = tpu.vector_load %arg19[%get3A_270, %get3A_271] {strides = array<i32>} : memref<4x768xi32, #tpu.memory_space<vmem>>, vector<16xi32>,
        tpu.vector_store_idx %arg23[%min3A_260], %get3A_272 masked %lt3A_255 : memref<3024xi32, #tpu.memory_space<vmem>>[vector<16xi32>], vector<16xi32>, vector<16xi1>
      }
      %add3A_151 = arith.constant 0 : i32
      %add3A_152 = arith.addi %add3A_151, %min3A : i32
      %add3A_153 = arith.constant 15 : i32
      %add3A_154 = arith.addi %min3A_115, %add3A_153 : i32
      %div3A_155 = arith.constant 16 : i32
      %div3A_156 = arith.divsi %add3A_154, %div3A_155 : i32
      %while3A_157 = arith.constant 0 : i32
      %while3A_158 = arith.constant 0 : i32
      %while3A_159 = arith.subi %div3A_156, %while3A_158 : i32
      %while3A_160 = arith.addi %while3A_158, %while3A_159 : i32
      %while3A_161 = arith.constant 1 : i32
      %while3A_162 = arith.divsi %while3A_159, %while3A_161 : i32
      %while3A_163 = arith.muli %while3A_162, %while3A_161 : i32
      %while3A_164 = arith.addi %while3A_158, %while3A_163 : i32
      %while3A_165 = arith.constant 1 : i32
      scf.for %while3A_250 = %while3A_158 to %while3A_164 step %while3A_165  : i32 {
        %mul3A_251 = arith.constant 16 : i32
        %mul3A_252 = arith.muli %while3A_250, %mul3A_251 : i32
        %add3A_253 = vector.broadcast %mul3A_252 : i32 to vector<16xi32>
        %add3A_254 = arith.addi %add3A_253, %iota3A : vector<16xi32>
        %lt3A = vector.broadcast %min3A_115 : i32 to vector<16xi32>
        %lt3A_255 = arith.cmpi slt, %add3A_254, %lt3A : vector<16xi32>
        %add3A_256 = vector.broadcast %add3A_152 : i32 to vector<16xi32>
        %add3A_257 = arith.addi %add3A_256, %add3A_254 : vector<16xi32>
        %min3A_258 = arith.constant 3023 : i32
        %min3A_259 = vector.broadcast %min3A_258 : i32 to vector<16xi32>
        %min3A_260 = arith.minsi %add3A_257, %min3A_259 : vector<16xi32>
        %get3A_261 = arith.constant 1 : i32
        %get3A_262 = arith.index_cast %get3A_261 : i32 to index
        %get3A_263 = arith.index_cast %mul3A_252 : i32 to index
        %get3A_264 = tpu.vector_load %arg17[%get3A_262, %get3A_263] {strides = array<i32>} : memref<4x768xf32, #tpu.memory_space<vmem>>, vector<16xf32>,
        tpu.vector_store_idx %arg21[%min3A_260], %get3A_264 masked %lt3A_255 : memref<3024xf32, #tpu.memory_space<vmem>>[vector<16xi32>], vector<16xf32>, vector<16xi1>
        %get3A_265 = arith.constant 1 : i32
        %get3A_266 = arith.index_cast %get3A_265 : i32 to index
        %get3A_267 = arith.index_cast %mul3A_252 : i32 to index
        %get3A_268 = tpu.vector_load %arg18[%get3A_266, %get3A_267] {strides = array<i32>} : memref<4x768xi32, #tpu.memory_space<vmem>>, vector<16xi32>,
        tpu.vector_store_idx %arg22[%min3A_260], %get3A_268 masked %lt3A_255 : memref<3024xi32, #tpu.memory_space<vmem>>[vector<16xi32>], vector<16xi32>, vector<16xi1>
        %get3A_269 = arith.constant 1 : i32
        %get3A_270 = arith.index_cast %get3A_269 : i32 to index
        %get3A_271 = arith.index_cast %mul3A_252 : i32 to index
        %get3A_272 = tpu.vector_load %arg19[%get3A_270, %get3A_271] {strides = array<i32>} : memref<4x768xi32, #tpu.memory_space<vmem>>, vector<16xi32>,
        tpu.vector_store_idx %arg23[%min3A_260], %get3A_272 masked %lt3A_255 : memref<3024xi32, #tpu.memory_space<vmem>>[vector<16xi32>], vector<16xi32>, vector<16xi1>
      }
      %while3A_166 = arith.constant 1 : i32
      scf.for %while3A_250 = %while3A_164 to %while3A_160 step %while3A_166  : i32 {
        %mul3A_251 = arith.constant 16 : i32
        %mul3A_252 = arith.muli %while3A_250, %mul3A_251 : i32
        %add3A_253 = vector.broadcast %mul3A_252 : i32 to vector<16xi32>
        %add3A_254 = arith.addi %add3A_253, %iota3A : vector<16xi32>
        %lt3A = vector.broadcast %min3A_115 : i32 to vector<16xi32>
        %lt3A_255 = arith.cmpi slt, %add3A_254, %lt3A : vector<16xi32>
        %add3A_256 = vector.broadcast %add3A_152 : i32 to vector<16xi32>
        %add3A_257 = arith.addi %add3A_256, %add3A_254 : vector<16xi32>
        %min3A_258 = arith.constant 3023 : i32
        %min3A_259 = vector.broadcast %min3A_258 : i32 to vector<16xi32>
        %min3A_260 = arith.minsi %add3A_257, %min3A_259 : vector<16xi32>
        %get3A_261 = arith.constant 1 : i32
        %get3A_262 = arith.index_cast %get3A_261 : i32 to index
        %get3A_263 = arith.index_cast %mul3A_252 : i32 to index
        %get3A_264 = tpu.vector_load %arg17[%get3A_262, %get3A_263] {strides = array<i32>} : memref<4x768xf32, #tpu.memory_space<vmem>>, vector<16xf32>,
        tpu.vector_store_idx %arg21[%min3A_260], %get3A_264 masked %lt3A_255 : memref<3024xf32, #tpu.memory_space<vmem>>[vector<16xi32>], vector<16xf32>, vector<16xi1>
        %get3A_265 = arith.constant 1 : i32
        %get3A_266 = arith.index_cast %get3A_265 : i32 to index
        %get3A_267 = arith.index_cast %mul3A_252 : i32 to index
        %get3A_268 = tpu.vector_load %arg18[%get3A_266, %get3A_267] {strides = array<i32>} : memref<4x768xi32, #tpu.memory_space<vmem>>, vector<16xi32>,
        tpu.vector_store_idx %arg22[%min3A_260], %get3A_268 masked %lt3A_255 : memref<3024xi32, #tpu.memory_space<vmem>>[vector<16xi32>], vector<16xi32>, vector<16xi1>
        %get3A_269 = arith.constant 1 : i32
        %get3A_270 = arith.index_cast %get3A_269 : i32 to index
        %get3A_271 = arith.index_cast %mul3A_252 : i32 to index
        %get3A_272 = tpu.vector_load %arg19[%get3A_270, %get3A_271] {strides = array<i32>} : memref<4x768xi32, #tpu.memory_space<vmem>>, vector<16xi32>,
        tpu.vector_store_idx %arg23[%min3A_260], %get3A_272 masked %lt3A_255 : memref<3024xi32, #tpu.memory_space<vmem>>[vector<16xi32>], vector<16xi32>, vector<16xi1>
      }
      %add3A_167 = arith.addi %add3A_152, %min3A_115 : i32
      %add3A_168 = arith.constant 15 : i32
      %add3A_169 = arith.addi %min3A_125, %add3A_168 : i32
      %div3A_170 = arith.constant 16 : i32
      %div3A_171 = arith.divsi %add3A_169, %div3A_170 : i32
      %while3A_172 = arith.constant 0 : i32
      %while3A_173 = arith.constant 0 : i32
      %while3A_174 = arith.subi %div3A_171, %while3A_173 : i32
      %while3A_175 = arith.addi %while3A_173, %while3A_174 : i32
      %while3A_176 = arith.constant 1 : i32
      %while3A_177 = arith.divsi %while3A_174, %while3A_176 : i32
      %while3A_178 = arith.muli %while3A_177, %while3A_176 : i32
      %while3A_179 = arith.addi %while3A_173, %while3A_178 : i32
      %while3A_180 = arith.constant 1 : i32
      scf.for %while3A_250 = %while3A_173 to %while3A_179 step %while3A_180  : i32 {
        %mul3A_251 = arith.constant 16 : i32
        %mul3A_252 = arith.muli %while3A_250, %mul3A_251 : i32
        %add3A_253 = vector.broadcast %mul3A_252 : i32 to vector<16xi32>
        %add3A_254 = arith.addi %add3A_253, %iota3A : vector<16xi32>
        %lt3A = vector.broadcast %min3A_125 : i32 to vector<16xi32>
        %lt3A_255 = arith.cmpi slt, %add3A_254, %lt3A : vector<16xi32>
        %add3A_256 = vector.broadcast %add3A_167 : i32 to vector<16xi32>
        %add3A_257 = arith.addi %add3A_256, %add3A_254 : vector<16xi32>
        %min3A_258 = arith.constant 3023 : i32
        %min3A_259 = vector.broadcast %min3A_258 : i32 to vector<16xi32>
        %min3A_260 = arith.minsi %add3A_257, %min3A_259 : vector<16xi32>
        %get3A_261 = arith.constant 2 : i32
        %get3A_262 = arith.index_cast %get3A_261 : i32 to index
        %get3A_263 = arith.index_cast %mul3A_252 : i32 to index
        %get3A_264 = tpu.vector_load %arg17[%get3A_262, %get3A_263] {strides = array<i32>} : memref<4x768xf32, #tpu.memory_space<vmem>>, vector<16xf32>,
        tpu.vector_store_idx %arg21[%min3A_260], %get3A_264 masked %lt3A_255 : memref<3024xf32, #tpu.memory_space<vmem>>[vector<16xi32>], vector<16xf32>, vector<16xi1>
        %get3A_265 = arith.constant 2 : i32
        %get3A_266 = arith.index_cast %get3A_265 : i32 to index
        %get3A_267 = arith.index_cast %mul3A_252 : i32 to index
        %get3A_268 = tpu.vector_load %arg18[%get3A_266, %get3A_267] {strides = array<i32>} : memref<4x768xi32, #tpu.memory_space<vmem>>, vector<16xi32>,
        tpu.vector_store_idx %arg22[%min3A_260], %get3A_268 masked %lt3A_255 : memref<3024xi32, #tpu.memory_space<vmem>>[vector<16xi32>], vector<16xi32>, vector<16xi1>
        %get3A_269 = arith.constant 2 : i32
        %get3A_270 = arith.index_cast %get3A_269 : i32 to index
        %get3A_271 = arith.index_cast %mul3A_252 : i32 to index
        %get3A_272 = tpu.vector_load %arg19[%get3A_270, %get3A_271] {strides = array<i32>} : memref<4x768xi32, #tpu.memory_space<vmem>>, vector<16xi32>,
        tpu.vector_store_idx %arg23[%min3A_260], %get3A_272 masked %lt3A_255 : memref<3024xi32, #tpu.memory_space<vmem>>[vector<16xi32>], vector<16xi32>, vector<16xi1>
      }
      %while3A_181 = arith.constant 1 : i32
      scf.for %while3A_250 = %while3A_179 to %while3A_175 step %while3A_181  : i32 {
        %mul3A_251 = arith.constant 16 : i32
        %mul3A_252 = arith.muli %while3A_250, %mul3A_251 : i32
        %add3A_253 = vector.broadcast %mul3A_252 : i32 to vector<16xi32>
        %add3A_254 = arith.addi %add3A_253, %iota3A : vector<16xi32>
        %lt3A = vector.broadcast %min3A_125 : i32 to vector<16xi32>
        %lt3A_255 = arith.cmpi slt, %add3A_254, %lt3A : vector<16xi32>
        %add3A_256 = vector.broadcast %add3A_167 : i32 to vector<16xi32>
        %add3A_257 = arith.addi %add3A_256, %add3A_254 : vector<16xi32>
        %min3A_258 = arith.constant 3023 : i32
        %min3A_259 = vector.broadcast %min3A_258 : i32 to vector<16xi32>
        %min3A_260 = arith.minsi %add3A_257, %min3A_259 : vector<16xi32>
        %get3A_261 = arith.constant 2 : i32
        %get3A_262 = arith.index_cast %get3A_261 : i32 to index
        %get3A_263 = arith.index_cast %mul3A_252 : i32 to index
        %get3A_264 = tpu.vector_load %arg17[%get3A_262, %get3A_263] {strides = array<i32>} : memref<4x768xf32, #tpu.memory_space<vmem>>, vector<16xf32>,
        tpu.vector_store_idx %arg21[%min3A_260], %get3A_264 masked %lt3A_255 : memref<3024xf32, #tpu.memory_space<vmem>>[vector<16xi32>], vector<16xf32>, vector<16xi1>
        %get3A_265 = arith.constant 2 : i32
        %get3A_266 = arith.index_cast %get3A_265 : i32 to index
        %get3A_267 = arith.index_cast %mul3A_252 : i32 to index
        %get3A_268 = tpu.vector_load %arg18[%get3A_266, %get3A_267] {strides = array<i32>} : memref<4x768xi32, #tpu.memory_space<vmem>>, vector<16xi32>,
        tpu.vector_store_idx %arg22[%min3A_260], %get3A_268 masked %lt3A_255 : memref<3024xi32, #tpu.memory_space<vmem>>[vector<16xi32>], vector<16xi32>, vector<16xi1>
        %get3A_269 = arith.constant 2 : i32
        %get3A_270 = arith.index_cast %get3A_269 : i32 to index
        %get3A_271 = arith.index_cast %mul3A_252 : i32 to index
        %get3A_272 = tpu.vector_load %arg19[%get3A_270, %get3A_271] {strides = array<i32>} : memref<4x768xi32, #tpu.memory_space<vmem>>, vector<16xi32>,
        tpu.vector_store_idx %arg23[%min3A_260], %get3A_272 masked %lt3A_255 : memref<3024xi32, #tpu.memory_space<vmem>>[vector<16xi32>], vector<16xi32>, vector<16xi1>
      }
      %add3A_182 = arith.addi %add3A_167, %min3A_125 : i32
      %add3A_183 = arith.constant 15 : i32
      %add3A_184 = arith.addi %min3A_135, %add3A_183 : i32
      %div3A_185 = arith.constant 16 : i32
      %div3A_186 = arith.divsi %add3A_184, %div3A_185 : i32
      %while3A_187 = arith.constant 0 : i32
      %while3A_188 = arith.constant 0 : i32
      %while3A_189 = arith.subi %div3A_186, %while3A_188 : i32
      %while3A_190 = arith.addi %while3A_188, %while3A_189 : i32
      %while3A_191 = arith.constant 1 : i32
      %while3A_192 = arith.divsi %while3A_189, %while3A_191 : i32
      %while3A_193 = arith.muli %while3A_192, %while3A_191 : i32
      %while3A_194 = arith.addi %while3A_188, %while3A_193 : i32
      %while3A_195 = arith.constant 1 : i32
      scf.for %while3A_250 = %while3A_188 to %while3A_194 step %while3A_195  : i32 {
        %mul3A_251 = arith.constant 16 : i32
        %mul3A_252 = arith.muli %while3A_250, %mul3A_251 : i32
        %add3A_253 = vector.broadcast %mul3A_252 : i32 to vector<16xi32>
        %add3A_254 = arith.addi %add3A_253, %iota3A : vector<16xi32>
        %lt3A = vector.broadcast %min3A_135 : i32 to vector<16xi32>
        %lt3A_255 = arith.cmpi slt, %add3A_254, %lt3A : vector<16xi32>
        %add3A_256 = vector.broadcast %add3A_182 : i32 to vector<16xi32>
        %add3A_257 = arith.addi %add3A_256, %add3A_254 : vector<16xi32>
        %min3A_258 = arith.constant 3023 : i32
        %min3A_259 = vector.broadcast %min3A_258 : i32 to vector<16xi32>
        %min3A_260 = arith.minsi %add3A_257, %min3A_259 : vector<16xi32>
        %get3A_261 = arith.constant 3 : i32
        %get3A_262 = arith.index_cast %get3A_261 : i32 to index
        %get3A_263 = arith.index_cast %mul3A_252 : i32 to index
        %get3A_264 = tpu.vector_load %arg17[%get3A_262, %get3A_263] {strides = array<i32>} : memref<4x768xf32, #tpu.memory_space<vmem>>, vector<16xf32>,
        tpu.vector_store_idx %arg21[%min3A_260], %get3A_264 masked %lt3A_255 : memref<3024xf32, #tpu.memory_space<vmem>>[vector<16xi32>], vector<16xf32>, vector<16xi1>
        %get3A_265 = arith.constant 3 : i32
        %get3A_266 = arith.index_cast %get3A_265 : i32 to index
        %get3A_267 = arith.index_cast %mul3A_252 : i32 to index
        %get3A_268 = tpu.vector_load %arg18[%get3A_266, %get3A_267] {strides = array<i32>} : memref<4x768xi32, #tpu.memory_space<vmem>>, vector<16xi32>,
        tpu.vector_store_idx %arg22[%min3A_260], %get3A_268 masked %lt3A_255 : memref<3024xi32, #tpu.memory_space<vmem>>[vector<16xi32>], vector<16xi32>, vector<16xi1>
        %get3A_269 = arith.constant 3 : i32
        %get3A_270 = arith.index_cast %get3A_269 : i32 to index
        %get3A_271 = arith.index_cast %mul3A_252 : i32 to index
        %get3A_272 = tpu.vector_load %arg19[%get3A_270, %get3A_271] {strides = array<i32>} : memref<4x768xi32, #tpu.memory_space<vmem>>, vector<16xi32>,
        tpu.vector_store_idx %arg23[%min3A_260], %get3A_272 masked %lt3A_255 : memref<3024xi32, #tpu.memory_space<vmem>>[vector<16xi32>], vector<16xi32>, vector<16xi1>
      }
      %while3A_196 = arith.constant 1 : i32
      scf.for %while3A_250 = %while3A_194 to %while3A_190 step %while3A_196  : i32 {
        %mul3A_251 = arith.constant 16 : i32
        %mul3A_252 = arith.muli %while3A_250, %mul3A_251 : i32
        %add3A_253 = vector.broadcast %mul3A_252 : i32 to vector<16xi32>
        %add3A_254 = arith.addi %add3A_253, %iota3A : vector<16xi32>
        %lt3A = vector.broadcast %min3A_135 : i32 to vector<16xi32>
        %lt3A_255 = arith.cmpi slt, %add3A_254, %lt3A : vector<16xi32>
        %add3A_256 = vector.broadcast %add3A_182 : i32 to vector<16xi32>
        %add3A_257 = arith.addi %add3A_256, %add3A_254 : vector<16xi32>
        %min3A_258 = arith.constant 3023 : i32
        %min3A_259 = vector.broadcast %min3A_258 : i32 to vector<16xi32>
        %min3A_260 = arith.minsi %add3A_257, %min3A_259 : vector<16xi32>
        %get3A_261 = arith.constant 3 : i32
        %get3A_262 = arith.index_cast %get3A_261 : i32 to index
        %get3A_263 = arith.index_cast %mul3A_252 : i32 to index
        %get3A_264 = tpu.vector_load %arg17[%get3A_262, %get3A_263] {strides = array<i32>} : memref<4x768xf32, #tpu.memory_space<vmem>>, vector<16xf32>,
        tpu.vector_store_idx %arg21[%min3A_260], %get3A_264 masked %lt3A_255 : memref<3024xf32, #tpu.memory_space<vmem>>[vector<16xi32>], vector<16xf32>, vector<16xi1>
        %get3A_265 = arith.constant 3 : i32
        %get3A_266 = arith.index_cast %get3A_265 : i32 to index
        %get3A_267 = arith.index_cast %mul3A_252 : i32 to index
        %get3A_268 = tpu.vector_load %arg18[%get3A_266, %get3A_267] {strides = array<i32>} : memref<4x768xi32, #tpu.memory_space<vmem>>, vector<16xi32>,
        tpu.vector_store_idx %arg22[%min3A_260], %get3A_268 masked %lt3A_255 : memref<3024xi32, #tpu.memory_space<vmem>>[vector<16xi32>], vector<16xi32>, vector<16xi1>
        %get3A_269 = arith.constant 3 : i32
        %get3A_270 = arith.index_cast %get3A_269 : i32 to index
        %get3A_271 = arith.index_cast %mul3A_252 : i32 to index
        %get3A_272 = tpu.vector_load %arg19[%get3A_270, %get3A_271] {strides = array<i32>} : memref<4x768xi32, #tpu.memory_space<vmem>>, vector<16xi32>,
        tpu.vector_store_idx %arg23[%min3A_260], %get3A_272 masked %lt3A_255 : memref<3024xi32, #tpu.memory_space<vmem>>[vector<16xi32>], vector<16xi32>, vector<16xi1>
      }
      %add3A_197 = arith.addi %add3A_182, %min3A_135 : i32
      %add3A_198 = arith.constant 15 : i32
      %add3A_199 = arith.addi %add3A_197, %add3A_198 : i32
      %div3A_200 = arith.constant 16 : i32
      %div3A_201 = arith.divsi %add3A_199, %div3A_200 : i32
      %while3A_202 = arith.constant 0 : i32
      %while3A_203 = arith.constant 0 : i32
      %while3A_204 = arith.subi %div3A_201, %while3A_203 : i32
      %while3A_205 = arith.addi %while3A_203, %while3A_204 : i32
      %while3A_206 = arith.constant 1 : i32
      %while3A_207 = arith.divsi %while3A_204, %while3A_206 : i32
      %while3A_208 = arith.muli %while3A_207, %while3A_206 : i32
      %while3A_209 = arith.addi %while3A_203, %while3A_208 : i32
      %while3A_210 = arith.constant 1 : i32
      scf.for %while3A_250 = %while3A_203 to %while3A_209 step %while3A_210  : i32 {
        %mul3A_251 = arith.constant 16 : i32
        %mul3A_252 = arith.muli %while3A_250, %mul3A_251 : i32
        %get3A_253 = arith.index_cast %mul3A_252 : i32 to index
        %get3A_254 = tpu.vector_load %arg21[%get3A_253] {strides = array<i32>} : memref<3024xf32, #tpu.memory_space<vmem>>, vector<16xf32>,
        %add3A_255 = vector.broadcast %mul3A_252 : i32 to vector<16xi32>
        %add3A_256 = arith.addi %add3A_255, %iota3A : vector<16xi32>
        %while3A_257 = arith.constant 0 : i32
        %while3A_258 = arith.subi %add3A_197, %while3A_257 : i32
        %while3A_259 = arith.addi %while3A_257, %while3A_258 : i32
        %while3A_260 = arith.constant 1 : i32
        %while3A_261 = arith.divsi %while3A_258, %while3A_260 : i32
        %while3A_262 = arith.muli %while3A_261, %while3A_260 : i32
        %while3A_263 = arith.addi %while3A_257, %while3A_262 : i32
        %while3A_264 = arith.constant 1 : i32
        %while3A_265 = scf.for %while3A_279 = %while3A_257 to %while3A_263 step %while3A_264 iter_args(%while3A_280 = %broadcast_in_dim3A_5) -> (vector<16xi32>)  : i32 {
          %broadcast_in_dim3A_281 = vector.broadcast %while3A_279 : i32 to vector<16xi32>
          %gather3A = tpu.vector_load_idx %arg21[%broadcast_in_dim3A_281] : memref<3024xf32, #tpu.memory_space<vmem>>[vector<16xi32>], vector<16xf32>,
          %gt3A = arith.cmpf ogt, %gather3A, %get3A_254 : vector<16xf32>
          %eq3A_282 = arith.cmpf oeq, %gather3A, %get3A_254 : vector<16xf32>
          %lt3A_283 = vector.broadcast %while3A_279 : i32 to vector<16xi32>
          %lt3A_284 = arith.cmpi slt, %lt3A_283, %add3A_256 : vector<16xi32>
          %and3A_285 = arith.andi %eq3A_282, %lt3A_284 : vector<16xi1>
          %or3A = arith.ori %gt3A, %and3A_285 : vector<16xi1>
          %jit3A_286 = arith.constant 1 : i32
          %broadcast_in_dim3A_287 = vector.broadcast %jit3A_286 : i32 to vector<16xi32>
          %select_n3A = arith.select %or3A, %broadcast_in_dim3A_287, %broadcast_in_dim3A_5 : vector<16xi1>, vector<16xi32>
          %add3A_288 = arith.addi %while3A_280, %select_n3A : vector<16xi32>
          scf.yield %add3A_288 : vector<16xi32>
        }
        %while3A_266 = arith.constant 1 : i32
        %while3A_267 = scf.for %while3A_279 = %while3A_263 to %while3A_259 step %while3A_266 iter_args(%while3A_280 = %while3A_265) -> (vector<16xi32>)  : i32 {
          %broadcast_in_dim3A_281 = vector.broadcast %while3A_279 : i32 to vector<16xi32>
          %gather3A = tpu.vector_load_idx %arg21[%broadcast_in_dim3A_281] : memref<3024xf32, #tpu.memory_space<vmem>>[vector<16xi32>], vector<16xf32>,
          %gt3A = arith.cmpf ogt, %gather3A, %get3A_254 : vector<16xf32>
          %eq3A_282 = arith.cmpf oeq, %gather3A, %get3A_254 : vector<16xf32>
          %lt3A_283 = vector.broadcast %while3A_279 : i32 to vector<16xi32>
          %lt3A_284 = arith.cmpi slt, %lt3A_283, %add3A_256 : vector<16xi32>
          %and3A_285 = arith.andi %eq3A_282, %lt3A_284 : vector<16xi1>
          %or3A = arith.ori %gt3A, %and3A_285 : vector<16xi1>
          %jit3A_286 = arith.constant 1 : i32
          %broadcast_in_dim3A_287 = vector.broadcast %jit3A_286 : i32 to vector<16xi32>
          %select_n3A = arith.select %or3A, %broadcast_in_dim3A_287, %broadcast_in_dim3A_5 : vector<16xi1>, vector<16xi32>
          %add3A_288 = arith.addi %while3A_280, %select_n3A : vector<16xi32>
          scf.yield %add3A_288 : vector<16xi32>
        }
        %lt3A = vector.broadcast %add3A_197 : i32 to vector<16xi32>
        %lt3A_268 = arith.cmpi slt, %add3A_256, %lt3A : vector<16xi32>
        %lt3A_269 = arith.constant 600 : i32
        %lt3A_270 = vector.broadcast %lt3A_269 : i32 to vector<16xi32>
        %lt3A_271 = arith.cmpi slt, %while3A_267, %lt3A_270 : vector<16xi32>
        %and3A = arith.andi %lt3A_268, %lt3A_271 : vector<16xi1>
        %min3A_272 = arith.constant 607 : i32
        %min3A_273 = vector.broadcast %min3A_272 : i32 to vector<16xi32>
        %min3A_274 = arith.minsi %while3A_267, %min3A_273 : vector<16xi32>
        tpu.vector_store_idx %arg24[%min3A_274], %get3A_254 masked %and3A : memref<608xf32, #tpu.memory_space<vmem>>[vector<16xi32>], vector<16xf32>, vector<16xi1>
        %get3A_275 = arith.index_cast %mul3A_252 : i32 to index
        %get3A_276 = tpu.vector_load %arg22[%get3A_275] {strides = array<i32>} : memref<3024xi32, #tpu.memory_space<vmem>>, vector<16xi32>,
        tpu.vector_store_idx %arg25[%min3A_274], %get3A_276 masked %and3A : memref<608xi32, #tpu.memory_space<vmem>>[vector<16xi32>], vector<16xi32>, vector<16xi1>
        %get3A_277 = arith.index_cast %mul3A_252 : i32 to index
        %get3A_278 = tpu.vector_load %arg23[%get3A_277] {strides = array<i32>} : memref<3024xi32, #tpu.memory_space<vmem>>, vector<16xi32>,
        tpu.vector_store_idx %arg26[%min3A_274], %get3A_278 masked %and3A : memref<608xi32, #tpu.memory_space<vmem>>[vector<16xi32>], vector<16xi32>, vector<16xi1>
      }
      %while3A_211 = arith.constant 1 : i32
      scf.for %while3A_250 = %while3A_209 to %while3A_205 step %while3A_211  : i32 {
        %mul3A_251 = arith.constant 16 : i32
        %mul3A_252 = arith.muli %while3A_250, %mul3A_251 : i32
        %get3A_253 = arith.index_cast %mul3A_252 : i32 to index
        %get3A_254 = tpu.vector_load %arg21[%get3A_253] {strides = array<i32>} : memref<3024xf32, #tpu.memory_space<vmem>>, vector<16xf32>,
        %add3A_255 = vector.broadcast %mul3A_252 : i32 to vector<16xi32>
        %add3A_256 = arith.addi %add3A_255, %iota3A : vector<16xi32>
        %while3A_257 = arith.constant 0 : i32
        %while3A_258 = arith.subi %add3A_197, %while3A_257 : i32
        %while3A_259 = arith.addi %while3A_257, %while3A_258 : i32
        %while3A_260 = arith.constant 1 : i32
        %while3A_261 = arith.divsi %while3A_258, %while3A_260 : i32
        %while3A_262 = arith.muli %while3A_261, %while3A_260 : i32
        %while3A_263 = arith.addi %while3A_257, %while3A_262 : i32
        %while3A_264 = arith.constant 1 : i32
        %while3A_265 = scf.for %while3A_279 = %while3A_257 to %while3A_263 step %while3A_264 iter_args(%while3A_280 = %broadcast_in_dim3A_5) -> (vector<16xi32>)  : i32 {
          %broadcast_in_dim3A_281 = vector.broadcast %while3A_279 : i32 to vector<16xi32>
          %gather3A = tpu.vector_load_idx %arg21[%broadcast_in_dim3A_281] : memref<3024xf32, #tpu.memory_space<vmem>>[vector<16xi32>], vector<16xf32>,
          %gt3A = arith.cmpf ogt, %gather3A, %get3A_254 : vector<16xf32>
          %eq3A_282 = arith.cmpf oeq, %gather3A, %get3A_254 : vector<16xf32>
          %lt3A_283 = vector.broadcast %while3A_279 : i32 to vector<16xi32>
          %lt3A_284 = arith.cmpi slt, %lt3A_283, %add3A_256 : vector<16xi32>
          %and3A_285 = arith.andi %eq3A_282, %lt3A_284 : vector<16xi1>
          %or3A = arith.ori %gt3A, %and3A_285 : vector<16xi1>
          %jit3A_286 = arith.constant 1 : i32
          %broadcast_in_dim3A_287 = vector.broadcast %jit3A_286 : i32 to vector<16xi32>
          %select_n3A = arith.select %or3A, %broadcast_in_dim3A_287, %broadcast_in_dim3A_5 : vector<16xi1>, vector<16xi32>
          %add3A_288 = arith.addi %while3A_280, %select_n3A : vector<16xi32>
          scf.yield %add3A_288 : vector<16xi32>
        }
        %while3A_266 = arith.constant 1 : i32
        %while3A_267 = scf.for %while3A_279 = %while3A_263 to %while3A_259 step %while3A_266 iter_args(%while3A_280 = %while3A_265) -> (vector<16xi32>)  : i32 {
          %broadcast_in_dim3A_281 = vector.broadcast %while3A_279 : i32 to vector<16xi32>
          %gather3A = tpu.vector_load_idx %arg21[%broadcast_in_dim3A_281] : memref<3024xf32, #tpu.memory_space<vmem>>[vector<16xi32>], vector<16xf32>,
          %gt3A = arith.cmpf ogt, %gather3A, %get3A_254 : vector<16xf32>
          %eq3A_282 = arith.cmpf oeq, %gather3A, %get3A_254 : vector<16xf32>
          %lt3A_283 = vector.broadcast %while3A_279 : i32 to vector<16xi32>
          %lt3A_284 = arith.cmpi slt, %lt3A_283, %add3A_256 : vector<16xi32>
          %and3A_285 = arith.andi %eq3A_282, %lt3A_284 : vector<16xi1>
          %or3A = arith.ori %gt3A, %and3A_285 : vector<16xi1>
          %jit3A_286 = arith.constant 1 : i32
          %broadcast_in_dim3A_287 = vector.broadcast %jit3A_286 : i32 to vector<16xi32>
          %select_n3A = arith.select %or3A, %broadcast_in_dim3A_287, %broadcast_in_dim3A_5 : vector<16xi1>, vector<16xi32>
          %add3A_288 = arith.addi %while3A_280, %select_n3A : vector<16xi32>
          scf.yield %add3A_288 : vector<16xi32>
        }
        %lt3A = vector.broadcast %add3A_197 : i32 to vector<16xi32>
        %lt3A_268 = arith.cmpi slt, %add3A_256, %lt3A : vector<16xi32>
        %lt3A_269 = arith.constant 600 : i32
        %lt3A_270 = vector.broadcast %lt3A_269 : i32 to vector<16xi32>
        %lt3A_271 = arith.cmpi slt, %while3A_267, %lt3A_270 : vector<16xi32>
        %and3A = arith.andi %lt3A_268, %lt3A_271 : vector<16xi1>
        %min3A_272 = arith.constant 607 : i32
        %min3A_273 = vector.broadcast %min3A_272 : i32 to vector<16xi32>
        %min3A_274 = arith.minsi %while3A_267, %min3A_273 : vector<16xi32>
        tpu.vector_store_idx %arg24[%min3A_274], %get3A_254 masked %and3A : memref<608xf32, #tpu.memory_space<vmem>>[vector<16xi32>], vector<16xf32>, vector<16xi1>
        %get3A_275 = arith.index_cast %mul3A_252 : i32 to index
        %get3A_276 = tpu.vector_load %arg22[%get3A_275] {strides = array<i32>} : memref<3024xi32, #tpu.memory_space<vmem>>, vector<16xi32>,
        tpu.vector_store_idx %arg25[%min3A_274], %get3A_276 masked %and3A : memref<608xi32, #tpu.memory_space<vmem>>[vector<16xi32>], vector<16xi32>, vector<16xi1>
        %get3A_277 = arith.index_cast %mul3A_252 : i32 to index
        %get3A_278 = tpu.vector_load %arg23[%get3A_277] {strides = array<i32>} : memref<3024xi32, #tpu.memory_space<vmem>>, vector<16xi32>,
        tpu.vector_store_idx %arg26[%min3A_274], %get3A_278 masked %and3A : memref<608xi32, #tpu.memory_space<vmem>>[vector<16xi32>], vector<16xi32>, vector<16xi1>
      }
      %min3A_212 = arith.constant 600 : i32
      %min3A_213 = arith.minsi %add3A_197, %min3A_212 : i32
      %add3A_214 = arith.constant 15 : i32
      %add3A_215 = arith.addi %min3A_213, %add3A_214 : i32
      %div3A_216 = arith.constant 16 : i32
      %div3A_217 = arith.divsi %add3A_215, %div3A_216 : i32
      %while3A_218 = arith.constant 0 : i32
      %while3A_219 = arith.constant 0 : i32
      %while3A_220 = arith.subi %div3A_217, %while3A_219 : i32
      %while3A_221 = arith.addi %while3A_219, %while3A_220 : i32
      %while3A_222 = arith.constant 1 : i32
      %while3A_223 = arith.divsi %while3A_220, %while3A_222 : i32
      %while3A_224 = arith.muli %while3A_223, %while3A_222 : i32
      %while3A_225 = arith.addi %while3A_219, %while3A_224 : i32
      %while3A_226 = arith.constant 1 : i32
      scf.for %while3A_250 = %while3A_219 to %while3A_225 step %while3A_226  : i32 {
        %mul3A_251 = arith.constant 16 : i32
        %mul3A_252 = arith.muli %while3A_250, %mul3A_251 : i32
        %get3A_253 = arith.index_cast %mul3A_252 : i32 to index
        %get3A_254 = tpu.vector_load %arg25[%get3A_253] {strides = array<i32>} : memref<608xi32, #tpu.memory_space<vmem>>, vector<16xi32>,
        %mul3A_255 = arith.constant 4 : i32
        %mul3A_256 = vector.broadcast %mul3A_255 : i32 to vector<16xi32>
        %mul3A_257 = arith.muli %get3A_254, %mul3A_256 : vector<16xi32>
        %broadcast_in_dim3A_258 = arith.constant 1 : i32
        %broadcast_in_dim3A_259 = vector.broadcast %broadcast_in_dim3A_258 : i32 to vector<16xi32>
        %broadcast_in_dim3A_260 = arith.constant 2 : i32
        %broadcast_in_dim3A_261 = vector.broadcast %broadcast_in_dim3A_260 : i32 to vector<16xi32>
        %broadcast_in_dim3A_262 = arith.constant 3 : i32
        %broadcast_in_dim3A_263 = vector.broadcast %broadcast_in_dim3A_262 : i32 to vector<16xi32>
        %gather3A = tpu.vector_load_idx %arg8[%broadcast_in_dim3A_5, %get3A_254] : memref<4x3008xf32, #tpu.memory_space<vmem>>[vector<16xi32>, vector<16xi32>], vector<16xf32>,
        %gather3A_264 = tpu.vector_load_idx %arg8[%broadcast_in_dim3A_259, %get3A_254] : memref<4x3008xf32, #tpu.memory_space<vmem>>[vector<16xi32>, vector<16xi32>], vector<16xf32>,
        %gather3A_265 = tpu.vector_load_idx %arg8[%broadcast_in_dim3A_261, %get3A_254] : memref<4x3008xf32, #tpu.memory_space<vmem>>[vector<16xi32>, vector<16xi32>], vector<16xf32>,
        %gather3A_266 = tpu.vector_load_idx %arg8[%broadcast_in_dim3A_263, %get3A_254] : memref<4x3008xf32, #tpu.memory_space<vmem>>[vector<16xi32>, vector<16xi32>], vector<16xf32>,
        %gather3A_267 = tpu.vector_load_idx %arg7[%mul3A_257] : memref<12000xf32, #tpu.memory_space<vmem>>[vector<16xi32>], vector<16xf32>,
        %add3A_268 = arith.constant 1 : i32
        %add3A_269 = vector.broadcast %add3A_268 : i32 to vector<16xi32>
        %add3A_270 = arith.addi %mul3A_257, %add3A_269 : vector<16xi32>
        %gather3A_271 = tpu.vector_load_idx %arg7[%add3A_270] : memref<12000xf32, #tpu.memory_space<vmem>>[vector<16xi32>], vector<16xf32>,
        %add3A_272 = arith.constant 2 : i32
        %add3A_273 = vector.broadcast %add3A_272 : i32 to vector<16xi32>
        %add3A_274 = arith.addi %mul3A_257, %add3A_273 : vector<16xi32>
        %gather3A_275 = tpu.vector_load_idx %arg7[%add3A_274] : memref<12000xf32, #tpu.memory_space<vmem>>[vector<16xi32>], vector<16xf32>,
        %add3A_276 = arith.constant 3 : i32
        %add3A_277 = vector.broadcast %add3A_276 : i32 to vector<16xi32>
        %add3A_278 = arith.addi %mul3A_257, %add3A_277 : vector<16xi32>
        %gather3A_279 = tpu.vector_load_idx %arg7[%add3A_278] : memref<12000xf32, #tpu.memory_space<vmem>>[vector<16xi32>], vector<16xf32>,
        %mul3A_280 = arith.constant 1.000000e-01 : f32
        %mul3A_281 = vector.broadcast %mul3A_280 : f32 to vector<16xf32>
        %mul3A_282 = arith.mulf %gather3A_267, %mul3A_281 : vector<16xf32>
        %mul3A_283 = arith.mulf %mul3A_282, %gather3A_265 : vector<16xf32>
        %add3A_284 = arith.addf %gather3A, %mul3A_283 : vector<16xf32>
        %mul3A_285 = arith.constant 1.000000e-01 : f32
        %mul3A_286 = vector.broadcast %mul3A_285 : f32 to vector<16xf32>
        %mul3A_287 = arith.mulf %gather3A_271, %mul3A_286 : vector<16xf32>
        %mul3A_288 = arith.mulf %mul3A_287, %gather3A_266 : vector<16xf32>
        %add3A_289 = arith.addf %gather3A_264, %mul3A_288 : vector<16xf32>
        %mul3A_290 = arith.constant 2.000000e-01 : f32
        %mul3A_291 = vector.broadcast %mul3A_290 : f32 to vector<16xf32>
        %mul3A_292 = arith.mulf %gather3A_275, %mul3A_291 : vector<16xf32>
        %exp3A = math.exp %mul3A_292 : vector<16xf32>
        %mul3A_293 = arith.mulf %gather3A_265, %exp3A : vector<16xf32>
        %mul3A_294 = arith.constant 2.000000e-01 : f32
        %mul3A_295 = vector.broadcast %mul3A_294 : f32 to vector<16xf32>
        %mul3A_296 = arith.mulf %gather3A_279, %mul3A_295 : vector<16xf32>
        %exp3A_297 = math.exp %mul3A_296 : vector<16xf32>
        %mul3A_298 = arith.mulf %gather3A_266, %exp3A_297 : vector<16xf32>
        %mul3A_299 = arith.constant 5.000000e-01 : f32
        %mul3A_300 = vector.broadcast %mul3A_299 : f32 to vector<16xf32>
        %mul3A_301 = arith.mulf %mul3A_293, %mul3A_300 : vector<16xf32>
        %sub3A = arith.subf %add3A_284, %mul3A_301 : vector<16xf32>
        %mul3A_302 = arith.constant 5.000000e-01 : f32
        %mul3A_303 = vector.broadcast %mul3A_302 : f32 to vector<16xf32>
        %mul3A_304 = arith.mulf %mul3A_298, %mul3A_303 : vector<16xf32>
        %sub3A_305 = arith.subf %add3A_289, %mul3A_304 : vector<16xf32>
        %mul3A_306 = arith.constant 5.000000e-01 : f32
        %mul3A_307 = vector.broadcast %mul3A_306 : f32 to vector<16xf32>
        %mul3A_308 = arith.mulf %mul3A_293, %mul3A_307 : vector<16xf32>
        %add3A_309 = arith.addf %add3A_284, %mul3A_308 : vector<16xf32>
        %mul3A_310 = arith.constant 5.000000e-01 : f32
        %mul3A_311 = vector.broadcast %mul3A_310 : f32 to vector<16xf32>
        %mul3A_312 = arith.mulf %mul3A_298, %mul3A_311 : vector<16xf32>
        %add3A_313 = arith.addf %add3A_289, %mul3A_312 : vector<16xf32>
        %get3A_314 = arith.index_cast %mul3A_252 : i32 to index
        %get3A_315 = tpu.vector_load %arg26[%get3A_314] {strides = array<i32>} : memref<608xi32, #tpu.memory_space<vmem>>, vector<16xi32>,
        %convert_element_type3A_316 = arith.sitofp %get3A_315 : vector<16xi32> to vector<16xf32>
        %mul3A_317 = arith.constant 1.000000e+03 : f32
        %mul3A_318 = vector.broadcast %mul3A_317 : f32 to vector<16xf32>
        %mul3A_319 = arith.mulf %convert_element_type3A_316, %mul3A_318 : vector<16xf32>
        %add3A_320 = arith.addf %sub3A, %mul3A_319 : vector<16xf32>
        %add3A_321 = arith.addf %sub3A_305, %mul3A_319 : vector<16xf32>
        %add3A_322 = arith.addf %add3A_309, %mul3A_319 : vector<16xf32>
        %add3A_323 = arith.addf %add3A_313, %mul3A_319 : vector<16xf32>
        %swap3A = arith.index_cast %mul3A_252 : i32 to index
        %swap3A_324 = tpu.vector_load %arg27[%swap3A] {strides = array<i32>} : memref<608xf32, #tpu.memory_space<vmem>>, vector<16xf32>,
        tpu.vector_store %arg27[%swap3A], %sub3A {strides = array<i32>} : memref<608xf32, #tpu.memory_space<vmem>>, vector<16xf32>,
        %swap3A_325 = arith.index_cast %mul3A_252 : i32 to index
        %swap3A_326 = tpu.vector_load %arg28[%swap3A_325] {strides = array<i32>} : memref<608xf32, #tpu.memory_space<vmem>>, vector<16xf32>,
        tpu.vector_store %arg28[%swap3A_325], %sub3A_305 {strides = array<i32>} : memref<608xf32, #tpu.memory_space<vmem>>, vector<16xf32>,
        %swap3A_327 = arith.index_cast %mul3A_252 : i32 to index
        %swap3A_328 = tpu.vector_load %arg29[%swap3A_327] {strides = array<i32>} : memref<608xf32, #tpu.memory_space<vmem>>, vector<16xf32>,
        tpu.vector_store %arg29[%swap3A_327], %add3A_309 {strides = array<i32>} : memref<608xf32, #tpu.memory_space<vmem>>, vector<16xf32>,
        %swap3A_329 = arith.index_cast %mul3A_252 : i32 to index
        %swap3A_330 = tpu.vector_load %arg30[%swap3A_329] {strides = array<i32>} : memref<608xf32, #tpu.memory_space<vmem>>, vector<16xf32>,
        tpu.vector_store %arg30[%swap3A_329], %add3A_313 {strides = array<i32>} : memref<608xf32, #tpu.memory_space<vmem>>, vector<16xf32>,
        %swap3A_331 = arith.index_cast %mul3A_252 : i32 to index
        %swap3A_332 = tpu.vector_load %arg31[%swap3A_331] {strides = array<i32>} : memref<608xf32, #tpu.memory_space<vmem>>, vector<16xf32>,
        tpu.vector_store %arg31[%swap3A_331], %add3A_320 {strides = array<i32>} : memref<608xf32, #tpu.memory_space<vmem>>, vector<16xf32>,
        %swap3A_333 = arith.index_cast %mul3A_252 : i32 to index
        %swap3A_334 = tpu.vector_load %arg32[%swap3A_333] {strides = array<i32>} : memref<608xf32, #tpu.memory_space<vmem>>, vector<16xf32>,
        tpu.vector_store %arg32[%swap3A_333], %add3A_321 {strides = array<i32>} : memref<608xf32, #tpu.memory_space<vmem>>, vector<16xf32>,
        %swap3A_335 = arith.index_cast %mul3A_252 : i32 to index
        %swap3A_336 = tpu.vector_load %arg33[%swap3A_335] {strides = array<i32>} : memref<608xf32, #tpu.memory_space<vmem>>, vector<16xf32>,
        tpu.vector_store %arg33[%swap3A_335], %add3A_322 {strides = array<i32>} : memref<608xf32, #tpu.memory_space<vmem>>, vector<16xf32>,
        %swap3A_337 = arith.index_cast %mul3A_252 : i32 to index
        %swap3A_338 = tpu.vector_load %arg34[%swap3A_337] {strides = array<i32>} : memref<608xf32, #tpu.memory_space<vmem>>, vector<16xf32>,
        tpu.vector_store %arg34[%swap3A_337], %add3A_323 {strides = array<i32>} : memref<608xf32, #tpu.memory_space<vmem>>, vector<16xf32>,
        %sub3A_339 = arith.subf %add3A_322, %add3A_320 : vector<16xf32>
        %sub3A_340 = arith.subf %add3A_323, %add3A_321 : vector<16xf32>
        %mul3A_341 = arith.mulf %sub3A_339, %sub3A_340 : vector<16xf32>
        %swap3A_342 = arith.index_cast %mul3A_252 : i32 to index
        %swap3A_343 = tpu.vector_load %arg35[%swap3A_342] {strides = array<i32>} : memref<608xf32, #tpu.memory_space<vmem>>, vector<16xf32>,
        tpu.vector_store %arg35[%swap3A_342], %mul3A_341 {strides = array<i32>} : memref<608xf32, #tpu.memory_space<vmem>>, vector<16xf32>,
        %add3A_344 = vector.broadcast %mul3A_252 : i32 to vector<16xi32>
        %add3A_345 = arith.addi %add3A_344, %iota3A : vector<16xi32>
        %lt3A = vector.broadcast %min3A_213 : i32 to vector<16xi32>
        %lt3A_346 = arith.cmpi slt, %add3A_345, %lt3A : vector<16xi32>
        %jit3A_347 = arith.constant 1 : i32
        %broadcast_in_dim3A_348 = vector.broadcast %jit3A_347 : i32 to vector<16xi32>
        %select_n3A = arith.select %lt3A_346, %broadcast_in_dim3A_348, %broadcast_in_dim3A_5 : vector<16xi1>, vector<16xi32>
        %swap3A_349 = arith.index_cast %mul3A_252 : i32 to index
        %swap3A_350 = tpu.vector_load %arg36[%swap3A_349] {strides = array<i32>} : memref<608xi32, #tpu.memory_space<vmem>>, vector<16xi32>,
        tpu.vector_store %arg36[%swap3A_349], %select_n3A {strides = array<i32>} : memref<608xi32, #tpu.memory_space<vmem>>, vector<16xi32>,
      }
      %while3A_227 = arith.constant 1 : i32
      scf.for %while3A_250 = %while3A_225 to %while3A_221 step %while3A_227  : i32 {
        %mul3A_251 = arith.constant 16 : i32
        %mul3A_252 = arith.muli %while3A_250, %mul3A_251 : i32
        %get3A_253 = arith.index_cast %mul3A_252 : i32 to index
        %get3A_254 = tpu.vector_load %arg25[%get3A_253] {strides = array<i32>} : memref<608xi32, #tpu.memory_space<vmem>>, vector<16xi32>,
        %mul3A_255 = arith.constant 4 : i32
        %mul3A_256 = vector.broadcast %mul3A_255 : i32 to vector<16xi32>
        %mul3A_257 = arith.muli %get3A_254, %mul3A_256 : vector<16xi32>
        %broadcast_in_dim3A_258 = arith.constant 1 : i32
        %broadcast_in_dim3A_259 = vector.broadcast %broadcast_in_dim3A_258 : i32 to vector<16xi32>
        %broadcast_in_dim3A_260 = arith.constant 2 : i32
        %broadcast_in_dim3A_261 = vector.broadcast %broadcast_in_dim3A_260 : i32 to vector<16xi32>
        %broadcast_in_dim3A_262 = arith.constant 3 : i32
        %broadcast_in_dim3A_263 = vector.broadcast %broadcast_in_dim3A_262 : i32 to vector<16xi32>
        %gather3A = tpu.vector_load_idx %arg8[%broadcast_in_dim3A_5, %get3A_254] : memref<4x3008xf32, #tpu.memory_space<vmem>>[vector<16xi32>, vector<16xi32>], vector<16xf32>,
        %gather3A_264 = tpu.vector_load_idx %arg8[%broadcast_in_dim3A_259, %get3A_254] : memref<4x3008xf32, #tpu.memory_space<vmem>>[vector<16xi32>, vector<16xi32>], vector<16xf32>,
        %gather3A_265 = tpu.vector_load_idx %arg8[%broadcast_in_dim3A_261, %get3A_254] : memref<4x3008xf32, #tpu.memory_space<vmem>>[vector<16xi32>, vector<16xi32>], vector<16xf32>,
        %gather3A_266 = tpu.vector_load_idx %arg8[%broadcast_in_dim3A_263, %get3A_254] : memref<4x3008xf32, #tpu.memory_space<vmem>>[vector<16xi32>, vector<16xi32>], vector<16xf32>,
        %gather3A_267 = tpu.vector_load_idx %arg7[%mul3A_257] : memref<12000xf32, #tpu.memory_space<vmem>>[vector<16xi32>], vector<16xf32>,
        %add3A_268 = arith.constant 1 : i32
        %add3A_269 = vector.broadcast %add3A_268 : i32 to vector<16xi32>
        %add3A_270 = arith.addi %mul3A_257, %add3A_269 : vector<16xi32>
        %gather3A_271 = tpu.vector_load_idx %arg7[%add3A_270] : memref<12000xf32, #tpu.memory_space<vmem>>[vector<16xi32>], vector<16xf32>,
        %add3A_272 = arith.constant 2 : i32
        %add3A_273 = vector.broadcast %add3A_272 : i32 to vector<16xi32>
        %add3A_274 = arith.addi %mul3A_257, %add3A_273 : vector<16xi32>
        %gather3A_275 = tpu.vector_load_idx %arg7[%add3A_274] : memref<12000xf32, #tpu.memory_space<vmem>>[vector<16xi32>], vector<16xf32>,
        %add3A_276 = arith.constant 3 : i32
        %add3A_277 = vector.broadcast %add3A_276 : i32 to vector<16xi32>
        %add3A_278 = arith.addi %mul3A_257, %add3A_277 : vector<16xi32>
        %gather3A_279 = tpu.vector_load_idx %arg7[%add3A_278] : memref<12000xf32, #tpu.memory_space<vmem>>[vector<16xi32>], vector<16xf32>,
        %mul3A_280 = arith.constant 1.000000e-01 : f32
        %mul3A_281 = vector.broadcast %mul3A_280 : f32 to vector<16xf32>
        %mul3A_282 = arith.mulf %gather3A_267, %mul3A_281 : vector<16xf32>
        %mul3A_283 = arith.mulf %mul3A_282, %gather3A_265 : vector<16xf32>
        %add3A_284 = arith.addf %gather3A, %mul3A_283 : vector<16xf32>
        %mul3A_285 = arith.constant 1.000000e-01 : f32
        %mul3A_286 = vector.broadcast %mul3A_285 : f32 to vector<16xf32>
        %mul3A_287 = arith.mulf %gather3A_271, %mul3A_286 : vector<16xf32>
        %mul3A_288 = arith.mulf %mul3A_287, %gather3A_266 : vector<16xf32>
        %add3A_289 = arith.addf %gather3A_264, %mul3A_288 : vector<16xf32>
        %mul3A_290 = arith.constant 2.000000e-01 : f32
        %mul3A_291 = vector.broadcast %mul3A_290 : f32 to vector<16xf32>
        %mul3A_292 = arith.mulf %gather3A_275, %mul3A_291 : vector<16xf32>
        %exp3A = math.exp %mul3A_292 : vector<16xf32>
        %mul3A_293 = arith.mulf %gather3A_265, %exp3A : vector<16xf32>
        %mul3A_294 = arith.constant 2.000000e-01 : f32
        %mul3A_295 = vector.broadcast %mul3A_294 : f32 to vector<16xf32>
        %mul3A_296 = arith.mulf %gather3A_279, %mul3A_295 : vector<16xf32>
        %exp3A_297 = math.exp %mul3A_296 : vector<16xf32>
        %mul3A_298 = arith.mulf %gather3A_266, %exp3A_297 : vector<16xf32>
        %mul3A_299 = arith.constant 5.000000e-01 : f32
        %mul3A_300 = vector.broadcast %mul3A_299 : f32 to vector<16xf32>
        %mul3A_301 = arith.mulf %mul3A_293, %mul3A_300 : vector<16xf32>
        %sub3A = arith.subf %add3A_284, %mul3A_301 : vector<16xf32>
        %mul3A_302 = arith.constant 5.000000e-01 : f32
        %mul3A_303 = vector.broadcast %mul3A_302 : f32 to vector<16xf32>
        %mul3A_304 = arith.mulf %mul3A_298, %mul3A_303 : vector<16xf32>
        %sub3A_305 = arith.subf %add3A_289, %mul3A_304 : vector<16xf32>
        %mul3A_306 = arith.constant 5.000000e-01 : f32
        %mul3A_307 = vector.broadcast %mul3A_306 : f32 to vector<16xf32>
        %mul3A_308 = arith.mulf %mul3A_293, %mul3A_307 : vector<16xf32>
        %add3A_309 = arith.addf %add3A_284, %mul3A_308 : vector<16xf32>
        %mul3A_310 = arith.constant 5.000000e-01 : f32
        %mul3A_311 = vector.broadcast %mul3A_310 : f32 to vector<16xf32>
        %mul3A_312 = arith.mulf %mul3A_298, %mul3A_311 : vector<16xf32>
        %add3A_313 = arith.addf %add3A_289, %mul3A_312 : vector<16xf32>
        %get3A_314 = arith.index_cast %mul3A_252 : i32 to index
        %get3A_315 = tpu.vector_load %arg26[%get3A_314] {strides = array<i32>} : memref<608xi32, #tpu.memory_space<vmem>>, vector<16xi32>,
        %convert_element_type3A_316 = arith.sitofp %get3A_315 : vector<16xi32> to vector<16xf32>
        %mul3A_317 = arith.constant 1.000000e+03 : f32
        %mul3A_318 = vector.broadcast %mul3A_317 : f32 to vector<16xf32>
        %mul3A_319 = arith.mulf %convert_element_type3A_316, %mul3A_318 : vector<16xf32>
        %add3A_320 = arith.addf %sub3A, %mul3A_319 : vector<16xf32>
        %add3A_321 = arith.addf %sub3A_305, %mul3A_319 : vector<16xf32>
        %add3A_322 = arith.addf %add3A_309, %mul3A_319 : vector<16xf32>
        %add3A_323 = arith.addf %add3A_313, %mul3A_319 : vector<16xf32>
        %swap3A = arith.index_cast %mul3A_252 : i32 to index
        %swap3A_324 = tpu.vector_load %arg27[%swap3A] {strides = array<i32>} : memref<608xf32, #tpu.memory_space<vmem>>, vector<16xf32>,
        tpu.vector_store %arg27[%swap3A], %sub3A {strides = array<i32>} : memref<608xf32, #tpu.memory_space<vmem>>, vector<16xf32>,
        %swap3A_325 = arith.index_cast %mul3A_252 : i32 to index
        %swap3A_326 = tpu.vector_load %arg28[%swap3A_325] {strides = array<i32>} : memref<608xf32, #tpu.memory_space<vmem>>, vector<16xf32>,
        tpu.vector_store %arg28[%swap3A_325], %sub3A_305 {strides = array<i32>} : memref<608xf32, #tpu.memory_space<vmem>>, vector<16xf32>,
        %swap3A_327 = arith.index_cast %mul3A_252 : i32 to index
        %swap3A_328 = tpu.vector_load %arg29[%swap3A_327] {strides = array<i32>} : memref<608xf32, #tpu.memory_space<vmem>>, vector<16xf32>,
        tpu.vector_store %arg29[%swap3A_327], %add3A_309 {strides = array<i32>} : memref<608xf32, #tpu.memory_space<vmem>>, vector<16xf32>,
        %swap3A_329 = arith.index_cast %mul3A_252 : i32 to index
        %swap3A_330 = tpu.vector_load %arg30[%swap3A_329] {strides = array<i32>} : memref<608xf32, #tpu.memory_space<vmem>>, vector<16xf32>,
        tpu.vector_store %arg30[%swap3A_329], %add3A_313 {strides = array<i32>} : memref<608xf32, #tpu.memory_space<vmem>>, vector<16xf32>,
        %swap3A_331 = arith.index_cast %mul3A_252 : i32 to index
        %swap3A_332 = tpu.vector_load %arg31[%swap3A_331] {strides = array<i32>} : memref<608xf32, #tpu.memory_space<vmem>>, vector<16xf32>,
        tpu.vector_store %arg31[%swap3A_331], %add3A_320 {strides = array<i32>} : memref<608xf32, #tpu.memory_space<vmem>>, vector<16xf32>,
        %swap3A_333 = arith.index_cast %mul3A_252 : i32 to index
        %swap3A_334 = tpu.vector_load %arg32[%swap3A_333] {strides = array<i32>} : memref<608xf32, #tpu.memory_space<vmem>>, vector<16xf32>,
        tpu.vector_store %arg32[%swap3A_333], %add3A_321 {strides = array<i32>} : memref<608xf32, #tpu.memory_space<vmem>>, vector<16xf32>,
        %swap3A_335 = arith.index_cast %mul3A_252 : i32 to index
        %swap3A_336 = tpu.vector_load %arg33[%swap3A_335] {strides = array<i32>} : memref<608xf32, #tpu.memory_space<vmem>>, vector<16xf32>,
        tpu.vector_store %arg33[%swap3A_335], %add3A_322 {strides = array<i32>} : memref<608xf32, #tpu.memory_space<vmem>>, vector<16xf32>,
        %swap3A_337 = arith.index_cast %mul3A_252 : i32 to index
        %swap3A_338 = tpu.vector_load %arg34[%swap3A_337] {strides = array<i32>} : memref<608xf32, #tpu.memory_space<vmem>>, vector<16xf32>,
        tpu.vector_store %arg34[%swap3A_337], %add3A_323 {strides = array<i32>} : memref<608xf32, #tpu.memory_space<vmem>>, vector<16xf32>,
        %sub3A_339 = arith.subf %add3A_322, %add3A_320 : vector<16xf32>
        %sub3A_340 = arith.subf %add3A_323, %add3A_321 : vector<16xf32>
        %mul3A_341 = arith.mulf %sub3A_339, %sub3A_340 : vector<16xf32>
        %swap3A_342 = arith.index_cast %mul3A_252 : i32 to index
        %swap3A_343 = tpu.vector_load %arg35[%swap3A_342] {strides = array<i32>} : memref<608xf32, #tpu.memory_space<vmem>>, vector<16xf32>,
        tpu.vector_store %arg35[%swap3A_342], %mul3A_341 {strides = array<i32>} : memref<608xf32, #tpu.memory_space<vmem>>, vector<16xf32>,
        %add3A_344 = vector.broadcast %mul3A_252 : i32 to vector<16xi32>
        %add3A_345 = arith.addi %add3A_344, %iota3A : vector<16xi32>
        %lt3A = vector.broadcast %min3A_213 : i32 to vector<16xi32>
        %lt3A_346 = arith.cmpi slt, %add3A_345, %lt3A : vector<16xi32>
        %jit3A_347 = arith.constant 1 : i32
        %broadcast_in_dim3A_348 = vector.broadcast %jit3A_347 : i32 to vector<16xi32>
        %select_n3A = arith.select %lt3A_346, %broadcast_in_dim3A_348, %broadcast_in_dim3A_5 : vector<16xi1>, vector<16xi32>
        %swap3A_349 = arith.index_cast %mul3A_252 : i32 to index
        %swap3A_350 = tpu.vector_load %arg36[%swap3A_349] {strides = array<i32>} : memref<608xi32, #tpu.memory_space<vmem>>, vector<16xi32>,
        tpu.vector_store %arg36[%swap3A_349], %select_n3A {strides = array<i32>} : memref<608xi32, #tpu.memory_space<vmem>>, vector<16xi32>,
      }
      %while3A_228 = arith.constant 0 : i32
      %while3A_229 = arith.constant 0 : i32
      %while3A_230 = arith.subi %min3A_213, %while3A_229 : i32
      %while3A_231 = arith.addi %while3A_229, %while3A_230 : i32
      %while3A_232 = arith.constant 1 : i32
      %while3A_233 = arith.divsi %while3A_230, %while3A_232 : i32
      %while3A_234 = arith.muli %while3A_233, %while3A_232 : i32
      %while3A_235 = arith.addi %while3A_229, %while3A_234 : i32
      %while3A_236 = arith.constant 1 : i32
      scf.for %while3A_250 = %while3A_229 to %while3A_235 step %while3A_236  : i32 {
        %broadcast_in_dim3A_251 = vector.broadcast %while3A_250 : i32 to vector<16xi32>
        %gather3A = tpu.vector_load_idx %arg36[%broadcast_in_dim3A_251] : memref<608xi32, #tpu.memory_space<vmem>>[vector<16xi32>], vector<16xi32>,
        %gather3A_252 = tpu.vector_load_idx %arg31[%broadcast_in_dim3A_251] : memref<608xf32, #tpu.memory_space<vmem>>[vector<16xi32>], vector<16xf32>,
        %gather3A_253 = tpu.vector_load_idx %arg32[%broadcast_in_dim3A_251] : memref<608xf32, #tpu.memory_space<vmem>>[vector<16xi32>], vector<16xf32>,
        %gather3A_254 = tpu.vector_load_idx %arg33[%broadcast_in_dim3A_251] : memref<608xf32, #tpu.memory_space<vmem>>[vector<16xi32>], vector<16xf32>,
        %gather3A_255 = tpu.vector_load_idx %arg34[%broadcast_in_dim3A_251] : memref<608xf32, #tpu.memory_space<vmem>>[vector<16xi32>], vector<16xf32>,
        %gather3A_256 = tpu.vector_load_idx %arg35[%broadcast_in_dim3A_251] : memref<608xf32, #tpu.memory_space<vmem>>[vector<16xi32>], vector<16xf32>,
        %gt3A = arith.constant 0 : i32
        %gt3A_257 = vector.broadcast %gt3A : i32 to vector<16xi32>
        %gt3A_258 = arith.cmpi sgt, %gather3A, %gt3A_257 : vector<16xi32>
        %div3A_259 = arith.constant 16 : i32
        %div3A_260 = arith.divsi %while3A_250, %div3A_259 : i32
        %while3A_261 = arith.constant 0 : i32
        %while3A_262 = arith.subi %div3A_217, %div3A_260 : i32
        %while3A_263 = arith.addi %div3A_260, %while3A_262 : i32
        %while3A_264 = arith.constant 1 : i32
        %while3A_265 = arith.divsi %while3A_262, %while3A_264 : i32
        %while3A_266 = arith.muli %while3A_265, %while3A_264 : i32
        %while3A_267 = arith.addi %div3A_260, %while3A_266 : i32
        %while3A_268 = arith.constant 1 : i32
        scf.for %while3A_270 = %div3A_260 to %while3A_267 step %while3A_268  : i32 {
          %mul3A_271 = arith.constant 16 : i32
          %mul3A_272 = arith.muli %while3A_270, %mul3A_271 : i32
          %get3A_273 = arith.index_cast %mul3A_272 : i32 to index
          %get3A_274 = tpu.vector_load %arg31[%get3A_273] {strides = array<i32>} : memref<608xf32, #tpu.memory_space<vmem>>, vector<16xf32>,
          %max3A_275 = arith.maximumf %gather3A_252, %get3A_274 : vector<16xf32>
          %get3A_276 = arith.index_cast %mul3A_272 : i32 to index
          %get3A_277 = tpu.vector_load %arg32[%get3A_276] {strides = array<i32>} : memref<608xf32, #tpu.memory_space<vmem>>, vector<16xf32>,
          %max3A_278 = arith.maximumf %gather3A_253, %get3A_277 : vector<16xf32>
          %get3A_279 = arith.index_cast %mul3A_272 : i32 to index
          %get3A_280 = tpu.vector_load %arg33[%get3A_279] {strides = array<i32>} : memref<608xf32, #tpu.memory_space<vmem>>, vector<16xf32>,
          %min3A_281 = arith.minimumf %gather3A_254, %get3A_280 : vector<16xf32>
          %get3A_282 = arith.index_cast %mul3A_272 : i32 to index
          %get3A_283 = tpu.vector_load %arg34[%get3A_282] {strides = array<i32>} : memref<608xf32, #tpu.memory_space<vmem>>, vector<16xf32>,
          %min3A_284 = arith.minimumf %gather3A_255, %get3A_283 : vector<16xf32>
          %sub3A = arith.subf %min3A_281, %max3A_275 : vector<16xf32>
          %max3A_285 = arith.constant 0.000000e+00 : f32
          %max3A_286 = vector.broadcast %max3A_285 : f32 to vector<16xf32>
          %max3A_287 = arith.maximumf %sub3A, %max3A_286 : vector<16xf32>
          %sub3A_288 = arith.subf %min3A_284, %max3A_278 : vector<16xf32>
          %max3A_289 = arith.constant 0.000000e+00 : f32
          %max3A_290 = vector.broadcast %max3A_289 : f32 to vector<16xf32>
          %max3A_291 = arith.maximumf %sub3A_288, %max3A_290 : vector<16xf32>
          %mul3A_292 = arith.mulf %max3A_287, %max3A_291 : vector<16xf32>
          %get3A_293 = arith.index_cast %mul3A_272 : i32 to index
          %get3A_294 = tpu.vector_load %arg35[%get3A_293] {strides = array<i32>} : memref<608xf32, #tpu.memory_space<vmem>>, vector<16xf32>,
          %add3A_295 = arith.addf %gather3A_256, %get3A_294 : vector<16xf32>
          %sub3A_296 = arith.subf %add3A_295, %mul3A_292 : vector<16xf32>
          %add3A_297 = arith.constant 9.99999996E-13 : f32
          %add3A_298 = vector.broadcast %add3A_297 : f32 to vector<16xf32>
          %add3A_299 = arith.addf %sub3A_296, %add3A_298 : vector<16xf32>
          %div3A_300 = arith.divf %mul3A_292, %add3A_299 : vector<16xf32>
          %gt3A_301 = arith.constant 4.500000e-01 : f32
          %gt3A_302 = vector.broadcast %gt3A_301 : f32 to vector<16xf32>
          %gt3A_303 = arith.cmpf ogt, %div3A_300, %gt3A_302 : vector<16xf32>
          %and3A = arith.andi %gt3A_258, %gt3A_303 : vector<16xi1>
          %add3A_304 = vector.broadcast %mul3A_272 : i32 to vector<16xi32>
          %add3A_305 = arith.addi %add3A_304, %iota3A : vector<16xi32>
          %gt3A_306 = vector.broadcast %while3A_250 : i32 to vector<16xi32>
          %gt3A_307 = arith.cmpi sgt, %add3A_305, %gt3A_306 : vector<16xi32>
          %and3A_308 = arith.andi %and3A, %gt3A_307 : vector<16xi1>
          %get3A_309 = arith.index_cast %mul3A_272 : i32 to index
          %get3A_310 = tpu.vector_load %arg36[%get3A_309] {strides = array<i32>} : memref<608xi32, #tpu.memory_space<vmem>>, vector<16xi32>,
          %jit3A_311 = arith.constant 0 : i32
          %broadcast_in_dim3A_312 = vector.broadcast %jit3A_311 : i32 to vector<16xi32>
          %select_n3A = arith.select %and3A_308, %broadcast_in_dim3A_312, %get3A_310 : vector<16xi1>, vector<16xi32>
          %swap3A = arith.index_cast %mul3A_272 : i32 to index
          %swap3A_313 = tpu.vector_load %arg36[%swap3A] {strides = array<i32>} : memref<608xi32, #tpu.memory_space<vmem>>, vector<16xi32>,
          tpu.vector_store %arg36[%swap3A], %select_n3A {strides = array<i32>} : memref<608xi32, #tpu.memory_space<vmem>>, vector<16xi32>,
        }
        %while3A_269 = arith.constant 1 : i32
        scf.for %while3A_270 = %while3A_267 to %while3A_263 step %while3A_269  : i32 {
          %mul3A_271 = arith.constant 16 : i32
          %mul3A_272 = arith.muli %while3A_270, %mul3A_271 : i32
          %get3A_273 = arith.index_cast %mul3A_272 : i32 to index
          %get3A_274 = tpu.vector_load %arg31[%get3A_273] {strides = array<i32>} : memref<608xf32, #tpu.memory_space<vmem>>, vector<16xf32>,
          %max3A_275 = arith.maximumf %gather3A_252, %get3A_274 : vector<16xf32>
          %get3A_276 = arith.index_cast %mul3A_272 : i32 to index
          %get3A_277 = tpu.vector_load %arg32[%get3A_276] {strides = array<i32>} : memref<608xf32, #tpu.memory_space<vmem>>, vector<16xf32>,
          %max3A_278 = arith.maximumf %gather3A_253, %get3A_277 : vector<16xf32>
          %get3A_279 = arith.index_cast %mul3A_272 : i32 to index
          %get3A_280 = tpu.vector_load %arg33[%get3A_279] {strides = array<i32>} : memref<608xf32, #tpu.memory_space<vmem>>, vector<16xf32>,
          %min3A_281 = arith.minimumf %gather3A_254, %get3A_280 : vector<16xf32>
          %get3A_282 = arith.index_cast %mul3A_272 : i32 to index
          %get3A_283 = tpu.vector_load %arg34[%get3A_282] {strides = array<i32>} : memref<608xf32, #tpu.memory_space<vmem>>, vector<16xf32>,
          %min3A_284 = arith.minimumf %gather3A_255, %get3A_283 : vector<16xf32>
          %sub3A = arith.subf %min3A_281, %max3A_275 : vector<16xf32>
          %max3A_285 = arith.constant 0.000000e+00 : f32
          %max3A_286 = vector.broadcast %max3A_285 : f32 to vector<16xf32>
          %max3A_287 = arith.maximumf %sub3A, %max3A_286 : vector<16xf32>
          %sub3A_288 = arith.subf %min3A_284, %max3A_278 : vector<16xf32>
          %max3A_289 = arith.constant 0.000000e+00 : f32
          %max3A_290 = vector.broadcast %max3A_289 : f32 to vector<16xf32>
          %max3A_291 = arith.maximumf %sub3A_288, %max3A_290 : vector<16xf32>
          %mul3A_292 = arith.mulf %max3A_287, %max3A_291 : vector<16xf32>
          %get3A_293 = arith.index_cast %mul3A_272 : i32 to index
          %get3A_294 = tpu.vector_load %arg35[%get3A_293] {strides = array<i32>} : memref<608xf32, #tpu.memory_space<vmem>>, vector<16xf32>,
          %add3A_295 = arith.addf %gather3A_256, %get3A_294 : vector<16xf32>
          %sub3A_296 = arith.subf %add3A_295, %mul3A_292 : vector<16xf32>
          %add3A_297 = arith.constant 9.99999996E-13 : f32
          %add3A_298 = vector.broadcast %add3A_297 : f32 to vector<16xf32>
          %add3A_299 = arith.addf %sub3A_296, %add3A_298 : vector<16xf32>
          %div3A_300 = arith.divf %mul3A_292, %add3A_299 : vector<16xf32>
          %gt3A_301 = arith.constant 4.500000e-01 : f32
          %gt3A_302 = vector.broadcast %gt3A_301 : f32 to vector<16xf32>
          %gt3A_303 = arith.cmpf ogt, %div3A_300, %gt3A_302 : vector<16xf32>
          %and3A = arith.andi %gt3A_258, %gt3A_303 : vector<16xi1>
          %add3A_304 = vector.broadcast %mul3A_272 : i32 to vector<16xi32>
          %add3A_305 = arith.addi %add3A_304, %iota3A : vector<16xi32>
          %gt3A_306 = vector.broadcast %while3A_250 : i32 to vector<16xi32>
          %gt3A_307 = arith.cmpi sgt, %add3A_305, %gt3A_306 : vector<16xi32>
          %and3A_308 = arith.andi %and3A, %gt3A_307 : vector<16xi1>
          %get3A_309 = arith.index_cast %mul3A_272 : i32 to index
          %get3A_310 = tpu.vector_load %arg36[%get3A_309] {strides = array<i32>} : memref<608xi32, #tpu.memory_space<vmem>>, vector<16xi32>,
          %jit3A_311 = arith.constant 0 : i32
          %broadcast_in_dim3A_312 = vector.broadcast %jit3A_311 : i32 to vector<16xi32>
          %select_n3A = arith.select %and3A_308, %broadcast_in_dim3A_312, %get3A_310 : vector<16xi1>, vector<16xi32>
          %swap3A = arith.index_cast %mul3A_272 : i32 to index
          %swap3A_313 = tpu.vector_load %arg36[%swap3A] {strides = array<i32>} : memref<608xi32, #tpu.memory_space<vmem>>, vector<16xi32>,
          tpu.vector_store %arg36[%swap3A], %select_n3A {strides = array<i32>} : memref<608xi32, #tpu.memory_space<vmem>>, vector<16xi32>,
        }
      }
      %while3A_237 = arith.constant 1 : i32
      scf.for %while3A_250 = %while3A_235 to %while3A_231 step %while3A_237  : i32 {
        %broadcast_in_dim3A_251 = vector.broadcast %while3A_250 : i32 to vector<16xi32>
        %gather3A = tpu.vector_load_idx %arg36[%broadcast_in_dim3A_251] : memref<608xi32, #tpu.memory_space<vmem>>[vector<16xi32>], vector<16xi32>,
        %gather3A_252 = tpu.vector_load_idx %arg31[%broadcast_in_dim3A_251] : memref<608xf32, #tpu.memory_space<vmem>>[vector<16xi32>], vector<16xf32>,
        %gather3A_253 = tpu.vector_load_idx %arg32[%broadcast_in_dim3A_251] : memref<608xf32, #tpu.memory_space<vmem>>[vector<16xi32>], vector<16xf32>,
        %gather3A_254 = tpu.vector_load_idx %arg33[%broadcast_in_dim3A_251] : memref<608xf32, #tpu.memory_space<vmem>>[vector<16xi32>], vector<16xf32>,
        %gather3A_255 = tpu.vector_load_idx %arg34[%broadcast_in_dim3A_251] : memref<608xf32, #tpu.memory_space<vmem>>[vector<16xi32>], vector<16xf32>,
        %gather3A_256 = tpu.vector_load_idx %arg35[%broadcast_in_dim3A_251] : memref<608xf32, #tpu.memory_space<vmem>>[vector<16xi32>], vector<16xf32>,
        %gt3A = arith.constant 0 : i32
        %gt3A_257 = vector.broadcast %gt3A : i32 to vector<16xi32>
        %gt3A_258 = arith.cmpi sgt, %gather3A, %gt3A_257 : vector<16xi32>
        %div3A_259 = arith.constant 16 : i32
        %div3A_260 = arith.divsi %while3A_250, %div3A_259 : i32
        %while3A_261 = arith.constant 0 : i32
        %while3A_262 = arith.subi %div3A_217, %div3A_260 : i32
        %while3A_263 = arith.addi %div3A_260, %while3A_262 : i32
        %while3A_264 = arith.constant 1 : i32
        %while3A_265 = arith.divsi %while3A_262, %while3A_264 : i32
        %while3A_266 = arith.muli %while3A_265, %while3A_264 : i32
        %while3A_267 = arith.addi %div3A_260, %while3A_266 : i32
        %while3A_268 = arith.constant 1 : i32
        scf.for %while3A_270 = %div3A_260 to %while3A_267 step %while3A_268  : i32 {
          %mul3A_271 = arith.constant 16 : i32
          %mul3A_272 = arith.muli %while3A_270, %mul3A_271 : i32
          %get3A_273 = arith.index_cast %mul3A_272 : i32 to index
          %get3A_274 = tpu.vector_load %arg31[%get3A_273] {strides = array<i32>} : memref<608xf32, #tpu.memory_space<vmem>>, vector<16xf32>,
          %max3A_275 = arith.maximumf %gather3A_252, %get3A_274 : vector<16xf32>
          %get3A_276 = arith.index_cast %mul3A_272 : i32 to index
          %get3A_277 = tpu.vector_load %arg32[%get3A_276] {strides = array<i32>} : memref<608xf32, #tpu.memory_space<vmem>>, vector<16xf32>,
          %max3A_278 = arith.maximumf %gather3A_253, %get3A_277 : vector<16xf32>
          %get3A_279 = arith.index_cast %mul3A_272 : i32 to index
          %get3A_280 = tpu.vector_load %arg33[%get3A_279] {strides = array<i32>} : memref<608xf32, #tpu.memory_space<vmem>>, vector<16xf32>,
          %min3A_281 = arith.minimumf %gather3A_254, %get3A_280 : vector<16xf32>
          %get3A_282 = arith.index_cast %mul3A_272 : i32 to index
          %get3A_283 = tpu.vector_load %arg34[%get3A_282] {strides = array<i32>} : memref<608xf32, #tpu.memory_space<vmem>>, vector<16xf32>,
          %min3A_284 = arith.minimumf %gather3A_255, %get3A_283 : vector<16xf32>
          %sub3A = arith.subf %min3A_281, %max3A_275 : vector<16xf32>
          %max3A_285 = arith.constant 0.000000e+00 : f32
          %max3A_286 = vector.broadcast %max3A_285 : f32 to vector<16xf32>
          %max3A_287 = arith.maximumf %sub3A, %max3A_286 : vector<16xf32>
          %sub3A_288 = arith.subf %min3A_284, %max3A_278 : vector<16xf32>
          %max3A_289 = arith.constant 0.000000e+00 : f32
          %max3A_290 = vector.broadcast %max3A_289 : f32 to vector<16xf32>
          %max3A_291 = arith.maximumf %sub3A_288, %max3A_290 : vector<16xf32>
          %mul3A_292 = arith.mulf %max3A_287, %max3A_291 : vector<16xf32>
          %get3A_293 = arith.index_cast %mul3A_272 : i32 to index
          %get3A_294 = tpu.vector_load %arg35[%get3A_293] {strides = array<i32>} : memref<608xf32, #tpu.memory_space<vmem>>, vector<16xf32>,
          %add3A_295 = arith.addf %gather3A_256, %get3A_294 : vector<16xf32>
          %sub3A_296 = arith.subf %add3A_295, %mul3A_292 : vector<16xf32>
          %add3A_297 = arith.constant 9.99999996E-13 : f32
          %add3A_298 = vector.broadcast %add3A_297 : f32 to vector<16xf32>
          %add3A_299 = arith.addf %sub3A_296, %add3A_298 : vector<16xf32>
          %div3A_300 = arith.divf %mul3A_292, %add3A_299 : vector<16xf32>
          %gt3A_301 = arith.constant 4.500000e-01 : f32
          %gt3A_302 = vector.broadcast %gt3A_301 : f32 to vector<16xf32>
          %gt3A_303 = arith.cmpf ogt, %div3A_300, %gt3A_302 : vector<16xf32>
          %and3A = arith.andi %gt3A_258, %gt3A_303 : vector<16xi1>
          %add3A_304 = vector.broadcast %mul3A_272 : i32 to vector<16xi32>
          %add3A_305 = arith.addi %add3A_304, %iota3A : vector<16xi32>
          %gt3A_306 = vector.broadcast %while3A_250 : i32 to vector<16xi32>
          %gt3A_307 = arith.cmpi sgt, %add3A_305, %gt3A_306 : vector<16xi32>
          %and3A_308 = arith.andi %and3A, %gt3A_307 : vector<16xi1>
          %get3A_309 = arith.index_cast %mul3A_272 : i32 to index
          %get3A_310 = tpu.vector_load %arg36[%get3A_309] {strides = array<i32>} : memref<608xi32, #tpu.memory_space<vmem>>, vector<16xi32>,
          %jit3A_311 = arith.constant 0 : i32
          %broadcast_in_dim3A_312 = vector.broadcast %jit3A_311 : i32 to vector<16xi32>
          %select_n3A = arith.select %and3A_308, %broadcast_in_dim3A_312, %get3A_310 : vector<16xi1>, vector<16xi32>
          %swap3A = arith.index_cast %mul3A_272 : i32 to index
          %swap3A_313 = tpu.vector_load %arg36[%swap3A] {strides = array<i32>} : memref<608xi32, #tpu.memory_space<vmem>>, vector<16xi32>,
          tpu.vector_store %arg36[%swap3A], %select_n3A {strides = array<i32>} : memref<608xi32, #tpu.memory_space<vmem>>, vector<16xi32>,
        }
        %while3A_269 = arith.constant 1 : i32
        scf.for %while3A_270 = %while3A_267 to %while3A_263 step %while3A_269  : i32 {
          %mul3A_271 = arith.constant 16 : i32
          %mul3A_272 = arith.muli %while3A_270, %mul3A_271 : i32
          %get3A_273 = arith.index_cast %mul3A_272 : i32 to index
          %get3A_274 = tpu.vector_load %arg31[%get3A_273] {strides = array<i32>} : memref<608xf32, #tpu.memory_space<vmem>>, vector<16xf32>,
          %max3A_275 = arith.maximumf %gather3A_252, %get3A_274 : vector<16xf32>
          %get3A_276 = arith.index_cast %mul3A_272 : i32 to index
          %get3A_277 = tpu.vector_load %arg32[%get3A_276] {strides = array<i32>} : memref<608xf32, #tpu.memory_space<vmem>>, vector<16xf32>,
          %max3A_278 = arith.maximumf %gather3A_253, %get3A_277 : vector<16xf32>
          %get3A_279 = arith.index_cast %mul3A_272 : i32 to index
          %get3A_280 = tpu.vector_load %arg33[%get3A_279] {strides = array<i32>} : memref<608xf32, #tpu.memory_space<vmem>>, vector<16xf32>,
          %min3A_281 = arith.minimumf %gather3A_254, %get3A_280 : vector<16xf32>
          %get3A_282 = arith.index_cast %mul3A_272 : i32 to index
          %get3A_283 = tpu.vector_load %arg34[%get3A_282] {strides = array<i32>} : memref<608xf32, #tpu.memory_space<vmem>>, vector<16xf32>,
          %min3A_284 = arith.minimumf %gather3A_255, %get3A_283 : vector<16xf32>
          %sub3A = arith.subf %min3A_281, %max3A_275 : vector<16xf32>
          %max3A_285 = arith.constant 0.000000e+00 : f32
          %max3A_286 = vector.broadcast %max3A_285 : f32 to vector<16xf32>
          %max3A_287 = arith.maximumf %sub3A, %max3A_286 : vector<16xf32>
          %sub3A_288 = arith.subf %min3A_284, %max3A_278 : vector<16xf32>
          %max3A_289 = arith.constant 0.000000e+00 : f32
          %max3A_290 = vector.broadcast %max3A_289 : f32 to vector<16xf32>
          %max3A_291 = arith.maximumf %sub3A_288, %max3A_290 : vector<16xf32>
          %mul3A_292 = arith.mulf %max3A_287, %max3A_291 : vector<16xf32>
          %get3A_293 = arith.index_cast %mul3A_272 : i32 to index
          %get3A_294 = tpu.vector_load %arg35[%get3A_293] {strides = array<i32>} : memref<608xf32, #tpu.memory_space<vmem>>, vector<16xf32>,
          %add3A_295 = arith.addf %gather3A_256, %get3A_294 : vector<16xf32>
          %sub3A_296 = arith.subf %add3A_295, %mul3A_292 : vector<16xf32>
          %add3A_297 = arith.constant 9.99999996E-13 : f32
          %add3A_298 = vector.broadcast %add3A_297 : f32 to vector<16xf32>
          %add3A_299 = arith.addf %sub3A_296, %add3A_298 : vector<16xf32>
          %div3A_300 = arith.divf %mul3A_292, %add3A_299 : vector<16xf32>
          %gt3A_301 = arith.constant 4.500000e-01 : f32
          %gt3A_302 = vector.broadcast %gt3A_301 : f32 to vector<16xf32>
          %gt3A_303 = arith.cmpf ogt, %div3A_300, %gt3A_302 : vector<16xf32>
          %and3A = arith.andi %gt3A_258, %gt3A_303 : vector<16xi1>
          %add3A_304 = vector.broadcast %mul3A_272 : i32 to vector<16xi32>
          %add3A_305 = arith.addi %add3A_304, %iota3A : vector<16xi32>
          %gt3A_306 = vector.broadcast %while3A_250 : i32 to vector<16xi32>
          %gt3A_307 = arith.cmpi sgt, %add3A_305, %gt3A_306 : vector<16xi32>
          %and3A_308 = arith.andi %and3A, %gt3A_307 : vector<16xi1>
          %get3A_309 = arith.index_cast %mul3A_272 : i32 to index
          %get3A_310 = tpu.vector_load %arg36[%get3A_309] {strides = array<i32>} : memref<608xi32, #tpu.memory_space<vmem>>, vector<16xi32>,
          %jit3A_311 = arith.constant 0 : i32
          %broadcast_in_dim3A_312 = vector.broadcast %jit3A_311 : i32 to vector<16xi32>
          %select_n3A = arith.select %and3A_308, %broadcast_in_dim3A_312, %get3A_310 : vector<16xi1>, vector<16xi32>
          %swap3A = arith.index_cast %mul3A_272 : i32 to index
          %swap3A_313 = tpu.vector_load %arg36[%swap3A] {strides = array<i32>} : memref<608xi32, #tpu.memory_space<vmem>>, vector<16xi32>,
          tpu.vector_store %arg36[%swap3A], %select_n3A {strides = array<i32>} : memref<608xi32, #tpu.memory_space<vmem>>, vector<16xi32>,
        }
      }
      %while3A_238 = arith.constant 0 : i32
      %while3A_239 = arith.constant 0 : i32
      %while3A_240 = arith.subi %div3A_217, %while3A_238 : i32
      %while3A_241 = arith.addi %while3A_238, %while3A_240 : i32
      %while3A_242 = arith.constant 1 : i32
      %while3A_243 = arith.divsi %while3A_240, %while3A_242 : i32
      %while3A_244 = arith.muli %while3A_243, %while3A_242 : i32
      %while3A_245 = arith.addi %while3A_238, %while3A_244 : i32
      %while3A_246 = arith.constant 1 : i32
      %while3A_247 = scf.for %while3A_250 = %while3A_238 to %while3A_245 step %while3A_246 iter_args(%while3A_251 = %while3A_239) -> (i32)  : i32 {
        %mul3A_252 = arith.constant 16 : i32
        %mul3A_253 = arith.muli %while3A_250, %mul3A_252 : i32
        %get3A_254 = arith.index_cast %mul3A_253 : i32 to index
        %get3A_255 = tpu.vector_load %arg36[%get3A_254] {strides = array<i32>} : memref<608xi32, #tpu.memory_space<vmem>>, vector<16xi32>,
        %broadcast_in_dim3A_256 = arith.constant true
        %broadcast_in_dim3A_257 = vector.broadcast %broadcast_in_dim3A_256 : i1 to vector<16xi1>
        %masked_cumsum3A = tpu.scan <sum>, %get3A_255 masked %broadcast_in_dim3A_257 : vector<16xi32>, vector<16xi1> -> vector<16xi32>
        %add3A_258 = vector.broadcast %while3A_251 : i32 to vector<16xi32>
        %add3A_259 = arith.addi %add3A_258, %masked_cumsum3A : vector<16xi32>
        %sub3A = arith.subi %add3A_259, %get3A_255 : vector<16xi32>
        %gt3A = arith.constant 0 : i32
        %gt3A_260 = vector.broadcast %gt3A : i32 to vector<16xi32>
        %gt3A_261 = arith.cmpi sgt, %get3A_255, %gt3A_260 : vector<16xi32>
        %lt3A = arith.constant 100 : i32
        %lt3A_262 = vector.broadcast %lt3A : i32 to vector<16xi32>
        %lt3A_263 = arith.cmpi slt, %sub3A, %lt3A_262 : vector<16xi32>
        %and3A = arith.andi %gt3A_261, %lt3A_263 : vector<16xi1>
        %min3A_264 = arith.constant 111 : i32
        %min3A_265 = vector.broadcast %min3A_264 : i32 to vector<16xi32>
        %min3A_266 = arith.minsi %sub3A, %min3A_265 : vector<16xi32>
        %get3A_267 = arith.index_cast %mul3A_253 : i32 to index
        %get3A_268 = tpu.vector_load %arg27[%get3A_267] {strides = array<i32>} : memref<608xf32, #tpu.memory_space<vmem>>, vector<16xf32>,
        %jit3A_269 = arith.constant 0.000000e+00 : f32
        %jit3A_270 = arith.constant 1.000000e+00 : f32
        %max3A_271 = vector.broadcast %jit3A_269 : f32 to vector<16xf32>
        %max3A_272 = arith.maximumf %max3A_271, %get3A_268 : vector<16xf32>
        %min3A_273 = vector.broadcast %jit3A_270 : f32 to vector<16xf32>
        %min3A_274 = arith.minimumf %min3A_273, %max3A_272 : vector<16xf32>
        tpu.vector_store_idx %arg37[%min3A_266], %min3A_274 masked %and3A : memref<672xf32, #tpu.memory_space<vmem>>[vector<16xi32>], vector<16xf32>, vector<16xi1>
        %add3A_275 = arith.constant 112 : i32
        %add3A_276 = vector.broadcast %add3A_275 : i32 to vector<16xi32>
        %add3A_277 = arith.addi %min3A_266, %add3A_276 : vector<16xi32>
        %get3A_278 = arith.index_cast %mul3A_253 : i32 to index
        %get3A_279 = tpu.vector_load %arg28[%get3A_278] {strides = array<i32>} : memref<608xf32, #tpu.memory_space<vmem>>, vector<16xf32>,
        %jit3A_280 = arith.constant 0.000000e+00 : f32
        %jit3A_281 = arith.constant 1.000000e+00 : f32
        %max3A_282 = vector.broadcast %jit3A_280 : f32 to vector<16xf32>
        %max3A_283 = arith.maximumf %max3A_282, %get3A_279 : vector<16xf32>
        %min3A_284 = vector.broadcast %jit3A_281 : f32 to vector<16xf32>
        %min3A_285 = arith.minimumf %min3A_284, %max3A_283 : vector<16xf32>
        tpu.vector_store_idx %arg37[%add3A_277], %min3A_285 masked %and3A : memref<672xf32, #tpu.memory_space<vmem>>[vector<16xi32>], vector<16xf32>, vector<16xi1>
        %add3A_286 = arith.constant 224 : i32
        %add3A_287 = vector.broadcast %add3A_286 : i32 to vector<16xi32>
        %add3A_288 = arith.addi %min3A_266, %add3A_287 : vector<16xi32>
        %get3A_289 = arith.index_cast %mul3A_253 : i32 to index
        %get3A_290 = tpu.vector_load %arg29[%get3A_289] {strides = array<i32>} : memref<608xf32, #tpu.memory_space<vmem>>, vector<16xf32>,
        %jit3A_291 = arith.constant 0.000000e+00 : f32
        %jit3A_292 = arith.constant 1.000000e+00 : f32
        %max3A_293 = vector.broadcast %jit3A_291 : f32 to vector<16xf32>
        %max3A_294 = arith.maximumf %max3A_293, %get3A_290 : vector<16xf32>
        %min3A_295 = vector.broadcast %jit3A_292 : f32 to vector<16xf32>
        %min3A_296 = arith.minimumf %min3A_295, %max3A_294 : vector<16xf32>
        tpu.vector_store_idx %arg37[%add3A_288], %min3A_296 masked %and3A : memref<672xf32, #tpu.memory_space<vmem>>[vector<16xi32>], vector<16xf32>, vector<16xi1>
        %add3A_297 = arith.constant 336 : i32
        %add3A_298 = vector.broadcast %add3A_297 : i32 to vector<16xi32>
        %add3A_299 = arith.addi %min3A_266, %add3A_298 : vector<16xi32>
        %get3A_300 = arith.index_cast %mul3A_253 : i32 to index
        %get3A_301 = tpu.vector_load %arg30[%get3A_300] {strides = array<i32>} : memref<608xf32, #tpu.memory_space<vmem>>, vector<16xf32>,
        %jit3A_302 = arith.constant 0.000000e+00 : f32
        %jit3A_303 = arith.constant 1.000000e+00 : f32
        %max3A_304 = vector.broadcast %jit3A_302 : f32 to vector<16xf32>
        %max3A_305 = arith.maximumf %max3A_304, %get3A_301 : vector<16xf32>
        %min3A_306 = vector.broadcast %jit3A_303 : f32 to vector<16xf32>
        %min3A_307 = arith.minimumf %min3A_306, %max3A_305 : vector<16xf32>
        tpu.vector_store_idx %arg37[%add3A_299], %min3A_307 masked %and3A : memref<672xf32, #tpu.memory_space<vmem>>[vector<16xi32>], vector<16xf32>, vector<16xi1>
        %add3A_308 = arith.constant 448 : i32
        %add3A_309 = vector.broadcast %add3A_308 : i32 to vector<16xi32>
        %add3A_310 = arith.addi %min3A_266, %add3A_309 : vector<16xi32>
        %get3A_311 = arith.index_cast %mul3A_253 : i32 to index
        %get3A_312 = tpu.vector_load %arg24[%get3A_311] {strides = array<i32>} : memref<608xf32, #tpu.memory_space<vmem>>, vector<16xf32>,
        tpu.vector_store_idx %arg37[%add3A_310], %get3A_312 masked %and3A : memref<672xf32, #tpu.memory_space<vmem>>[vector<16xi32>], vector<16xf32>, vector<16xi1>
        %add3A_313 = arith.constant 560 : i32
        %add3A_314 = vector.broadcast %add3A_313 : i32 to vector<16xi32>
        %add3A_315 = arith.addi %min3A_266, %add3A_314 : vector<16xi32>
        %get3A_316 = arith.index_cast %mul3A_253 : i32 to index
        %get3A_317 = tpu.vector_load %arg26[%get3A_316] {strides = array<i32>} : memref<608xi32, #tpu.memory_space<vmem>>, vector<16xi32>,
        %bitcast3A = vector.bitcast %get3A_317 : vector<16xi32> to vector<16xf32>
        tpu.vector_store_idx %arg37[%add3A_315], %bitcast3A masked %and3A : memref<672xf32, #tpu.memory_space<vmem>>[vector<16xi32>], vector<16xf32>, vector<16xi1>
        %reduce_sum3A = arith.constant true
        %reduce_sum3A_318 = vector.broadcast %reduce_sum3A : i1 to vector<16xi1>
        %reduce_sum3A_319 = tpu.scan <sum>, %get3A_255 masked %reduce_sum3A_318 : vector<16xi32>, vector<16xi1> -> vector<16xi32>
        %reduce_sum3A_320 = vector.extract %reduce_sum3A_319[15] : i32 from vector<16xi32>
        %add3A_321 = arith.addi %while3A_251, %reduce_sum3A_320 : i32
        scf.yield %add3A_321 : i32
      }
      %while3A_248 = arith.constant 1 : i32
      %while3A_249 = scf.for %while3A_250 = %while3A_245 to %while3A_241 step %while3A_248 iter_args(%while3A_251 = %while3A_247) -> (i32)  : i32 {
        %mul3A_252 = arith.constant 16 : i32
        %mul3A_253 = arith.muli %while3A_250, %mul3A_252 : i32
        %get3A_254 = arith.index_cast %mul3A_253 : i32 to index
        %get3A_255 = tpu.vector_load %arg36[%get3A_254] {strides = array<i32>} : memref<608xi32, #tpu.memory_space<vmem>>, vector<16xi32>,
        %broadcast_in_dim3A_256 = arith.constant true
        %broadcast_in_dim3A_257 = vector.broadcast %broadcast_in_dim3A_256 : i1 to vector<16xi1>
        %masked_cumsum3A = tpu.scan <sum>, %get3A_255 masked %broadcast_in_dim3A_257 : vector<16xi32>, vector<16xi1> -> vector<16xi32>
        %add3A_258 = vector.broadcast %while3A_251 : i32 to vector<16xi32>
        %add3A_259 = arith.addi %add3A_258, %masked_cumsum3A : vector<16xi32>
        %sub3A = arith.subi %add3A_259, %get3A_255 : vector<16xi32>
        %gt3A = arith.constant 0 : i32
        %gt3A_260 = vector.broadcast %gt3A : i32 to vector<16xi32>
        %gt3A_261 = arith.cmpi sgt, %get3A_255, %gt3A_260 : vector<16xi32>
        %lt3A = arith.constant 100 : i32
        %lt3A_262 = vector.broadcast %lt3A : i32 to vector<16xi32>
        %lt3A_263 = arith.cmpi slt, %sub3A, %lt3A_262 : vector<16xi32>
        %and3A = arith.andi %gt3A_261, %lt3A_263 : vector<16xi1>
        %min3A_264 = arith.constant 111 : i32
        %min3A_265 = vector.broadcast %min3A_264 : i32 to vector<16xi32>
        %min3A_266 = arith.minsi %sub3A, %min3A_265 : vector<16xi32>
        %get3A_267 = arith.index_cast %mul3A_253 : i32 to index
        %get3A_268 = tpu.vector_load %arg27[%get3A_267] {strides = array<i32>} : memref<608xf32, #tpu.memory_space<vmem>>, vector<16xf32>,
        %jit3A_269 = arith.constant 0.000000e+00 : f32
        %jit3A_270 = arith.constant 1.000000e+00 : f32
        %max3A_271 = vector.broadcast %jit3A_269 : f32 to vector<16xf32>
        %max3A_272 = arith.maximumf %max3A_271, %get3A_268 : vector<16xf32>
        %min3A_273 = vector.broadcast %jit3A_270 : f32 to vector<16xf32>
        %min3A_274 = arith.minimumf %min3A_273, %max3A_272 : vector<16xf32>
        tpu.vector_store_idx %arg37[%min3A_266], %min3A_274 masked %and3A : memref<672xf32, #tpu.memory_space<vmem>>[vector<16xi32>], vector<16xf32>, vector<16xi1>
        %add3A_275 = arith.constant 112 : i32
        %add3A_276 = vector.broadcast %add3A_275 : i32 to vector<16xi32>
        %add3A_277 = arith.addi %min3A_266, %add3A_276 : vector<16xi32>
        %get3A_278 = arith.index_cast %mul3A_253 : i32 to index
        %get3A_279 = tpu.vector_load %arg28[%get3A_278] {strides = array<i32>} : memref<608xf32, #tpu.memory_space<vmem>>, vector<16xf32>,
        %jit3A_280 = arith.constant 0.000000e+00 : f32
        %jit3A_281 = arith.constant 1.000000e+00 : f32
        %max3A_282 = vector.broadcast %jit3A_280 : f32 to vector<16xf32>
        %max3A_283 = arith.maximumf %max3A_282, %get3A_279 : vector<16xf32>
        %min3A_284 = vector.broadcast %jit3A_281 : f32 to vector<16xf32>
        %min3A_285 = arith.minimumf %min3A_284, %max3A_283 : vector<16xf32>
        tpu.vector_store_idx %arg37[%add3A_277], %min3A_285 masked %and3A : memref<672xf32, #tpu.memory_space<vmem>>[vector<16xi32>], vector<16xf32>, vector<16xi1>
        %add3A_286 = arith.constant 224 : i32
        %add3A_287 = vector.broadcast %add3A_286 : i32 to vector<16xi32>
        %add3A_288 = arith.addi %min3A_266, %add3A_287 : vector<16xi32>
        %get3A_289 = arith.index_cast %mul3A_253 : i32 to index
        %get3A_290 = tpu.vector_load %arg29[%get3A_289] {strides = array<i32>} : memref<608xf32, #tpu.memory_space<vmem>>, vector<16xf32>,
        %jit3A_291 = arith.constant 0.000000e+00 : f32
        %jit3A_292 = arith.constant 1.000000e+00 : f32
        %max3A_293 = vector.broadcast %jit3A_291 : f32 to vector<16xf32>
        %max3A_294 = arith.maximumf %max3A_293, %get3A_290 : vector<16xf32>
        %min3A_295 = vector.broadcast %jit3A_292 : f32 to vector<16xf32>
        %min3A_296 = arith.minimumf %min3A_295, %max3A_294 : vector<16xf32>
        tpu.vector_store_idx %arg37[%add3A_288], %min3A_296 masked %and3A : memref<672xf32, #tpu.memory_space<vmem>>[vector<16xi32>], vector<16xf32>, vector<16xi1>
        %add3A_297 = arith.constant 336 : i32
        %add3A_298 = vector.broadcast %add3A_297 : i32 to vector<16xi32>
        %add3A_299 = arith.addi %min3A_266, %add3A_298 : vector<16xi32>
        %get3A_300 = arith.index_cast %mul3A_253 : i32 to index
        %get3A_301 = tpu.vector_load %arg30[%get3A_300] {strides = array<i32>} : memref<608xf32, #tpu.memory_space<vmem>>, vector<16xf32>,
        %jit3A_302 = arith.constant 0.000000e+00 : f32
        %jit3A_303 = arith.constant 1.000000e+00 : f32
        %max3A_304 = vector.broadcast %jit3A_302 : f32 to vector<16xf32>
        %max3A_305 = arith.maximumf %max3A_304, %get3A_301 : vector<16xf32>
        %min3A_306 = vector.broadcast %jit3A_303 : f32 to vector<16xf32>
        %min3A_307 = arith.minimumf %min3A_306, %max3A_305 : vector<16xf32>
        tpu.vector_store_idx %arg37[%add3A_299], %min3A_307 masked %and3A : memref<672xf32, #tpu.memory_space<vmem>>[vector<16xi32>], vector<16xf32>, vector<16xi1>
        %add3A_308 = arith.constant 448 : i32
        %add3A_309 = vector.broadcast %add3A_308 : i32 to vector<16xi32>
        %add3A_310 = arith.addi %min3A_266, %add3A_309 : vector<16xi32>
        %get3A_311 = arith.index_cast %mul3A_253 : i32 to index
        %get3A_312 = tpu.vector_load %arg24[%get3A_311] {strides = array<i32>} : memref<608xf32, #tpu.memory_space<vmem>>, vector<16xf32>,
        tpu.vector_store_idx %arg37[%add3A_310], %get3A_312 masked %and3A : memref<672xf32, #tpu.memory_space<vmem>>[vector<16xi32>], vector<16xf32>, vector<16xi1>
        %add3A_313 = arith.constant 560 : i32
        %add3A_314 = vector.broadcast %add3A_313 : i32 to vector<16xi32>
        %add3A_315 = arith.addi %min3A_266, %add3A_314 : vector<16xi32>
        %get3A_316 = arith.index_cast %mul3A_253 : i32 to index
        %get3A_317 = tpu.vector_load %arg26[%get3A_316] {strides = array<i32>} : memref<608xi32, #tpu.memory_space<vmem>>, vector<16xi32>,
        %bitcast3A = vector.bitcast %get3A_317 : vector<16xi32> to vector<16xf32>
        tpu.vector_store_idx %arg37[%add3A_315], %bitcast3A masked %and3A : memref<672xf32, #tpu.memory_space<vmem>>[vector<16xi32>], vector<16xf32>, vector<16xi1>
        %reduce_sum3A = arith.constant true
        %reduce_sum3A_318 = vector.broadcast %reduce_sum3A : i1 to vector<16xi1>
        %reduce_sum3A_319 = tpu.scan <sum>, %get3A_255 masked %reduce_sum3A_318 : vector<16xi32>, vector<16xi1> -> vector<16xi32>
        %reduce_sum3A_320 = vector.extract %reduce_sum3A_319[15] : i32 from vector<16xi32>
        %add3A_321 = arith.addi %while3A_251, %reduce_sum3A_320 : i32
        scf.yield %add3A_321 : i32
      }
      "tpu.region"() ({
        %run_scoped3A_250 = tpu.sem_alloc : memref<!tpu.dma_semaphore, #tpu.memory_space<semaphore_mem>>
        %dma_start3A = arith.constant 0 : i32
        %dma_start3A_251 = tpu.memref_slice %arg5[%add3A, %dma_start3A] : memref<8x672xf32, #tpu.memory_space<hbm>> -> memref<1x672xf32, #tpu.memory_space<hbm>>
        %dma_start3A_252 = tpu.memref_squeeze %dma_start3A_251 : memref<1x672xf32, #tpu.memory_space<hbm>> -> memref<672xf32, #tpu.memory_space<hbm>>
        %dma_start3A_253 = arith.constant 0 : i32
        %dma_start3A_254 = tpu.memref_slice %arg5[%add3A, %dma_start3A_253] : memref<8x672xf32, #tpu.memory_space<hbm>> -> memref<1x672xf32, #tpu.memory_space<hbm>>
        %dma_start3A_255 = tpu.memref_squeeze %dma_start3A_254 : memref<1x672xf32, #tpu.memory_space<hbm>> -> memref<672xf32, #tpu.memory_space<hbm>>
        tpu.enqueue_dma source(%arg37 : memref<672xf32, #tpu.memory_space<vmem>>) target(%dma_start3A_255 : memref<672xf32, #tpu.memory_space<hbm>>) target_semaphore(%run_scoped3A_250 : memref<!tpu.dma_semaphore, #tpu.memory_space<semaphore_mem>>)
        %dma_wait3A = arith.constant 0 : i32
        %dma_wait3A_256 = tpu.memref_slice %arg5[%add3A, %dma_wait3A] : memref<8x672xf32, #tpu.memory_space<hbm>> -> memref<1x672xf32, #tpu.memory_space<hbm>>
        %dma_wait3A_257 = tpu.memref_squeeze %dma_wait3A_256 : memref<1x672xf32, #tpu.memory_space<hbm>> -> memref<672xf32, #tpu.memory_space<hbm>>
        %dma_wait3A_258 = arith.constant 0 : i32
        %dma_wait3A_259 = tpu.memref_slice %arg5[%add3A, %dma_wait3A_258] : memref<8x672xf32, #tpu.memory_space<hbm>> -> memref<1x672xf32, #tpu.memory_space<hbm>>
        %dma_wait3A_260 = tpu.memref_squeeze %dma_wait3A_259 : memref<1x672xf32, #tpu.memory_space<hbm>> -> memref<672xf32, #tpu.memory_space<hbm>>
        tpu.wait_dma2 semaphore(%run_scoped3A_250 : memref<!tpu.dma_semaphore, #tpu.memory_space<semaphore_mem>>) src(%arg37 : memref<672xf32, #tpu.memory_space<vmem>>) dst(%dma_wait3A_260 : memref<672xf32, #tpu.memory_space<hbm>>)
        tpu.yield
      }) : () -> ()
    } else {
    }
    return
  }
}

</mosaic_0001>

<sc_bundles>
// kernel: kernel.3.cloned.1.call-start
scs
__scs_entry_jumppad:
0x0: {  	(pc) =	sbr.rel $0x88, $3  }
0x1: {  	(tag) =	ssettag $0x0;
	lr =	simm.s32 $0x1  }
0x2: {  	[smem:$0x3F9F] =	sst lr;
	_ =	strace $0xD0000000  }
0x3: {  	_ = 	snop  }
0x4: {  	_ = 	snop  }
0x5: {  	_ = 	snop  }
0x6: {  	_ = 	snop  }
0x7: {  	_ = 	snop  }
__scs_overlays_trampoline_lowered:
0x8: {  	[smem:$0x3FAE] =	sst s0  }
0x9: {  	[smem:$0x3FAF] =	sst s1  }
0xa: {  	[smem:$0x3FB0] =	sst s2  }
0xb: {  	[smem:$0x3FB1] =	sst s3  }
0xc: {  	[smem:$0x3FB2] =	sst s4  }
0xd: {  	[smem:$0x3FB3] =	sst s5  }
0xe: {  	[smem:$0x3FB4] =	sst s6  }
0xf: {  	[smem:$0x3FB5] =	sst s7  }
0x10: {  	[smem:$0x3FB6] =	sst s8  }
0x11: {  	[smem:$0x3FB7] =	sst s9;
	s0 =	simm.s32 @!p0 $0x0  }
0x12: {  	s1 =	sld [smem:$0x3F9D];
	s0 =	simm.s32 @p0 $0x1  }
0x13: {  	[smem:$0x3FB8] =	sst s0;
	s0 =	simm.s32 @!p1 $0x0  }
0x14: {  	s2 =	sld [smem:$0x3F9C];
	s0 =	simm.s32 @p1 $0x1  }
0x15: {  	[smem:$0x3FB9] =	sst s0;
	s0 =	simm.s32 @!p2 $0x0  }
0x16: {  	s3 =	sld [smem:$0x3FDB];
	s0 =	simm.s32 @p2 $0x1  }
0x17: {  	s4 =	simm.s32 $0x1BF5;
	[smem:$0x3FBB] =	sst s0  }
0x18: {  	s0 =	sld [smem:$0x3F9E];
	_ =	swait.ge [sflag:s4], $0x0  }
0x19: {  	s7 =	sld [smem:$0x3F9F]  }
0x1a: {  	s8 =	sadd.s32 $0xFFFFE003, lr  }
0x1b: {  	s9 =	sadd.s32 $0xFFFFFEF7, lr;
	s5 =	simm.s32 $0xFFFFFFFF;
	p2 =	slt.u32 s8, $0xFFFFF086  }
0x1c: {  	p1 =	slt.u32 s9, $0xF7A;
	s5 =	simm.s32 @!p2 $0x0  }
0x1d: {  	s5 =	simm.s32 @p1 $0x1;
	p0 =	seq.s32 s7, s2  }
0x1e: {  	s7 =	smul.u32 @!p0 $0xF7A, s2;
	p2 =	seq.s32 @!p0 s5, $0x0  }
0x1f: {  	s9 =	smul.u32 $0xF7A, s1;
	s8 =	simm.s32 @!p0 $0x1BF5;
	p2 =	por !p2, p0  }
0x20: {  	[sflag:s8] =	ssyncset.s32 @!p0 $0xFFFFF086;
	s6 =	sadd.s32 @!p0 s3, s7;
	s7 =	simm.s32 @!p0 $0x108  }
0x21: {  	s3 =	sadd.s32 s3, s9;
	s6 =	sadd.s32 @!p0 $0x88, s6;
	s7 =	simm.s32 @p2 $0x1082  }
0x22: {  	[simem:s7], [sflag:s8] =	dma.local @!p0 [hbm:s6], $0xF7A  }
0x23: {  	s9 =	sor.u32 $0xD0000000, s2;
	s6 =	simm.s32 $0x108;
	_ =	swait.ge @!p0 [sflag:s8], $0x0  }
0x24: {  	s3 =	sadd.s32 $0x88, s3;
	s6 =	simm.s32 @!p1 $0x1082;
	[sflag:s4] =	ssyncset.s32 $0xFFFFF086  }
0x25: {  	[simem:s6], [sflag:s4] =	dma.local [hbm:s3], $0xF7A  }
0x26: {  	[smem:$0x3F9F] =	sst s1;
	(tag) =	ssettag s2;
	_ =	strace s9  }
0x27: {  	s1 =	sld [smem:$0x3FAF]  }
0x28: {  	s2 =	sld [smem:$0x3FB0]  }
0x29: {  	s4 =	sld [smem:$0x3FB2]  }
0x2a: {  	p0 =	seq.s32 s5, $0x0;
	s5 =	sld [smem:$0x3FB3]  }
0x2b: {  	s6 =	sld [smem:$0x3FB4]  }
0x2c: {  	s7 =	sld [smem:$0x3FB5]  }
0x2d: {  	s3 =	simm.s32 $0x108;
	s8 =	sld [smem:$0x3FB6]  }
0x2e: {  	s3 =	simm.s32 @!p0 $0x1082;
	s9 =	sld [smem:$0x3FB7]  }
0x2f: {  	lr =	sadd.s32 s0, s3;
	s0 =	sld [smem:$0x3FAE]  }
0x30: {  	s3 =	sld [smem:$0x3FB1]  }
0x31: {  	[smem:$0x3FBA] =	sst s10  }
0x32: {  	s10 =	sld [smem:$0x3FB8];
	_ =	sdelay $0x3  }
0x33: {  	p0 =	seq.s32 s10, $0x1;
	s10 =	sld [smem:$0x3FBA];
	_ =	sdelay $0x3  }
0x34: {  	[smem:$0x3FBA] =	sst s10  }
0x35: {  	s10 =	sld [smem:$0x3FB9];
	_ =	sdelay $0x3  }
0x36: {  	p1 =	seq.s32 s10, $0x1;
	s10 =	sld [smem:$0x3FBA];
	_ =	sdelay $0x3  }
0x37: {  	[smem:$0x3FBA] =	sst s10  }
0x38: {  	s10 =	sld [smem:$0x3FBB]  }
0x39: {  	_ = 	snop;
	(pc) =	sbr.ind lr, $3  }
0x3a: {  	_ = 	snop  }
0x3b: {  	_ = 	snop  }
0x3c: {  	p2 =	seq.s32 s10, $0x1;
	s10 =	sld [smem:$0x3FBA]  }
0x3d: {  	_ =	shalt  }
0x3e: {  	_ =	shalt  }
0x3f: {  	_ =	shalt  }
0x40: {  	_ =	shalt  }
0x41: {  	_ =	shalt  }
0x42: {  	_ =	shalt  }
0x43: {  	_ =	shalt  }
0x44: {  	_ =	shalt  }
0x45: {  	_ =	shalt  }
0x46: {  	_ =	shalt  }
0x47: {  	_ =	shalt  }
0x48: {  	_ =	shalt  }
0x49: {  	_ =	shalt  }
0x4a: {  	_ =	shalt  }
0x4b: {  	_ =	shalt  }
0x4c: {  	_ =	shalt  }
0x4d: {  	_ =	shalt  }
0x4e: {  	_ =	shalt  }
0x4f: {  	_ =	shalt  }
0x50: {  	_ =	shalt  }
0x51: {  	_ =	shalt  }
0x52: {  	_ =	shalt  }
0x53: {  	_ =	shalt  }
0x54: {  	_ =	shalt  }
0x55: {  	_ =	shalt  }
0x56: {  	_ =	shalt  }
0x57: {  	_ =	shalt  }
0x58: {  	_ =	shalt  }
0x59: {  	_ =	shalt  }
0x5a: {  	_ =	shalt  }
0x5b: {  	_ =	shalt  }
0x5c: {  	_ =	shalt  }
0x5d: {  	_ =	shalt  }
0x5e: {  	_ =	shalt  }
0x5f: {  	_ =	shalt  }
0x60: {  	_ =	shalt  }
0x61: {  	_ =	shalt  }
0x62: {  	_ =	shalt  }
0x63: {  	_ =	shalt  }
0x64: {  	_ =	shalt  }
0x65: {  	_ =	shalt  }
0x66: {  	_ =	shalt  }
0x67: {  	_ =	shalt  }
0x68: {  	_ =	shalt  }
0x69: {  	_ =	shalt  }
0x6a: {  	_ =	shalt  }
0x6b: {  	_ =	shalt  }
0x6c: {  	_ =	shalt  }
0x6d: {  	_ =	shalt  }
0x6e: {  	_ =	shalt  }
0x6f: {  	_ =	shalt  }
0x70: {  	_ =	shalt  }
0x71: {  	_ =	shalt  }
0x72: {  	_ =	shalt  }
0x73: {  	_ =	shalt  }
0x74: {  	_ =	shalt  }
0x75: {  	_ =	shalt  }
0x76: {  	_ =	shalt  }
0x77: {  	_ =	shalt  }
0x78: {  	_ =	shalt  }
0x79: {  	_ =	shalt  }
0x7a: {  	_ =	shalt  }
0x7b: {  	_ =	shalt  }
0x7c: {  	_ =	shalt  }
0x7d: {  	_ =	shalt  }
0x7e: {  	_ =	shalt  }
0x7f: {  	_ =	shalt  }
0x80: {  	_ =	shalt  }
0x81: {  	_ =	shalt  }
0x82: {  	_ =	shalt  }
0x83: {  	_ =	shalt  }
0x84: {  	_ =	shalt  }
0x85: {  	_ =	shalt  }
0x86: {  	_ =	shalt  }
0x87: {  	_ =	shalt  }
.Lfunc_end0:
.L_simem_size_0:
called_computation_lowered:
.L_overlay_start_0:
0x88: {  	s2 =	sld [smem:$0x3FD9]  }
0x89: {  	s3 =	sld [smem:$0x3FFE];
	_ =	sdelay $0x1  }
0x8a: {  	s1 =	srdreg.scid  }
0x8b: {  	s0 =	sand.u32 $0x1, s1  }
0x8c: {  	s16 =	sshll.u32 s0, $0xA;
	s2 =	sadd.s32 s3, s2  }
0x8d: {  	s2 =	sadd.s32 s2, s16  }
0x8e: {  	[smem:$0x3FC6] =	sst s2  }
0x8f: {  	_ = 	snop  }
0x90: {  	(tm) =	ssettm $0x1  }
0x91: {  	s17 =	sld [smem:$0x3FFB];
	_ =	sdelay $0x3  }
0x92: {  	_ =	strace s17  }
0x93: {  	s2 =	sld [smem:$0x3FFC];
	_ =	sdelay $0x3  }
0x94: {  	_ =	strace s2  }
0x95: {  	s2 =	sld [smem:$0x3FFD];
	_ =	sdelay $0x3  }
0x96: {  	_ =	strace s2  }
0x97: {  	_ =	strace $0x8FFFFFFF  }
0x98: {  	s18 =	sld [smem:$0x3FDB];
	_ =	sdelay $0x1  }
0x99: {  	s19 =	simm.s32 $_scs_section_size  }
0x9a: {  	s4 =	simm.s32 $_size__tile_overlayer_lowered;
	s5 =	simm.s32 $_tile_overlayer_lowered  }
0x9b: {  	s22 =	simm.s32 $0x1BFF;
	s21 =	sshll.u32 s5, $0x1;
	s2 =	sadd.s32 s19, s18  }
0x9c: {  	s6 =	simm.s32 $0x0;
	s20 =	sshll.u32 s4, $0x1;
	s4 =	sadd.s32 s21, s2  }
0x9d: {  	[timem:s6], [sflag:s22] =	dma.local [hbm:s4], s20  }
0x9e: {  	_ =	swait.ge [sflag:s22], s20  }
0x9f: {  	s3 =	ssub.s32 $0x0, s20;
	[sflag:s22] =	ssyncset.done $0x0  }
0xa0: {  	[sflag:s22] =	ssyncadd.s32 s3;
	_ =	sdelay $0x1  }
0xa1: {  	s23 =	simm.s32 $0x1B8B  }
0xa2: {  	_ =	swait.ge [sflag:s23], $0x1  }
0xa3: {  	[sflag:s23] =	ssyncset.done $0x0  }
0xa4: {  	s25 =	simm.s32 $0x1B8E;
	s24 =	sld [smem:$0x3FFE];
	[sflag:s23] =	ssyncadd.s32 $0xFFFFFFFF  }
0xa5: {  	s26 =	simm.s32 $execute0_lowered;
	[smem:$0x3FD2] =	sst s25  }
0xa6: {  	s4 =	sshll.u32 s26, $0x1;
	_ =	strace $0x80000046;
	[dreg:$0x1] =	wrdreg $0xFFFFFFFF  }
0xa7: {  	s28 =	simm.s32 $_size_execute0_lowered;
	s2 =	sadd.s32 s2, s4;
	[dreg:$0x0] =	wrdreg $0x0  }
0xa8: {  	s4 =	sshll.u32 s28, $0x1;
	[dreg:$0x2] =	wrdreg s2  }
0xa9: {  	[dreg:$0x3] =	wrdreg s4  }
0xaa: {  	[dreg:$0x4] =	wrdreg $0xC0  }
0xab: {  	_ =	task [dreg:s6], $0x5FFFF  }
0xac: {  	[dreg:$0x1] =	wrdreg $0xFFFFFFFF  }
0xad: {  	[dreg:$0x0] =	wrdreg $0x60  }
0xae: {  	[dreg:$0x2] =	wrdreg s24  }
0xaf: {  	[dreg:$0x3] =	wrdreg $0xB9800  }
0xb0: {  	[dreg:$0x4] =	wrdreg $0xB0800  }
0xb1: {  	[dreg:$0x5] =	wrdreg $0xB3800  }
0xb2: {  	[dreg:$0x6] =	wrdreg $0xB6800  }
0xb3: {  	[dreg:$0x7] =	wrdreg $0x9  }
0xb4: {  	_ =	task.clear_ibuf [dreg:s6], $0x8FFFF;
	_ =	strace $0x90000046  }
0xb5: {  	s29 =	simm.s32 $0x9;
	_ =	strace $0x80000048  }
0xb6: {  	_ =	swait.ge [sflag:s29], $0x1  }
0xb7: {  	[sflag:s29] =	ssyncadd.s32 $0xFFFFFFFF  }
0xb8: {  	_ =	strace $0x90000048  }
0xb9: {  	_ =	sfence  }
0xba: {  	s30 =	sld [smem:$0x0];
	_ =	sdelay $0x2  }
0xbb: {  	s31 =	sshll.u32 s1, $0xD;
	s1 =	sshrl.u32 s1, $0x2  }
0xbc: {  	s3 =	sand.u32 $0x4000, s31;
	s1 =	sadd.s32 s1, s30  }
0xbd: {  	s0 =	sor.u32 s3, s0;
	s1 =	sshll.u32 s1, $0x11  }
0xbe: {  	s0 =	sor.u32 s1, s0  }
0xbf: {  	s0 =	sadd.s32 $0x8F2B, s0  }
0xc0: {  	[sflag:s0] =	ssyncadd.remote.s32 $0x1  }
0xc1: {  	_ =	sfence.sel $0xFFFF  }
0xc2: {  	[dreg:$0x0] =	wrdreg $0xFFFFFFFF;
	(pc) =	sbr.abs _section_cstart, $3  }
0xc3: {  	[dreg:$0x1] =	wrdreg $0xFFFFFFFF  }
0xc4: {  	_ =	task.clear_ibuf [dreg:s6], $0x2FFFF;
	_ =	strace $0x9FFFFFFF  }
0xc5: {  	(tm) =	ssettm $0x7FFFFFFF  }
tec
execute0_lowered:
.L_overlay_start_1:
0x0: {  	(tag) =	ssettag $0x1  }
0x1: {  	s0 =	rddreg [dreg:$0x0]  }
0x2: {  	s1 =	rddreg [dreg:$0x1]  }
0x3: {  	s3 =	rddreg [dreg:$0x2]  }
0x4: {  	s4 =	rddreg [dreg:$0x3];
	s2 =	srdreg.scid  }
0x5: {  	s5 =	rddreg [dreg:$0x4];
	s11 =	stileid.u32;
	s6 =	sand.u32 $0x1, s2  }
0x6: {  	s2 =	simm.s32 $0x0;
	s7 =	sshrl.u32 s11, $0x2;
	s10 =	sshrl.u32 s11, $0x3  }
0x7: {  	s29 =	sadd.s32 $0x15A00, s0;
	s8 =	sshll.u32 s6, $0x2;
	[smem:$0x7FF] =	sst s2  }
0x8: {  	s10 =	smul.u32 $0x1800, s10;
	s6 =	ssub.s32 $0x2, s6;
	s7 =	sor.u32 s7, s8  }
0x9: {  	s8 =	sand.u32 $0x3, s11;
	s11 =	sshll.u32 s11, $0x7;
	s13 =	sshrl.u32 s6, $0x1  }
0xa: {  	_ =	strace $0x80000047;
	[dreg:$0x12] =	wrdreg s29;
	s12 =	sand.u32 $0x380, s11  }
0xb: {  	s14 =	sor.u32 $0x80, s11;
	s6 =	ssub.s32 s6, s13;
	s15 =	sor.u32 $0x100, s11  }
0xc: {  	s16 =	sor.u32 $0x180, s11;
	s12 =	sor.u32 s12, s10;
	s24 =	sand.u32 $0x280, s14  }
0xd: {  	s25 =	sand.u32 $0x300, s15;
	s26 =	sand.u32 $0x380, s16;
	s19 =	sadd.s32 s12, s3  }
0xe: {  	s20 =	sadd.s32 s12, s4;
	s13 =	sor.u32 s10, s24;
	s21 =	sadd.s32 s12, s5  }
0xf: {  	s12 =	sor.u32 s10, s25;
	s10 =	sor.u32 s10, s26;
	s17 =	sadd.s32 s13, s3  }
0x10: {  	s18 =	sadd.s32 s13, s4;
	s23 =	sadd.s32 s13, s5;
	s24 =	sadd.s32 s12, s3  }
0x11: {  	s13 =	sadd.s32 s12, s4;
	s12 =	sadd.s32 s12, s5;
	[dreg:$0x6] =	wrdreg s19  }
0x12: {  	s25 =	sadd.s32 s10, s3;
	s26 =	sadd.s32 s10, s4;
	[dreg:$0x7] =	wrdreg s20  }
0x13: {  	s10 =	sadd.s32 s10, s5;
	s5 =	sadd.s32 s14, s1;
	[dreg:$0x8] =	wrdreg s21  }
0x14: {  	s14 =	sadd.s32 $0x400, s19;
	[dreg:$0x16] =	wrdreg s5  }
0x15: {  	[dreg:$0x1b] =	wrdreg s14  }
0x16: {  	[dreg:$0x9] =	wrdreg s17  }
0x17: {  	[dreg:$0xa] =	wrdreg s18  }
0x18: {  	[dreg:$0xb] =	wrdreg s23  }
0x19: {  	[dreg:$0xc] =	wrdreg s24  }
0x1a: {  	s9 =	sshll.u32 s7, $0x2;
	[dreg:$0xd] =	wrdreg s13  }
0x1b: {  	s9 =	sor.u32 s8, s9;
	[dreg:$0xe] =	wrdreg s12  }
0x1c: {  	s9 =	smul.u32 $0x900, s9;
	[dreg:$0xf] =	wrdreg s25  }
0x1d: {  	s4 =	smul.u32 $0x5DC, s7;
	s7 =	sshll.u32 s7, $0x4;
	[dreg:$0x10] =	wrdreg s26  }
0x1e: {  	s22 =	sadd.s32 s9, s0;
	s5 =	sadd.s32 $0x400, s20;
	[dreg:$0x11] =	wrdreg s10  }
0x1f: {  	s14 =	sadd.s32 $0x800, s21;
	s3 =	sadd.s32 s4, s0;
	[smem:$0x7C7] =	sst s5  }
0x20: {  	s4 =	sadd.s32 s7, s0;
	s7 =	sadd.s32 s15, s1;
	[smem:$0x7CD] =	sst s14  }
0x21: {  	s0 =	sadd.s32 s11, s1;
	s1 =	sadd.s32 s16, s1;
	[dreg:$0x17] =	wrdreg s7  }
0x22: {  	s11 =	smax.u32 s6, $0x1;
	[dreg:$0x18] =	wrdreg s1  }
0x23: {  	p0 =	sne.s32 s8, $0x0;
	s15 =	sadd.s32 $0x800, s19;
	[dreg:$0x1a] =	wrdreg s11  }
0x24: {  	p1 =	seq.s32 s8, $0x0;
	s16 =	sadd.s32 $0xC00, s19;
	[dreg:$0x1c] =	wrdreg s15  }
0x25: {  	s30 =	sadd.s32 $0xA00, s22;
	s6 =	sadd.s32 $0x800, s20;
	[dreg:$0x1d] =	wrdreg s16  }
0x26: {  	s22 =	smul.u32 $0x2F0, s8;
	s8 =	sadd.s32 $0x1000, s20;
	[smem:$0x7C8] =	sst s6  }
0x27: {  	s5 =	sadd.s32 $0x800, s17;
	[smem:$0x7CA] =	sst s8  }
0x28: {  	s14 =	sadd.s32 $0xC00, s18;
	[smem:$0x7D2] =	sst s5  }
0x29: {  	[smem:$0x7D8] =	sst s14  }
0x2a: {  	s9 =	sadd.s32 $0x16000, s4;
	[dreg:$0x13] =	wrdreg s30  }
0x2b: {  	s31 =	sadd.s32 $0x12A00, s3;
	s3 =	sadd.s32 $0x1000, s19;
	[dreg:$0x19] =	wrdreg s9  }
0x2c: {  	s4 =	sadd.s32 $0x1400, s19;
	[dreg:$0x1e] =	wrdreg s3  }
0x2d: {  	s7 =	sadd.s32 $0xC00, s20;
	[dreg:$0x1f] =	wrdreg s4  }
0x2e: {  	s11 =	sadd.s32 $0x400, s21;
	[smem:$0x7C9] =	sst s7  }
0x2f: {  	s15 =	sadd.s32 $0xC00, s21;
	[smem:$0x7CC] =	sst s11  }
0x30: {  	s16 =	sadd.s32 $0x1000, s21;
	[smem:$0x7CE] =	sst s15  }
0x31: {  	s6 =	sadd.s32 $0xC00, s17;
	[smem:$0x7CF] =	sst s16  }
0x32: {  	s8 =	sadd.s32 $0x1400, s17;
	[smem:$0x7D3] =	sst s6  }
0x33: {  	s5 =	sadd.s32 $0x1400, s23;
	[smem:$0x7D5] =	sst s8  }
0x34: {  	s14 =	sadd.s32 $0x400, s13;
	[smem:$0x7DF] =	sst s5  }
0x35: {  	s1 =	sadd.s32 $0x800, s12;
	[smem:$0x7E5] =	sst s14  }
0x36: {  	[smem:$0x7EB] =	sst s1  }
0x37: {  	s9 =	sadd.s32 $0x1400, s20;
	[dreg:$0x14] =	wrdreg s31  }
0x38: {  	s3 =	sadd.s32 $0x1400, s21;
	[smem:$0x7CB] =	sst s9  }
0x39: {  	s4 =	sadd.s32 $0x400, s17;
	[smem:$0x7D0] =	sst s3  }
0x3a: {  	s7 =	sadd.s32 $0x1000, s17;
	[smem:$0x7D1] =	sst s4  }
0x3b: {  	s11 =	sadd.s32 $0x800, s18;
	[smem:$0x7D4] =	sst s7  }
0x3c: {  	s15 =	sadd.s32 $0x1000, s18;
	[smem:$0x7D7] =	sst s11  }
0x3d: {  	s16 =	sadd.s32 $0x1400, s18;
	[smem:$0x7D9] =	sst s15  }
0x3e: {  	s17 =	sadd.s32 $0x400, s23;
	[smem:$0x7DA] =	sst s16  }
0x3f: {  	s6 =	sadd.s32 $0x400, s24;
	[smem:$0x7DB] =	sst s17  }
0x40: {  	s8 =	sadd.s32 $0xC00, s24;
	[smem:$0x7E0] =	sst s6  }
0x41: {  	s5 =	sadd.s32 $0x1400, s12;
	[smem:$0x7E2] =	sst s8  }
0x42: {  	s14 =	sadd.s32 $0xC00, s26;
	[smem:$0x7EE] =	sst s5  }
0x43: {  	s9 =	sadd.s32 $0x400, s18;
	[smem:$0x7F6] =	sst s14  }
0x44: {  	s18 =	sadd.s32 $0x800, s23;
	[smem:$0x7D6] =	sst s9  }
0x45: {  	s3 =	sadd.s32 $0xC00, s23;
	[smem:$0x7DC] =	sst s18  }
0x46: {  	s4 =	sadd.s32 $0x1000, s23;
	[smem:$0x7DD] =	sst s3  }
0x47: {  	s7 =	sadd.s32 $0x800, s24;
	[smem:$0x7DE] =	sst s4  }
0x48: {  	s11 =	sadd.s32 $0x1400, s24;
	[smem:$0x7E1] =	sst s7  }
0x49: {  	s15 =	sadd.s32 $0x800, s13;
	[smem:$0x7E4] =	sst s11  }
0x4a: {  	s16 =	sadd.s32 $0xC00, s13;
	[smem:$0x7E6] =	sst s15  }
0x4b: {  	s17 =	sadd.s32 $0x1000, s13;
	[smem:$0x7E7] =	sst s16  }
0x4c: {  	s6 =	sadd.s32 $0x400, s25;
	[smem:$0x7E8] =	sst s17  }
0x4d: {  	s8 =	sadd.s32 $0xC00, s25;
	[smem:$0x7EF] =	sst s6  }
0x4e: {  	s23 =	smov.u32 s0;
	[smem:$0x7F1] =	sst s8  }
0x4f: {  	s9 =	sadd.s32 $0x1000, s24;
	[dreg:$0x15] =	wrdreg s23  }
0x50: {  	s18 =	sadd.s32 $0x1400, s13;
	[smem:$0x7E3] =	sst s9  }
0x51: {  	s24 =	sadd.s32 $0x400, s12;
	[smem:$0x7E9] =	sst s18  }
0x52: {  	s3 =	sadd.s32 $0xC00, s12;
	[smem:$0x7EA] =	sst s24  }
0x53: {  	s4 =	sadd.s32 $0x1000, s12;
	[smem:$0x7EC] =	sst s3  }
0x54: {  	s7 =	sadd.s32 $0x800, s25;
	[smem:$0x7ED] =	sst s4  }
0x55: {  	s11 =	sadd.s32 $0x1400, s25;
	[smem:$0x7F0] =	sst s7  }
0x56: {  	s12 =	sadd.s32 $0x400, s26;
	[smem:$0x7F3] =	sst s11  }
0x57: {  	s28 =	simm.s32 $0xAA00;
	s13 =	sadd.s32 $0x800, s26;
	[smem:$0x7F4] =	sst s12  }
0x58: {  	s1 =	simm.s32 $0x12480;
	s15 =	sadd.s32 $0x1000, s26;
	[smem:$0x7F5] =	sst s13  }
0x59: {  	s14 =	simm.s32 $0x0;
	s16 =	sadd.s32 $0x1400, s26;
	[smem:$0x7F7] =	sst s15  }
0x5a: {  	s17 =	sadd.s32 $0x400, s10;
	s26 =	sadd.s32 $0x1400, s10;
	[smem:$0x7F8] =	sst s16  }
0x5b: {  	s6 =	simm.s32 $0x7700;
	s9 =	sadd.s32 $0x1000, s25;
	[smem:$0x7F9] =	sst s17  }
.Ltmp0:
0x5c: {  	s18 =	sadd.s32 $0x800, s10;
	[smem:$0x7FD] =	sst s26;
	(pc) =	sbr.rel .LBB2_1-.Ltmp0, $4  }
0x5d: {  	s24 =	sadd.s32 $0xC00, s10;
	s25 =	sadd.s32 $0x1000, s10;
	[smem:$0x7F2] =	sst s9  }
0x5e: {  	s26 =	simm.s32 $0xA700;
	s7 =	simm.s32 $0x4800;
	[smem:$0x7FA] =	sst s18  }
0x5f: {  	v1 =	vimm.s32 $0x0;
	v2 =	vlaneseq.u32;
	s11 =	simm.s32 $0xE000;
	s12 =	simm.s32 $0xEC00;
	[smem:$0x7FB] =	sst s24  }
0x60: {  	v3 =	vimm.s32 $0x1;
	v4 =	vimm.f32 $0.0e+00;
	v0 =	vmov s22;
	s13 =	simm.s32 $0xF800;
	[smem:$0x7FC] =	sst s25;
	s25 =	simm.s32 $0x1  }
.LBB2_50:
0x61: {  	_ =	sdelay $0x4  }
0x62: {  	[tilespmem:v5+s1+$0x0] =	vst.idx.msk vm0, v6  }
.LBB2_51:
0x63: {  	s0 =	rddreg [dreg:$0x19];
	s3 =	simm.s32 $0x80;
	s4 =	simm.s32 $0x400  }
0x64: {  	[hbm4b:s0+s3] =	stream.strided.scatter [tilespmem:s1], [sflag:$0x1], $0x300, s4, s3, $0x38;
	[tilespmem:$0x12780] =	vst v63  }
0x65: {  	_ =	swait.ge [sflag:s25], $0x300  }
0x66: {  	[sflag:s25] =	ssyncset.done $0x0  }
0x67: {  	s14 =	sld [smem:$0x7C6];
	[sflag:s25] =	ssyncadd.s32 $0xFFFFFD00  }
.LBB2_52:
0x68: {  	_ =	sdelay $0x1  }
0x69: {  	s0 =	rddreg [dreg:$0x1a];
	s14 =	sadd.s32 $0x1, s14  }
0x6a: {  	p2 =	sne.s32 s14, s0  }
.Ltmp1:
0x6b: {  	_ = 	snop;
	(pc) =	sbr.rel @!p2 .LBB2_53-.Ltmp1, $1  }
0x6c: {  	_ =	sdelay $0x3  }
.LBB2_1:
0x6d: {  	[tilespmem:s2], [sflag:$0x1] =	stream.linear.gather [hbm4b:s30+s2], $0x4800, $0x38;
	[tilespmem:$0x12780] =	vst v63  }
0x6e: {  	_ =	swait.ge [sflag:s25], $0x4800  }
0x6f: {  	[sflag:s25] =	ssyncset.done $0x0  }
0x70: {  	s0 =	simm.s32 @!p0 $0x0;
	s3 =	simm.s32 @!p0 $0x4800;
	[sflag:s25] =	ssyncadd.s32 $0xFFFFB800  }
0x71: {  	[tilespmem:s3], [sflag:$0x1] =	stream.linear.gather @!p0 [hbm4b:s31+s0], $0x2EE0, $0x38;
	[tilespmem:$0x12780] =	vst v63  }
0x72: {  	s3 =	simm.s32 @!p0 $0x1  }
0x73: {  	_ =	swait.ge @!p0 [sflag:s3], $0x2EE0  }
0x74: {  	[sflag:s3] =	ssyncset.done @!p0 $0x0  }
0x75: {  	s4 =	simm.s32 @!p0 $0x7700;
	[sflag:s3] =	ssyncadd.s32 @!p0 $0xFFFFD120  }
0x76: {  	[tilespmem:s4], [sflag:$0x1] =	stream.linear.gather @!p0 [hbm4b:s29+s0], $0x3000, $0x38;
	[tilespmem:$0x12780] =	vst v63  }
0x77: {  	_ =	swait.ge @!p0 [sflag:s3], $0x3000  }
0x78: {  	s17 =	sand.u32 $0x70, s2;
	s18 =	sand.u32 $0x1C00, s2;
	[sflag:s3] =	ssyncset.done @!p0 $0x0  }
0x79: {  	s0 =	sor.u32 s17, s18;
	[sflag:s3] =	ssyncadd.s32 @!p0 $0xFFFFD000  }
0x7a: {  	v5 =	vld [tilespmem:s0+$0x100]  }
0x7b: {  	v6 =	vld [tilespmem:s0+$0x80]  }
0x7c: {  	v7 =	vld [tilespmem:s0+$0x180]  }
0x7d: {  	v8 =	vld [tilespmem:s0+$0x200]  }
0x7e: {  	s24 =	sor.u32 s2, s2;
	v9 =	vld [tilespmem:s0+$0x280]  }
0x7f: {  	s3 =	sor.u32 $0x380, s24;
	v10 =	vld [tilespmem:s0+$0x300]  }
0x80: {  	v11 =	vld [tilespmem:s3+$0x0];
	v12 =	vmax.f32 v6, v5  }
0x81: {  	v13 =	vld [tilespmem:s0+$0x1800];
	v12 =	vmax.f32 v12, v7  }
0x82: {  	v14 =	vld [tilespmem:s0+$0x1880];
	v12 =	vmax.f32 v12, v8  }
0x83: {  	v15 =	vld [tilespmem:s0+$0x1900];
	v12 =	vmax.f32 v12, v9  }
0x84: {  	v16 =	vld [tilespmem:s0+$0x1980];
	v12 =	vmax.f32 v12, v10  }
0x85: {  	v17 =	vld [tilespmem:s0+$0x1A00];
	v12 =	vmax.f32 v12, v11  }
0x86: {  	v18 =	vld [tilespmem:s0+$0x1A80];
	v12 =	vmax.f32 v12, v13  }
0x87: {  	v19 =	vld [tilespmem:s0+$0x1B00];
	v12 =	vmax.f32 v12, v14  }
0x88: {  	v20 =	vld [tilespmem:s0+$0x1B80];
	v12 =	vmax.f32 v12, v15  }
0x89: {  	v21 =	vld [tilespmem:s0+$0x3000];
	v12 =	vmax.f32 v12, v16  }
0x8a: {  	v22 =	vld [tilespmem:s0+$0x3080];
	v12 =	vmax.f32 v12, v17  }
0x8b: {  	v23 =	vld [tilespmem:s0+$0x3100];
	v12 =	vmax.f32 v12, v18  }
0x8c: {  	v24 =	vld [tilespmem:s0+$0x3180];
	v12 =	vmax.f32 v12, v19  }
0x8d: {  	v25 =	vld [tilespmem:s0+$0x3200];
	v12 =	vmax.f32 v12, v20  }
0x8e: {  	v26 =	vld [tilespmem:s0+$0x0];
	v12 =	vmax.f32 v12, v21  }
0x8f: {  	v12 =	vmax.f32 v12, v22  }
0x90: {  	v12 =	vmax.f32 v12, v23  }
0x91: {  	v12 =	vmax.f32 v12, v24  }
0x92: {  	v12 =	vmax.f32 v12, v25  }
0x93: {  	v26 =	vsub.f32 v26, v12;
	_ =	sdelay $0x1  }
0x94: {  	v6 =	vsub.f32 v6, v12;
	v26 =	vmul.f32 $1.442695020e+00, v26;
	_ =	sdelay $0x1  }
0x95: {  	v5 =	vsub.f32 v5, v12;
	v6 =	vmul.f32 $1.442695020e+00, v6;
	(erf) = vpow2.f32 v26;
	_ =	sdelay $0x1  }
0x96: {  	v7 =	vsub.f32 v7, v12;
	v5 =	vmul.f32 $1.442695020e+00, v5;
	(erf) = vpow2.f32 v6;
	_ =	sdelay $0x1  }
0x97: {  	v6 =	vmul.f32 $1.442695020e+00, v7;
	v7 =	vsub.f32 v8, v12;
	(erf) = vpow2.f32 v5;
	_ =	sdelay $0x1  }
0x98: {  	v5 =	vmul.f32 $1.442695020e+00, v7;
	v7 =	vsub.f32 v9, v12;
	(erf) = vpow2.f32 v6;
	_ =	sdelay $0x1  }
0x99: {  	v6 =	vmul.f32 $1.442695020e+00, v7;
	v7 =	vsub.f32 v10, v12;
	(erf) = vpow2.f32 v5  }
0x9a: {  	v5 =	vsub.f32 v11, v12;
	v50 =	vpop (erf)  }
0x9b: {  	v7 =	vmul.f32 $1.442695020e+00, v7;
	(erf) = vpow2.f32 v6;
	v8 =	vadd.f32 $0.0e+00, v50  }
0x9c: {  	v5 =	vmul.f32 $1.442695020e+00, v5;
	v51 =	vpop (erf)  }
0x9d: {  	v6 =	vsub.f32 v13, v12;
	(erf) = vpow2.f32 v7;
	v8 =	vadd.f32 v8, v51  }
0x9e: {  	v7 =	vsub.f32 v14, v12;
	v52 =	vpop (erf)  }
0x9f: {  	v6 =	vmul.f32 $1.442695020e+00, v6;
	(erf) = vpow2.f32 v5;
	v8 =	vadd.f32 v8, v52  }
0xa0: {  	v5 =	vsub.f32 v15, v12;
	v53 =	vpop (erf)  }
0xa1: {  	v7 =	vmul.f32 $1.442695020e+00, v7;
	(erf) = vpow2.f32 v6;
	v8 =	vadd.f32 v8, v53  }
0xa2: {  	v6 =	vsub.f32 v16, v12;
	v54 =	vpop (erf)  }
0xa3: {  	v5 =	vmul.f32 $1.442695020e+00, v5;
	(erf) = vpow2.f32 v7;
	v8 =	vadd.f32 v8, v54  }
0xa4: {  	v7 =	vsub.f32 v17, v12;
	v55 =	vpop (erf)  }
0xa5: {  	v6 =	vmul.f32 $1.442695020e+00, v6;
	(erf) = vpow2.f32 v5;
	v8 =	vadd.f32 v8, v55  }
0xa6: {  	v7 =	vmul.f32 $1.442695020e+00, v7;
	v56 =	vpop (erf)  }
0xa7: {  	v5 =	vsub.f32 v18, v12;
	(erf) = vpow2.f32 v6;
	v8 =	vadd.f32 v8, v56  }
0xa8: {  	v6 =	vsub.f32 v19, v12;
	v57 =	vpop (erf)  }
0xa9: {  	v5 =	vmul.f32 $1.442695020e+00, v5;
	(erf) = vpow2.f32 v7;
	v8 =	vadd.f32 v8, v57  }
0xaa: {  	v7 =	vsub.f32 v20, v12;
	v58 =	vpop (erf)  }
0xab: {  	v6 =	vmul.f32 $1.442695020e+00, v6;
	(erf) = vpow2.f32 v5;
	v8 =	vadd.f32 v8, v58  }
0xac: {  	v5 =	vsub.f32 v21, v12;
	v59 =	vpop (erf)  }
0xad: {  	v7 =	vmul.f32 $1.442695020e+00, v7;
	(erf) = vpow2.f32 v6;
	v8 =	vadd.f32 v8, v59  }
0xae: {  	v6 =	vsub.f32 v22, v12;
	v60 =	vpop (erf)  }
0xaf: {  	v5 =	vmul.f32 $1.442695020e+00, v5;
	(erf) = vpow2.f32 v7;
	v8 =	vadd.f32 v8, v60  }
0xb0: {  	v7 =	vsub.f32 v23, v12;
	v61 =	vpop (erf)  }
0xb1: {  	v6 =	vmul.f32 $1.442695020e+00, v6;
	(erf) = vpow2.f32 v5;
	v8 =	vadd.f32 v8, v61  }
0xb2: {  	v5 =	vsub.f32 v24, v12;
	v62 =	vpop (erf);
	v7 =	vmul.f32 $1.442695020e+00, v7  }
0xb3: {  	(erf) = vpow2.f32 v6;
	v8 =	vadd.f32 v8, v62  }
0xb4: {  	v6 =	vsub.f32 v25, v12;
	v5 =	vmul.f32 $1.442695020e+00, v5;
	v63 =	vpop (erf)  }
0xb5: {  	(erf) = vpow2.f32 v7;
	v8 =	vadd.f32 v8, v63  }
0xb6: {  	v6 =	vmul.f32 $1.442695020e+00, v6;
	v7 =	vpop (erf)  }
0xb7: {  	(erf) = vpow2.f32 v5;
	v7 =	vadd.f32 v8, v7  }
0xb8: {  	v5 =	vpop (erf)  }
0xb9: {  	(erf) = vpow2.f32 v6;
	v5 =	vadd.f32 v7, v5  }
0xba: {  	v6 =	vpop (erf)  }
0xbb: {  	v5 =	vadd.f32 v5, v6  }
0xbc: {  	v6 =	vpop (erf)  }
0xbd: {  	v5 =	vadd.f32 v5, v6  }
0xbe: {  	v6 =	vpop (erf)  }
0xbf: {  	v5 =	vadd.f32 v5, v6  }
0xc0: {  	v6 =	vpop (erf)  }
0xc1: {  	v5 =	vadd.f32 v5, v6  }
0xc2: {  	v6 =	vpop (erf)  }
0xc3: {  	v6 =	vadd.f32 v5, v6;
	_ =	sdelay $0x1  }
0xc4: {  	vm0 =	vlt.f32 v6, $2.000000000e+00  }
0xc5: {  	v7 =	vsel vm0, $0x1, v1  }
0xc6: {  	(xrf0) =	vadd.scan.msk.s32 $0xffff, v7;
	_ =	sdelay $0x1  }
0xc7: {  	s15 =	simm.s32 $0x10;
	s16 =	simm.s32 $0x0;
	(erf) = vrcp.f32 v6  }
0xc8: {  	s17 =	simm.s32 $0x20;
	s18 =	simm.s32 $0x0;
	s24 =	simm.s32 $0x0;
	v5 =	vsel vm0, $0xFFFFFFFF, v1  }
.LBB2_2:
0xc9: {  	p2 =	sne.s32 s17, $0x2E0;
	_ =	sdelay $0x1  }
0xca: {  	v5 =	vadd.s32 s16, v5;
	v6, _, _ =	vpop (xrf0)  }
0xcb: {  	v5 =	vadd.s32 v6, v5;
	(v2sf) =	vpush v6, $0xF;
	_ =	sdelay $0x3  }
0xcc: {  	s0 =	sadd.s32 s18, s22;
	s24 =	sadd.s32 $0x80, s24;
	s18 =	smov.u32 s15;
	v6 =	vpop (erf)  }
0xcd: {  	s15 =	smov.u32 s17;
	s3 =	sand.u32 $0x70, s18;
	s4 =	sand.u32 $0x1C00, s24;
	[tilespmem:v5+s26+$0x0] =	vst.idx.msk vm0, v6;
	v6 =	vor.u32 s0, v2  }
0xce: {  	s0 =	sor.u32 s3, s4;
	[tilespmem:v5+s28+$0x0] =	vst.idx.msk vm0, v6  }
0xcf: {  	v7 =	vld [tilespmem:s0+$0x100]  }
0xd0: {  	v8 =	vld [tilespmem:s0+$0x80]  }
0xd1: {  	v9 =	vld [tilespmem:s0+$0x180]  }
0xd2: {  	v10 =	vld [tilespmem:s0+$0x200]  }
0xd3: {  	s3 =	sor.u32 s24, s18;
	v11 =	vld [tilespmem:s0+$0x280]  }
0xd4: {  	s3 =	sor.u32 $0x380, s3;
	v12 =	vld [tilespmem:s0+$0x300]  }
0xd5: {  	v13 =	vld [tilespmem:s3+$0x0];
	v5 =	vmax.f32 v8, v7  }
0xd6: {  	v14 =	vld [tilespmem:s0+$0x1800];
	v5 =	vmax.f32 v5, v9  }
0xd7: {  	v15 =	vld [tilespmem:s0+$0x1880];
	v5 =	vmax.f32 v5, v10;
	s3 =	spop (v2sf)  }
0xd8: {  	v16 =	vld [tilespmem:s0+$0x1900];
	v5 =	vmax.f32 v5, v11;
	s16 =	sadd.s32 s16, s3  }
0xd9: {  	v17 =	vld [tilespmem:s0+$0x1980];
	v5 =	vmax.f32 v5, v12  }
0xda: {  	v18 =	vld [tilespmem:s0+$0x1A00];
	v5 =	vmax.f32 v5, v13  }
0xdb: {  	v19 =	vld [tilespmem:s0+$0x1A80];
	v5 =	vmax.f32 v5, v14  }
0xdc: {  	v20 =	vld [tilespmem:s0+$0x1B00];
	v5 =	vmax.f32 v5, v15  }
0xdd: {  	v21 =	vld [tilespmem:s0+$0x1B80];
	v5 =	vmax.f32 v5, v16  }
0xde: {  	v22 =	vld [tilespmem:s0+$0x3000];
	v5 =	vmax.f32 v5, v17  }
0xdf: {  	v23 =	vld [tilespmem:s0+$0x3080];
	v5 =	vmax.f32 v5, v18  }
0xe0: {  	v24 =	vld [tilespmem:s0+$0x3100];
	v5 =	vmax.f32 v5, v19  }
0xe1: {  	v6 =	vld [tilespmem:s0+$0x3180];
	v25 =	vmax.f32 v5, v20  }
0xe2: {  	v5 =	vld [tilespmem:s0+$0x3200];
	v25 =	vmax.f32 v25, v21  }
0xe3: {  	v26 =	vld [tilespmem:s0+$0x0];
	v25 =	vmax.f32 v25, v22  }
0xe4: {  	v25 =	vmax.f32 v25, v23  }
0xe5: {  	v25 =	vmax.f32 v25, v24  }
0xe6: {  	v25 =	vmax.f32 v25, v6  }
0xe7: {  	v25 =	vmax.f32 v25, v5  }
0xe8: {  	v26 =	vsub.f32 v26, v25;
	_ =	sdelay $0x1  }
0xe9: {  	v8 =	vsub.f32 v8, v25;
	v26 =	vmul.f32 $1.442695020e+00, v26;
	_ =	sdelay $0x1  }
0xea: {  	v7 =	vsub.f32 v7, v25;
	v8 =	vmul.f32 $1.442695020e+00, v8;
	(erf) = vpow2.f32 v26;
	_ =	sdelay $0x1  }
0xeb: {  	v9 =	vsub.f32 v9, v25;
	v7 =	vmul.f32 $1.442695020e+00, v7;
	(erf) = vpow2.f32 v8;
	_ =	sdelay $0x1  }
0xec: {  	v8 =	vmul.f32 $1.442695020e+00, v9;
	v9 =	vsub.f32 v10, v25;
	(erf) = vpow2.f32 v7;
	_ =	sdelay $0x1  }
0xed: {  	v7 =	vmul.f32 $1.442695020e+00, v9;
	v9 =	vsub.f32 v11, v25;
	(erf) = vpow2.f32 v8;
	_ =	sdelay $0x1  }
0xee: {  	v8 =	vmul.f32 $1.442695020e+00, v9;
	v9 =	vsub.f32 v12, v25;
	(erf) = vpow2.f32 v7  }
0xef: {  	v7 =	vsub.f32 v13, v25;
	v10 =	vpop (erf)  }
0xf0: {  	v9 =	vmul.f32 $1.442695020e+00, v9;
	v10 =	vadd.f32 $0.0e+00, v10;
	(erf) = vpow2.f32 v8  }
0xf1: {  	v8 =	vsub.f32 v14, v25;
	v11 =	vpop (erf)  }
0xf2: {  	v7 =	vmul.f32 $1.442695020e+00, v7;
	v10 =	vadd.f32 v10, v11;
	(erf) = vpow2.f32 v9  }
0xf3: {  	v9 =	vsub.f32 v15, v25;
	v11 =	vpop (erf)  }
0xf4: {  	v8 =	vmul.f32 $1.442695020e+00, v8;
	v10 =	vadd.f32 v10, v11;
	(erf) = vpow2.f32 v7  }
0xf5: {  	v7 =	vsub.f32 v16, v25;
	v11 =	vpop (erf)  }
0xf6: {  	v9 =	vmul.f32 $1.442695020e+00, v9;
	v10 =	vadd.f32 v10, v11;
	(erf) = vpow2.f32 v8  }
0xf7: {  	v8 =	vsub.f32 v17, v25;
	v11 =	vpop (erf)  }
0xf8: {  	v7 =	vmul.f32 $1.442695020e+00, v7;
	v10 =	vadd.f32 v10, v11;
	(erf) = vpow2.f32 v9  }
0xf9: {  	v9 =	vsub.f32 v18, v25;
	v11 =	vpop (erf)  }
0xfa: {  	v8 =	vmul.f32 $1.442695020e+00, v8;
	v10 =	vadd.f32 v10, v11;
	(erf) = vpow2.f32 v7  }
0xfb: {  	v7 =	vsub.f32 v19, v25;
	v11 =	vpop (erf)  }
0xfc: {  	v9 =	vmul.f32 $1.442695020e+00, v9;
	v10 =	vadd.f32 v10, v11;
	(erf) = vpow2.f32 v8  }
0xfd: {  	v8 =	vsub.f32 v20, v25;
	v11 =	vpop (erf)  }
0xfe: {  	v7 =	vmul.f32 $1.442695020e+00, v7;
	v10 =	vadd.f32 v10, v11;
	(erf) = vpow2.f32 v9  }
0xff: {  	v9 =	vsub.f32 v21, v25;
	v11 =	vpop (erf)  }
0x100: {  	v8 =	vmul.f32 $1.442695020e+00, v8;
	v10 =	vadd.f32 v10, v11;
	(erf) = vpow2.f32 v7  }
0x101: {  	v7 =	vsub.f32 v22, v25;
	v11 =	vpop (erf)  }
0x102: {  	v9 =	vmul.f32 $1.442695020e+00, v9;
	v10 =	vadd.f32 v10, v11;
	(erf) = vpow2.f32 v8  }
0x103: {  	v8 =	vsub.f32 v23, v25;
	v11 =	vpop (erf)  }
0x104: {  	v12 =	vmul.f32 $1.442695020e+00, v7;
	v10 =	vadd.f32 v10, v11;
	(erf) = vpow2.f32 v9  }
0x105: {  	v9 =	vsub.f32 v24, v25;
	v11 =	vpop (erf)  }
0x106: {  	v10 =	vadd.f32 v10, v11;
	v11 =	vmul.f32 $1.442695020e+00, v8;
	(erf) = vpow2.f32 v12  }
0x107: {  	v6 =	vsub.f32 v6, v25;
	v7 =	vpop (erf)  }
0x108: {  	v9 =	vmul.f32 $1.442695020e+00, v9;
	v7 =	vadd.f32 v10, v7;
	(erf) = vpow2.f32 v11  }
0x109: {  	v5 =	vsub.f32 v5, v25;
	v8 =	vpop (erf)  }
0x10a: {  	v10 =	vmul.f32 $1.442695020e+00, v6;
	v7 =	vadd.f32 v7, v8;
	(erf) = vpow2.f32 v9  }
0x10b: {  	v8 =	vpop (erf)  }
0x10c: {  	v7 =	vadd.f32 v7, v8;
	v8 =	vmul.f32 $1.442695020e+00, v5;
	(erf) = vpow2.f32 v10  }
0x10d: {  	v6 =	vpop (erf)  }
0x10e: {  	v7 =	vadd.f32 v7, v6;
	(erf) = vpow2.f32 v8  }
0x10f: {  	v5 =	vpop (erf)  }
0x110: {  	v5 =	vadd.f32 v7, v5  }
0x111: {  	v6 =	vpop (erf)  }
0x112: {  	v5 =	vadd.f32 v5, v6  }
0x113: {  	v6 =	vpop (erf)  }
0x114: {  	v5 =	vadd.f32 v5, v6  }
0x115: {  	v6 =	vpop (erf)  }
0x116: {  	v5 =	vadd.f32 v5, v6  }
0x117: {  	v6 =	vpop (erf)  }
0x118: {  	v6 =	vadd.f32 v5, v6;
	_ =	sdelay $0x1  }
0x119: {  	vm0 =	vlt.f32 v6, $2.000000000e+00  }
.Ltmp2:
0x11a: {  	v5 =	vsel vm0, $0xFFFFFFFF, v1;
	v7 =	vsel vm0, $0x1, v1;
	(pc) =	sbr.rel @p2 .LBB2_2-.Ltmp2, $3  }
0x11b: {  	(xrf0) =	vadd.scan.msk.s32 $0xffff, v7;
	_ =	sdelay $0x1  }
0x11c: {  	(erf) = vrcp.f32 v6  }
0x11d: {  	s17 =	sadd.s32 $0x10, s17  }
0x11e: {  	_ =	sdelay $0x1  }
0x11f: {  	v6 =	vadd.s32 s16, v5;
	v5, _, _ =	vpop (xrf0)  }
0x120: {  	v6 =	vadd.s32 v5, v6;
	_ =	sdelay $0x3  }
0x121: {  	s0 =	sadd.s32 s18, s22;
	s3 =	sadd.s32 $0x80, s24;
	v7 =	vpop (erf)  }
0x122: {  	s4 =	sand.u32 $0x70, s15;
	s5 =	sand.u32 $0x1C00, s3;
	[tilespmem:v6+s26+$0x0] =	vst.idx.msk vm0, v7;
	v7 =	vor.u32 s0, v2  }
0x123: {  	s10 =	sor.u32 s4, s5;
	[tilespmem:v6+s28+$0x0] =	vst.idx.msk vm0, v7  }
0x124: {  	v6 =	vld [tilespmem:s10+$0x100]  }
0x125: {  	v7 =	vld [tilespmem:s10+$0x80]  }
0x126: {  	v8 =	vld [tilespmem:s10+$0x180]  }
0x127: {  	v9 =	vld [tilespmem:s10+$0x200]  }
0x128: {  	s3 =	sor.u32 s3, s15;
	v10 =	vld [tilespmem:s10+$0x280]  }
0x129: {  	s3 =	sor.u32 $0x380, s3;
	v11 =	vld [tilespmem:s10+$0x300]  }
0x12a: {  	v12 =	vld [tilespmem:s3+$0x0];
	v13 =	vmax.f32 v7, v6  }
0x12b: {  	v14 =	vld [tilespmem:s10+$0x1800];
	v13 =	vmax.f32 v13, v8  }
0x12c: {  	v15 =	vld [tilespmem:s10+$0x1880];
	v13 =	vmax.f32 v13, v9  }
0x12d: {  	v16 =	vld [tilespmem:s10+$0x1900];
	v13 =	vmax.f32 v13, v10  }
0x12e: {  	v17 =	vld [tilespmem:s10+$0x1980];
	v13 =	vmax.f32 v13, v11  }
0x12f: {  	v18 =	vld [tilespmem:s10+$0x1A00];
	v13 =	vmax.f32 v13, v12  }
0x130: {  	v19 =	vld [tilespmem:s10+$0x1A80];
	v13 =	vmax.f32 v13, v14  }
0x131: {  	v20 =	vld [tilespmem:s10+$0x1B00];
	v13 =	vmax.f32 v13, v15  }
0x132: {  	v21 =	vld [tilespmem:s10+$0x1B80];
	v13 =	vmax.f32 v13, v16  }
0x133: {  	v22 =	vld [tilespmem:s10+$0x3000];
	v13 =	vmax.f32 v13, v17  }
0x134: {  	v23 =	vld [tilespmem:s10+$0x3080];
	v13 =	vmax.f32 v13, v18  }
0x135: {  	v24 =	vld [tilespmem:s10+$0x3100];
	v13 =	vmax.f32 v13, v19  }
0x136: {  	v25 =	vld [tilespmem:s10+$0x3180];
	v13 =	vmax.f32 v13, v20  }
0x137: {  	v26 =	vld [tilespmem:s10+$0x3200];
	v13 =	vmax.f32 v13, v21  }
0x138: {  	v27 =	vld [tilespmem:s10+$0x0];
	v13 =	vmax.f32 v13, v22  }
0x139: {  	v13 =	vmax.f32 v13, v23  }
0x13a: {  	v13 =	vmax.f32 v13, v24  }
0x13b: {  	v13 =	vmax.f32 v13, v25  }
0x13c: {  	v13 =	vmax.f32 v13, v26  }
0x13d: {  	v27 =	vsub.f32 v27, v13;
	_ =	sdelay $0x1  }
0x13e: {  	v7 =	vsub.f32 v7, v13;
	v27 =	vmul.f32 $1.442695020e+00, v27;
	_ =	sdelay $0x1  }
0x13f: {  	v6 =	vsub.f32 v6, v13;
	v7 =	vmul.f32 $1.442695020e+00, v7;
	(erf) = vpow2.f32 v27;
	_ =	sdelay $0x1  }
0x140: {  	v8 =	vsub.f32 v8, v13;
	v6 =	vmul.f32 $1.442695020e+00, v6;
	(erf) = vpow2.f32 v7;
	_ =	sdelay $0x1  }
0x141: {  	v42 =	vsub.f32 v9, v13;
	v7 =	vmul.f32 $1.442695020e+00, v8;
	(erf) = vpow2.f32 v6;
	_ =	sdelay $0x1  }
0x142: {  	v43 =	vsub.f32 v10, v13;
	v6 =	vmul.f32 $1.442695020e+00, v42;
	(erf) = vpow2.f32 v7;
	_ =	sdelay $0x1  }
0x143: {  	v44 =	vsub.f32 v11, v13;
	v7 =	vmul.f32 $1.442695020e+00, v43;
	(erf) = vpow2.f32 v6  }
0x144: {  	v6 =	vsub.f32 v12, v13;
	v45 =	vpop (erf)  }
0x145: {  	v8 =	vmul.f32 $1.442695020e+00, v44;
	(erf) = vpow2.f32 v7;
	v9 =	vadd.f32 $0.0e+00, v45  }
0x146: {  	v6 =	vmul.f32 $1.442695020e+00, v6;
	v46 =	vpop (erf)  }
0x147: {  	v7 =	vsub.f32 v14, v13;
	(erf) = vpow2.f32 v8;
	v9 =	vadd.f32 v9, v46  }
0x148: {  	v47 =	vsub.f32 v15, v13;
	v48 =	vpop (erf)  }
0x149: {  	v7 =	vmul.f32 $1.442695020e+00, v7;
	(erf) = vpow2.f32 v6;
	v9 =	vadd.f32 v9, v48  }
0x14a: {  	v8 =	vmul.f32 $1.442695020e+00, v47;
	v49 =	vpop (erf)  }
0x14b: {  	v6 =	vsub.f32 v16, v13;
	(erf) = vpow2.f32 v7;
	v9 =	vadd.f32 v9, v49  }
0x14c: {  	v7 =	vsub.f32 v17, v13;
	v50 =	vpop (erf)  }
0x14d: {  	v6 =	vmul.f32 $1.442695020e+00, v6;
	(erf) = vpow2.f32 v8;
	v9 =	vadd.f32 v9, v50  }
0x14e: {  	v51 =	vsub.f32 v18, v13;
	v52 =	vpop (erf)  }
0x14f: {  	v7 =	vmul.f32 $1.442695020e+00, v7;
	(erf) = vpow2.f32 v6;
	v9 =	vadd.f32 v9, v52  }
0x150: {  	v8 =	vmul.f32 $1.442695020e+00, v51;
	v53 =	vpop (erf)  }
0x151: {  	v6 =	vsub.f32 v19, v13;
	(erf) = vpow2.f32 v7;
	v9 =	vadd.f32 v9, v53  }
0x152: {  	v7 =	vsub.f32 v20, v13;
	v54 =	vpop (erf)  }
0x153: {  	v6 =	vmul.f32 $1.442695020e+00, v6;
	(erf) = vpow2.f32 v8;
	v9 =	vadd.f32 v9, v54  }
0x154: {  	v55 =	vsub.f32 v21, v13;
	v56 =	vpop (erf)  }
0x155: {  	v7 =	vmul.f32 $1.442695020e+00, v7;
	(erf) = vpow2.f32 v6;
	v9 =	vadd.f32 v9, v56  }
0x156: {  	v8 =	vmul.f32 $1.442695020e+00, v55;
	v57 =	vpop (erf)  }
0x157: {  	v6 =	vsub.f32 v22, v13;
	(erf) = vpow2.f32 v7;
	v9 =	vadd.f32 v9, v57  }
0x158: {  	v7 =	vsub.f32 v23, v13;
	v58 =	vpop (erf)  }
0x159: {  	v6 =	vmul.f32 $1.442695020e+00, v6;
	(erf) = vpow2.f32 v8;
	v9 =	vadd.f32 v9, v58  }
0x15a: {  	v59 =	vsub.f32 v24, v13;
	v60 =	vpop (erf)  }
0x15b: {  	v7 =	vmul.f32 $1.442695020e+00, v7;
	(erf) = vpow2.f32 v6;
	v9 =	vadd.f32 v9, v60  }
0x15c: {  	v6 =	vsub.f32 v25, v13;
	v61 =	vpop (erf)  }
0x15d: {  	v8 =	vmul.f32 $1.442695020e+00, v59;
	(erf) = vpow2.f32 v7;
	v9 =	vadd.f32 v9, v61  }
0x15e: {  	v7 =	vsub.f32 v26, v13;
	v6 =	vmul.f32 $1.442695020e+00, v6;
	v62 =	vpop (erf)  }
0x15f: {  	(erf) = vpow2.f32 v8;
	v9 =	vadd.f32 v9, v62  }
0x160: {  	v7 =	vmul.f32 $1.442695020e+00, v7;
	v63 =	vpop (erf)  }
0x161: {  	(erf) = vpow2.f32 v6;
	v8 =	vadd.f32 v9, v63  }
0x162: {  	v6 =	vpop (erf)  }
0x163: {  	(erf) = vpow2.f32 v7;
	v6 =	vadd.f32 v8, v6  }
0x164: {  	v7 =	vpop (erf)  }
0x165: {  	v6 =	vadd.f32 v6, v7  }
0x166: {  	v7 =	vpop (erf)  }
0x167: {  	v6 =	vadd.f32 v6, v7  }
0x168: {  	v7 =	vpop (erf)  }
0x169: {  	v6 =	vadd.f32 v6, v7  }
0x16a: {  	v7 =	vpop (erf)  }
0x16b: {  	v6 =	vadd.f32 v6, v7  }
0x16c: {  	v7 =	vpop (erf)  }
0x16d: {  	v6 =	vadd.f32 v6, v7;
	_ =	sdelay $0x1  }
0x16e: {  	vm15 =	vlt.f32 v6, $2.000000000e+00  }
0x16f: {  	v7 =	vsel vm15, $0x1, v1  }
0x170: {  	(xrf0) =	vadd.scan.msk.s32 $0xffff, v7;
	_ =	sdelay $0x5  }
0x171: {  	(v2sf) =	vpush v5, $0xF;
	v5, _, _ =	vpop (xrf0)  }
0x172: {  	(v2sf) =	vpush v5, $0xF;
	_ =	sdelay $0xb  }
0x173: {  	(erf) = vrcp.f32 v6;
	_ =	sdelay $0x1  }
0x174: {  	s17 =	spop (v2sf)  }
0x175: {  	s0 =	sadd.s32 s16, s17;
	v6 =	vsel vm15, $0xFFFFFFFF, v1;
	s18 =	spop (v2sf)  }
0x176: {  	v6 =	vadd.s32 s0, v6;
	s16 =	sadd.s32 s0, s18  }
0x177: {  	v5 =	vadd.s32 v5, v6;
	s0 =	sadd.s32 $0xF, s16  }
0x178: {  	p2 =	sgt.s32 s0, $0xF  }
.Ltmp3:
0x179: {  	_ = 	snop;
	(pc) =	sbr.rel @!p2 .LBB2_10-.Ltmp3, $4  }
0x17a: {  	_ = 	snop  }
0x17b: {  	s24 =	sadd.s32 s15, s22;
	v6 =	vpop (erf)  }
0x17c: {  	[tilespmem:v5+s26+$0x0] =	vst.idx.msk vm15, v6;
	v6 =	vor.u32 s24, v2  }
0x17d: {  	s24 =	simm.s32 $0x11580;
	[tilespmem:v5+s28+$0x0] =	vst.idx.msk vm15, v6;
	s18 =	simm.s32 $0x12200  }
0x17e: {  	s3 =	sshra.s32 s0, $0x1F  }
0x17f: {  	s3 =	sshrl.u32 s3, $0x1C  }
0x180: {  	s15 =	sadd.s32 s3, s0  }
0x181: {  	s0 =	sshra.s32 s15, $0x4  }
0x182: {  	p3 =	seq.s32 s0, $0x1  }
.Ltmp4:
0x183: {  	_ = 	snop;
	(pc) =	sbr.rel @p3 .LBB2_5-.Ltmp4, $3  }
0x184: {  	_ =	sdelay $0x1  }
0x185: {  	s17 =	simm.s32 $0xAA00  }
0x186: {  	p2 =	por $0x0, $0x0;
	v5 =	vld [tilespmem:s17+$0x0];
	s15 =	simm.s32 $0xAD00;
	s0 =	sadd.s32 $0xFFFFFFFF, s0  }
0x187: {  	_ =	sdelay $0x3  }
0x188: {  	v5 =	vsub.s32 v5, v0  }
0x189: {  	vm0 =	vgt.s32 v5, $0x0  }
0x18a: {  	v5 =	vnsel vm0, $0x0, v5  }
0x18b: {  	v5 =	vmin.u32 v5, $0x2EF  }
0x18c: {  	v6 =	vshll.u32 v5, $0x3  }
0x18d: {  	v7 =	vand.u32 $0x7F, v5;
	v6 =	vand.u32 $0x1C00, v6  }
0x18e: {  	v7 =	vor.u32 v7, v6  }
0x18f: {  	v8 =	vor.u32 $0x80, v7  }
0x190: {  	v9 =	vor.u32 $0x100, v7  }
0x191: {  	v10 =	vor.u32 $0x180, v7  }
0x192: {  	v11 =	vor.u32 $0x200, v7  }
0x193: {  	v12 =	vor.u32 $0x280, v7  }
0x194: {  	v5 =	vor.u32 v5, v6;
	v13 =	vor.u32 $0x300, v7;
	v8 =	vld.idx.msk [tilespmem:v8+s2+$0x0], $0xffff  }
0x195: {  	v5 =	vor.u32 $0x380, v5;
	v6 =	vld.idx.msk [tilespmem:v9+s2+$0x0], $0xffff  }
0x196: {  	v51 =	vadd.s32 $0x1800, v7;
	v14 =	vadd.s32 $0x1880, v7;
	v15 =	vadd.s32 $0x3200, v7;
	v50 =	vld.idx.msk [tilespmem:v10+s2+$0x0], $0xffff  }
0x197: {  	v16 =	vadd.s32 $0x1900, v7;
	v17 =	vadd.s32 $0x3100, v7;
	v18 =	vadd.s32 $0x3180, v7;
	v11 =	vld.idx.msk [tilespmem:v11+s2+$0x0], $0xffff  }
0x198: {  	v19 =	vadd.s32 $0x1980, v7;
	v20 =	vadd.s32 $0x3000, v7;
	v21 =	vadd.s32 $0x3080, v7;
	v12 =	vld.idx.msk [tilespmem:v12+s2+$0x0], $0xffff  }
0x199: {  	v22 =	vadd.s32 $0x1A00, v7;
	v23 =	vadd.s32 $0x1B00, v7;
	v24 =	vadd.s32 $0x1B80, v7;
	v13 =	vld.idx.msk [tilespmem:v13+s2+$0x0], $0xffff  }
0x19a: {  	v7 =	vadd.s32 $0x1A80, v7;
	v5 =	vld.idx.msk [tilespmem:v5+s2+$0x0], $0xffff;
	vm9 =	vgt.f32 v6, v8;
	v6 =	vmax.f32 v8, v6  }
0x19b: {  	v52 =	vld.idx.msk [tilespmem:v51+s2+$0x0], $0xffff;
	v53 =	vsel vm9, $0x2, v3;
	vm10 =	vgt.f32 v50, v6;
	v6 =	vmax.f32 v6, v50  }
0x19c: {  	v54 =	vld.idx.msk [tilespmem:v14+s2+$0x0], $0xffff;
	v10 =	vsel vm10, $0x3, v53;
	vm11 =	vgt.f32 v11, v6;
	v6 =	vmax.f32 v6, v11  }
0x19d: {  	v55 =	vld.idx.msk [tilespmem:v16+s2+$0x0], $0xffff;
	v10 =	vsel vm11, $0x4, v10;
	vm12 =	vgt.f32 v12, v6;
	v6 =	vmax.f32 v6, v12  }
0x19e: {  	v56 =	vld.idx.msk [tilespmem:v19+s2+$0x0], $0xffff;
	v10 =	vsel vm12, $0x5, v10;
	vm13 =	vgt.f32 v13, v6;
	v6 =	vmax.f32 v6, v13  }
0x19f: {  	v57 =	vld.idx.msk [tilespmem:v22+s2+$0x0], $0xffff;
	v10 =	vsel vm13, $0x6, v10;
	vm14 =	vgt.f32 v5, v6;
	v5 =	vmax.f32 v6, v5  }
0x1a0: {  	v6 =	vld.idx.msk [tilespmem:v7+s2+$0x0], $0xffff;
	v7 =	vsel vm14, $0x7, v10;
	vm15 =	vgt.f32 v52, v5;
	v5 =	vmax.f32 v5, v52  }
0x1a1: {  	v58 =	vld.idx.msk [tilespmem:v23+s2+$0x0], $0xffff;
	v7 =	vsel vm15, $0x8, v7;
	vm4 =	vgt.f32 v54, v5;
	v5 =	vmax.f32 v5, v54  }
0x1a2: {  	v59 =	vld.idx.msk [tilespmem:v24+s2+$0x0], $0xffff;
	v7 =	vsel vm4, $0x9, v7;
	vm5 =	vgt.f32 v55, v5;
	v5 =	vmax.f32 v5, v55  }
0x1a3: {  	v60 =	vld.idx.msk [tilespmem:v20+s2+$0x0], $0xffff;
	v7 =	vsel vm5, $0xA, v7;
	vm6 =	vgt.f32 v56, v5;
	v5 =	vmax.f32 v5, v56  }
0x1a4: {  	v61 =	vld.idx.msk [tilespmem:v21+s2+$0x0], $0xffff;
	v7 =	vsel vm6, $0xB, v7;
	vm7 =	vgt.f32 v57, v5;
	v5 =	vmax.f32 v5, v57  }
0x1a5: {  	v62 =	vld.idx.msk [tilespmem:v17+s2+$0x0], $0xffff;
	v7 =	vsel vm7, $0xC, v7;
	vm8 =	vgt.f32 v6, v5;
	v5 =	vmax.f32 v5, v6  }
0x1a6: {  	v6 =	vld.idx.msk [tilespmem:v18+s2+$0x0], $0xffff;
	v7 =	vsel vm8, $0xD, v7;
	vm9 =	vgt.f32 v58, v5;
	v5 =	vmax.f32 v5, v58  }
0x1a7: {  	v63 =	vld.idx.msk [tilespmem:v15+s2+$0x0], $0xffff;
	v7 =	vsel vm9, $0xE, v7;
	vm10 =	vgt.f32 v59, v5;
	v5 =	vmax.f32 v5, v59  }
0x1a8: {  	v7 =	vsel vm10, $0xF, v7;
	vm11 =	vgt.f32 v60, v5;
	v5 =	vmax.f32 v5, v60  }
0x1a9: {  	v7 =	vsel vm11, $0x10, v7;
	vm12 =	vgt.f32 v61, v5;
	v5 =	vmax.f32 v5, v61  }
0x1aa: {  	v7 =	vsel vm12, $0x11, v7;
	vm13 =	vgt.f32 v62, v5;
	v5 =	vmax.f32 v5, v62  }
0x1ab: {  	p3 =	seq.s32 s0, $0x1;
	v7 =	vsel vm13, $0x12, v7;
	vm14 =	vgt.f32 v6, v5;
	v5 =	vmax.f32 v5, v6  }
.Ltmp5:
0x1ac: {  	v6 =	vsel vm14, $0x13, v7;
	vm15 =	vgt.f32 v63, v5;
	(pc) =	sbr.rel @p3 .LBB2_7-.Ltmp5, $4  }
0x1ad: {  	v5 =	vsel vm15, $0x14, v6  }
0x1ae: {  	s3 =	simm.s32 $0xAA10;
	[tilespmem:s15+$0x0] =	vst v5  }
0x1af: {  	v5 =	vld [tilespmem:s3+$0x0]  }
0x1b0: {  	s4 =	sadd.s32 $0xFFFFFFFF, s0;
	p2 =	por $0x1, $0x1;
	s17 =	simm.s32 $0xAD00  }
.LBB2_8:
0x1b1: {  	p3 =	seq.s32 s4, $0x1;
	_ =	sdelay $0x2  }
0x1b2: {  	v5 =	vsub.s32 v5, v0  }
0x1b3: {  	vm0 =	vgt.s32 v5, $0x0  }
0x1b4: {  	v5 =	vnsel vm0, $0x0, v5  }
0x1b5: {  	v5 =	vmin.u32 v5, $0x2EF  }
0x1b6: {  	v6 =	vshll.u32 v5, $0x3  }
0x1b7: {  	v7 =	vand.u32 $0x7F, v5;
	v6 =	vand.u32 $0x1C00, v6  }
0x1b8: {  	v7 =	vor.u32 v7, v6  }
0x1b9: {  	v8 =	vor.u32 $0x80, v7  }
0x1ba: {  	v9 =	vor.u32 $0x100, v7  }
0x1bb: {  	v10 =	vor.u32 $0x180, v7  }
0x1bc: {  	v11 =	vor.u32 $0x200, v7  }
0x1bd: {  	v12 =	vor.u32 $0x280, v7  }
0x1be: {  	v5 =	vor.u32 v5, v6;
	v13 =	vor.u32 $0x300, v7;
	v8 =	vld.idx.msk [tilespmem:v8+s2+$0x0], $0xffff  }
0x1bf: {  	v5 =	vor.u32 $0x380, v5;
	v6 =	vld.idx.msk [tilespmem:v9+s2+$0x0], $0xffff  }
0x1c0: {  	v9 =	vld.idx.msk [tilespmem:v10+s2+$0x0], $0xffff;
	v10 =	vadd.s32 $0x1800, v7  }
0x1c1: {  	v14 =	vadd.s32 $0x1880, v7;
	v15 =	vadd.s32 $0x3200, v7;
	v11 =	vld.idx.msk [tilespmem:v11+s2+$0x0], $0xffff  }
0x1c2: {  	v16 =	vadd.s32 $0x1900, v7;
	v17 =	vadd.s32 $0x3100, v7;
	v18 =	vadd.s32 $0x3180, v7;
	v12 =	vld.idx.msk [tilespmem:v12+s2+$0x0], $0xffff  }
0x1c3: {  	v19 =	vadd.s32 $0x1980, v7;
	v20 =	vadd.s32 $0x3000, v7;
	v21 =	vadd.s32 $0x3080, v7;
	v13 =	vld.idx.msk [tilespmem:v13+s2+$0x0], $0xffff  }
0x1c4: {  	v22 =	vadd.s32 $0x1A00, v7;
	v23 =	vadd.s32 $0x1B00, v7;
	v24 =	vadd.s32 $0x1B80, v7;
	v5 =	vld.idx.msk [tilespmem:v5+s2+$0x0], $0xffff  }
0x1c5: {  	v7 =	vadd.s32 $0x1A80, v7;
	vm0 =	vgt.f32 v6, v8;
	v6 =	vmax.f32 v8, v6;
	v8 =	vld.idx.msk [tilespmem:v10+s2+$0x0], $0xffff  }
0x1c6: {  	v10 =	vsel vm0, $0x2, v3;
	vm0 =	vgt.f32 v9, v6;
	v6 =	vmax.f32 v6, v9;
	v9 =	vld.idx.msk [tilespmem:v14+s2+$0x0], $0xffff  }
0x1c7: {  	v10 =	vsel vm0, $0x3, v10;
	vm0 =	vgt.f32 v11, v6;
	v6 =	vmax.f32 v6, v11;
	v11 =	vld.idx.msk [tilespmem:v16+s2+$0x0], $0xffff  }
0x1c8: {  	v10 =	vsel vm0, $0x4, v10;
	vm0 =	vgt.f32 v12, v6;
	v6 =	vmax.f32 v6, v12;
	v12 =	vld.idx.msk [tilespmem:v19+s2+$0x0], $0xffff  }
0x1c9: {  	v10 =	vsel vm0, $0x5, v10;
	vm0 =	vgt.f32 v13, v6;
	v6 =	vmax.f32 v6, v13;
	v13 =	vld.idx.msk [tilespmem:v22+s2+$0x0], $0xffff  }
0x1ca: {  	v10 =	vsel vm0, $0x6, v10;
	vm0 =	vgt.f32 v5, v6;
	v5 =	vmax.f32 v6, v5;
	v6 =	vld.idx.msk [tilespmem:v7+s2+$0x0], $0xffff  }
0x1cb: {  	v7 =	vsel vm0, $0x7, v10;
	vm0 =	vgt.f32 v8, v5;
	v5 =	vmax.f32 v5, v8;
	v8 =	vld.idx.msk [tilespmem:v23+s2+$0x0], $0xffff  }
0x1cc: {  	v7 =	vsel vm0, $0x8, v7;
	vm0 =	vgt.f32 v9, v5;
	v5 =	vmax.f32 v5, v9;
	v9 =	vld.idx.msk [tilespmem:v24+s2+$0x0], $0xffff  }
0x1cd: {  	v7 =	vsel vm0, $0x9, v7;
	vm0 =	vgt.f32 v11, v5;
	v5 =	vmax.f32 v5, v11;
	v10 =	vld.idx.msk [tilespmem:v20+s2+$0x0], $0xffff  }
0x1ce: {  	v7 =	vsel vm0, $0xA, v7;
	vm0 =	vgt.f32 v12, v5;
	v5 =	vmax.f32 v5, v12;
	v11 =	vld.idx.msk [tilespmem:v21+s2+$0x0], $0xffff  }
0x1cf: {  	v7 =	vsel vm0, $0xB, v7;
	vm0 =	vgt.f32 v13, v5;
	v5 =	vmax.f32 v5, v13;
	v12 =	vld.idx.msk [tilespmem:v17+s2+$0x0], $0xffff  }
0x1d0: {  	v7 =	vsel vm0, $0xC, v7;
	vm0 =	vgt.f32 v6, v5;
	v5 =	vmax.f32 v5, v6;
	v6 =	vld.idx.msk [tilespmem:v18+s2+$0x0], $0xffff  }
0x1d1: {  	v7 =	vsel vm0, $0xD, v7;
	vm0 =	vgt.f32 v8, v5;
	v5 =	vmax.f32 v5, v8;
	v8 =	vld.idx.msk [tilespmem:v15+s2+$0x0], $0xffff  }
0x1d2: {  	v7 =	vsel vm0, $0xE, v7;
	vm0 =	vgt.f32 v9, v5;
	v5 =	vmax.f32 v5, v9  }
0x1d3: {  	v7 =	vsel vm0, $0xF, v7;
	vm0 =	vgt.f32 v10, v5;
	v5 =	vmax.f32 v5, v10  }
0x1d4: {  	v7 =	vsel vm0, $0x10, v7;
	vm0 =	vgt.f32 v11, v5;
	v5 =	vmax.f32 v5, v11  }
0x1d5: {  	v7 =	vsel vm0, $0x11, v7;
	vm0 =	vgt.f32 v12, v5;
	v5 =	vmax.f32 v5, v12  }
0x1d6: {  	v7 =	vsel vm0, $0x12, v7;
	vm0 =	vgt.f32 v6, v5;
	v5 =	vmax.f32 v5, v6  }
.Ltmp6:
0x1d7: {  	v6 =	vsel vm0, $0x13, v7;
	vm0 =	vgt.f32 v8, v5;
	(pc) =	sbr.rel @!p3 .LBB2_8-.Ltmp6, $4  }
0x1d8: {  	s17 =	sadd.s32 $0x10, s17;
	v5 =	vsel vm0, $0x14, v6  }
0x1d9: {  	s3 =	sadd.s32 $0x10, s3;
	[tilespmem:s17+$0x0] =	vst v5  }
0x1da: {  	v5 =	vld [tilespmem:s3+$0x0]  }
0x1db: {  	s4 =	sadd.s32 $0xFFFFFFFF, s4  }
.LBB2_9:
0x1dc: {  	_ =	sdelay $0x2  }
0x1dd: {  	v5 =	vsub.s32 v5, v0  }
0x1de: {  	vm0 =	vgt.s32 v5, $0x0  }
0x1df: {  	v5 =	vnsel vm0, $0x0, v5  }
0x1e0: {  	v5 =	vmin.u32 v5, $0x2EF  }
0x1e1: {  	v6 =	vshll.u32 v5, $0x3  }
0x1e2: {  	v7 =	vand.u32 $0x7F, v5;
	v6 =	vand.u32 $0x1C00, v6  }
0x1e3: {  	v7 =	vor.u32 v7, v6  }
0x1e4: {  	v8 =	vor.u32 $0x80, v7  }
0x1e5: {  	v9 =	vor.u32 $0x100, v7  }
0x1e6: {  	v10 =	vor.u32 $0x180, v7  }
0x1e7: {  	v11 =	vor.u32 $0x200, v7  }
0x1e8: {  	v12 =	vor.u32 $0x280, v7  }
0x1e9: {  	v5 =	vor.u32 v5, v6;
	v13 =	vor.u32 $0x300, v7;
	v8 =	vld.idx.msk [tilespmem:v8+s2+$0x0], $0xffff  }
0x1ea: {  	v5 =	vor.u32 $0x380, v5;
	v6 =	vld.idx.msk [tilespmem:v9+s2+$0x0], $0xffff  }
0x1eb: {  	v51 =	vadd.s32 $0x1800, v7;
	v14 =	vadd.s32 $0x1880, v7;
	v15 =	vadd.s32 $0x3200, v7;
	v50 =	vld.idx.msk [tilespmem:v10+s2+$0x0], $0xffff  }
0x1ec: {  	v16 =	vadd.s32 $0x1900, v7;
	v17 =	vadd.s32 $0x3100, v7;
	v18 =	vadd.s32 $0x3180, v7;
	v11 =	vld.idx.msk [tilespmem:v11+s2+$0x0], $0xffff  }
0x1ed: {  	v19 =	vadd.s32 $0x1980, v7;
	v20 =	vadd.s32 $0x3000, v7;
	v21 =	vadd.s32 $0x3080, v7;
	v12 =	vld.idx.msk [tilespmem:v12+s2+$0x0], $0xffff  }
0x1ee: {  	v22 =	vadd.s32 $0x1A00, v7;
	v23 =	vadd.s32 $0x1B00, v7;
	v24 =	vadd.s32 $0x1B80, v7;
	v13 =	vld.idx.msk [tilespmem:v13+s2+$0x0], $0xffff  }
0x1ef: {  	v7 =	vadd.s32 $0x1A80, v7;
	v5 =	vld.idx.msk [tilespmem:v5+s2+$0x0], $0xffff;
	vm9 =	vgt.f32 v6, v8;
	v6 =	vmax.f32 v8, v6  }
0x1f0: {  	v52 =	vld.idx.msk [tilespmem:v51+s2+$0x0], $0xffff;
	v53 =	vsel vm9, $0x2, v3;
	vm10 =	vgt.f32 v50, v6;
	v6 =	vmax.f32 v6, v50  }
0x1f1: {  	v54 =	vld.idx.msk [tilespmem:v14+s2+$0x0], $0xffff;
	v10 =	vsel vm10, $0x3, v53;
	vm11 =	vgt.f32 v11, v6;
	v6 =	vmax.f32 v6, v11  }
0x1f2: {  	v55 =	vld.idx.msk [tilespmem:v16+s2+$0x0], $0xffff;
	v10 =	vsel vm11, $0x4, v10;
	vm12 =	vgt.f32 v12, v6;
	v6 =	vmax.f32 v6, v12  }
0x1f3: {  	v56 =	vld.idx.msk [tilespmem:v19+s2+$0x0], $0xffff;
	v10 =	vsel vm12, $0x5, v10;
	vm13 =	vgt.f32 v13, v6;
	v6 =	vmax.f32 v6, v13  }
0x1f4: {  	v57 =	vld.idx.msk [tilespmem:v22+s2+$0x0], $0xffff;
	v10 =	vsel vm13, $0x6, v10;
	vm14 =	vgt.f32 v5, v6;
	v5 =	vmax.f32 v6, v5  }
0x1f5: {  	v6 =	vld.idx.msk [tilespmem:v7+s2+$0x0], $0xffff;
	v7 =	vsel vm14, $0x7, v10;
	vm15 =	vgt.f32 v52, v5;
	v5 =	vmax.f32 v5, v52  }
0x1f6: {  	v58 =	vld.idx.msk [tilespmem:v23+s2+$0x0], $0xffff;
	v7 =	vsel vm15, $0x8, v7;
	vm4 =	vgt.f32 v54, v5;
	v5 =	vmax.f32 v5, v54  }
0x1f7: {  	v59 =	vld.idx.msk [tilespmem:v24+s2+$0x0], $0xffff;
	v7 =	vsel vm4, $0x9, v7;
	vm5 =	vgt.f32 v55, v5;
	v5 =	vmax.f32 v5, v55  }
0x1f8: {  	v60 =	vld.idx.msk [tilespmem:v20+s2+$0x0], $0xffff;
	v7 =	vsel vm5, $0xA, v7;
	vm6 =	vgt.f32 v56, v5;
	v5 =	vmax.f32 v5, v56  }
0x1f9: {  	v61 =	vld.idx.msk [tilespmem:v21+s2+$0x0], $0xffff;
	v7 =	vsel vm6, $0xB, v7;
	vm7 =	vgt.f32 v57, v5;
	v5 =	vmax.f32 v5, v57  }
0x1fa: {  	v62 =	vld.idx.msk [tilespmem:v17+s2+$0x0], $0xffff;
	v7 =	vsel vm7, $0xC, v7;
	vm8 =	vgt.f32 v6, v5;
	v5 =	vmax.f32 v5, v6  }
0x1fb: {  	v6 =	vld.idx.msk [tilespmem:v18+s2+$0x0], $0xffff;
	v7 =	vsel vm8, $0xD, v7;
	vm9 =	vgt.f32 v58, v5;
	v5 =	vmax.f32 v5, v58  }
0x1fc: {  	v63 =	vld.idx.msk [tilespmem:v15+s2+$0x0], $0xffff;
	v7 =	vsel vm9, $0xE, v7;
	vm10 =	vgt.f32 v59, v5;
	v5 =	vmax.f32 v5, v59  }
0x1fd: {  	v7 =	vsel vm10, $0xF, v7;
	vm11 =	vgt.f32 v60, v5;
	v5 =	vmax.f32 v5, v60  }
0x1fe: {  	v7 =	vsel vm11, $0x10, v7;
	vm12 =	vgt.f32 v61, v5;
	v5 =	vmax.f32 v5, v61  }
0x1ff: {  	v7 =	vsel vm12, $0x11, v7;
	vm13 =	vgt.f32 v62, v5;
	v5 =	vmax.f32 v5, v62  }
0x200: {  	v7 =	vsel vm13, $0x12, v7;
	vm14 =	vgt.f32 v6, v5;
	v5 =	vmax.f32 v5, v6  }
0x201: {  	s0 =	sadd.s32 @p2 $0x10, s17;
	v6 =	vsel vm14, $0x13, v7;
	vm15 =	vgt.f32 v63, v5  }
0x202: {  	s15 =	smov.u32 @p2 s0;
	v5 =	vsel vm15, $0x14, v6  }
0x203: {  	[tilespmem:s15+$0x0] =	vst v5  }
.LBB2_10:
0x204: {  	v5 =	vmov s16  }
0x205: {  	[tilespmem:$0xB000] =	vst v5  }
0x206: {  	[tilespmem:$0xB010] =	vst v5  }
0x207: {  	[tilespmem:$0xB020] =	vst v5  }
0x208: {  	[tilespmem:$0xB030] =	vst v5  }
0x209: {  	[tilespmem:$0xB040] =	vst v5  }
0x20a: {  	[tilespmem:$0xB050] =	vst v5  }
0x20b: {  	[tilespmem:$0xB060] =	vst v5  }
0x20c: {  	s0 =	simm.s32 $0x80;
	s3 =	simm.s32 $0x400;
	[tilespmem:$0xB070] =	vst v5  }
0x20d: {  	[spmem:s19] =	stream.strided.scatter [tilespmem:s26], [sflag:$0x1], $0x300, s3, s0, $0x38;
	[tilespmem:$0x12780] =	vst v63  }
0x20e: {  	_ =	swait.ge [sflag:s25], $0x300  }
0x20f: {  	[sflag:s25] =	ssyncset.done $0x0  }
0x210: {  	[sflag:s25] =	ssyncadd.s32 $0xFFFFFD00  }
0x211: {  	[spmem:s20] =	stream.strided.scatter [tilespmem:s28], [sflag:$0x1], $0x300, s3, s0, $0x38;
	[tilespmem:$0x12780] =	vst v63  }
0x212: {  	_ =	swait.ge [sflag:s25], $0x300  }
0x213: {  	[sflag:s25] =	ssyncset.done $0x0  }
0x214: {  	s4 =	simm.s32 $0xAD00;
	[sflag:s25] =	ssyncadd.s32 $0xFFFFFD00  }
0x215: {  	[spmem:s21] =	stream.strided.scatter [tilespmem:s4], [sflag:$0x1], $0x300, s3, s0, $0x38;
	[tilespmem:$0x12780] =	vst v63  }
0x216: {  	_ =	swait.ge [sflag:s25], $0x300  }
0x217: {  	[sflag:s25] =	ssyncset.done $0x0  }
0x218: {  	s17 =	simm.s32 $0xB000;
	[sflag:s25] =	ssyncadd.s32 $0xFFFFFD00  }
0x219: {  	[spmem:s23] =	stream.linear.scatter [tilespmem:s17], [sflag:$0x1], $0x80, $0x38;
	[tilespmem:$0x12780] =	vst v63  }
.Ltmp7:
0x21a: {  	_ =	swait.ge [sflag:s25], $0x80;
	(pc) =	sbr.rel @!p1 .LBB2_52-.Ltmp7, $3  }
0x21b: {  	[sflag:s25] =	ssyncset.done $0x0  }
0x21c: {  	[sflag:s25] =	ssyncadd.s32 $0xFFFFFF80  }
0x21d: {  	[bflag:$0x0] =	sbarrier.arrive $0xFFFF;
	_ =	sdelay $0x1  }
0x21e: {  	s0 =	simm.s32 $0xBA00  }
0x21f: {  	[tilespmem:s0], [sflag:$0x1] =	stream.linear.gather [spmem:s19], $0x80, $0x38;
	[tilespmem:$0x12780] =	vst v63  }
0x220: {  	s5 =	rddreg [dreg:$0x1b];
	s3 =	simm.s32 $0xBC00  }
0x221: {  	[tilespmem:s3], [sflag:$0x1] =	stream.linear.gather [spmem:s5], $0x80, $0x38;
	[tilespmem:$0x12780] =	vst v63  }
0x222: {  	s8 =	rddreg [dreg:$0x1c];
	s9 =	simm.s32 $0xBE00  }
0x223: {  	[tilespmem:s9], [sflag:$0x1] =	stream.linear.gather [spmem:s8], $0x80, $0x38;
	[tilespmem:$0x12780] =	vst v63  }
0x224: {  	s10 =	rddreg [dreg:$0x1d];
	s15 =	simm.s32 $0xC000  }
0x225: {  	[tilespmem:s15], [sflag:$0x1] =	stream.linear.gather [spmem:s10], $0x80, $0x38;
	[tilespmem:$0x12780] =	vst v63  }
0x226: {  	s16 =	rddreg [dreg:$0x1e];
	s17 =	simm.s32 $0xC200  }
0x227: {  	[tilespmem:s17], [sflag:$0x1] =	stream.linear.gather [spmem:s16], $0x80, $0x38;
	[tilespmem:$0x12780] =	vst v63  }
0x228: {  	s4 =	simm.s32 $0xC400;
	s3 =	rddreg [dreg:$0x1f]  }
0x229: {  	[tilespmem:s4], [sflag:$0x1] =	stream.linear.gather [spmem:s3], $0x80, $0x38;
	[tilespmem:$0x12780] =	vst v63  }
0x22a: {  	_ =	swait.ge [sflag:s25], $0x300  }
0x22b: {  	[sflag:s25] =	ssyncset.done $0x0  }
0x22c: {  	s5 =	simm.s32 $0xC600;
	s8 =	sld [smem:$0x7C7];
	[sflag:s25] =	ssyncadd.s32 $0xFFFFFD00  }
0x22d: {  	[tilespmem:s5], [sflag:$0x1] =	stream.linear.gather [spmem:s20], $0x80, $0x38;
	[tilespmem:$0x12780] =	vst v63  }
0x22e: {  	s9 =	simm.s32 $0xC800;
	s10 =	sld [smem:$0x7C8]  }
0x22f: {  	[tilespmem:s9], [sflag:$0x1] =	stream.linear.gather [spmem:s8], $0x80, $0x38;
	[tilespmem:$0x12780] =	vst v63  }
0x230: {  	s15 =	simm.s32 $0xCA00;
	s16 =	sld [smem:$0x7C9]  }
0x231: {  	[tilespmem:s15], [sflag:$0x1] =	stream.linear.gather [spmem:s10], $0x80, $0x38;
	[tilespmem:$0x12780] =	vst v63  }
0x232: {  	s17 =	simm.s32 $0xCC00;
	s3 =	sld [smem:$0x7CA]  }
0x233: {  	[tilespmem:s17], [sflag:$0x1] =	stream.linear.gather [spmem:s16], $0x80, $0x38;
	[tilespmem:$0x12780] =	vst v63  }
0x234: {  	s4 =	simm.s32 $0xCE00;
	s5 =	sld [smem:$0x7CB]  }
0x235: {  	[tilespmem:s4], [sflag:$0x1] =	stream.linear.gather [spmem:s3], $0x80, $0x38;
	[tilespmem:$0x12780] =	vst v63  }
0x236: {  	s8 =	simm.s32 $0xD000  }
0x237: {  	[tilespmem:s8], [sflag:$0x1] =	stream.linear.gather [spmem:s5], $0x80, $0x38;
	[tilespmem:$0x12780] =	vst v63  }
0x238: {  	_ =	swait.ge [sflag:s25], $0x300  }
0x239: {  	[sflag:s25] =	ssyncset.done $0x0  }
0x23a: {  	s9 =	simm.s32 $0xD200;
	s10 =	sld [smem:$0x7CC];
	[sflag:s25] =	ssyncadd.s32 $0xFFFFFD00  }
0x23b: {  	[tilespmem:s9], [sflag:$0x1] =	stream.linear.gather [spmem:s21], $0x80, $0x38;
	[tilespmem:$0x12780] =	vst v63  }
0x23c: {  	s15 =	simm.s32 $0xD400;
	s16 =	sld [smem:$0x7CD]  }
0x23d: {  	[tilespmem:s15], [sflag:$0x1] =	stream.linear.gather [spmem:s10], $0x80, $0x38;
	[tilespmem:$0x12780] =	vst v63  }
0x23e: {  	s17 =	simm.s32 $0xD600;
	s3 =	sld [smem:$0x7CE]  }
0x23f: {  	[tilespmem:s17], [sflag:$0x1] =	stream.linear.gather [spmem:s16], $0x80, $0x38;
	[tilespmem:$0x12780] =	vst v63  }
0x240: {  	s4 =	simm.s32 $0xD800;
	s5 =	sld [smem:$0x7CF]  }
0x241: {  	[tilespmem:s4], [sflag:$0x1] =	stream.linear.gather [spmem:s3], $0x80, $0x38;
	[tilespmem:$0x12780] =	vst v63  }
0x242: {  	s8 =	simm.s32 $0xDA00;
	s9 =	sld [smem:$0x7D0]  }
0x243: {  	[tilespmem:s8], [sflag:$0x1] =	stream.linear.gather [spmem:s5], $0x80, $0x38;
	[tilespmem:$0x12780] =	vst v63  }
0x244: {  	s10 =	simm.s32 $0xDC00  }
0x245: {  	[tilespmem:s10], [sflag:$0x1] =	stream.linear.gather [spmem:s9], $0x80, $0x38;
	[tilespmem:$0x12780] =	vst v63  }
0x246: {  	_ =	swait.ge [sflag:s25], $0x300  }
0x247: {  	[sflag:s25] =	ssyncset.done $0x0  }
0x248: {  	s15 =	simm.s32 $0xDE00;
	[sflag:s25] =	ssyncadd.s32 $0xFFFFFD00  }
0x249: {  	[tilespmem:s15], [sflag:$0x1] =	stream.linear.gather [spmem:s23], $0x80, $0x38;
	[tilespmem:$0x12780] =	vst v63  }
0x24a: {  	_ =	swait.ge [sflag:s25], $0x80  }
0x24b: {  	[sflag:s25] =	ssyncset.done $0x0;
	s16 =	rddreg [dreg:$0x9]  }
0x24c: {  	s17 =	simm.s32 $0xBA80;
	s4 =	sld [smem:$0x7D1];
	[sflag:s25] =	ssyncadd.s32 $0xFFFFFF80  }
0x24d: {  	[tilespmem:s17], [sflag:$0x1] =	stream.linear.gather [spmem:s16], $0x80, $0x38;
	[tilespmem:$0x12780] =	vst v63  }
0x24e: {  	s5 =	simm.s32 $0xBC80;
	s8 =	sld [smem:$0x7D2]  }
0x24f: {  	[tilespmem:s5], [sflag:$0x1] =	stream.linear.gather [spmem:s4], $0x80, $0x38;
	[tilespmem:$0x12780] =	vst v63  }
0x250: {  	s9 =	simm.s32 $0xBE80;
	s10 =	sld [smem:$0x7D3]  }
0x251: {  	[tilespmem:s9], [sflag:$0x1] =	stream.linear.gather [spmem:s8], $0x80, $0x38;
	[tilespmem:$0x12780] =	vst v63  }
0x252: {  	s15 =	simm.s32 $0xC080;
	s16 =	sld [smem:$0x7D4]  }
0x253: {  	[tilespmem:s15], [sflag:$0x1] =	stream.linear.gather [spmem:s10], $0x80, $0x38;
	[tilespmem:$0x12780] =	vst v63  }
0x254: {  	s17 =	simm.s32 $0xC280;
	s4 =	sld [smem:$0x7D5]  }
0x255: {  	[tilespmem:s17], [sflag:$0x1] =	stream.linear.gather [spmem:s16], $0x80, $0x38;
	[tilespmem:$0x12780] =	vst v63  }
0x256: {  	s5 =	simm.s32 $0xC480  }
0x257: {  	[tilespmem:s5], [sflag:$0x1] =	stream.linear.gather [spmem:s4], $0x80, $0x38;
	[tilespmem:$0x12780] =	vst v63  }
0x258: {  	_ =	swait.ge [sflag:s25], $0x300  }
0x259: {  	[sflag:s25] =	ssyncset.done $0x0;
	s8 =	rddreg [dreg:$0xa]  }
0x25a: {  	s9 =	simm.s32 $0xC680;
	s10 =	sld [smem:$0x7D6];
	[sflag:s25] =	ssyncadd.s32 $0xFFFFFD00  }
0x25b: {  	[tilespmem:s9], [sflag:$0x1] =	stream.linear.gather [spmem:s8], $0x80, $0x38;
	[tilespmem:$0x12780] =	vst v63  }
0x25c: {  	s15 =	simm.s32 $0xC880;
	s16 =	sld [smem:$0x7D7]  }
0x25d: {  	[tilespmem:s15], [sflag:$0x1] =	stream.linear.gather [spmem:s10], $0x80, $0x38;
	[tilespmem:$0x12780] =	vst v63  }
0x25e: {  	s17 =	simm.s32 $0xCA80;
	s4 =	sld [smem:$0x7D8]  }
0x25f: {  	[tilespmem:s17], [sflag:$0x1] =	stream.linear.gather [spmem:s16], $0x80, $0x38;
	[tilespmem:$0x12780] =	vst v63  }
0x260: {  	s5 =	simm.s32 $0xCC80;
	s8 =	sld [smem:$0x7D9]  }
0x261: {  	[tilespmem:s5], [sflag:$0x1] =	stream.linear.gather [spmem:s4], $0x80, $0x38;
	[tilespmem:$0x12780] =	vst v63  }
0x262: {  	s9 =	simm.s32 $0xCE80;
	s10 =	sld [smem:$0x7DA]  }
0x263: {  	[tilespmem:s9], [sflag:$0x1] =	stream.linear.gather [spmem:s8], $0x80, $0x38;
	[tilespmem:$0x12780] =	vst v63  }
0x264: {  	s15 =	simm.s32 $0xD080  }
0x265: {  	[tilespmem:s15], [sflag:$0x1] =	stream.linear.gather [spmem:s10], $0x80, $0x38;
	[tilespmem:$0x12780] =	vst v63  }
0x266: {  	_ =	swait.ge [sflag:s25], $0x300  }
0x267: {  	[sflag:s25] =	ssyncset.done $0x0;
	s16 =	rddreg [dreg:$0xb]  }
0x268: {  	s17 =	simm.s32 $0xD280;
	s4 =	sld [smem:$0x7DB];
	[sflag:s25] =	ssyncadd.s32 $0xFFFFFD00  }
0x269: {  	[tilespmem:s17], [sflag:$0x1] =	stream.linear.gather [spmem:s16], $0x80, $0x38;
	[tilespmem:$0x12780] =	vst v63  }
0x26a: {  	s5 =	simm.s32 $0xD480;
	s8 =	sld [smem:$0x7DC]  }
0x26b: {  	[tilespmem:s5], [sflag:$0x1] =	stream.linear.gather [spmem:s4], $0x80, $0x38;
	[tilespmem:$0x12780] =	vst v63  }
0x26c: {  	s9 =	simm.s32 $0xD680;
	s10 =	sld [smem:$0x7DD]  }
0x26d: {  	[tilespmem:s9], [sflag:$0x1] =	stream.linear.gather [spmem:s8], $0x80, $0x38;
	[tilespmem:$0x12780] =	vst v63  }
0x26e: {  	s15 =	simm.s32 $0xD880;
	s16 =	sld [smem:$0x7DE]  }
0x26f: {  	[tilespmem:s15], [sflag:$0x1] =	stream.linear.gather [spmem:s10], $0x80, $0x38;
	[tilespmem:$0x12780] =	vst v63  }
0x270: {  	s17 =	simm.s32 $0xDA80;
	s4 =	sld [smem:$0x7DF]  }
0x271: {  	[tilespmem:s17], [sflag:$0x1] =	stream.linear.gather [spmem:s16], $0x80, $0x38;
	[tilespmem:$0x12780] =	vst v63  }
0x272: {  	s5 =	simm.s32 $0xDC80  }
0x273: {  	[tilespmem:s5], [sflag:$0x1] =	stream.linear.gather [spmem:s4], $0x80, $0x38;
	[tilespmem:$0x12780] =	vst v63  }
0x274: {  	_ =	swait.ge [sflag:s25], $0x300  }
0x275: {  	[sflag:s25] =	ssyncset.done $0x0  }
0x276: {  	s9 =	simm.s32 $0xDE80;
	s8 =	rddreg [dreg:$0x16];
	[sflag:s25] =	ssyncadd.s32 $0xFFFFFD00  }
0x277: {  	[tilespmem:s9], [sflag:$0x1] =	stream.linear.gather [spmem:s8], $0x80, $0x38;
	[tilespmem:$0x12780] =	vst v63  }
0x278: {  	_ =	swait.ge [sflag:s25], $0x80  }
0x279: {  	[sflag:s25] =	ssyncset.done $0x0;
	s10 =	rddreg [dreg:$0xc]  }
0x27a: {  	s15 =	simm.s32 $0xBB00;
	s16 =	sld [smem:$0x7E0];
	[sflag:s25] =	ssyncadd.s32 $0xFFFFFF80  }
0x27b: {  	[tilespmem:s15], [sflag:$0x1] =	stream.linear.gather [spmem:s10], $0x80, $0x38;
	[tilespmem:$0x12780] =	vst v63  }
0x27c: {  	s17 =	simm.s32 $0xBD00;
	s4 =	sld [smem:$0x7E1]  }
0x27d: {  	[tilespmem:s17], [sflag:$0x1] =	stream.linear.gather [spmem:s16], $0x80, $0x38;
	[tilespmem:$0x12780] =	vst v63  }
0x27e: {  	s5 =	simm.s32 $0xBF00;
	s8 =	sld [smem:$0x7E2]  }
0x27f: {  	[tilespmem:s5], [sflag:$0x1] =	stream.linear.gather [spmem:s4], $0x80, $0x38;
	[tilespmem:$0x12780] =	vst v63  }
0x280: {  	s9 =	simm.s32 $0xC100;
	s10 =	sld [smem:$0x7E3]  }
0x281: {  	[tilespmem:s9], [sflag:$0x1] =	stream.linear.gather [spmem:s8], $0x80, $0x38;
	[tilespmem:$0x12780] =	vst v63  }
0x282: {  	s15 =	simm.s32 $0xC300;
	s16 =	sld [smem:$0x7E4]  }
0x283: {  	[tilespmem:s15], [sflag:$0x1] =	stream.linear.gather [spmem:s10], $0x80, $0x38;
	[tilespmem:$0x12780] =	vst v63  }
0x284: {  	s17 =	simm.s32 $0xC500  }
0x285: {  	[tilespmem:s17], [sflag:$0x1] =	stream.linear.gather [spmem:s16], $0x80, $0x38;
	[tilespmem:$0x12780] =	vst v63  }
0x286: {  	_ =	swait.ge [sflag:s25], $0x300  }
0x287: {  	[sflag:s25] =	ssyncset.done $0x0;
	s4 =	rddreg [dreg:$0xd]  }
0x288: {  	s5 =	simm.s32 $0xC700;
	s8 =	sld [smem:$0x7E5];
	[sflag:s25] =	ssyncadd.s32 $0xFFFFFD00  }
0x289: {  	[tilespmem:s5], [sflag:$0x1] =	stream.linear.gather [spmem:s4], $0x80, $0x38;
	[tilespmem:$0x12780] =	vst v63  }
0x28a: {  	s9 =	simm.s32 $0xC900;
	s10 =	sld [smem:$0x7E6]  }
0x28b: {  	[tilespmem:s9], [sflag:$0x1] =	stream.linear.gather [spmem:s8], $0x80, $0x38;
	[tilespmem:$0x12780] =	vst v63  }
0x28c: {  	s15 =	simm.s32 $0xCB00;
	s16 =	sld [smem:$0x7E7]  }
0x28d: {  	[tilespmem:s15], [sflag:$0x1] =	stream.linear.gather [spmem:s10], $0x80, $0x38;
	[tilespmem:$0x12780] =	vst v63  }
0x28e: {  	s17 =	simm.s32 $0xCD00;
	s4 =	sld [smem:$0x7E8]  }
0x28f: {  	[tilespmem:s17], [sflag:$0x1] =	stream.linear.gather [spmem:s16], $0x80, $0x38;
	[tilespmem:$0x12780] =	vst v63  }
0x290: {  	s5 =	simm.s32 $0xCF00;
	s8 =	sld [smem:$0x7E9]  }
0x291: {  	[tilespmem:s5], [sflag:$0x1] =	stream.linear.gather [spmem:s4], $0x80, $0x38;
	[tilespmem:$0x12780] =	vst v63  }
0x292: {  	s9 =	simm.s32 $0xD100  }
0x293: {  	[tilespmem:s9], [sflag:$0x1] =	stream.linear.gather [spmem:s8], $0x80, $0x38;
	[tilespmem:$0x12780] =	vst v63  }
0x294: {  	_ =	swait.ge [sflag:s25], $0x300  }
0x295: {  	[sflag:s25] =	ssyncset.done $0x0;
	s10 =	rddreg [dreg:$0xe]  }
0x296: {  	s15 =	simm.s32 $0xD300;
	s16 =	sld [smem:$0x7EA];
	[sflag:s25] =	ssyncadd.s32 $0xFFFFFD00  }
0x297: {  	[tilespmem:s15], [sflag:$0x1] =	stream.linear.gather [spmem:s10], $0x80, $0x38;
	[tilespmem:$0x12780] =	vst v63  }
0x298: {  	s17 =	simm.s32 $0xD500;
	s4 =	sld [smem:$0x7EB]  }
0x299: {  	[tilespmem:s17], [sflag:$0x1] =	stream.linear.gather [spmem:s16], $0x80, $0x38;
	[tilespmem:$0x12780] =	vst v63  }
0x29a: {  	s5 =	simm.s32 $0xD700;
	s8 =	sld [smem:$0x7EC]  }
0x29b: {  	[tilespmem:s5], [sflag:$0x1] =	stream.linear.gather [spmem:s4], $0x80, $0x38;
	[tilespmem:$0x12780] =	vst v63  }
0x29c: {  	s9 =	simm.s32 $0xD900;
	s10 =	sld [smem:$0x7ED]  }
0x29d: {  	[tilespmem:s9], [sflag:$0x1] =	stream.linear.gather [spmem:s8], $0x80, $0x38;
	[tilespmem:$0x12780] =	vst v63  }
0x29e: {  	s15 =	simm.s32 $0xDB00;
	s16 =	sld [smem:$0x7EE]  }
0x29f: {  	[tilespmem:s15], [sflag:$0x1] =	stream.linear.gather [spmem:s10], $0x80, $0x38;
	[tilespmem:$0x12780] =	vst v63  }
0x2a0: {  	s17 =	simm.s32 $0xDD00  }
0x2a1: {  	[tilespmem:s17], [sflag:$0x1] =	stream.linear.gather [spmem:s16], $0x80, $0x38;
	[tilespmem:$0x12780] =	vst v63  }
0x2a2: {  	_ =	swait.ge [sflag:s25], $0x300  }
0x2a3: {  	[sflag:s25] =	ssyncset.done $0x0  }
0x2a4: {  	s5 =	simm.s32 $0xDF00;
	s4 =	rddreg [dreg:$0x17];
	[sflag:s25] =	ssyncadd.s32 $0xFFFFFD00  }
0x2a5: {  	[tilespmem:s5], [sflag:$0x1] =	stream.linear.gather [spmem:s4], $0x80, $0x38;
	[tilespmem:$0x12780] =	vst v63  }
0x2a6: {  	_ =	swait.ge [sflag:s25], $0x80  }
0x2a7: {  	[sflag:s25] =	ssyncset.done $0x0;
	s8 =	rddreg [dreg:$0xf]  }
0x2a8: {  	s9 =	simm.s32 $0xBB80;
	s10 =	sld [smem:$0x7EF];
	[sflag:s25] =	ssyncadd.s32 $0xFFFFFF80  }
0x2a9: {  	[tilespmem:s9], [sflag:$0x1] =	stream.linear.gather [spmem:s8], $0x80, $0x38;
	[tilespmem:$0x12780] =	vst v63  }
0x2aa: {  	s15 =	simm.s32 $0xBD80;
	s16 =	sld [smem:$0x7F0]  }
0x2ab: {  	[tilespmem:s15], [sflag:$0x1] =	stream.linear.gather [spmem:s10], $0x80, $0x38;
	[tilespmem:$0x12780] =	vst v63  }
0x2ac: {  	s17 =	simm.s32 $0xBF80;
	s4 =	sld [smem:$0x7F1]  }
0x2ad: {  	[tilespmem:s17], [sflag:$0x1] =	stream.linear.gather [spmem:s16], $0x80, $0x38;
	[tilespmem:$0x12780] =	vst v63  }
0x2ae: {  	s5 =	simm.s32 $0xC180;
	s8 =	sld [smem:$0x7F2]  }
0x2af: {  	[tilespmem:s5], [sflag:$0x1] =	stream.linear.gather [spmem:s4], $0x80, $0x38;
	[tilespmem:$0x12780] =	vst v63  }
0x2b0: {  	s9 =	simm.s32 $0xC380;
	s10 =	sld [smem:$0x7F3]  }
0x2b1: {  	[tilespmem:s9], [sflag:$0x1] =	stream.linear.gather [spmem:s8], $0x80, $0x38;
	[tilespmem:$0x12780] =	vst v63  }
0x2b2: {  	s15 =	simm.s32 $0xC580  }
0x2b3: {  	[tilespmem:s15], [sflag:$0x1] =	stream.linear.gather [spmem:s10], $0x80, $0x38;
	[tilespmem:$0x12780] =	vst v63  }
0x2b4: {  	_ =	swait.ge [sflag:s25], $0x300  }
0x2b5: {  	[sflag:s25] =	ssyncset.done $0x0;
	s16 =	rddreg [dreg:$0x10]  }
0x2b6: {  	s17 =	simm.s32 $0xC780;
	s4 =	sld [smem:$0x7F4];
	[sflag:s25] =	ssyncadd.s32 $0xFFFFFD00  }
0x2b7: {  	[tilespmem:s17], [sflag:$0x1] =	stream.linear.gather [spmem:s16], $0x80, $0x38;
	[tilespmem:$0x12780] =	vst v63  }
0x2b8: {  	s5 =	simm.s32 $0xC980;
	s8 =	sld [smem:$0x7F5]  }
0x2b9: {  	[tilespmem:s5], [sflag:$0x1] =	stream.linear.gather [spmem:s4], $0x80, $0x38;
	[tilespmem:$0x12780] =	vst v63  }
0x2ba: {  	s9 =	simm.s32 $0xCB80;
	s10 =	sld [smem:$0x7F6]  }
0x2bb: {  	[tilespmem:s9], [sflag:$0x1] =	stream.linear.gather [spmem:s8], $0x80, $0x38;
	[tilespmem:$0x12780] =	vst v63  }
0x2bc: {  	s15 =	simm.s32 $0xCD80;
	s16 =	sld [smem:$0x7F7]  }
0x2bd: {  	[tilespmem:s15], [sflag:$0x1] =	stream.linear.gather [spmem:s10], $0x80, $0x38;
	[tilespmem:$0x12780] =	vst v63  }
0x2be: {  	s17 =	simm.s32 $0xCF80;
	s4 =	sld [smem:$0x7F8]  }
0x2bf: {  	[tilespmem:s17], [sflag:$0x1] =	stream.linear.gather [spmem:s16], $0x80, $0x38;
	[tilespmem:$0x12780] =	vst v63  }
0x2c0: {  	s5 =	simm.s32 $0xD180  }
0x2c1: {  	[tilespmem:s5], [sflag:$0x1] =	stream.linear.gather [spmem:s4], $0x80, $0x38;
	[tilespmem:$0x12780] =	vst v63  }
0x2c2: {  	_ =	swait.ge [sflag:s25], $0x300  }
0x2c3: {  	[sflag:s25] =	ssyncset.done $0x0;
	s8 =	rddreg [dreg:$0x11]  }
0x2c4: {  	s9 =	simm.s32 $0xD380;
	s10 =	sld [smem:$0x7F9];
	[sflag:s25] =	ssyncadd.s32 $0xFFFFFD00  }
0x2c5: {  	[tilespmem:s9], [sflag:$0x1] =	stream.linear.gather [spmem:s8], $0x80, $0x38;
	[tilespmem:$0x12780] =	vst v63  }
0x2c6: {  	s15 =	simm.s32 $0xD580;
	s16 =	sld [smem:$0x7FA]  }
0x2c7: {  	[tilespmem:s15], [sflag:$0x1] =	stream.linear.gather [spmem:s10], $0x80, $0x38;
	[tilespmem:$0x12780] =	vst v63  }
0x2c8: {  	s17 =	simm.s32 $0xD780;
	s4 =	sld [smem:$0x7FB]  }
0x2c9: {  	[tilespmem:s17], [sflag:$0x1] =	stream.linear.gather [spmem:s16], $0x80, $0x38;
	[tilespmem:$0x12780] =	vst v63  }
0x2ca: {  	s5 =	simm.s32 $0xD980;
	s8 =	sld [smem:$0x7FC]  }
0x2cb: {  	[tilespmem:s5], [sflag:$0x1] =	stream.linear.gather [spmem:s4], $0x80, $0x38;
	[tilespmem:$0x12780] =	vst v63  }
0x2cc: {  	s9 =	simm.s32 $0xDB80;
	s10 =	sld [smem:$0x7FD]  }
0x2cd: {  	[tilespmem:s9], [sflag:$0x1] =	stream.linear.gather [spmem:s8], $0x80, $0x38;
	[tilespmem:$0x12780] =	vst v63  }
0x2ce: {  	s15 =	simm.s32 $0xDD80  }
0x2cf: {  	[tilespmem:s15], [sflag:$0x1] =	stream.linear.gather [spmem:s10], $0x80, $0x38;
	[tilespmem:$0x12780] =	vst v63  }
0x2d0: {  	_ =	swait.ge [sflag:s25], $0x300  }
0x2d1: {  	[sflag:s25] =	ssyncset.done $0x0  }
0x2d2: {  	s17 =	simm.s32 $0xDF80;
	s16 =	rddreg [dreg:$0x18];
	[sflag:s25] =	ssyncadd.s32 $0xFFFFFD00  }
0x2d3: {  	[tilespmem:s17], [sflag:$0x1] =	stream.linear.gather [spmem:s16], $0x80, $0x38;
	[tilespmem:$0x12780] =	vst v63  }
0x2d4: {  	_ =	swait.ge [sflag:s25], $0x80  }
0x2d5: {  	[sflag:s25] =	ssyncset.done $0x0  }
0x2d6: {  	s0 =	simm.s32 $0x40;
	s3 =	simm.s32 $0x0;
	[sflag:s25] =	ssyncadd.s32 $0xFFFFFF80  }
.LBB2_12:
0x2d7: {  	p2 =	sne.s32 s0, $0x940;
	[tilespmem:s3+$0x10900] =	vst v1;
	s4 =	smov.u32 s0;
	s0 =	sadd.s32 $0x40, s0  }
.Ltmp8:
0x2d8: {  	[tilespmem:s3+$0x10400] =	vst v4;
	(pc) =	sbr.rel @p2 .LBB2_12-.Ltmp8, $2  }
0x2d9: {  	[tilespmem:s3+$0x10680] =	vst v1;
	_ =	sdelay $0x2  }
0x2da: {  	s3 =	sshra.s32 s4, $0x2  }
0x2db: {  	[tilespmem:s3+$0x10900] =	vst v1  }
0x2dc: {  	[tilespmem:s3+$0x10400] =	vst v4  }
0x2dd: {  	[tilespmem:s3+$0x10680] =	vst v1  }
0x2de: {  	[tilespmem:$0x12480] =	vst v4  }
0x2df: {  	[tilespmem:$0x12490] =	vst v4  }
0x2e0: {  	[tilespmem:$0x124A0] =	vst v4  }
0x2e1: {  	[tilespmem:$0x124B0] =	vst v4  }
0x2e2: {  	[tilespmem:$0x124C0] =	vst v4  }
0x2e3: {  	[tilespmem:$0x124D0] =	vst v4  }
0x2e4: {  	[tilespmem:$0x124E0] =	vst v4  }
0x2e5: {  	[tilespmem:$0x124F0] =	vst v4  }
0x2e6: {  	[tilespmem:$0x12500] =	vst v4  }
0x2e7: {  	[tilespmem:$0x12510] =	vst v4  }
0x2e8: {  	[tilespmem:$0x12520] =	vst v4;
	v5 =	vld [tilespmem:$0xDE00]  }
0x2e9: {  	[tilespmem:$0x12530] =	vst v4  }
0x2ea: {  	[tilespmem:$0x12540] =	vst v4  }
0x2eb: {  	[tilespmem:$0x12550] =	vst v4  }
0x2ec: {  	[tilespmem:$0x12560] =	vst v4  }
0x2ed: {  	[tilespmem:$0x12570] =	vst v4;
	(v2sf) =	vpush v5, $0x0  }
0x2ee: {  	[tilespmem:$0x12580] =	vst v4  }
0x2ef: {  	[tilespmem:$0x12590] =	vst v4  }
0x2f0: {  	[tilespmem:$0x125A0] =	vst v4  }
0x2f1: {  	[tilespmem:$0x125B0] =	vst v4;
	v5 =	vld [tilespmem:$0xDE80]  }
0x2f2: {  	[tilespmem:$0x125C0] =	vst v4;
	v6 =	vld [tilespmem:$0xDF00]  }
0x2f3: {  	[tilespmem:$0x125D0] =	vst v4;
	v7 =	vld [tilespmem:$0xDF80]  }
0x2f4: {  	[tilespmem:$0x125E0] =	vst v4  }
0x2f5: {  	[tilespmem:$0x125F0] =	vst v4  }
0x2f6: {  	[tilespmem:$0x12600] =	vst v4;
	(v2sf) =	vpush v5, $0x0  }
0x2f7: {  	[tilespmem:$0x12610] =	vst v4;
	(v2sf) =	vpush v6, $0x0  }
0x2f8: {  	[tilespmem:$0x12620] =	vst v4;
	(v2sf) =	vpush v7, $0x0  }
0x2f9: {  	[tilespmem:$0x12630] =	vst v4  }
0x2fa: {  	[tilespmem:$0x12640] =	vst v4  }
0x2fb: {  	[tilespmem:$0x12650] =	vst v4  }
0x2fc: {  	[tilespmem:$0x12660] =	vst v4;
	s0 =	spop (v2sf)  }
0x2fd: {  	[tilespmem:$0x12670] =	vst v4;
	p2 =	sgt.s32 s0, $0x0  }
0x2fe: {  	[tilespmem:$0x12680] =	vst v4;
	s0 =	simm.s32 @!p2 $0x0  }
0x2ff: {  	[tilespmem:$0x12690] =	vst v4;
	s15 =	smin.u32 s0, $0x2F0  }
0x300: {  	[tilespmem:$0x126A0] =	vst v4;
	s17 =	sadd.s32 $0xF, s15  }
0x301: {  	[tilespmem:$0x126B0] =	vst v4;
	s3 =	sshrl.u32 s17, $0x4  }
0x302: {  	[tilespmem:$0x126C0] =	vst v4;
	p2 =	seq.s32 s3, $0x0  }
.Ltmp9:
0x303: {  	[tilespmem:$0x126D0] =	vst v4;
	(pc) =	sbr.rel @p2 .LBB2_17-.Ltmp9, $4  }
0x304: {  	[tilespmem:$0x126E0] =	vst v4  }
0x305: {  	[tilespmem:$0x126F0] =	vst v4;
	s0 =	spop (v2sf)  }
0x306: {  	[tilespmem:$0x12700] =	vst v4;
	s4 =	spop (v2sf)  }
0x307: {  	[tilespmem:$0x12710] =	vst v4;
	s16 =	spop (v2sf)  }
0x308: {  	s5 =	simm.s32 $0x0  }
0x309: {  	v5 =	vmov s15;
	v6 =	vor.u32 s5, v2;
	s8 =	sand.u32 $0x70, s5;
	s5 =	sand.u32 $0xFFFFFE00, s5  }
0x30a: {  	vm0 =	vlt.s32 v6, v5;
	vm1 =	vlt.s32 v6, $0xBCF;
	s8 =	sor.u32 s8, s5  }
0x30b: {  	v6 =	vnsel vm1, $0xBCF, v6;
	v7 =	vld [tilespmem:s8+$0xBA00];
	_ =	sdelay $0x4  }
0x30c: {  	[tilespmem:v6+s11+$0x0] =	vst.idx.msk vm0, v7  }
0x30d: {  	v7 =	vld [tilespmem:s8+$0xC600];
	_ =	sdelay $0x2  }
0x30e: {  	s3 =	sshll.u32 s3, $0x4  }
0x30f: {  	p2 =	sne.s32 s3, $0x10  }
.Ltmp10:
0x310: {  	[tilespmem:v6+s12+$0x0] =	vst.idx.msk vm0, v7;
	(pc) =	sbr.rel @!p2 .LBB2_16-.Ltmp10, $2  }
0x311: {  	v7 =	vld [tilespmem:s8+$0xD200];
	_ =	sdelay $0x2  }
0x312: {  	s5 =	simm.s32 $0x10;
	s8 =	simm.s32 $0x40  }
.LBB2_15:
0x313: {  	v8 =	vor.u32 s5, v2;
	s9 =	sand.u32 $0x70, s5;
	s10 =	sand.u32 $0xFFFFFE00, s8;
	s5 =	sadd.s32 $0x10, s5  }
0x314: {  	vm1 =	vlt.s32 v8, $0xBCF;
	s9 =	sor.u32 s9, s10;
	p2 =	sne.s32 s3, s5;
	[tilespmem:v6+s13+$0x0] =	vst.idx.msk vm0, v7;
	vm0 =	vlt.s32 v8, v5  }
0x315: {  	v6 =	vnsel vm1, $0xBCF, v8;
	v7 =	vld [tilespmem:s9+$0xBA00];
	_ =	sdelay $0x4  }
0x316: {  	[tilespmem:v6+s11+$0x0] =	vst.idx.msk vm0, v7  }
0x317: {  	v7 =	vld [tilespmem:s9+$0xC600];
	_ =	sdelay $0x4  }
.Ltmp11:
0x318: {  	[tilespmem:v6+s12+$0x0] =	vst.idx.msk vm0, v7;
	(pc) =	sbr.rel @p2 .LBB2_15-.Ltmp11, $2  }
0x319: {  	v7 =	vld [tilespmem:s9+$0xD200];
	_ =	sdelay $0x2  }
0x31a: {  	s8 =	sadd.s32 $0x40, s8  }
.LBB2_16:
0x31b: {  	_ =	sdelay $0x4  }
0x31c: {  	[tilespmem:v6+s13+$0x0] =	vst.idx.msk vm0, v7  }
.LBB2_17:
0x31d: {  	p2 =	sgt.s32 s0, $0x0  }
0x31e: {  	s0 =	simm.s32 @!p2 $0x0  }
0x31f: {  	s3 =	smin.u32 s0, $0x2F0  }
0x320: {  	s0 =	sadd.s32 $0xF, s3  }
0x321: {  	s5 =	sshrl.u32 s0, $0x4  }
0x322: {  	p2 =	seq.s32 s5, $0x0  }
.Ltmp12:
0x323: {  	_ = 	snop;
	(pc) =	sbr.rel @p2 .LBB2_21-.Ltmp12, $1  }
0x324: {  	_ =	sdelay $0x3  }
0x325: {  	s0 =	simm.s32 $0x0  }
0x326: {  	v5 =	vmov s15;
	v7 =	vor.u32 s0, v2  }
0x327: {  	v6 =	vmov s3;
	s8 =	sand.u32 $0x70, s0;
	s9 =	sand.u32 $0xFFFFFE00, s0;
	v8 =	vadd.s32 v5, v7  }
0x328: {  	vm0 =	vlt.s32 v7, v6;
	s9 =	sor.u32 s9, s8;
	vm1 =	vlt.s32 v8, $0xBCF  }
0x329: {  	v7 =	vnsel vm1, $0xBCF, v8;
	v8 =	vld [tilespmem:s9+$0xBA80];
	_ =	sdelay $0x4  }
0x32a: {  	[tilespmem:v7+s11+$0x0] =	vst.idx.msk vm0, v8  }
0x32b: {  	s5 =	sshll.u32 s5, $0x4;
	v8 =	vld [tilespmem:s9+$0xC680]  }
0x32c: {  	p2 =	sne.s32 s5, $0x10  }
.Ltmp13:
0x32d: {  	_ = 	snop;
	(pc) =	sbr.rel @!p2 .LBB2_20-.Ltmp13, $3  }
0x32e: {  	_ =	sdelay $0x1  }
0x32f: {  	[tilespmem:v7+s12+$0x0] =	vst.idx.msk vm0, v8  }
0x330: {  	s8 =	simm.s32 $0x10;
	v8 =	vld [tilespmem:s9+$0xD280]  }
.LBB2_19:
0x331: {  	_ =	sdelay $0x1  }
0x332: {  	v9 =	vor.u32 s8, v2;
	s0 =	sadd.s32 $0x40, s0;
	s9 =	smov.u32 s8;
	s8 =	sadd.s32 $0x10, s8  }
0x333: {  	v10 =	vadd.s32 v5, v9;
	s9 =	sand.u32 $0x70, s9;
	s10 =	sand.u32 $0xFFFFFE00, s0;
	p2 =	sne.s32 s5, s8  }
0x334: {  	vm1 =	vlt.s32 v10, $0xBCF;
	s9 =	sor.u32 s10, s9;
	[tilespmem:v7+s13+$0x0] =	vst.idx.msk vm0, v8;
	vm0 =	vlt.s32 v9, v6  }
0x335: {  	v7 =	vnsel vm1, $0xBCF, v10;
	v8 =	vld [tilespmem:s9+$0xBA80];
	_ =	sdelay $0x4  }
0x336: {  	[tilespmem:v7+s11+$0x0] =	vst.idx.msk vm0, v8  }
0x337: {  	v8 =	vld [tilespmem:s9+$0xC680];
	_ =	sdelay $0x1  }
.Ltmp14:
0x338: {  	(pc) =	sbr.rel @p2 .LBB2_19-.Ltmp14, $3  }
0x339: {  	_ =	sdelay $0x1  }
0x33a: {  	[tilespmem:v7+s12+$0x0] =	vst.idx.msk vm0, v8  }
0x33b: {  	v8 =	vld [tilespmem:s9+$0xD280]  }
.LBB2_20:
0x33c: {  	_ =	sdelay $0x4  }
0x33d: {  	[tilespmem:v7+s13+$0x0] =	vst.idx.msk vm0, v8  }
.LBB2_21:
0x33e: {  	p2 =	sgt.s32 s4, $0x0  }
0x33f: {  	s4 =	simm.s32 @!p2 $0x0  }
0x340: {  	s4 =	smin.u32 s4, $0x2F0  }
0x341: {  	s0 =	sadd.s32 $0xF, s4  }
0x342: {  	s8 =	sshrl.u32 s0, $0x4  }
0x343: {  	p2 =	seq.s32 s8, $0x0  }
.Ltmp15:
0x344: {  	_ = 	snop;
	(pc) =	sbr.rel @p2 .LBB2_25-.Ltmp15, $2  }
0x345: {  	_ =	sdelay $0x2  }
0x346: {  	[smem:$0x7C6] =	sst s14;
	s0 =	sadd.s32 s15, s3  }
0x347: {  	s5 =	simm.s32 $0x0  }
0x348: {  	v5 =	vmov s0;
	v7 =	vor.u32 s5, v2  }
0x349: {  	v6 =	vmov s4;
	s9 =	sand.u32 $0x70, s5;
	s10 =	sand.u32 $0xFFFFFE00, s5;
	v8 =	vadd.s32 v5, v7  }
0x34a: {  	vm0 =	vlt.s32 v7, v6;
	s10 =	sor.u32 s10, s9;
	vm1 =	vlt.s32 v8, $0xBCF  }
0x34b: {  	v7 =	vnsel vm1, $0xBCF, v8;
	v8 =	vld [tilespmem:s10+$0xBB00];
	_ =	sdelay $0x4  }
0x34c: {  	[tilespmem:v7+s11+$0x0] =	vst.idx.msk vm0, v8  }
0x34d: {  	s8 =	sshll.u32 s8, $0x4;
	v8 =	vld [tilespmem:s10+$0xC700]  }
0x34e: {  	p2 =	sne.s32 s8, $0x10  }
.Ltmp16:
0x34f: {  	_ = 	snop;
	(pc) =	sbr.rel @!p2 .LBB2_24-.Ltmp16, $3  }
0x350: {  	_ =	sdelay $0x1  }
0x351: {  	[tilespmem:v7+s12+$0x0] =	vst.idx.msk vm0, v8  }
0x352: {  	s9 =	simm.s32 $0x10;
	v8 =	vld [tilespmem:s10+$0xD300]  }
.LBB2_23:
0x353: {  	_ =	sdelay $0x1  }
0x354: {  	v9 =	vor.u32 s9, v2;
	s5 =	sadd.s32 $0x40, s5;
	s10 =	smov.u32 s9;
	s9 =	sadd.s32 $0x10, s9  }
0x355: {  	v10 =	vadd.s32 v5, v9;
	s10 =	sand.u32 $0x70, s10;
	s14 =	sand.u32 $0xFFFFFE00, s5;
	p2 =	sne.s32 s8, s9  }
0x356: {  	vm1 =	vlt.s32 v10, $0xBCF;
	s10 =	sor.u32 s14, s10;
	[tilespmem:v7+s13+$0x0] =	vst.idx.msk vm0, v8;
	vm0 =	vlt.s32 v9, v6  }
0x357: {  	v7 =	vnsel vm1, $0xBCF, v10;
	v8 =	vld [tilespmem:s10+$0xBB00];
	_ =	sdelay $0x4  }
0x358: {  	[tilespmem:v7+s11+$0x0] =	vst.idx.msk vm0, v8  }
0x359: {  	v8 =	vld [tilespmem:s10+$0xC700];
	_ =	sdelay $0x1  }
.Ltmp17:
0x35a: {  	(pc) =	sbr.rel @p2 .LBB2_23-.Ltmp17, $3  }
0x35b: {  	_ =	sdelay $0x1  }
0x35c: {  	[tilespmem:v7+s12+$0x0] =	vst.idx.msk vm0, v8  }
0x35d: {  	v8 =	vld [tilespmem:s10+$0xD300]  }
.LBB2_24:
0x35e: {  	_ =	sdelay $0x4  }
0x35f: {  	[tilespmem:v7+s13+$0x0] =	vst.idx.msk vm0, v8  }
.LBB2_25:
0x360: {  	p2 =	sgt.s32 s16, $0x0  }
0x361: {  	s16 =	simm.s32 @!p2 $0x0  }
0x362: {  	s5 =	smin.u32 s16, $0x2F0  }
0x363: {  	s8 =	sadd.s32 $0xF, s5  }
0x364: {  	s9 =	sshrl.u32 s8, $0x4  }
0x365: {  	p2 =	seq.s32 s9, $0x0  }
.Ltmp18:
0x366: {  	_ = 	snop;
	(pc) =	sbr.rel @p2 .LBB2_29-.Ltmp18, $2  }
0x367: {  	_ =	sdelay $0x2  }
0x368: {  	s0 =	sadd.s32 s4, s0  }
0x369: {  	s8 =	simm.s32 $0x0  }
0x36a: {  	v5 =	vmov s0;
	v7 =	vor.u32 s8, v2  }
0x36b: {  	v6 =	vmov s5;
	s10 =	sand.u32 $0x70, s8;
	s14 =	sand.u32 $0xFFFFFE00, s8;
	v8 =	vadd.s32 v5, v7  }
0x36c: {  	vm0 =	vlt.s32 v7, v6;
	s14 =	sor.u32 s14, s10;
	vm1 =	vlt.s32 v8, $0xBCF  }
0x36d: {  	v7 =	vnsel vm1, $0xBCF, v8;
	v8 =	vld [tilespmem:s14+$0xBB80];
	_ =	sdelay $0x4  }
0x36e: {  	[tilespmem:v7+s11+$0x0] =	vst.idx.msk vm0, v8  }
0x36f: {  	s9 =	sshll.u32 s9, $0x4;
	v8 =	vld [tilespmem:s14+$0xC780]  }
0x370: {  	p2 =	sne.s32 s9, $0x10  }
.Ltmp19:
0x371: {  	_ = 	snop;
	(pc) =	sbr.rel @!p2 .LBB2_28-.Ltmp19, $3  }
0x372: {  	_ =	sdelay $0x1  }
0x373: {  	[tilespmem:v7+s12+$0x0] =	vst.idx.msk vm0, v8  }
0x374: {  	s10 =	simm.s32 $0x10;
	v8 =	vld [tilespmem:s14+$0xD380]  }
.LBB2_27:
0x375: {  	_ =	sdelay $0x1  }
0x376: {  	v9 =	vor.u32 s10, v2;
	s8 =	sadd.s32 $0x40, s8;
	s14 =	smov.u32 s10;
	s10 =	sadd.s32 $0x10, s10  }
0x377: {  	v10 =	vadd.s32 v5, v9;
	s14 =	sand.u32 $0x70, s14;
	s16 =	sand.u32 $0xFFFFFE00, s8;
	p2 =	sne.s32 s9, s10  }
0x378: {  	vm1 =	vlt.s32 v10, $0xBCF;
	s14 =	sor.u32 s16, s14;
	[tilespmem:v7+s13+$0x0] =	vst.idx.msk vm0, v8;
	vm0 =	vlt.s32 v9, v6  }
0x379: {  	v7 =	vnsel vm1, $0xBCF, v10;
	v8 =	vld [tilespmem:s14+$0xBB80];
	_ =	sdelay $0x4  }
0x37a: {  	[tilespmem:v7+s11+$0x0] =	vst.idx.msk vm0, v8  }
0x37b: {  	v8 =	vld [tilespmem:s14+$0xC780];
	_ =	sdelay $0x1  }
.Ltmp20:
0x37c: {  	(pc) =	sbr.rel @p2 .LBB2_27-.Ltmp20, $3  }
0x37d: {  	_ =	sdelay $0x1  }
0x37e: {  	[tilespmem:v7+s12+$0x0] =	vst.idx.msk vm0, v8  }
0x37f: {  	v8 =	vld [tilespmem:s14+$0xD380]  }
.LBB2_28:
0x380: {  	_ =	sdelay $0x4  }
0x381: {  	[tilespmem:v7+s13+$0x0] =	vst.idx.msk vm0, v8  }
.LBB2_29:
0x382: {  	s17 =	sadd.s32 s5, s0  }
0x383: {  	s0 =	sadd.s32 $0xF, s17  }
0x384: {  	s0 =	sshrl.u32 s0, $0x4  }
0x385: {  	p2 =	seq.s32 s0, $0x0  }
.Ltmp21:
0x386: {  	_ = 	snop;
	(pc) =	sbr.rel @p2 .LBB2_42-.Ltmp21, $2  }
0x387: {  	_ =	sdelay $0x2  }
0x388: {  	s14 =	simm.s32 $0x10400;
	s16 =	simm.s32 $0x10680  }
.Ltmp22:
0x389: {  	(pc) =	sbr.rel .LBB2_31-.Ltmp22, $4  }
0x38a: {  	_ = 	snop  }
0x38b: {  	s4 =	sadd.s32 s4, s15  }
0x38c: {  	p2 =	seq.s32 s17, $0x0;
	s4 =	sadd.s32 s5, s4  }
0x38d: {  	v5 =	vmov s17;
	s5 =	simm.s32 $0x0;
	s3 =	sadd.s32 s3, s4;
	s4 =	simm.s32 $0x0  }
.LBB2_33:
0x38e: {  	v9 =	vmov v13;
	v10 =	vimm.s32 $0x0  }
.LBB2_40:
0x38f: {  	_ =	sdelay $0x3  }
0x390: {  	v11 =	vld.idx.msk [tilespmem:v9+s11+$0x0], $0xffff;
	_ =	sdelay $0x1  }
0x391: {  	vm0 =	vlt.s32 @p3 v13, v8;
	vm1 =	veq.f32 @p3 v14, v6;
	v13 =	vmov @p3 v14  }
0x392: {  	vm0 =	vmand @p3 vm0, vm1;
	vm1 =	vgt.f32 @p3 v13, v6  }
0x393: {  	v10 =	vadd.s32 @p4 v12, v10;
	vm15 =	vlt.s32 v9, v8;
	vm0 =	vmor @p3 vm1, vm0  }
0x394: {  	v10 =	vpsel p4, v10, v7;
	v12 =	vsel @p3 vm0, $0x1, v1;
	vm14 =	veq.f32 v11, v6  }
0x395: {  	v9 =	vpsel p3, v12, v0;
	vm2 =	vgt.f32 v11, v6;
	vm0 =	vmand vm15, vm14  }
0x396: {  	v9 =	vadd.s32 @p3 v9, v10;
	vm0 =	vmor vm2, vm0  }
0x397: {  	v7 =	vpsel p3, v9, v7;
	v10 =	vsel vm0, $0x1, v1  }
0x398: {  	v7 =	vadd.s32 v10, v7  }
.LBB2_41:
0x399: {  	vm0 =	vlt.s32 v8, v5;
	vm1 =	vlt.s32 v7, $0x258  }
0x39a: {  	vm15 =	vlt.s32 v7, $0x25F;
	vm0 =	vmand vm0, vm1  }
0x39b: {  	v7 =	vnsel vm15, $0x25F, v7;
	_ =	sdelay $0x4  }
0x39c: {  	[tilespmem:v7+s14+$0x0] =	vst.idx.msk vm0, v6  }
0x39d: {  	v6 =	vld [tilespmem:s8+$0xEC00];
	_ =	sdelay $0x4  }
0x39e: {  	s5 =	sadd.s32 $0x1, s5;
	[tilespmem:v7+s16+$0x0] =	vst.idx.msk vm0, v6  }
0x39f: {  	p3 =	sne.s32 s5, s0;
	v6 =	vld [tilespmem:s8+$0xF800]  }
.Ltmp23:
0x3a0: {  	_ = 	snop;
	(pc) =	sbr.rel @!p3 .LBB2_42-.Ltmp23, $3  }
0x3a1: {  	_ =	sdelay $0x1  }
0x3a2: {  	s15 =	simm.s32 $0x10900  }
0x3a3: {  	[tilespmem:v7+s15+$0x0] =	vst.idx.msk vm0, v6  }
.LBB2_31:
.Ltmp24:
0x3a4: {  	(pc) =	sbr.rel @p2 .LBB2_41-.Ltmp24, $4  }
0x3a5: {  	_ = 	snop  }
0x3a6: {  	s8 =	sshll.u32 s5, $0x4  }
0x3a7: {  	v6 =	vld [tilespmem:s8+$0xE000]  }
0x3a8: {  	v7 =	vimm.s32 $0x0;
	v8 =	vor.u32 s8, v2  }
0x3a9: {  	p5 =	sne.s32 s3, $0x1  }
.Ltmp25:
0x3aa: {  	_ = 	snop;
	(pc) =	sbr.rel @!p5 .LBB2_33-.Ltmp25, $2  }
0x3ab: {  	_ =	sdelay $0x2  }
0x3ac: {  	s9 =	simm.s32 $0x1;
	v13 =	vmov s4;
	p3 =	por $0x0, $0x0;
	p4 =	por $0x0, $0x0  }
0x3ad: {  	p5 =	sne.s32 s3, $0x2  }
.Ltmp26:
0x3ae: {  	_ = 	snop;
	(pc) =	sbr.rel @!p5 .LBB2_35-.Ltmp26, $2  }
0x3af: {  	_ =	sdelay $0x2  }
0x3b0: {  	s10 =	simm.s32 $0x2;
	v14 =	vld.idx.msk [tilespmem:v13+s11+$0x0], $0xffff;
	v11 =	vmov s9;
	p3 =	por $0x1, $0x1  }
0x3b1: {  	_ =	sdelay $0x1  }
0x3b2: {  	p5 =	sne.s32 s3, $0x3  }
.Ltmp27:
0x3b3: {  	_ = 	snop;
	(pc) =	sbr.rel @!p5 .LBB2_37-.Ltmp27, $4  }
0x3b4: {  	vm1 =	vlt.s32 v13, v8;
	vm0 =	veq.f32 v14, v6  }
0x3b5: {  	vm2 =	vgt.f32 v14, v6;
	vm0 =	vmand vm1, vm0  }
0x3b6: {  	v13 =	vld.idx.msk [tilespmem:v11+s11+$0x0], $0xffff;
	v9 =	vmov s10;
	vm0 =	vmor vm2, vm0  }
0x3b7: {  	s9 =	simm.s32 $0x3;
	p4 =	por $0x1, $0x1;
	v10 =	vimm.s32 $0x0;
	v12 =	vsel vm0, $0x1, v1  }
.LBB2_38:
0x3b8: {  	s10 =	smov.u32 s9;
	s9 =	sadd.s32 $0x1, s9  }
0x3b9: {  	v10 =	vadd.s32 v12, v10;
	p5 =	sne.s32 s3, s9  }
.Ltmp28:
0x3ba: {  	(pc) =	sbr.rel @p5 .LBB2_38-.Ltmp28, $4  }
0x3bb: {  	vm1 =	vlt.s32 v11, v8;
	v11 =	vmovc v9;
	vm0 =	veq.f32 v13, v6;
	v12 =	vmov v13;
	v13 =	vld.idx.msk [tilespmem:v9+s11+$0x0], $0xffff  }
0x3bc: {  	v9 =	vmov s10;
	vm2 =	vgt.f32 v12, v6;
	vm0 =	vmand vm1, vm0  }
0x3bd: {  	vm0 =	vmor vm2, vm0  }
0x3be: {  	v12 =	vsel vm0, $0x1, v1  }
.Ltmp29:
0x3bf: {  	(pc) =	sbr.rel .LBB2_40-.Ltmp29, $2  }
0x3c0: {  	_ =	sdelay $0x2  }
0x3c1: {  	v14 =	vmov v13;
	v13 =	vmov v11  }
.LBB2_35:
.Ltmp30:
0x3c2: {  	(pc) =	sbr.rel .LBB2_40-.Ltmp30, $2  }
0x3c3: {  	_ =	sdelay $0x2  }
0x3c4: {  	v10 =	vimm.s32 $0x0;
	v9 =	vmov v11  }
.LBB2_37:
.Ltmp31:
0x3c5: {  	(pc) =	sbr.rel .LBB2_40-.Ltmp31, $2  }
0x3c6: {  	_ =	sdelay $0x2  }
0x3c7: {  	v10 =	vimm.s32 $0x0;
	v14 =	vmov v13;
	v13 =	vmov v11  }
.LBB2_42:
0x3c8: {  	s16 =	smin.u32 s17, $0x258  }
0x3c9: {  	s0 =	sadd.s32 $0xF, s16  }
0x3ca: {  	s15 =	sshrl.u32 s0, $0x4  }
0x3cb: {  	p2 =	seq.s32 s15, $0x0  }
.Ltmp32:
0x3cc: {  	_ = 	snop;
	(pc) =	sbr.rel @p2 .LBB2_46-.Ltmp32, $1  }
0x3cd: {  	_ =	sdelay $0x3  }
0x3ce: {  	s24 =	simm.s32 $0x10680  }
0x3cf: {  	v6 =	vld [tilespmem:s24+$0x0];
	_ =	sdelay $0x4  }
0x3d0: {  	v7 =	vshll.u32 v6, $0x2  }
0x3d1: {  	v8 =	vor.u32 $0x2, v7  }
0x3d2: {  	v9 =	vor.u32 $0x3, v7;
	_ =	sdelay $0x3  }
0x3d3: {  	v8 =	vld.idx.msk [tilespmem:v8+s7+$0x0], $0xffff  }
0x3d4: {  	v9 =	vld.idx.msk [tilespmem:v9+s7+$0x0], $0xffff;
	_ =	sdelay $0x3  }
0x3d5: {  	v8 =	vmul.f32 $2.000000030e-01, v8  }
0x3d6: {  	v9 =	vmul.f32 $2.000000030e-01, v9  }
0x3d7: {  	v6 =	vand.u32 $0x7F, v6;
	v10 =	vand.u32 $0xFFFFFE00, v7;
	v8 =	vmul.f32 $1.442695020e+00, v8  }
0x3d8: {  	v53 =	vor.u32 $0x1, v7;
	v6 =	vor.u32 v6, v10;
	v9 =	vmul.f32 $1.442695020e+00, v9  }
0x3d9: {  	v11 =	vor.u32 $0x100, v6;
	(erf) = vpow2.f32 v8  }
0x3da: {  	s3 =	simm.s32 $0x10900;
	v12 =	vor.u32 $0x180, v6;
	(erf) = vpow2.f32 v9  }
0x3db: {  	v57 =	vld [tilespmem:s3+$0x0]  }
0x3dc: {  	v7 =	vld.idx.msk [tilespmem:v7+s7+$0x0], $0xffff;
	v8 =	vor.u32 $0x80, v6  }
0x3dd: {  	v54 =	vld.idx.msk [tilespmem:v53+s7+$0x0], $0xffff  }
0x3de: {  	v55 =	vld.idx.msk [tilespmem:v11+s6+$0x0], $0xffff  }
0x3df: {  	v56 =	vld.idx.msk [tilespmem:v12+s6+$0x0], $0xffff  }
0x3e0: {  	v6 =	vld.idx.msk [tilespmem:v6+s6+$0x0], $0xffff  }
0x3e1: {  	v7 =	vmul.f32 $1.000000010e-01, v7;
	v8 =	vld.idx.msk [tilespmem:v8+s6+$0x0], $0xffff  }
0x3e2: {  	v9 =	vmul.f32 $1.000000010e-01, v54;
	v13 =	vpop (erf)  }
0x3e3: {  	v7 =	vmul.f32 v7, v55;
	v10 =	vmul.f32 v13, v55;
	v58 =	vpop (erf)  }
0x3e4: {  	v9 =	vmul.f32 v9, v56;
	v11 =	vmul.f32 v58, v56  }
0x3e5: {  	v6 =	vadd.f32 v7, v6;
	v7 =	vmul.f32 $5.000000000e-01, v10  }
0x3e6: {  	v60 =	vcvt.s32.f32 v57;
	v8 =	vadd.f32 v9, v8;
	v59 =	vmul.f32 $5.000000000e-01, v11  }
0x3e7: {  	v61 =	vsub.f32 v6, v7  }
0x3e8: {  	s21 =	simm.s32 $0x10B80;
	v63 =	vmul.f32 $1.000000000e+03, v60;
	v6 =	vadd.f32 v7, v6;
	v62 =	vsub.f32 v8, v59  }
0x3e9: {  	s20 =	simm.s32 $0x10E00;
	v8 =	vadd.f32 v59, v8;
	[tilespmem:s21+$0x0] =	vst v61  }
0x3ea: {  	[smem:$0x7C5] =	sst s17;
	s18 =	sshll.u32 s15, $0x4;
	s19 =	simm.s32 $0x11080;
	v11 =	vadd.f32 v61, v63;
	v9 =	vadd.f32 v6, v63;
	[tilespmem:s20+$0x0] =	vst v62  }
0x3eb: {  	s0 =	simm.s32 $0x0;
	s23 =	simm.s32 $0x11300;
	s5 =	simm.s32 $0x11580;
	v7 =	vadd.f32 v62, v63;
	v10 =	vadd.f32 v8, v63;
	[tilespmem:s19+$0x0] =	vst v6  }
0x3ec: {  	s14 =	simm.s32 $0x11800;
	s10 =	simm.s32 $0x11A80;
	p3 =	seq.s32 s18, $0x10;
	[tilespmem:s23+$0x0] =	vst v8  }
.Ltmp33:
0x3ed: {  	v5 =	vmul.u32 $0xFFFFFFFF, v2;
	s9 =	simm.s32 $0x11D00;
	s8 =	simm.s32 $0x11F80;
	v6 =	vsub.f32 v10, v7;
	v8 =	vsub.f32 v9, v11;
	[tilespmem:s5+$0x0] =	vst v11;
	(pc) =	sbr.rel @p3 .LBB2_45-.Ltmp33, $4  }
0x3ee: {  	s4 =	simm.s32 $0x12200;
	s29 =	simm.s32 $0x12210;
	s30 =	simm.s32 $0x11A90;
	[tilespmem:s14+$0x0] =	vst v7  }
0x3ef: {  	s31 =	simm.s32 $0x11810;
	v5 =	vadd.s32 s16, v5;
	s21 =	simm.s32 $0x11310;
	s20 =	simm.s32 $0x11F90;
	v6 =	vmul.f32 v6, v8;
	v7 =	vmov s0;
	[tilespmem:s10+$0x0] =	vst v9  }
0x3f0: {  	s19 =	simm.s32 $0x11D10;
	s23 =	simm.s32 $0x11590;
	s5 =	simm.s32 $0x10;
	vm0 =	vlt.s32 v7, v5;
	[tilespmem:s9+$0x0] =	vst v10  }
0x3f1: {  	s0 =	simm.s32 $0x10B90;
	s9 =	simm.s32 $0x11090;
	[tilespmem:s8+$0x0] =	vst v6;
	v6 =	vsel vm0, $0x1, v1;
	s8 =	simm.s32 $0x10E10  }
.LBB2_44:
0x3f2: {  	s24 =	sadd.s32 $0x10, s24;
	s3 =	sadd.s32 $0x10, s3;
	s17 =	smov.u32 s5  }
0x3f3: {  	[tilespmem:s4+$0x0] =	vst v6;
	s5 =	sadd.s32 $0x10, s5;
	s4 =	smov.u32 s29;
	s14 =	smov.u32 s19  }
0x3f4: {  	s10 =	smov.u32 s20;
	v6 =	vld [tilespmem:s24+$0x0];
	p3 =	seq.s32 s18, s5;
	_ =	sdelay $0x4  }
0x3f5: {  	v7 =	vshll.u32 v6, $0x2;
	v6 =	vand.u32 $0x7F, v6  }
0x3f6: {  	v8 =	vand.u32 $0xFFFFFE00, v7;
	v9 =	vor.u32 $0x2, v7;
	v10 =	vor.u32 $0x3, v7  }
0x3f7: {  	v6 =	vor.u32 v6, v8;
	v8 =	vor.u32 $0x1, v7  }
0x3f8: {  	v11 =	vor.u32 $0x80, v6;
	v12 =	vor.u32 $0x100, v6;
	v13 =	vor.u32 $0x180, v6;
	_ =	sdelay $0x2  }
0x3f9: {  	v9 =	vld.idx.msk [tilespmem:v9+s7+$0x0], $0xffff  }
0x3fa: {  	v10 =	vld.idx.msk [tilespmem:v10+s7+$0x0], $0xffff;
	_ =	sdelay $0x4  }
0x3fb: {  	v9 =	vmul.f32 $2.000000030e-01, v9  }
0x3fc: {  	v10 =	vmul.f32 $2.000000030e-01, v10  }
0x3fd: {  	v9 =	vmul.f32 $1.442695020e+00, v9  }
0x3fe: {  	v10 =	vmul.f32 $1.442695020e+00, v10  }
0x3ff: {  	(erf) = vpow2.f32 v9  }
0x400: {  	(erf) = vpow2.f32 v10  }
0x401: {  	v7 =	vld.idx.msk [tilespmem:v7+s7+$0x0], $0xffff  }
0x402: {  	v8 =	vld.idx.msk [tilespmem:v8+s7+$0x0], $0xffff  }
0x403: {  	v9 =	vld.idx.msk [tilespmem:v12+s6+$0x0], $0xffff  }
0x404: {  	v10 =	vld.idx.msk [tilespmem:v13+s6+$0x0], $0xffff  }
0x405: {  	v6 =	vld.idx.msk [tilespmem:v6+s6+$0x0], $0xffff  }
0x406: {  	v11 =	vld.idx.msk [tilespmem:v11+s6+$0x0], $0xffff  }
0x407: {  	v7 =	vmul.f32 $1.000000010e-01, v7;
	v12 =	vld [tilespmem:s3+$0x0]  }
0x408: {  	v8 =	vmul.f32 $1.000000010e-01, v8;
	v13 =	vpop (erf)  }
0x409: {  	v7 =	vmul.f32 v7, v9;
	v9 =	vmul.f32 v13, v9;
	v13 =	vpop (erf)  }
0x40a: {  	v8 =	vmul.f32 v8, v10;
	v10 =	vmul.f32 v13, v10  }
0x40b: {  	v6 =	vadd.f32 v7, v6;
	v7 =	vmul.f32 $5.000000000e-01, v9  }
0x40c: {  	v8 =	vadd.f32 v8, v11;
	v9 =	vmul.f32 $5.000000000e-01, v10;
	v10 =	vcvt.s32.f32 v12  }
0x40d: {  	v11 =	vsub.f32 v6, v7  }
0x40e: {  	v12 =	vsub.f32 v8, v9;
	v8 =	vadd.f32 v9, v8;
	v9 =	vmul.f32 $1.000000000e+03, v10  }
0x40f: {  	v6 =	vadd.f32 v7, v6;
	[tilespmem:s0+$0x0] =	vst v11  }
0x410: {  	v7 =	vadd.f32 v12, v9;
	v10 =	vadd.f32 v8, v9;
	[tilespmem:s8+$0x0] =	vst v12  }
0x411: {  	v11 =	vadd.f32 v11, v9;
	v9 =	vadd.f32 v6, v9;
	[tilespmem:s9+$0x0] =	vst v6  }
0x412: {  	[tilespmem:s21+$0x0] =	vst v8;
	v6 =	vsub.f32 v10, v7  }
.Ltmp34:
0x413: {  	v8 =	vsub.f32 v9, v11;
	[tilespmem:s23+$0x0] =	vst v11;
	(pc) =	sbr.rel @!p3 .LBB2_44-.Ltmp34, $4  }
0x414: {  	s29 =	sadd.s32 $0x10, s29;
	[tilespmem:s31+$0x0] =	vst v7  }
0x415: {  	s19 =	sadd.s32 $0x10, s19;
	s20 =	sadd.s32 $0x10, s20;
	v6 =	vmul.f32 v6, v8;
	v7 =	vmov s17;
	[tilespmem:s30+$0x0] =	vst v9;
	s30 =	sadd.s32 $0x10, s30  }
0x416: {  	s21 =	sadd.s32 $0x10, s21;
	s23 =	sadd.s32 $0x10, s23;
	s31 =	sadd.s32 $0x10, s31;
	vm0 =	vlt.s32 v7, v5;
	[tilespmem:s14+$0x0] =	vst v10  }
0x417: {  	s0 =	sadd.s32 $0x10, s0;
	s8 =	sadd.s32 $0x10, s8;
	s9 =	sadd.s32 $0x10, s9;
	[tilespmem:s10+$0x0] =	vst v6;
	v6 =	vsel vm0, $0x1, v1  }
.LBB2_45:
0x418: {  	s19 =	rddreg [dreg:$0x6]  }
0x419: {  	s20 =	rddreg [dreg:$0x7]  }
0x41a: {  	s21 =	rddreg [dreg:$0x8]  }
0x41b: {  	s29 =	rddreg [dreg:$0x12]  }
0x41c: {  	s30 =	rddreg [dreg:$0x13]  }
0x41d: {  	s31 =	rddreg [dreg:$0x14]  }
0x41e: {  	s23 =	rddreg [dreg:$0x15]  }
0x41f: {  	[tilespmem:s4+$0x0] =	vst v6;
	s18 =	simm.s32 $0x12200;
	s24 =	simm.s32 $0x11580;
	s17 =	sld [smem:$0x7C5]  }
.LBB2_46:
0x420: {  	_ =	sdelay $0x1  }
0x421: {  	p3 =	seq.s32 s17, $0x0  }
.Ltmp35:
0x422: {  	_ = 	snop;
	(pc) =	sbr.rel @!p3 .LBB2_54-.Ltmp35, $2  }
0x423: {  	_ =	sdelay $0x2  }
0x424: {  	s3 =	simm.s32 $0x0  }
.LBB2_47:
.Ltmp36:
0x425: {  	(pc) =	sbr.rel @p2 .LBB2_51-.Ltmp36, $1  }
0x426: {  	_ =	sdelay $0x3  }
0x427: {  	s3 =	simm.s32 $0x12200  }
0x428: {  	v5 =	vld [tilespmem:s3+$0x0];
	_ =	sdelay $0x4  }
0x429: {  	(xrf0) =	vadd.scan.msk.s32 $0xffff, v5;
	_ =	sdelay $0x4  }
0x42a: {  	s14 =	simm.s32 $0x0  }
0x42b: {  	v6 =	vsub.s32 s14, v5;
	v7, _, _ =	vpop (xrf0)  }
0x42c: {  	s4 =	simm.s32 $0x10B80;
	v6 =	vadd.s32 v7, v6  }
0x42d: {  	vm0 =	vgt.s32 v5, $0x0;
	v5 =	vld [tilespmem:s4+$0x0];
	vm1 =	vlt.s32 v6, $0x64  }
0x42e: {  	vm0 =	vmand vm0, vm1;
	vm1 =	vlt.s32 v6, $0x6F  }
0x42f: {  	v6 =	vnsel vm1, $0x6F, v6;
	_ =	sdelay $0x2  }
0x430: {  	v5 =	vmax.f32 v5, $0.0e+00  }
0x431: {  	v5 =	vmin.f32 v5, $1.000000000e+00  }
0x432: {  	s0 =	sshll.u32 s15, $0x6;
	s15 =	simm.s32 $0x10E00;
	[tilespmem:v6+s1+$0x0] =	vst.idx.msk vm0, v5  }
0x433: {  	v5 =	vld [tilespmem:s15+$0x0];
	_ =	sdelay $0x1  }
0x434: {  	v8 =	vadd.s32 $0x70, v6;
	_ =	sdelay $0x2  }
0x435: {  	v5 =	vmax.f32 v5, $0.0e+00  }
0x436: {  	v5 =	vmin.f32 v5, $1.000000000e+00  }
0x437: {  	s10 =	simm.s32 $0x11080;
	[tilespmem:v8+s1+$0x0] =	vst.idx.msk vm0, v5  }
0x438: {  	v5 =	vld [tilespmem:s10+$0x0];
	_ =	sdelay $0x1  }
0x439: {  	v8 =	vadd.s32 $0xE0, v6;
	_ =	sdelay $0x2  }
0x43a: {  	v5 =	vmax.f32 v5, $0.0e+00  }
0x43b: {  	v5 =	vmin.f32 v5, $1.000000000e+00  }
0x43c: {  	s8 =	simm.s32 $0x11300;
	[tilespmem:v8+s1+$0x0] =	vst.idx.msk vm0, v5  }
0x43d: {  	v5 =	vld [tilespmem:s8+$0x0];
	_ =	sdelay $0x1  }
0x43e: {  	(v2sf) =	vpush v7, $0xF;
	v7 =	vadd.s32 $0x150, v6;
	_ =	sdelay $0x2  }
0x43f: {  	v5 =	vmax.f32 v5, $0.0e+00  }
0x440: {  	v5 =	vmin.f32 v5, $1.000000000e+00  }
0x441: {  	s5 =	simm.s32 $0x10400;
	[tilespmem:v7+s1+$0x0] =	vst.idx.msk vm0, v5  }
0x442: {  	v5 =	vadd.s32 $0x1C0, v6;
	v7 =	vld [tilespmem:s5+$0x0];
	_ =	sdelay $0x4  }
0x443: {  	s9 =	simm.s32 $0x10900;
	p2 =	sne.s32 s0, $0x40;
	[tilespmem:v5+s1+$0x0] =	vst.idx.msk vm0, v7  }
.Ltmp37:
0x444: {  	v5 =	vadd.s32 $0x230, v6;
	v6 =	vld [tilespmem:s9+$0x0];
	(pc) =	sbr.rel @!p2 .LBB2_50-.Ltmp37, $4  }
0x445: {  	_ = 	snop  }
0x446: {  	s0 =	sadd.s32 $0xFFFFFFC0, s0  }
0x447: {  	s14 =	simm.s32 $0x10410;
	s24 =	spop (v2sf);
	s10 =	simm.s32 $0x11310  }
0x448: {  	s8 =	simm.s32 $0x10910;
	s5 =	sadd.s32 $0x0, s24;
	s9 =	simm.s32 $0x11090  }
.LBB2_49:
0x449: {  	[tilespmem:v5+s1+$0x0] =	vst.idx.msk vm0, v6;
	s3 =	sadd.s32 $0x10, s3;
	s4 =	sadd.s32 $0x10, s4;
	s15 =	sadd.s32 $0x10, s15  }
0x44a: {  	p2 =	sne.s32 s0, $0x40;
	s0 =	sadd.s32 $0xFFFFFFC0, s0;
	v5 =	vld [tilespmem:s3+$0x0];
	_ =	sdelay $0x4  }
0x44b: {  	(xrf0) =	vadd.scan.msk.s32 $0xffff, v5;
	_ =	sdelay $0x5  }
0x44c: {  	v6 =	vsub.s32 s5, v5;
	v7, _, _ =	vpop (xrf0)  }
0x44d: {  	v6 =	vadd.s32 v7, v6;
	(v2sf) =	vpush v7, $0xF  }
0x44e: {  	vm0 =	vgt.s32 v5, $0x0;
	vm1 =	vlt.s32 v6, $0x64;
	vm2 =	vlt.s32 v6, $0x6F;
	v5 =	vld [tilespmem:s4+$0x0]  }
0x44f: {  	vm0 =	vmand vm0, vm1;
	v6 =	vnsel vm2, $0x6F, v6;
	_ =	sdelay $0x3  }
0x450: {  	v5 =	vmax.f32 v5, $0.0e+00  }
0x451: {  	v5 =	vmin.f32 v5, $1.000000000e+00  }
0x452: {  	[tilespmem:v6+s1+$0x0] =	vst.idx.msk vm0, v5  }
0x453: {  	v5 =	vld [tilespmem:s15+$0x0];
	_ =	sdelay $0x1  }
0x454: {  	v7 =	vadd.s32 $0x70, v6;
	_ =	sdelay $0x2  }
0x455: {  	v5 =	vmax.f32 v5, $0.0e+00  }
0x456: {  	v5 =	vmin.f32 v5, $1.000000000e+00;
	s16 =	spop (v2sf)  }
0x457: {  	[tilespmem:v7+s1+$0x0] =	vst.idx.msk vm0, v5;
	s5 =	sadd.s32 s5, s16  }
0x458: {  	v5 =	vld [tilespmem:s9+$0x0];
	_ =	sdelay $0x1  }
0x459: {  	v7 =	vadd.s32 $0xE0, v6;
	_ =	sdelay $0x2  }
0x45a: {  	v5 =	vmax.f32 v5, $0.0e+00  }
0x45b: {  	v5 =	vmin.f32 v5, $1.000000000e+00  }
0x45c: {  	[tilespmem:v7+s1+$0x0] =	vst.idx.msk vm0, v5  }
0x45d: {  	v5 =	vld [tilespmem:s10+$0x0];
	_ =	sdelay $0x1  }
0x45e: {  	v7 =	vadd.s32 $0x150, v6;
	_ =	sdelay $0x2  }
0x45f: {  	v5 =	vmax.f32 v5, $0.0e+00  }
0x460: {  	v5 =	vmin.f32 v5, $1.000000000e+00  }
0x461: {  	[tilespmem:v7+s1+$0x0] =	vst.idx.msk vm0, v5  }
0x462: {  	v5 =	vadd.s32 $0x1C0, v6;
	v7 =	vld [tilespmem:s14+$0x0];
	_ =	sdelay $0x4  }
0x463: {  	[tilespmem:v5+s1+$0x0] =	vst.idx.msk vm0, v7  }
.Ltmp38:
0x464: {  	v5 =	vadd.s32 $0x230, v6;
	v6 =	vld [tilespmem:s8+$0x0];
	(pc) =	sbr.rel @p2 .LBB2_49-.Ltmp38, $3  }
0x465: {  	_ =	sdelay $0x1  }
0x466: {  	s8 =	sadd.s32 $0x10, s8  }
0x467: {  	s9 =	sadd.s32 $0x10, s9;
	s10 =	sadd.s32 $0x10, s10;
	s14 =	sadd.s32 $0x10, s14  }
.Ltmp39:
0x468: {  	_ = 	snop;
	(pc) =	sbr.rel .LBB2_50-.Ltmp39, $1  }
0x469: {  	_ =	sdelay $0x3  }
.LBB2_57:
0x46a: {  	s3 =	sadd.s32 $0x1, s3  }
0x46b: {  	p3 =	seq.s32 s3, s16  }
.Ltmp40:
0x46c: {  	_ = 	snop;
	(pc) =	sbr.rel @p3 .LBB2_47-.Ltmp40, $1  }
0x46d: {  	_ =	sdelay $0x3  }
.LBB2_54:
0x46e: {  	s14 =	sshrl.u32 s3, $0x4  }
0x46f: {  	p3 =	sge.u32 s14, s15  }
.Ltmp41:
0x470: {  	_ = 	snop;
	(pc) =	sbr.rel @p3 .LBB2_57-.Ltmp41, $1  }
0x471: {  	_ =	sdelay $0x3  }
0x472: {  	s0 =	sshll.u32 s14, $0x6  }
0x473: {  	v5 =	vmov s3;
	s9 =	sshra.s32 s0, $0x2  }
0x474: {  	s17 =	sadd.s32 $0x11580, s9  }
0x475: {  	s0 =	sadd.s32 $0x11A80, s9;
	v11 =	vld [tilespmem:s17+$0x0]  }
0x476: {  	s5 =	sadd.s32 $0x11D00, s9;
	v12 =	vld [tilespmem:s0+$0x0]  }
0x477: {  	v14 =	vld [tilespmem:s5+$0x0]  }
0x478: {  	s4 =	simm.s32 $0x11800;
	v6 =	vld.idx.msk [tilespmem:v5+s24+$0x0], $0xffff  }
0x479: {  	s8 =	simm.s32 $0x11A80;
	v7 =	vld.idx.msk [tilespmem:v5+s4+$0x0], $0xffff  }
0x47a: {  	s10 =	simm.s32 $0x11D00;
	v8 =	vld.idx.msk [tilespmem:v5+s8+$0x0], $0xffff  }
0x47b: {  	v9 =	vld.idx.msk [tilespmem:v5+s10+$0x0], $0xffff;
	s4 =	sadd.s32 $0x11800, s9  }
0x47c: {  	v13 =	vld [tilespmem:s4+$0x0];
	_ =	sdelay $0x1  }
0x47d: {  	s10 =	simm.s32 $0x11F80  }
0x47e: {  	s8 =	sadd.s32 $0x11F80, s9;
	v10 =	vld.idx.msk [tilespmem:v5+s10+$0x0], $0xffff  }
0x47f: {  	v15 =	vld [tilespmem:s8+$0x0];
	v11 =	vmax.f32 v6, v11  }
0x480: {  	v12 =	vmin.f32 v8, v12;
	v14 =	vmin.f32 v9, v14;
	v13 =	vmax.f32 v7, v13  }
0x481: {  	v11 =	vsub.f32 v12, v11;
	v59 =	vsub.f32 v14, v13;
	_ =	sdelay $0x1  }
0x482: {  	v11 =	vmax.f32 v11, $0.0e+00;
	v12 =	vmax.f32 v59, $0.0e+00  }
0x483: {  	v60 =	vadd.f32 v15, v10;
	v11 =	vmul.f32 v12, v11;
	_ =	sdelay $0x1  }
0x484: {  	v12 =	vsub.f32 v60, v11;
	_ =	sdelay $0x1  }
0x485: {  	v12 =	vadd.f32 $9.999999960e-13, v12;
	_ =	sdelay $0x1  }
0x486: {  	(erf) = vrcp.f32 v12;
	_ =	sdelay $0x6  }
0x487: {  	v61 =	vld.idx.msk [tilespmem:v5+s18+$0x0], $0xffff;
	_ =	sdelay $0x1  }
0x488: {  	s9 =	sadd.s32 $0x12200, s9;
	v62 =	vpop (erf)  }
0x489: {  	s14 =	sadd.s32 $0x1, s14;
	v63 =	vld [tilespmem:s9+$0x0];
	v11 =	vmul.f32 v62, v11  }
0x48a: {  	p3 =	slt.u32 s14, s15;
	s10 =	sand.u32 $0xFFFFFFF0, s3  }
.Ltmp42:
0x48b: {  	vm0 =	vgt.s32 v61, $0x0;
	vm1 =	vgt.f32 v11, $4.499999880e-01;
	v11 =	vor.u32 s10, v2;
	(pc) =	sbr.rel @!p3 .LBB2_57-.Ltmp42, $4  }
0x48c: {  	vm1 =	vmand vm0, vm1;
	vm2 =	vgt.u32 v11, v5  }
0x48d: {  	vm1 =	vmand vm2, vm1  }
0x48e: {  	v11 =	vsel vm1, $0x0, v63  }
0x48f: {  	s17 =	sadd.s32 $0x10, s17;
	[tilespmem:s9+$0x0] =	vst v11  }
.LBB2_56:
0x490: {  	v11 =	vld [tilespmem:s17+$0x0];
	s0 =	sadd.s32 $0x10, s0  }
0x491: {  	s4 =	sadd.s32 $0x10, s4;
	v12 =	vld [tilespmem:s0+$0x0]  }
0x492: {  	s5 =	sadd.s32 $0x10, s5;
	v13 =	vld [tilespmem:s4+$0x0]  }
0x493: {  	s14 =	sadd.s32 $0x1, s14;
	v14 =	vld [tilespmem:s5+$0x0]  }
0x494: {  	p3 =	slt.u32 s14, s15;
	_ =	sdelay $0x1  }
0x495: {  	s8 =	sadd.s32 $0x10, s8  }
0x496: {  	v11 =	vmax.f32 v6, v11;
	v15 =	vld [tilespmem:s8+$0x0]  }
0x497: {  	v12 =	vmin.f32 v8, v12;
	v13 =	vmax.f32 v7, v13;
	v14 =	vmin.f32 v9, v14  }
0x498: {  	v11 =	vsub.f32 v12, v11;
	v12 =	vsub.f32 v14, v13;
	_ =	sdelay $0x1  }
0x499: {  	v11 =	vmax.f32 v11, $0.0e+00;
	v12 =	vmax.f32 v12, $0.0e+00  }
0x49a: {  	v11 =	vmul.f32 v12, v11;
	v12 =	vadd.f32 v15, v10;
	_ =	sdelay $0x1  }
0x49b: {  	v12 =	vsub.f32 v12, v11;
	_ =	sdelay $0x1  }
0x49c: {  	v12 =	vadd.f32 $9.999999960e-13, v12;
	_ =	sdelay $0x1  }
0x49d: {  	(erf) = vrcp.f32 v12;
	_ =	sdelay $0x8  }
0x49e: {  	s9 =	sadd.s32 $0x10, s9;
	v12 =	vpop (erf)  }
0x49f: {  	v11 =	vmul.f32 v12, v11;
	v12 =	vld [tilespmem:s9+$0x0]  }
0x4a0: {  	s10 =	sadd.s32 $0x10, s10  }
.Ltmp43:
0x4a1: {  	vm1 =	vgt.f32 v11, $4.499999880e-01;
	v11 =	vor.u32 s10, v2;
	(pc) =	sbr.rel @p3 .LBB2_56-.Ltmp43, $4  }
0x4a2: {  	vm1 =	vmand vm0, vm1;
	vm2 =	vgt.u32 v11, v5  }
0x4a3: {  	vm1 =	vmand vm2, vm1  }
0x4a4: {  	v11 =	vsel vm1, $0x0, v12  }
0x4a5: {  	s17 =	sadd.s32 $0x10, s17;
	[tilespmem:s9+$0x0] =	vst v11  }
.Ltmp44:
0x4a6: {  	_ = 	snop;
	(pc) =	sbr.rel .LBB2_57-.Ltmp44, $1  }
0x4a7: {  	_ =	sdelay $0x3  }
.LBB2_5:
.Ltmp45:
0x4a8: {  	(pc) =	sbr.rel .LBB2_9-.Ltmp45, $2  }
0x4a9: {  	_ =	sdelay $0x2  }
0x4aa: {  	s17 =	simm.s32 $0xAD00  }
.LBB2_7:
.Ltmp46:
0x4ab: {  	(pc) =	sbr.rel .LBB2_9-.Ltmp46, $2  }
0x4ac: {  	_ =	sdelay $0x2  }
0x4ad: {  	s17 =	simm.s32 $0xAD00  }
.LBB2_53:
0x4ae: {  	_ =	sfence.sel $0x180000  }
0x4af: {  	[bflag:$0x0] =	sbarrier.arrive $0xFFFF  }
0x4b0: {  	_ =	strace $0x90000047  }
0x4b1: {  	s0 =	stileid.u32;
	[bflag:$0x2] =	sbarrier.arrive $0xFFFF  }
0x4b2: {  	p0 =	sne.s32 s0, $0x0;
	s0 =	rddreg [dreg:$0x5]  }
0x4b3: {  	s0 =	sadd.s32 @!p0 $0x100000, s0  }
0x4b4: {  	[sflag:s0] =	ssyncadd.tile.s32 @!p0 $0x1;
	_ =	shalt  }
.Lfunc_end2:
_tile_overlayer_lowered:
.L_overlay_start_2:
0x4b5: {  	(tag) =	ssettag $0x2  }
0x4b6: {  	s0 =	rddreg [dreg:$0x0];
	s2 =	stileid.u32  }
0x4b7: {  	s1 =	rddreg [dreg:$0x1];
	p0 =	sne.s32 s2, $0x0  }
0x4b8: {  	s3 =	rddreg [dreg:$0x2];
	[bflag:$0x3] =	sbarrier.arrive $0xFFFF;
	s2 =	simm.s32 @!p0 $0x1C01  }
0x4b9: {  	[timem:s3], [sflag:s2] =	dma.local @!p0 [hbm:s0], s1  }
0x4ba: {  	s0 =	simm.s32 @!p0 $0x1  }
0x4bb: {  	_ =	swait.ge @!p0 [sflag:s0], s1  }
0x4bc: {  	s1 =	ssub.s32 @!p0 $0x0, s1;
	[sflag:s0] =	ssyncset.done @!p0 $0x0  }
0x4bd: {  	[sflag:s0] =	ssyncadd.s32 @!p0 s1  }
0x4be: {  	[bflag:$0x3] =	sbarrier.arrive $0xFFFF  }
0x4bf: {  	_ =	shalt  }

</sc_bundles>
